<compile_context>
chip_gen: v7x
topology: tpu7x:2x2x1
jax: 0.10.2.dev20260603
libtpu: 0.0.44.dev20260713+nightly
codegen_flags: <defaults>
</compile_context>

<pallas_src>
import jax
import jax.numpy as jnp
from jax import lax
from jax.experimental import pallas as pl
from jax.experimental.pallas import tpu as pltpu
from jax.experimental.pallas import tpu_sc as plsc

_B, _T, _H = 64, 1024, 256
_K = 8192
_N_TOK = _B * _T
_N_ELEM = _B * _T * _H

_NC = 2
_NS = 16
_NW = _NS
_CHUNK = 128
_PER_TILE = _N_TOK // _NW
_NCHUNK = _PER_TILE // _CHUNK
_ZSLICE = _K // _NS


def _hist_body(idx_hbm, out_hbm, raw_v, idx_v, zeros_v, ones_v, hist_sh, sem):
    c = lax.axis_index("c")
    s = lax.axis_index("s")
    wid = s

    idx_cp = pltpu.async_copy(idx_hbm.at[pl.ds(4 * wid, 4)], raw_v, sem)

    for j in range(_ZSLICE // 16):
        zeros_v[pl.ds(j * 16, 16)] = jnp.zeros((16,), jnp.float32)
    for j in range(_CHUNK // 16):
        ones_v[pl.ds(j * 16, 16)] = jnp.full((16,), 1.0, jnp.float32)

    pltpu.sync_copy(zeros_v, hist_sh.at[pl.ds(s * _ZSLICE, _ZSLICE)])
    idx_cp.wait()

    for j in range(_NCHUNK):
        r, base = j // 8, (j % 8) * _CHUNK
        for o in range(_CHUNK // 16):
            idx_v[j, pl.ds(o * 16, 16)] = raw_v[r, pl.ds(base + o * 16, 16)]

    plsc.subcore_barrier()

    copies = [
        pltpu.async_copy(ones_v, hist_sh.at[idx_v.at[j]], sem, add=True)
        for j in range(_NCHUNK)
    ]
    for cp in copies:
        cp.wait()
    plsc.subcore_barrier()

    @pl.when(s == 0)
    def _():
        pltpu.sync_copy(hist_sh, out_hbm.at[0])


_hist = pl.kernel(
    _hist_body,
    out_type=jax.ShapeDtypeStruct((1, _K), jnp.float32),
    mesh=plsc.VectorSubcoreMesh(core_axis_name="c", subcore_axis_name="s", num_cores=1),
    scratch_types=[
        pltpu.VMEM((4, _T), jnp.int32),
        pltpu.VMEM((_NCHUNK, _CHUNK), jnp.int32),
        pltpu.VMEM((_ZSLICE,), jnp.float32),
        pltpu.VMEM((_CHUNK,), jnp.float32),
        pltpu.VMEM_SHARED((_K,), jnp.float32),
        pltpu.SemaphoreType.DMA,
    ],
)


_ROWS = _N_TOK
_HALF = _ROWS // 2
_BLK = 4096
_NSTEP_B = _HALF // _BLK


def _mse_a_body(x_ref, r_ref, q_ref, out_ref):
    i = pl.program_id(0)
    x = x_ref[...]
    dr = r_ref[...] - x
    dq = q_ref[...] - x
    s1 = jnp.sum(dr * dr)
    s2 = jnp.sum(dq * dq)

    @pl.when(i == 0)
    def _():
        out_ref[0, 0] = s1
        out_ref[0, 1] = s2

    @pl.when(i != 0)
    def _():
        out_ref[0, 0] += s1
        out_ref[0, 1] += s2


_mse_a = pl.pallas_call(
    _mse_a_body,
    grid=(_HALF // _BLK,),
    in_specs=[
        pl.BlockSpec((_BLK, _H), lambda i: (i, 0)),
        pl.BlockSpec((_BLK, _H), lambda i: (i, 0)),
        pl.BlockSpec((_BLK, _H), lambda i: (i, 0)),
    ],
    out_specs=pl.BlockSpec(memory_space=pltpu.SMEM),
    out_shape=jax.ShapeDtypeStruct((1, 2), jnp.float32),
)


def _mse_b_body(x_ref, r_ref, q_ref, cnt_ref, sse_a_ref,
                o_total, o_recon, o_commit, o_ploss, o_perp, o_usage,
                acc_ref):
    i = pl.program_id(0)
    x = x_ref[...]
    dr = r_ref[...] - x
    dq = q_ref[...] - x
    s1 = jnp.sum(dr * dr)
    s2 = jnp.sum(dq * dq)

    @pl.when(i == 0)
    def _():
        acc_ref[0] = s1
        acc_ref[1] = s2

    @pl.when(i != 0)
    def _():
        acc_ref[0] += s1
        acc_ref[1] += s2

    @pl.when(i == _NSTEP_B - 1)
    def _():
        counts = cnt_ref[0:1, :]
        p = counts * (1.0 / _N_TOK)
        neg_entropy = jnp.sum(p * jnp.log(p + 1e-10))
        nonzero = jnp.sum(jnp.where(counts > 0, 1.0, 0.0))

        inv_n = 1.0 / _N_ELEM
        reconstruction_loss = (sse_a_ref[0, 0] + acc_ref[0]) * inv_n
        commitment_loss = (sse_a_ref[0, 1] + acc_ref[1]) * inv_n
        perplexity = jnp.exp(-neg_entropy)
        perplexity_loss = neg_entropy + jnp.log(jnp.float32(_K))
        total_loss = (reconstruction_loss
                      + 0.25 * commitment_loss
                      + 0.1 * perplexity_loss)
        o_total[0, 0] = total_loss
        o_recon[0, 0] = reconstruction_loss
        o_commit[0, 0] = commitment_loss
        o_ploss[0, 0] = perplexity_loss
        o_perp[0, 0] = perplexity
        o_usage[0, 0] = nonzero * (1.0 / _K)


_scalar = jax.ShapeDtypeStruct((1, 1), jnp.float32)
_mse_b = pl.pallas_call(
    _mse_b_body,
    grid=(_NSTEP_B,),
    in_specs=[
        pl.BlockSpec((_BLK, _H), lambda i: (i + _NSTEP_B, 0)),
        pl.BlockSpec((_BLK, _H), lambda i: (i + _NSTEP_B, 0)),
        pl.BlockSpec((_BLK, _H), lambda i: (i + _NSTEP_B, 0)),
        pl.BlockSpec((1, _K), lambda i: (0, 0)),
        pl.BlockSpec(memory_space=pltpu.SMEM),
    ],
    out_specs=[pl.BlockSpec(memory_space=pltpu.SMEM)] * 6,
    out_shape=[_scalar] * 6,
    scratch_shapes=[pltpu.SMEM((2,), jnp.float32)],
)


def kernel(inputs, reconstructed, quantized, codebook_indices, codebook_size):
    x2 = inputs.reshape(_ROWS, _H)
    r2 = reconstructed.reshape(_ROWS, _H)
    q2 = quantized.reshape(_ROWS, _H)

    counts2 = _hist(codebook_indices)
    sse_a = _mse_a(x2, r2, q2)
    outs = _mse_b(x2, r2, q2, counts2, sse_a)
    return tuple(o.reshape(()) for o in outs)

# --- scband reference (transcript-rebuilt; emitter-appended) ---
"""Pipeline reference for scband-vqloss-54812372632214 (READ-ONLY COPY).

The authoritative reference and input builder live on the scoring server;
editing this copy changes nothing except your own understanding.
"""

import jax, jax.numpy as jnp
import numpy as np


def setup_inputs(seed: int = 0) -> dict:
    key = jax.random.key(seed)
    k1, k2, k3, k4 = jax.random.split(key, 4)
    B, T, H = 64, 1024, 256
    K = 8192
    inputs = jax.random.normal(k1, (B, T, H), dtype=jnp.float32)
    reconstructed = jax.random.normal(k2, (B, T, H), dtype=jnp.float32)
    quantized = jax.random.normal(k3, (B, T, H), dtype=jnp.float32)
    codebook_indices = jax.random.randint(k4, (B, T), 0, K, dtype=jnp.int32)
    return {
        "inputs": inputs,
        "reconstructed": reconstructed,
        "quantized": quantized,
        "codebook_indices": codebook_indices,
        "codebook_size": K,
    }


def reference(inputs, reconstructed, quantized, codebook_indices, codebook_size):
    commitment_weight = 0.25
    reconstruction_weight = 1.0
    perplexity_weight = 0.1

    reconstruction_loss = jnp.mean((reconstructed - inputs) ** 2)
    commitment_loss = jnp.mean((jax.lax.stop_gradient(quantized) - inputs) ** 2)

    # torch.histc(indices.float(), bins=K, min=0, max=K-1) over integer-valued
    # indices in [0, K-1] is equivalent to a bincount with K bins.
    _K_static = 8192
    counts = jnp.bincount(codebook_indices.reshape(-1), length=_K_static).astype(jnp.float32)
    avg_probs = counts / codebook_indices.size
    perplexity = jnp.exp(-jnp.sum(avg_probs * jnp.log(avg_probs + 1e-10)))
    perplexity_loss = -jnp.log(perplexity / codebook_size)

    total_loss = (reconstruction_weight * reconstruction_loss
                  + commitment_weight * commitment_loss
                  + perplexity_weight * perplexity_loss)
    codebook_usage = (avg_probs > 0).sum().astype(jnp.float32) / codebook_size
    return (total_loss, reconstruction_loss, commitment_loss, perplexity_loss, perplexity, codebook_usage)

if __name__ == "__main__":
    import jax
    _d = setup_inputs()
    print(jax.jit(kernel)(*tuple(_d.values())))

</pallas_src>

<mosaic_0001>
#map = affine_map<(d0, d1) -> (0, 0)>
module attributes {stable_mosaic.version = 14 : i64} {
  func.func @_hist_body(%arg0: i32, %arg1: i32, %arg2: memref<64x1024xi32, #tpu.memory_space<hbm>>, %arg3: memref<1x8192xf32, #tpu.memory_space<hbm>>, %arg4: memref<4x1024xi32, #tpu.memory_space<vmem>>, %arg5: memref<32x128xi32, #tpu.memory_space<vmem>>, %arg6: memref<512xf32, #tpu.memory_space<vmem>>, %arg7: memref<128xf32, #tpu.memory_space<vmem>>, %arg8: memref<8192xf32, #tpu.memory_space<vmem_shared>>, %arg9: memref<!tpu.dma_semaphore, #tpu.memory_space<semaphore_mem>>) attributes {dimension_semantics = [#tpu.dimension_semantics<core_parallel>, #tpu.dimension_semantics<subcore_parallel>], iteration_bounds = array<i64: 1, 16>, scalar_prefetch = 0 : i64, scratch_operands = 6 : i64, tpu.core_type = #tpu.core_type<sc_vector_subcore>, window_params = [{transform_indices = #map}, {transform_indices = #map}]} {
    %mul3A = arith.constant 4 : i32
    %mul3A_0 = arith.muli %mul3A, %arg1 : i32
    %dma_start3A = arith.constant 0 : i32
    %dma_start3A_1 = tpu.memref_slice %arg2[%mul3A_0, %dma_start3A] : memref<64x1024xi32, #tpu.memory_space<hbm>> -> memref<4x1024xi32, #tpu.memory_space<hbm>>
    %dma_start3A_2 = arith.constant 0 : i32
    %dma_start3A_3 = tpu.memref_slice %arg2[%mul3A_0, %dma_start3A_2] : memref<64x1024xi32, #tpu.memory_space<hbm>> -> memref<4x1024xi32, #tpu.memory_space<hbm>>
    tpu.enqueue_dma source(%dma_start3A_3 : memref<4x1024xi32, #tpu.memory_space<hbm>>) target(%arg4 : memref<4x1024xi32, #tpu.memory_space<vmem>>) target_semaphore(%arg9 : memref<!tpu.dma_semaphore, #tpu.memory_space<semaphore_mem>>)
    %broadcast_in_dim3A = arith.constant 0.000000e+00 : f32
    %broadcast_in_dim3A_4 = vector.broadcast %broadcast_in_dim3A : f32 to vector<16xf32>
    %swap3A = arith.constant 0 : index
    %swap3A_5 = tpu.vector_load %arg6[%swap3A] {strides = array<i32>} : memref<512xf32, #tpu.memory_space<vmem>>, vector<16xf32>,
    %swap3A_6 = vector.shape_cast %swap3A_5 : vector<16xf32> to vector<16xf32>
    %swap3A_7 = vector.shape_cast %broadcast_in_dim3A_4 : vector<16xf32> to vector<16xf32>
    tpu.vector_store %arg6[%swap3A], %swap3A_7 {strides = array<i32>} : memref<512xf32, #tpu.memory_space<vmem>>, vector<16xf32>,
    %broadcast_in_dim3A_8 = arith.constant 0.000000e+00 : f32
    %broadcast_in_dim3A_9 = vector.broadcast %broadcast_in_dim3A_8 : f32 to vector<16xf32>
    %swap3A_10 = arith.constant 16 : index
    %swap3A_11 = tpu.vector_load %arg6[%swap3A_10] {strides = array<i32>} : memref<512xf32, #tpu.memory_space<vmem>>, vector<16xf32>,
    %swap3A_12 = vector.shape_cast %swap3A_11 : vector<16xf32> to vector<16xf32>
    %swap3A_13 = vector.shape_cast %broadcast_in_dim3A_9 : vector<16xf32> to vector<16xf32>
    tpu.vector_store %arg6[%swap3A_10], %swap3A_13 {strides = array<i32>} : memref<512xf32, #tpu.memory_space<vmem>>, vector<16xf32>,
    %broadcast_in_dim3A_14 = arith.constant 0.000000e+00 : f32
    %broadcast_in_dim3A_15 = vector.broadcast %broadcast_in_dim3A_14 : f32 to vector<16xf32>
    %swap3A_16 = arith.constant 32 : index
    %swap3A_17 = tpu.vector_load %arg6[%swap3A_16] {strides = array<i32>} : memref<512xf32, #tpu.memory_space<vmem>>, vector<16xf32>,
    %swap3A_18 = vector.shape_cast %swap3A_17 : vector<16xf32> to vector<16xf32>
    %swap3A_19 = vector.shape_cast %broadcast_in_dim3A_15 : vector<16xf32> to vector<16xf32>
    tpu.vector_store %arg6[%swap3A_16], %swap3A_19 {strides = array<i32>} : memref<512xf32, #tpu.memory_space<vmem>>, vector<16xf32>,
    %broadcast_in_dim3A_20 = arith.constant 0.000000e+00 : f32
    %broadcast_in_dim3A_21 = vector.broadcast %broadcast_in_dim3A_20 : f32 to vector<16xf32>
    %swap3A_22 = arith.constant 48 : index
    %swap3A_23 = tpu.vector_load %arg6[%swap3A_22] {strides = array<i32>} : memref<512xf32, #tpu.memory_space<vmem>>, vector<16xf32>,
    %swap3A_24 = vector.shape_cast %swap3A_23 : vector<16xf32> to vector<16xf32>
    %swap3A_25 = vector.shape_cast %broadcast_in_dim3A_21 : vector<16xf32> to vector<16xf32>
    tpu.vector_store %arg6[%swap3A_22], %swap3A_25 {strides = array<i32>} : memref<512xf32, #tpu.memory_space<vmem>>, vector<16xf32>,
    %broadcast_in_dim3A_26 = arith.constant 0.000000e+00 : f32
    %broadcast_in_dim3A_27 = vector.broadcast %broadcast_in_dim3A_26 : f32 to vector<16xf32>
    %swap3A_28 = arith.constant 64 : index
    %swap3A_29 = tpu.vector_load %arg6[%swap3A_28] {strides = array<i32>} : memref<512xf32, #tpu.memory_space<vmem>>, vector<16xf32>,
    %swap3A_30 = vector.shape_cast %swap3A_29 : vector<16xf32> to vector<16xf32>
    %swap3A_31 = vector.shape_cast %broadcast_in_dim3A_27 : vector<16xf32> to vector<16xf32>
    tpu.vector_store %arg6[%swap3A_28], %swap3A_31 {strides = array<i32>} : memref<512xf32, #tpu.memory_space<vmem>>, vector<16xf32>,
    %broadcast_in_dim3A_32 = arith.constant 0.000000e+00 : f32
    %broadcast_in_dim3A_33 = vector.broadcast %broadcast_in_dim3A_32 : f32 to vector<16xf32>
    %swap3A_34 = arith.constant 80 : index
    %swap3A_35 = tpu.vector_load %arg6[%swap3A_34] {strides = array<i32>} : memref<512xf32, #tpu.memory_space<vmem>>, vector<16xf32>,
    %swap3A_36 = vector.shape_cast %swap3A_35 : vector<16xf32> to vector<16xf32>
    %swap3A_37 = vector.shape_cast %broadcast_in_dim3A_33 : vector<16xf32> to vector<16xf32>
    tpu.vector_store %arg6[%swap3A_34], %swap3A_37 {strides = array<i32>} : memref<512xf32, #tpu.memory_space<vmem>>, vector<16xf32>,
    %broadcast_in_dim3A_38 = arith.constant 0.000000e+00 : f32
    %broadcast_in_dim3A_39 = vector.broadcast %broadcast_in_dim3A_38 : f32 to vector<16xf32>
    %swap3A_40 = arith.constant 96 : index
    %swap3A_41 = tpu.vector_load %arg6[%swap3A_40] {strides = array<i32>} : memref<512xf32, #tpu.memory_space<vmem>>, vector<16xf32>,
    %swap3A_42 = vector.shape_cast %swap3A_41 : vector<16xf32> to vector<16xf32>
    %swap3A_43 = vector.shape_cast %broadcast_in_dim3A_39 : vector<16xf32> to vector<16xf32>
    tpu.vector_store %arg6[%swap3A_40], %swap3A_43 {strides = array<i32>} : memref<512xf32, #tpu.memory_space<vmem>>, vector<16xf32>,
    %broadcast_in_dim3A_44 = arith.constant 0.000000e+00 : f32
    %broadcast_in_dim3A_45 = vector.broadcast %broadcast_in_dim3A_44 : f32 to vector<16xf32>
    %swap3A_46 = arith.constant 112 : index
    %swap3A_47 = tpu.vector_load %arg6[%swap3A_46] {strides = array<i32>} : memref<512xf32, #tpu.memory_space<vmem>>, vector<16xf32>,
    %swap3A_48 = vector.shape_cast %swap3A_47 : vector<16xf32> to vector<16xf32>
    %swap3A_49 = vector.shape_cast %broadcast_in_dim3A_45 : vector<16xf32> to vector<16xf32>
    tpu.vector_store %arg6[%swap3A_46], %swap3A_49 {strides = array<i32>} : memref<512xf32, #tpu.memory_space<vmem>>, vector<16xf32>,
    %broadcast_in_dim3A_50 = arith.constant 0.000000e+00 : f32
    %broadcast_in_dim3A_51 = vector.broadcast %broadcast_in_dim3A_50 : f32 to vector<16xf32>
    %swap3A_52 = arith.constant 128 : index
    %swap3A_53 = tpu.vector_load %arg6[%swap3A_52] {strides = array<i32>} : memref<512xf32, #tpu.memory_space<vmem>>, vector<16xf32>,
    %swap3A_54 = vector.shape_cast %swap3A_53 : vector<16xf32> to vector<16xf32>
    %swap3A_55 = vector.shape_cast %broadcast_in_dim3A_51 : vector<16xf32> to vector<16xf32>
    tpu.vector_store %arg6[%swap3A_52], %swap3A_55 {strides = array<i32>} : memref<512xf32, #tpu.memory_space<vmem>>, vector<16xf32>,
    %broadcast_in_dim3A_56 = arith.constant 0.000000e+00 : f32
    %broadcast_in_dim3A_57 = vector.broadcast %broadcast_in_dim3A_56 : f32 to vector<16xf32>
    %swap3A_58 = arith.constant 144 : index
    %swap3A_59 = tpu.vector_load %arg6[%swap3A_58] {strides = array<i32>} : memref<512xf32, #tpu.memory_space<vmem>>, vector<16xf32>,
    %swap3A_60 = vector.shape_cast %swap3A_59 : vector<16xf32> to vector<16xf32>
    %swap3A_61 = vector.shape_cast %broadcast_in_dim3A_57 : vector<16xf32> to vector<16xf32>
    tpu.vector_store %arg6[%swap3A_58], %swap3A_61 {strides = array<i32>} : memref<512xf32, #tpu.memory_space<vmem>>, vector<16xf32>,
    %broadcast_in_dim3A_62 = arith.constant 0.000000e+00 : f32
    %broadcast_in_dim3A_63 = vector.broadcast %broadcast_in_dim3A_62 : f32 to vector<16xf32>
    %swap3A_64 = arith.constant 160 : index
    %swap3A_65 = tpu.vector_load %arg6[%swap3A_64] {strides = array<i32>} : memref<512xf32, #tpu.memory_space<vmem>>, vector<16xf32>,
    %swap3A_66 = vector.shape_cast %swap3A_65 : vector<16xf32> to vector<16xf32>
    %swap3A_67 = vector.shape_cast %broadcast_in_dim3A_63 : vector<16xf32> to vector<16xf32>
    tpu.vector_store %arg6[%swap3A_64], %swap3A_67 {strides = array<i32>} : memref<512xf32, #tpu.memory_space<vmem>>, vector<16xf32>,
    %broadcast_in_dim3A_68 = arith.constant 0.000000e+00 : f32
    %broadcast_in_dim3A_69 = vector.broadcast %broadcast_in_dim3A_68 : f32 to vector<16xf32>
    %swap3A_70 = arith.constant 176 : index
    %swap3A_71 = tpu.vector_load %arg6[%swap3A_70] {strides = array<i32>} : memref<512xf32, #tpu.memory_space<vmem>>, vector<16xf32>,
    %swap3A_72 = vector.shape_cast %swap3A_71 : vector<16xf32> to vector<16xf32>
    %swap3A_73 = vector.shape_cast %broadcast_in_dim3A_69 : vector<16xf32> to vector<16xf32>
    tpu.vector_store %arg6[%swap3A_70], %swap3A_73 {strides = array<i32>} : memref<512xf32, #tpu.memory_space<vmem>>, vector<16xf32>,
    %broadcast_in_dim3A_74 = arith.constant 0.000000e+00 : f32
    %broadcast_in_dim3A_75 = vector.broadcast %broadcast_in_dim3A_74 : f32 to vector<16xf32>
    %swap3A_76 = arith.constant 192 : index
    %swap3A_77 = tpu.vector_load %arg6[%swap3A_76] {strides = array<i32>} : memref<512xf32, #tpu.memory_space<vmem>>, vector<16xf32>,
    %swap3A_78 = vector.shape_cast %swap3A_77 : vector<16xf32> to vector<16xf32>
    %swap3A_79 = vector.shape_cast %broadcast_in_dim3A_75 : vector<16xf32> to vector<16xf32>
    tpu.vector_store %arg6[%swap3A_76], %swap3A_79 {strides = array<i32>} : memref<512xf32, #tpu.memory_space<vmem>>, vector<16xf32>,
    %broadcast_in_dim3A_80 = arith.constant 0.000000e+00 : f32
    %broadcast_in_dim3A_81 = vector.broadcast %broadcast_in_dim3A_80 : f32 to vector<16xf32>
    %swap3A_82 = arith.constant 208 : index
    %swap3A_83 = tpu.vector_load %arg6[%swap3A_82] {strides = array<i32>} : memref<512xf32, #tpu.memory_space<vmem>>, vector<16xf32>,
    %swap3A_84 = vector.shape_cast %swap3A_83 : vector<16xf32> to vector<16xf32>
    %swap3A_85 = vector.shape_cast %broadcast_in_dim3A_81 : vector<16xf32> to vector<16xf32>
    tpu.vector_store %arg6[%swap3A_82], %swap3A_85 {strides = array<i32>} : memref<512xf32, #tpu.memory_space<vmem>>, vector<16xf32>,
    %broadcast_in_dim3A_86 = arith.constant 0.000000e+00 : f32
    %broadcast_in_dim3A_87 = vector.broadcast %broadcast_in_dim3A_86 : f32 to vector<16xf32>
    %swap3A_88 = arith.constant 224 : index
    %swap3A_89 = tpu.vector_load %arg6[%swap3A_88] {strides = array<i32>} : memref<512xf32, #tpu.memory_space<vmem>>, vector<16xf32>,
    %swap3A_90 = vector.shape_cast %swap3A_89 : vector<16xf32> to vector<16xf32>
    %swap3A_91 = vector.shape_cast %broadcast_in_dim3A_87 : vector<16xf32> to vector<16xf32>
    tpu.vector_store %arg6[%swap3A_88], %swap3A_91 {strides = array<i32>} : memref<512xf32, #tpu.memory_space<vmem>>, vector<16xf32>,
    %broadcast_in_dim3A_92 = arith.constant 0.000000e+00 : f32
    %broadcast_in_dim3A_93 = vector.broadcast %broadcast_in_dim3A_92 : f32 to vector<16xf32>
    %swap3A_94 = arith.constant 240 : index
    %swap3A_95 = tpu.vector_load %arg6[%swap3A_94] {strides = array<i32>} : memref<512xf32, #tpu.memory_space<vmem>>, vector<16xf32>,
    %swap3A_96 = vector.shape_cast %swap3A_95 : vector<16xf32> to vector<16xf32>
    %swap3A_97 = vector.shape_cast %broadcast_in_dim3A_93 : vector<16xf32> to vector<16xf32>
    tpu.vector_store %arg6[%swap3A_94], %swap3A_97 {strides = array<i32>} : memref<512xf32, #tpu.memory_space<vmem>>, vector<16xf32>,
    %broadcast_in_dim3A_98 = arith.constant 0.000000e+00 : f32
    %broadcast_in_dim3A_99 = vector.broadcast %broadcast_in_dim3A_98 : f32 to vector<16xf32>
    %swap3A_100 = arith.constant 256 : index
    %swap3A_101 = tpu.vector_load %arg6[%swap3A_100] {strides = array<i32>} : memref<512xf32, #tpu.memory_space<vmem>>, vector<16xf32>,
    %swap3A_102 = vector.shape_cast %swap3A_101 : vector<16xf32> to vector<16xf32>
    %swap3A_103 = vector.shape_cast %broadcast_in_dim3A_99 : vector<16xf32> to vector<16xf32>
    tpu.vector_store %arg6[%swap3A_100], %swap3A_103 {strides = array<i32>} : memref<512xf32, #tpu.memory_space<vmem>>, vector<16xf32>,
    %broadcast_in_dim3A_104 = arith.constant 0.000000e+00 : f32
    %broadcast_in_dim3A_105 = vector.broadcast %broadcast_in_dim3A_104 : f32 to vector<16xf32>
    %swap3A_106 = arith.constant 272 : index
    %swap3A_107 = tpu.vector_load %arg6[%swap3A_106] {strides = array<i32>} : memref<512xf32, #tpu.memory_space<vmem>>, vector<16xf32>,
    %swap3A_108 = vector.shape_cast %swap3A_107 : vector<16xf32> to vector<16xf32>
    %swap3A_109 = vector.shape_cast %broadcast_in_dim3A_105 : vector<16xf32> to vector<16xf32>
    tpu.vector_store %arg6[%swap3A_106], %swap3A_109 {strides = array<i32>} : memref<512xf32, #tpu.memory_space<vmem>>, vector<16xf32>,
    %broadcast_in_dim3A_110 = arith.constant 0.000000e+00 : f32
    %broadcast_in_dim3A_111 = vector.broadcast %broadcast_in_dim3A_110 : f32 to vector<16xf32>
    %swap3A_112 = arith.constant 288 : index
    %swap3A_113 = tpu.vector_load %arg6[%swap3A_112] {strides = array<i32>} : memref<512xf32, #tpu.memory_space<vmem>>, vector<16xf32>,
    %swap3A_114 = vector.shape_cast %swap3A_113 : vector<16xf32> to vector<16xf32>
    %swap3A_115 = vector.shape_cast %broadcast_in_dim3A_111 : vector<16xf32> to vector<16xf32>
    tpu.vector_store %arg6[%swap3A_112], %swap3A_115 {strides = array<i32>} : memref<512xf32, #tpu.memory_space<vmem>>, vector<16xf32>,
    %broadcast_in_dim3A_116 = arith.constant 0.000000e+00 : f32
    %broadcast_in_dim3A_117 = vector.broadcast %broadcast_in_dim3A_116 : f32 to vector<16xf32>
    %swap3A_118 = arith.constant 304 : index
    %swap3A_119 = tpu.vector_load %arg6[%swap3A_118] {strides = array<i32>} : memref<512xf32, #tpu.memory_space<vmem>>, vector<16xf32>,
    %swap3A_120 = vector.shape_cast %swap3A_119 : vector<16xf32> to vector<16xf32>
    %swap3A_121 = vector.shape_cast %broadcast_in_dim3A_117 : vector<16xf32> to vector<16xf32>
    tpu.vector_store %arg6[%swap3A_118], %swap3A_121 {strides = array<i32>} : memref<512xf32, #tpu.memory_space<vmem>>, vector<16xf32>,
    %broadcast_in_dim3A_122 = arith.constant 0.000000e+00 : f32
    %broadcast_in_dim3A_123 = vector.broadcast %broadcast_in_dim3A_122 : f32 to vector<16xf32>
    %swap3A_124 = arith.constant 320 : index
    %swap3A_125 = tpu.vector_load %arg6[%swap3A_124] {strides = array<i32>} : memref<512xf32, #tpu.memory_space<vmem>>, vector<16xf32>,
    %swap3A_126 = vector.shape_cast %swap3A_125 : vector<16xf32> to vector<16xf32>
    %swap3A_127 = vector.shape_cast %broadcast_in_dim3A_123 : vector<16xf32> to vector<16xf32>
    tpu.vector_store %arg6[%swap3A_124], %swap3A_127 {strides = array<i32>} : memref<512xf32, #tpu.memory_space<vmem>>, vector<16xf32>,
    %broadcast_in_dim3A_128 = arith.constant 0.000000e+00 : f32
    %broadcast_in_dim3A_129 = vector.broadcast %broadcast_in_dim3A_128 : f32 to vector<16xf32>
    %swap3A_130 = arith.constant 336 : index
    %swap3A_131 = tpu.vector_load %arg6[%swap3A_130] {strides = array<i32>} : memref<512xf32, #tpu.memory_space<vmem>>, vector<16xf32>,
    %swap3A_132 = vector.shape_cast %swap3A_131 : vector<16xf32> to vector<16xf32>
    %swap3A_133 = vector.shape_cast %broadcast_in_dim3A_129 : vector<16xf32> to vector<16xf32>
    tpu.vector_store %arg6[%swap3A_130], %swap3A_133 {strides = array<i32>} : memref<512xf32, #tpu.memory_space<vmem>>, vector<16xf32>,
    %broadcast_in_dim3A_134 = arith.constant 0.000000e+00 : f32
    %broadcast_in_dim3A_135 = vector.broadcast %broadcast_in_dim3A_134 : f32 to vector<16xf32>
    %swap3A_136 = arith.constant 352 : index
    %swap3A_137 = tpu.vector_load %arg6[%swap3A_136] {strides = array<i32>} : memref<512xf32, #tpu.memory_space<vmem>>, vector<16xf32>,
    %swap3A_138 = vector.shape_cast %swap3A_137 : vector<16xf32> to vector<16xf32>
    %swap3A_139 = vector.shape_cast %broadcast_in_dim3A_135 : vector<16xf32> to vector<16xf32>
    tpu.vector_store %arg6[%swap3A_136], %swap3A_139 {strides = array<i32>} : memref<512xf32, #tpu.memory_space<vmem>>, vector<16xf32>,
    %broadcast_in_dim3A_140 = arith.constant 0.000000e+00 : f32
    %broadcast_in_dim3A_141 = vector.broadcast %broadcast_in_dim3A_140 : f32 to vector<16xf32>
    %swap3A_142 = arith.constant 368 : index
    %swap3A_143 = tpu.vector_load %arg6[%swap3A_142] {strides = array<i32>} : memref<512xf32, #tpu.memory_space<vmem>>, vector<16xf32>,
    %swap3A_144 = vector.shape_cast %swap3A_143 : vector<16xf32> to vector<16xf32>
    %swap3A_145 = vector.shape_cast %broadcast_in_dim3A_141 : vector<16xf32> to vector<16xf32>
    tpu.vector_store %arg6[%swap3A_142], %swap3A_145 {strides = array<i32>} : memref<512xf32, #tpu.memory_space<vmem>>, vector<16xf32>,
    %broadcast_in_dim3A_146 = arith.constant 0.000000e+00 : f32
    %broadcast_in_dim3A_147 = vector.broadcast %broadcast_in_dim3A_146 : f32 to vector<16xf32>
    %swap3A_148 = arith.constant 384 : index
    %swap3A_149 = tpu.vector_load %arg6[%swap3A_148] {strides = array<i32>} : memref<512xf32, #tpu.memory_space<vmem>>, vector<16xf32>,
    %swap3A_150 = vector.shape_cast %swap3A_149 : vector<16xf32> to vector<16xf32>
    %swap3A_151 = vector.shape_cast %broadcast_in_dim3A_147 : vector<16xf32> to vector<16xf32>
    tpu.vector_store %arg6[%swap3A_148], %swap3A_151 {strides = array<i32>} : memref<512xf32, #tpu.memory_space<vmem>>, vector<16xf32>,
    %broadcast_in_dim3A_152 = arith.constant 0.000000e+00 : f32
    %broadcast_in_dim3A_153 = vector.broadcast %broadcast_in_dim3A_152 : f32 to vector<16xf32>
    %swap3A_154 = arith.constant 400 : index
    %swap3A_155 = tpu.vector_load %arg6[%swap3A_154] {strides = array<i32>} : memref<512xf32, #tpu.memory_space<vmem>>, vector<16xf32>,
    %swap3A_156 = vector.shape_cast %swap3A_155 : vector<16xf32> to vector<16xf32>
    %swap3A_157 = vector.shape_cast %broadcast_in_dim3A_153 : vector<16xf32> to vector<16xf32>
    tpu.vector_store %arg6[%swap3A_154], %swap3A_157 {strides = array<i32>} : memref<512xf32, #tpu.memory_space<vmem>>, vector<16xf32>,
    %broadcast_in_dim3A_158 = arith.constant 0.000000e+00 : f32
    %broadcast_in_dim3A_159 = vector.broadcast %broadcast_in_dim3A_158 : f32 to vector<16xf32>
    %swap3A_160 = arith.constant 416 : index
    %swap3A_161 = tpu.vector_load %arg6[%swap3A_160] {strides = array<i32>} : memref<512xf32, #tpu.memory_space<vmem>>, vector<16xf32>,
    %swap3A_162 = vector.shape_cast %swap3A_161 : vector<16xf32> to vector<16xf32>
    %swap3A_163 = vector.shape_cast %broadcast_in_dim3A_159 : vector<16xf32> to vector<16xf32>
    tpu.vector_store %arg6[%swap3A_160], %swap3A_163 {strides = array<i32>} : memref<512xf32, #tpu.memory_space<vmem>>, vector<16xf32>,
    %broadcast_in_dim3A_164 = arith.constant 0.000000e+00 : f32
    %broadcast_in_dim3A_165 = vector.broadcast %broadcast_in_dim3A_164 : f32 to vector<16xf32>
    %swap3A_166 = arith.constant 432 : index
    %swap3A_167 = tpu.vector_load %arg6[%swap3A_166] {strides = array<i32>} : memref<512xf32, #tpu.memory_space<vmem>>, vector<16xf32>,
    %swap3A_168 = vector.shape_cast %swap3A_167 : vector<16xf32> to vector<16xf32>
    %swap3A_169 = vector.shape_cast %broadcast_in_dim3A_165 : vector<16xf32> to vector<16xf32>
    tpu.vector_store %arg6[%swap3A_166], %swap3A_169 {strides = array<i32>} : memref<512xf32, #tpu.memory_space<vmem>>, vector<16xf32>,
    %broadcast_in_dim3A_170 = arith.constant 0.000000e+00 : f32
    %broadcast_in_dim3A_171 = vector.broadcast %broadcast_in_dim3A_170 : f32 to vector<16xf32>
    %swap3A_172 = arith.constant 448 : index
    %swap3A_173 = tpu.vector_load %arg6[%swap3A_172] {strides = array<i32>} : memref<512xf32, #tpu.memory_space<vmem>>, vector<16xf32>,
    %swap3A_174 = vector.shape_cast %swap3A_173 : vector<16xf32> to vector<16xf32>
    %swap3A_175 = vector.shape_cast %broadcast_in_dim3A_171 : vector<16xf32> to vector<16xf32>
    tpu.vector_store %arg6[%swap3A_172], %swap3A_175 {strides = array<i32>} : memref<512xf32, #tpu.memory_space<vmem>>, vector<16xf32>,
    %broadcast_in_dim3A_176 = arith.constant 0.000000e+00 : f32
    %broadcast_in_dim3A_177 = vector.broadcast %broadcast_in_dim3A_176 : f32 to vector<16xf32>
    %swap3A_178 = arith.constant 464 : index
    %swap3A_179 = tpu.vector_load %arg6[%swap3A_178] {strides = array<i32>} : memref<512xf32, #tpu.memory_space<vmem>>, vector<16xf32>,
    %swap3A_180 = vector.shape_cast %swap3A_179 : vector<16xf32> to vector<16xf32>
    %swap3A_181 = vector.shape_cast %broadcast_in_dim3A_177 : vector<16xf32> to vector<16xf32>
    tpu.vector_store %arg6[%swap3A_178], %swap3A_181 {strides = array<i32>} : memref<512xf32, #tpu.memory_space<vmem>>, vector<16xf32>,
    %broadcast_in_dim3A_182 = arith.constant 0.000000e+00 : f32
    %broadcast_in_dim3A_183 = vector.broadcast %broadcast_in_dim3A_182 : f32 to vector<16xf32>
    %swap3A_184 = arith.constant 480 : index
    %swap3A_185 = tpu.vector_load %arg6[%swap3A_184] {strides = array<i32>} : memref<512xf32, #tpu.memory_space<vmem>>, vector<16xf32>,
    %swap3A_186 = vector.shape_cast %swap3A_185 : vector<16xf32> to vector<16xf32>
    %swap3A_187 = vector.shape_cast %broadcast_in_dim3A_183 : vector<16xf32> to vector<16xf32>
    tpu.vector_store %arg6[%swap3A_184], %swap3A_187 {strides = array<i32>} : memref<512xf32, #tpu.memory_space<vmem>>, vector<16xf32>,
    %broadcast_in_dim3A_188 = arith.constant 0.000000e+00 : f32
    %broadcast_in_dim3A_189 = vector.broadcast %broadcast_in_dim3A_188 : f32 to vector<16xf32>
    %swap3A_190 = arith.constant 496 : index
    %swap3A_191 = tpu.vector_load %arg6[%swap3A_190] {strides = array<i32>} : memref<512xf32, #tpu.memory_space<vmem>>, vector<16xf32>,
    %swap3A_192 = vector.shape_cast %swap3A_191 : vector<16xf32> to vector<16xf32>
    %swap3A_193 = vector.shape_cast %broadcast_in_dim3A_189 : vector<16xf32> to vector<16xf32>
    tpu.vector_store %arg6[%swap3A_190], %swap3A_193 {strides = array<i32>} : memref<512xf32, #tpu.memory_space<vmem>>, vector<16xf32>,
    %broadcast_in_dim3A_194 = arith.constant 1.000000e+00 : f32
    %broadcast_in_dim3A_195 = vector.broadcast %broadcast_in_dim3A_194 : f32 to vector<16xf32>
    %swap3A_196 = arith.constant 0 : index
    %swap3A_197 = tpu.vector_load %arg7[%swap3A_196] {strides = array<i32>} : memref<128xf32, #tpu.memory_space<vmem>>, vector<16xf32>,
    %swap3A_198 = vector.shape_cast %swap3A_197 : vector<16xf32> to vector<16xf32>
    %swap3A_199 = vector.shape_cast %broadcast_in_dim3A_195 : vector<16xf32> to vector<16xf32>
    tpu.vector_store %arg7[%swap3A_196], %swap3A_199 {strides = array<i32>} : memref<128xf32, #tpu.memory_space<vmem>>, vector<16xf32>,
    %broadcast_in_dim3A_200 = arith.constant 1.000000e+00 : f32
    %broadcast_in_dim3A_201 = vector.broadcast %broadcast_in_dim3A_200 : f32 to vector<16xf32>
    %swap3A_202 = arith.constant 16 : index
    %swap3A_203 = tpu.vector_load %arg7[%swap3A_202] {strides = array<i32>} : memref<128xf32, #tpu.memory_space<vmem>>, vector<16xf32>,
    %swap3A_204 = vector.shape_cast %swap3A_203 : vector<16xf32> to vector<16xf32>
    %swap3A_205 = vector.shape_cast %broadcast_in_dim3A_201 : vector<16xf32> to vector<16xf32>
    tpu.vector_store %arg7[%swap3A_202], %swap3A_205 {strides = array<i32>} : memref<128xf32, #tpu.memory_space<vmem>>, vector<16xf32>,
    %broadcast_in_dim3A_206 = arith.constant 1.000000e+00 : f32
    %broadcast_in_dim3A_207 = vector.broadcast %broadcast_in_dim3A_206 : f32 to vector<16xf32>
    %swap3A_208 = arith.constant 32 : index
    %swap3A_209 = tpu.vector_load %arg7[%swap3A_208] {strides = array<i32>} : memref<128xf32, #tpu.memory_space<vmem>>, vector<16xf32>,
    %swap3A_210 = vector.shape_cast %swap3A_209 : vector<16xf32> to vector<16xf32>
    %swap3A_211 = vector.shape_cast %broadcast_in_dim3A_207 : vector<16xf32> to vector<16xf32>
    tpu.vector_store %arg7[%swap3A_208], %swap3A_211 {strides = array<i32>} : memref<128xf32, #tpu.memory_space<vmem>>, vector<16xf32>,
    %broadcast_in_dim3A_212 = arith.constant 1.000000e+00 : f32
    %broadcast_in_dim3A_213 = vector.broadcast %broadcast_in_dim3A_212 : f32 to vector<16xf32>
    %swap3A_214 = arith.constant 48 : index
    %swap3A_215 = tpu.vector_load %arg7[%swap3A_214] {strides = array<i32>} : memref<128xf32, #tpu.memory_space<vmem>>, vector<16xf32>,
    %swap3A_216 = vector.shape_cast %swap3A_215 : vector<16xf32> to vector<16xf32>
    %swap3A_217 = vector.shape_cast %broadcast_in_dim3A_213 : vector<16xf32> to vector<16xf32>
    tpu.vector_store %arg7[%swap3A_214], %swap3A_217 {strides = array<i32>} : memref<128xf32, #tpu.memory_space<vmem>>, vector<16xf32>,
    %broadcast_in_dim3A_218 = arith.constant 1.000000e+00 : f32
    %broadcast_in_dim3A_219 = vector.broadcast %broadcast_in_dim3A_218 : f32 to vector<16xf32>
    %swap3A_220 = arith.constant 64 : index
    %swap3A_221 = tpu.vector_load %arg7[%swap3A_220] {strides = array<i32>} : memref<128xf32, #tpu.memory_space<vmem>>, vector<16xf32>,
    %swap3A_222 = vector.shape_cast %swap3A_221 : vector<16xf32> to vector<16xf32>
    %swap3A_223 = vector.shape_cast %broadcast_in_dim3A_219 : vector<16xf32> to vector<16xf32>
    tpu.vector_store %arg7[%swap3A_220], %swap3A_223 {strides = array<i32>} : memref<128xf32, #tpu.memory_space<vmem>>, vector<16xf32>,
    %broadcast_in_dim3A_224 = arith.constant 1.000000e+00 : f32
    %broadcast_in_dim3A_225 = vector.broadcast %broadcast_in_dim3A_224 : f32 to vector<16xf32>
    %swap3A_226 = arith.constant 80 : index
    %swap3A_227 = tpu.vector_load %arg7[%swap3A_226] {strides = array<i32>} : memref<128xf32, #tpu.memory_space<vmem>>, vector<16xf32>,
    %swap3A_228 = vector.shape_cast %swap3A_227 : vector<16xf32> to vector<16xf32>
    %swap3A_229 = vector.shape_cast %broadcast_in_dim3A_225 : vector<16xf32> to vector<16xf32>
    tpu.vector_store %arg7[%swap3A_226], %swap3A_229 {strides = array<i32>} : memref<128xf32, #tpu.memory_space<vmem>>, vector<16xf32>,
    %broadcast_in_dim3A_230 = arith.constant 1.000000e+00 : f32
    %broadcast_in_dim3A_231 = vector.broadcast %broadcast_in_dim3A_230 : f32 to vector<16xf32>
    %swap3A_232 = arith.constant 96 : index
    %swap3A_233 = tpu.vector_load %arg7[%swap3A_232] {strides = array<i32>} : memref<128xf32, #tpu.memory_space<vmem>>, vector<16xf32>,
    %swap3A_234 = vector.shape_cast %swap3A_233 : vector<16xf32> to vector<16xf32>
    %swap3A_235 = vector.shape_cast %broadcast_in_dim3A_231 : vector<16xf32> to vector<16xf32>
    tpu.vector_store %arg7[%swap3A_232], %swap3A_235 {strides = array<i32>} : memref<128xf32, #tpu.memory_space<vmem>>, vector<16xf32>,
    %broadcast_in_dim3A_236 = arith.constant 1.000000e+00 : f32
    %broadcast_in_dim3A_237 = vector.broadcast %broadcast_in_dim3A_236 : f32 to vector<16xf32>
    %swap3A_238 = arith.constant 112 : index
    %swap3A_239 = tpu.vector_load %arg7[%swap3A_238] {strides = array<i32>} : memref<128xf32, #tpu.memory_space<vmem>>, vector<16xf32>,
    %swap3A_240 = vector.shape_cast %swap3A_239 : vector<16xf32> to vector<16xf32>
    %swap3A_241 = vector.shape_cast %broadcast_in_dim3A_237 : vector<16xf32> to vector<16xf32>
    tpu.vector_store %arg7[%swap3A_238], %swap3A_241 {strides = array<i32>} : memref<128xf32, #tpu.memory_space<vmem>>, vector<16xf32>,
    %mul3A_242 = arith.constant 512 : i32
    %mul3A_243 = arith.muli %arg1, %mul3A_242 : i32
    "tpu.region"() ({
      %run_scoped3A = tpu.sem_alloc : memref<!tpu.dma_semaphore, #tpu.memory_space<semaphore_mem>>
      %dma_start3A_3449 = tpu.memref_slice %arg8[%mul3A_243] : memref<8192xf32, #tpu.memory_space<vmem_shared>> -> memref<512xf32, #tpu.memory_space<vmem_shared>>
      %dma_start3A_3450 = tpu.memref_slice %arg8[%mul3A_243] : memref<8192xf32, #tpu.memory_space<vmem_shared>> -> memref<512xf32, #tpu.memory_space<vmem_shared>>
      tpu.enqueue_dma source(%arg6 : memref<512xf32, #tpu.memory_space<vmem>>) target(%dma_start3A_3450 : memref<512xf32, #tpu.memory_space<vmem_shared>>) target_semaphore(%run_scoped3A : memref<!tpu.dma_semaphore, #tpu.memory_space<semaphore_mem>>)
      %dma_wait3A_3451 = tpu.memref_slice %arg8[%mul3A_243] : memref<8192xf32, #tpu.memory_space<vmem_shared>> -> memref<512xf32, #tpu.memory_space<vmem_shared>>
      %dma_wait3A_3452 = tpu.memref_slice %arg8[%mul3A_243] : memref<8192xf32, #tpu.memory_space<vmem_shared>> -> memref<512xf32, #tpu.memory_space<vmem_shared>>
      tpu.wait_dma2 semaphore(%run_scoped3A : memref<!tpu.dma_semaphore, #tpu.memory_space<semaphore_mem>>) src(%arg6 : memref<512xf32, #tpu.memory_space<vmem>>) dst(%dma_wait3A_3452 : memref<512xf32, #tpu.memory_space<vmem_shared>>)
      tpu.yield
    }) : () -> ()
    %dma_wait3A = arith.constant 0 : i32
    %dma_wait3A_244 = tpu.memref_slice %arg2[%mul3A_0, %dma_wait3A] : memref<64x1024xi32, #tpu.memory_space<hbm>> -> memref<4x1024xi32, #tpu.memory_space<hbm>>
    %dma_wait3A_245 = arith.constant 0 : i32
    %dma_wait3A_246 = tpu.memref_slice %arg2[%mul3A_0, %dma_wait3A_245] : memref<64x1024xi32, #tpu.memory_space<hbm>> -> memref<4x1024xi32, #tpu.memory_space<hbm>>
    tpu.wait_dma2 semaphore(%arg9 : memref<!tpu.dma_semaphore, #tpu.memory_space<semaphore_mem>>) src(%dma_wait3A_246 : memref<4x1024xi32, #tpu.memory_space<hbm>>) dst(%arg4 : memref<4x1024xi32, #tpu.memory_space<vmem>>)
    %get3A = arith.constant 0 : i32
    %get3A_247 = arith.index_cast %get3A : i32 to index
    %get3A_248 = arith.constant 0 : index
    %get3A_249 = tpu.vector_load %arg4[%get3A_247, %get3A_248] {strides = array<i32>} : memref<4x1024xi32, #tpu.memory_space<vmem>>, vector<1x16xi32>,
    %get3A_250 = vector.shape_cast %get3A_249 : vector<1x16xi32> to vector<16xi32>
    %swap3A_251 = arith.constant 0 : i32
    %swap3A_252 = arith.index_cast %swap3A_251 : i32 to index
    %swap3A_253 = arith.constant 0 : index
    %swap3A_254 = tpu.vector_load %arg5[%swap3A_252, %swap3A_253] {strides = array<i32>} : memref<32x128xi32, #tpu.memory_space<vmem>>, vector<1x16xi32>,
    %swap3A_255 = vector.shape_cast %swap3A_254 : vector<1x16xi32> to vector<16xi32>
    %swap3A_256 = vector.shape_cast %get3A_250 : vector<16xi32> to vector<1x16xi32>
    tpu.vector_store %arg5[%swap3A_252, %swap3A_253], %swap3A_256 {strides = array<i32>} : memref<32x128xi32, #tpu.memory_space<vmem>>, vector<1x16xi32>,
    %get3A_257 = arith.constant 0 : i32
    %get3A_258 = arith.index_cast %get3A_257 : i32 to index
    %get3A_259 = arith.constant 16 : index
    %get3A_260 = tpu.vector_load %arg4[%get3A_258, %get3A_259] {strides = array<i32>} : memref<4x1024xi32, #tpu.memory_space<vmem>>, vector<1x16xi32>,
    %get3A_261 = vector.shape_cast %get3A_260 : vector<1x16xi32> to vector<16xi32>
    %swap3A_262 = arith.constant 0 : i32
    %swap3A_263 = arith.index_cast %swap3A_262 : i32 to index
    %swap3A_264 = arith.constant 16 : index
    %swap3A_265 = tpu.vector_load %arg5[%swap3A_263, %swap3A_264] {strides = array<i32>} : memref<32x128xi32, #tpu.memory_space<vmem>>, vector<1x16xi32>,
    %swap3A_266 = vector.shape_cast %swap3A_265 : vector<1x16xi32> to vector<16xi32>
    %swap3A_267 = vector.shape_cast %get3A_261 : vector<16xi32> to vector<1x16xi32>
    tpu.vector_store %arg5[%swap3A_263, %swap3A_264], %swap3A_267 {strides = array<i32>} : memref<32x128xi32, #tpu.memory_space<vmem>>, vector<1x16xi32>,
    %get3A_268 = arith.constant 0 : i32
    %get3A_269 = arith.index_cast %get3A_268 : i32 to index
    %get3A_270 = arith.constant 32 : index
    %get3A_271 = tpu.vector_load %arg4[%get3A_269, %get3A_270] {strides = array<i32>} : memref<4x1024xi32, #tpu.memory_space<vmem>>, vector<1x16xi32>,
    %get3A_272 = vector.shape_cast %get3A_271 : vector<1x16xi32> to vector<16xi32>
    %swap3A_273 = arith.constant 0 : i32
    %swap3A_274 = arith.index_cast %swap3A_273 : i32 to index
    %swap3A_275 = arith.constant 32 : index
    %swap3A_276 = tpu.vector_load %arg5[%swap3A_274, %swap3A_275] {strides = array<i32>} : memref<32x128xi32, #tpu.memory_space<vmem>>, vector<1x16xi32>,
    %swap3A_277 = vector.shape_cast %swap3A_276 : vector<1x16xi32> to vector<16xi32>
    %swap3A_278 = vector.shape_cast %get3A_272 : vector<16xi32> to vector<1x16xi32>
    tpu.vector_store %arg5[%swap3A_274, %swap3A_275], %swap3A_278 {strides = array<i32>} : memref<32x128xi32, #tpu.memory_space<vmem>>, vector<1x16xi32>,
    %get3A_279 = arith.constant 0 : i32
    %get3A_280 = arith.index_cast %get3A_279 : i32 to index
    %get3A_281 = arith.constant 48 : index
    %get3A_282 = tpu.vector_load %arg4[%get3A_280, %get3A_281] {strides = array<i32>} : memref<4x1024xi32, #tpu.memory_space<vmem>>, vector<1x16xi32>,
    %get3A_283 = vector.shape_cast %get3A_282 : vector<1x16xi32> to vector<16xi32>
    %swap3A_284 = arith.constant 0 : i32
    %swap3A_285 = arith.index_cast %swap3A_284 : i32 to index
    %swap3A_286 = arith.constant 48 : index
    %swap3A_287 = tpu.vector_load %arg5[%swap3A_285, %swap3A_286] {strides = array<i32>} : memref<32x128xi32, #tpu.memory_space<vmem>>, vector<1x16xi32>,
    %swap3A_288 = vector.shape_cast %swap3A_287 : vector<1x16xi32> to vector<16xi32>
    %swap3A_289 = vector.shape_cast %get3A_283 : vector<16xi32> to vector<1x16xi32>
    tpu.vector_store %arg5[%swap3A_285, %swap3A_286], %swap3A_289 {strides = array<i32>} : memref<32x128xi32, #tpu.memory_space<vmem>>, vector<1x16xi32>,
    %get3A_290 = arith.constant 0 : i32
    %get3A_291 = arith.index_cast %get3A_290 : i32 to index
    %get3A_292 = arith.constant 64 : index
    %get3A_293 = tpu.vector_load %arg4[%get3A_291, %get3A_292] {strides = array<i32>} : memref<4x1024xi32, #tpu.memory_space<vmem>>, vector<1x16xi32>,
    %get3A_294 = vector.shape_cast %get3A_293 : vector<1x16xi32> to vector<16xi32>
    %swap3A_295 = arith.constant 0 : i32
    %swap3A_296 = arith.index_cast %swap3A_295 : i32 to index
    %swap3A_297 = arith.constant 64 : index
    %swap3A_298 = tpu.vector_load %arg5[%swap3A_296, %swap3A_297] {strides = array<i32>} : memref<32x128xi32, #tpu.memory_space<vmem>>, vector<1x16xi32>,
    %swap3A_299 = vector.shape_cast %swap3A_298 : vector<1x16xi32> to vector<16xi32>
    %swap3A_300 = vector.shape_cast %get3A_294 : vector<16xi32> to vector<1x16xi32>
    tpu.vector_store %arg5[%swap3A_296, %swap3A_297], %swap3A_300 {strides = array<i32>} : memref<32x128xi32, #tpu.memory_space<vmem>>, vector<1x16xi32>,
    %get3A_301 = arith.constant 0 : i32
    %get3A_302 = arith.index_cast %get3A_301 : i32 to index
    %get3A_303 = arith.constant 80 : index
    %get3A_304 = tpu.vector_load %arg4[%get3A_302, %get3A_303] {strides = array<i32>} : memref<4x1024xi32, #tpu.memory_space<vmem>>, vector<1x16xi32>,
    %get3A_305 = vector.shape_cast %get3A_304 : vector<1x16xi32> to vector<16xi32>
    %swap3A_306 = arith.constant 0 : i32
    %swap3A_307 = arith.index_cast %swap3A_306 : i32 to index
    %swap3A_308 = arith.constant 80 : index
    %swap3A_309 = tpu.vector_load %arg5[%swap3A_307, %swap3A_308] {strides = array<i32>} : memref<32x128xi32, #tpu.memory_space<vmem>>, vector<1x16xi32>,
    %swap3A_310 = vector.shape_cast %swap3A_309 : vector<1x16xi32> to vector<16xi32>
    %swap3A_311 = vector.shape_cast %get3A_305 : vector<16xi32> to vector<1x16xi32>
    tpu.vector_store %arg5[%swap3A_307, %swap3A_308], %swap3A_311 {strides = array<i32>} : memref<32x128xi32, #tpu.memory_space<vmem>>, vector<1x16xi32>,
    %get3A_312 = arith.constant 0 : i32
    %get3A_313 = arith.index_cast %get3A_312 : i32 to index
    %get3A_314 = arith.constant 96 : index
    %get3A_315 = tpu.vector_load %arg4[%get3A_313, %get3A_314] {strides = array<i32>} : memref<4x1024xi32, #tpu.memory_space<vmem>>, vector<1x16xi32>,
    %get3A_316 = vector.shape_cast %get3A_315 : vector<1x16xi32> to vector<16xi32>
    %swap3A_317 = arith.constant 0 : i32
    %swap3A_318 = arith.index_cast %swap3A_317 : i32 to index
    %swap3A_319 = arith.constant 96 : index
    %swap3A_320 = tpu.vector_load %arg5[%swap3A_318, %swap3A_319] {strides = array<i32>} : memref<32x128xi32, #tpu.memory_space<vmem>>, vector<1x16xi32>,
    %swap3A_321 = vector.shape_cast %swap3A_320 : vector<1x16xi32> to vector<16xi32>
    %swap3A_322 = vector.shape_cast %get3A_316 : vector<16xi32> to vector<1x16xi32>
    tpu.vector_store %arg5[%swap3A_318, %swap3A_319], %swap3A_322 {strides = array<i32>} : memref<32x128xi32, #tpu.memory_space<vmem>>, vector<1x16xi32>,
    %get3A_323 = arith.constant 0 : i32
    %get3A_324 = arith.index_cast %get3A_323 : i32 to index
    %get3A_325 = arith.constant 112 : index
    %get3A_326 = tpu.vector_load %arg4[%get3A_324, %get3A_325] {strides = array<i32>} : memref<4x1024xi32, #tpu.memory_space<vmem>>, vector<1x16xi32>,
    %get3A_327 = vector.shape_cast %get3A_326 : vector<1x16xi32> to vector<16xi32>
    %swap3A_328 = arith.constant 0 : i32
    %swap3A_329 = arith.index_cast %swap3A_328 : i32 to index
    %swap3A_330 = arith.constant 112 : index
    %swap3A_331 = tpu.vector_load %arg5[%swap3A_329, %swap3A_330] {strides = array<i32>} : memref<32x128xi32, #tpu.memory_space<vmem>>, vector<1x16xi32>,
    %swap3A_332 = vector.shape_cast %swap3A_331 : vector<1x16xi32> to vector<16xi32>
    %swap3A_333 = vector.shape_cast %get3A_327 : vector<16xi32> to vector<1x16xi32>
    tpu.vector_store %arg5[%swap3A_329, %swap3A_330], %swap3A_333 {strides = array<i32>} : memref<32x128xi32, #tpu.memory_space<vmem>>, vector<1x16xi32>,
    %get3A_334 = arith.constant 0 : i32
    %get3A_335 = arith.index_cast %get3A_334 : i32 to index
    %get3A_336 = arith.constant 128 : index
    %get3A_337 = tpu.vector_load %arg4[%get3A_335, %get3A_336] {strides = array<i32>} : memref<4x1024xi32, #tpu.memory_space<vmem>>, vector<1x16xi32>,
    %get3A_338 = vector.shape_cast %get3A_337 : vector<1x16xi32> to vector<16xi32>
    %swap3A_339 = arith.constant 1 : i32
    %swap3A_340 = arith.index_cast %swap3A_339 : i32 to index
    %swap3A_341 = arith.constant 0 : index
    %swap3A_342 = tpu.vector_load %arg5[%swap3A_340, %swap3A_341] {strides = array<i32>} : memref<32x128xi32, #tpu.memory_space<vmem>>, vector<1x16xi32>,
    %swap3A_343 = vector.shape_cast %swap3A_342 : vector<1x16xi32> to vector<16xi32>
    %swap3A_344 = vector.shape_cast %get3A_338 : vector<16xi32> to vector<1x16xi32>
    tpu.vector_store %arg5[%swap3A_340, %swap3A_341], %swap3A_344 {strides = array<i32>} : memref<32x128xi32, #tpu.memory_space<vmem>>, vector<1x16xi32>,
    %get3A_345 = arith.constant 0 : i32
    %get3A_346 = arith.index_cast %get3A_345 : i32 to index
    %get3A_347 = arith.constant 144 : index
    %get3A_348 = tpu.vector_load %arg4[%get3A_346, %get3A_347] {strides = array<i32>} : memref<4x1024xi32, #tpu.memory_space<vmem>>, vector<1x16xi32>,
    %get3A_349 = vector.shape_cast %get3A_348 : vector<1x16xi32> to vector<16xi32>
    %swap3A_350 = arith.constant 1 : i32
    %swap3A_351 = arith.index_cast %swap3A_350 : i32 to index
    %swap3A_352 = arith.constant 16 : index
    %swap3A_353 = tpu.vector_load %arg5[%swap3A_351, %swap3A_352] {strides = array<i32>} : memref<32x128xi32, #tpu.memory_space<vmem>>, vector<1x16xi32>,
    %swap3A_354 = vector.shape_cast %swap3A_353 : vector<1x16xi32> to vector<16xi32>
    %swap3A_355 = vector.shape_cast %get3A_349 : vector<16xi32> to vector<1x16xi32>
    tpu.vector_store %arg5[%swap3A_351, %swap3A_352], %swap3A_355 {strides = array<i32>} : memref<32x128xi32, #tpu.memory_space<vmem>>, vector<1x16xi32>,
    %get3A_356 = arith.constant 0 : i32
    %get3A_357 = arith.index_cast %get3A_356 : i32 to index
    %get3A_358 = arith.constant 160 : index
    %get3A_359 = tpu.vector_load %arg4[%get3A_357, %get3A_358] {strides = array<i32>} : memref<4x1024xi32, #tpu.memory_space<vmem>>, vector<1x16xi32>,
    %get3A_360 = vector.shape_cast %get3A_359 : vector<1x16xi32> to vector<16xi32>
    %swap3A_361 = arith.constant 1 : i32
    %swap3A_362 = arith.index_cast %swap3A_361 : i32 to index
    %swap3A_363 = arith.constant 32 : index
    %swap3A_364 = tpu.vector_load %arg5[%swap3A_362, %swap3A_363] {strides = array<i32>} : memref<32x128xi32, #tpu.memory_space<vmem>>, vector<1x16xi32>,
    %swap3A_365 = vector.shape_cast %swap3A_364 : vector<1x16xi32> to vector<16xi32>
    %swap3A_366 = vector.shape_cast %get3A_360 : vector<16xi32> to vector<1x16xi32>
    tpu.vector_store %arg5[%swap3A_362, %swap3A_363], %swap3A_366 {strides = array<i32>} : memref<32x128xi32, #tpu.memory_space<vmem>>, vector<1x16xi32>,
    %get3A_367 = arith.constant 0 : i32
    %get3A_368 = arith.index_cast %get3A_367 : i32 to index
    %get3A_369 = arith.constant 176 : index
    %get3A_370 = tpu.vector_load %arg4[%get3A_368, %get3A_369] {strides = array<i32>} : memref<4x1024xi32, #tpu.memory_space<vmem>>, vector<1x16xi32>,
    %get3A_371 = vector.shape_cast %get3A_370 : vector<1x16xi32> to vector<16xi32>
    %swap3A_372 = arith.constant 1 : i32
    %swap3A_373 = arith.index_cast %swap3A_372 : i32 to index
    %swap3A_374 = arith.constant 48 : index
    %swap3A_375 = tpu.vector_load %arg5[%swap3A_373, %swap3A_374] {strides = array<i32>} : memref<32x128xi32, #tpu.memory_space<vmem>>, vector<1x16xi32>,
    %swap3A_376 = vector.shape_cast %swap3A_375 : vector<1x16xi32> to vector<16xi32>
    %swap3A_377 = vector.shape_cast %get3A_371 : vector<16xi32> to vector<1x16xi32>
    tpu.vector_store %arg5[%swap3A_373, %swap3A_374], %swap3A_377 {strides = array<i32>} : memref<32x128xi32, #tpu.memory_space<vmem>>, vector<1x16xi32>,
    %get3A_378 = arith.constant 0 : i32
    %get3A_379 = arith.index_cast %get3A_378 : i32 to index
    %get3A_380 = arith.constant 192 : index
    %get3A_381 = tpu.vector_load %arg4[%get3A_379, %get3A_380] {strides = array<i32>} : memref<4x1024xi32, #tpu.memory_space<vmem>>, vector<1x16xi32>,
    %get3A_382 = vector.shape_cast %get3A_381 : vector<1x16xi32> to vector<16xi32>
    %swap3A_383 = arith.constant 1 : i32
    %swap3A_384 = arith.index_cast %swap3A_383 : i32 to index
    %swap3A_385 = arith.constant 64 : index
    %swap3A_386 = tpu.vector_load %arg5[%swap3A_384, %swap3A_385] {strides = array<i32>} : memref<32x128xi32, #tpu.memory_space<vmem>>, vector<1x16xi32>,
    %swap3A_387 = vector.shape_cast %swap3A_386 : vector<1x16xi32> to vector<16xi32>
    %swap3A_388 = vector.shape_cast %get3A_382 : vector<16xi32> to vector<1x16xi32>
    tpu.vector_store %arg5[%swap3A_384, %swap3A_385], %swap3A_388 {strides = array<i32>} : memref<32x128xi32, #tpu.memory_space<vmem>>, vector<1x16xi32>,
    %get3A_389 = arith.constant 0 : i32
    %get3A_390 = arith.index_cast %get3A_389 : i32 to index
    %get3A_391 = arith.constant 208 : index
    %get3A_392 = tpu.vector_load %arg4[%get3A_390, %get3A_391] {strides = array<i32>} : memref<4x1024xi32, #tpu.memory_space<vmem>>, vector<1x16xi32>,
    %get3A_393 = vector.shape_cast %get3A_392 : vector<1x16xi32> to vector<16xi32>
    %swap3A_394 = arith.constant 1 : i32
    %swap3A_395 = arith.index_cast %swap3A_394 : i32 to index
    %swap3A_396 = arith.constant 80 : index
    %swap3A_397 = tpu.vector_load %arg5[%swap3A_395, %swap3A_396] {strides = array<i32>} : memref<32x128xi32, #tpu.memory_space<vmem>>, vector<1x16xi32>,
    %swap3A_398 = vector.shape_cast %swap3A_397 : vector<1x16xi32> to vector<16xi32>
    %swap3A_399 = vector.shape_cast %get3A_393 : vector<16xi32> to vector<1x16xi32>
    tpu.vector_store %arg5[%swap3A_395, %swap3A_396], %swap3A_399 {strides = array<i32>} : memref<32x128xi32, #tpu.memory_space<vmem>>, vector<1x16xi32>,
    %get3A_400 = arith.constant 0 : i32
    %get3A_401 = arith.index_cast %get3A_400 : i32 to index
    %get3A_402 = arith.constant 224 : index
    %get3A_403 = tpu.vector_load %arg4[%get3A_401, %get3A_402] {strides = array<i32>} : memref<4x1024xi32, #tpu.memory_space<vmem>>, vector<1x16xi32>,
    %get3A_404 = vector.shape_cast %get3A_403 : vector<1x16xi32> to vector<16xi32>
    %swap3A_405 = arith.constant 1 : i32
    %swap3A_406 = arith.index_cast %swap3A_405 : i32 to index
    %swap3A_407 = arith.constant 96 : index
    %swap3A_408 = tpu.vector_load %arg5[%swap3A_406, %swap3A_407] {strides = array<i32>} : memref<32x128xi32, #tpu.memory_space<vmem>>, vector<1x16xi32>,
    %swap3A_409 = vector.shape_cast %swap3A_408 : vector<1x16xi32> to vector<16xi32>
    %swap3A_410 = vector.shape_cast %get3A_404 : vector<16xi32> to vector<1x16xi32>
    tpu.vector_store %arg5[%swap3A_406, %swap3A_407], %swap3A_410 {strides = array<i32>} : memref<32x128xi32, #tpu.memory_space<vmem>>, vector<1x16xi32>,
    %get3A_411 = arith.constant 0 : i32
    %get3A_412 = arith.index_cast %get3A_411 : i32 to index
    %get3A_413 = arith.constant 240 : index
    %get3A_414 = tpu.vector_load %arg4[%get3A_412, %get3A_413] {strides = array<i32>} : memref<4x1024xi32, #tpu.memory_space<vmem>>, vector<1x16xi32>,
    %get3A_415 = vector.shape_cast %get3A_414 : vector<1x16xi32> to vector<16xi32>
    %swap3A_416 = arith.constant 1 : i32
    %swap3A_417 = arith.index_cast %swap3A_416 : i32 to index
    %swap3A_418 = arith.constant 112 : index
    %swap3A_419 = tpu.vector_load %arg5[%swap3A_417, %swap3A_418] {strides = array<i32>} : memref<32x128xi32, #tpu.memory_space<vmem>>, vector<1x16xi32>,
    %swap3A_420 = vector.shape_cast %swap3A_419 : vector<1x16xi32> to vector<16xi32>
    %swap3A_421 = vector.shape_cast %get3A_415 : vector<16xi32> to vector<1x16xi32>
    tpu.vector_store %arg5[%swap3A_417, %swap3A_418], %swap3A_421 {strides = array<i32>} : memref<32x128xi32, #tpu.memory_space<vmem>>, vector<1x16xi32>,
    %get3A_422 = arith.constant 0 : i32
    %get3A_423 = arith.index_cast %get3A_422 : i32 to index
    %get3A_424 = arith.constant 256 : index
    %get3A_425 = tpu.vector_load %arg4[%get3A_423, %get3A_424] {strides = array<i32>} : memref<4x1024xi32, #tpu.memory_space<vmem>>, vector<1x16xi32>,
    %get3A_426 = vector.shape_cast %get3A_425 : vector<1x16xi32> to vector<16xi32>
    %swap3A_427 = arith.constant 2 : i32
    %swap3A_428 = arith.index_cast %swap3A_427 : i32 to index
    %swap3A_429 = arith.constant 0 : index
    %swap3A_430 = tpu.vector_load %arg5[%swap3A_428, %swap3A_429] {strides = array<i32>} : memref<32x128xi32, #tpu.memory_space<vmem>>, vector<1x16xi32>,
    %swap3A_431 = vector.shape_cast %swap3A_430 : vector<1x16xi32> to vector<16xi32>
    %swap3A_432 = vector.shape_cast %get3A_426 : vector<16xi32> to vector<1x16xi32>
    tpu.vector_store %arg5[%swap3A_428, %swap3A_429], %swap3A_432 {strides = array<i32>} : memref<32x128xi32, #tpu.memory_space<vmem>>, vector<1x16xi32>,
    %get3A_433 = arith.constant 0 : i32
    %get3A_434 = arith.index_cast %get3A_433 : i32 to index
    %get3A_435 = arith.constant 272 : index
    %get3A_436 = tpu.vector_load %arg4[%get3A_434, %get3A_435] {strides = array<i32>} : memref<4x1024xi32, #tpu.memory_space<vmem>>, vector<1x16xi32>,
    %get3A_437 = vector.shape_cast %get3A_436 : vector<1x16xi32> to vector<16xi32>
    %swap3A_438 = arith.constant 2 : i32
    %swap3A_439 = arith.index_cast %swap3A_438 : i32 to index
    %swap3A_440 = arith.constant 16 : index
    %swap3A_441 = tpu.vector_load %arg5[%swap3A_439, %swap3A_440] {strides = array<i32>} : memref<32x128xi32, #tpu.memory_space<vmem>>, vector<1x16xi32>,
    %swap3A_442 = vector.shape_cast %swap3A_441 : vector<1x16xi32> to vector<16xi32>
    %swap3A_443 = vector.shape_cast %get3A_437 : vector<16xi32> to vector<1x16xi32>
    tpu.vector_store %arg5[%swap3A_439, %swap3A_440], %swap3A_443 {strides = array<i32>} : memref<32x128xi32, #tpu.memory_space<vmem>>, vector<1x16xi32>,
    %get3A_444 = arith.constant 0 : i32
    %get3A_445 = arith.index_cast %get3A_444 : i32 to index
    %get3A_446 = arith.constant 288 : index
    %get3A_447 = tpu.vector_load %arg4[%get3A_445, %get3A_446] {strides = array<i32>} : memref<4x1024xi32, #tpu.memory_space<vmem>>, vector<1x16xi32>,
    %get3A_448 = vector.shape_cast %get3A_447 : vector<1x16xi32> to vector<16xi32>
    %swap3A_449 = arith.constant 2 : i32
    %swap3A_450 = arith.index_cast %swap3A_449 : i32 to index
    %swap3A_451 = arith.constant 32 : index
    %swap3A_452 = tpu.vector_load %arg5[%swap3A_450, %swap3A_451] {strides = array<i32>} : memref<32x128xi32, #tpu.memory_space<vmem>>, vector<1x16xi32>,
    %swap3A_453 = vector.shape_cast %swap3A_452 : vector<1x16xi32> to vector<16xi32>
    %swap3A_454 = vector.shape_cast %get3A_448 : vector<16xi32> to vector<1x16xi32>
    tpu.vector_store %arg5[%swap3A_450, %swap3A_451], %swap3A_454 {strides = array<i32>} : memref<32x128xi32, #tpu.memory_space<vmem>>, vector<1x16xi32>,
    %get3A_455 = arith.constant 0 : i32
    %get3A_456 = arith.index_cast %get3A_455 : i32 to index
    %get3A_457 = arith.constant 304 : index
    %get3A_458 = tpu.vector_load %arg4[%get3A_456, %get3A_457] {strides = array<i32>} : memref<4x1024xi32, #tpu.memory_space<vmem>>, vector<1x16xi32>,
    %get3A_459 = vector.shape_cast %get3A_458 : vector<1x16xi32> to vector<16xi32>
    %swap3A_460 = arith.constant 2 : i32
    %swap3A_461 = arith.index_cast %swap3A_460 : i32 to index
    %swap3A_462 = arith.constant 48 : index
    %swap3A_463 = tpu.vector_load %arg5[%swap3A_461, %swap3A_462] {strides = array<i32>} : memref<32x128xi32, #tpu.memory_space<vmem>>, vector<1x16xi32>,
    %swap3A_464 = vector.shape_cast %swap3A_463 : vector<1x16xi32> to vector<16xi32>
    %swap3A_465 = vector.shape_cast %get3A_459 : vector<16xi32> to vector<1x16xi32>
    tpu.vector_store %arg5[%swap3A_461, %swap3A_462], %swap3A_465 {strides = array<i32>} : memref<32x128xi32, #tpu.memory_space<vmem>>, vector<1x16xi32>,
    %get3A_466 = arith.constant 0 : i32
    %get3A_467 = arith.index_cast %get3A_466 : i32 to index
    %get3A_468 = arith.constant 320 : index
    %get3A_469 = tpu.vector_load %arg4[%get3A_467, %get3A_468] {strides = array<i32>} : memref<4x1024xi32, #tpu.memory_space<vmem>>, vector<1x16xi32>,
    %get3A_470 = vector.shape_cast %get3A_469 : vector<1x16xi32> to vector<16xi32>
    %swap3A_471 = arith.constant 2 : i32
    %swap3A_472 = arith.index_cast %swap3A_471 : i32 to index
    %swap3A_473 = arith.constant 64 : index
    %swap3A_474 = tpu.vector_load %arg5[%swap3A_472, %swap3A_473] {strides = array<i32>} : memref<32x128xi32, #tpu.memory_space<vmem>>, vector<1x16xi32>,
    %swap3A_475 = vector.shape_cast %swap3A_474 : vector<1x16xi32> to vector<16xi32>
    %swap3A_476 = vector.shape_cast %get3A_470 : vector<16xi32> to vector<1x16xi32>
    tpu.vector_store %arg5[%swap3A_472, %swap3A_473], %swap3A_476 {strides = array<i32>} : memref<32x128xi32, #tpu.memory_space<vmem>>, vector<1x16xi32>,
    %get3A_477 = arith.constant 0 : i32
    %get3A_478 = arith.index_cast %get3A_477 : i32 to index
    %get3A_479 = arith.constant 336 : index
    %get3A_480 = tpu.vector_load %arg4[%get3A_478, %get3A_479] {strides = array<i32>} : memref<4x1024xi32, #tpu.memory_space<vmem>>, vector<1x16xi32>,
    %get3A_481 = vector.shape_cast %get3A_480 : vector<1x16xi32> to vector<16xi32>
    %swap3A_482 = arith.constant 2 : i32
    %swap3A_483 = arith.index_cast %swap3A_482 : i32 to index
    %swap3A_484 = arith.constant 80 : index
    %swap3A_485 = tpu.vector_load %arg5[%swap3A_483, %swap3A_484] {strides = array<i32>} : memref<32x128xi32, #tpu.memory_space<vmem>>, vector<1x16xi32>,
    %swap3A_486 = vector.shape_cast %swap3A_485 : vector<1x16xi32> to vector<16xi32>
    %swap3A_487 = vector.shape_cast %get3A_481 : vector<16xi32> to vector<1x16xi32>
    tpu.vector_store %arg5[%swap3A_483, %swap3A_484], %swap3A_487 {strides = array<i32>} : memref<32x128xi32, #tpu.memory_space<vmem>>, vector<1x16xi32>,
    %get3A_488 = arith.constant 0 : i32
    %get3A_489 = arith.index_cast %get3A_488 : i32 to index
    %get3A_490 = arith.constant 352 : index
    %get3A_491 = tpu.vector_load %arg4[%get3A_489, %get3A_490] {strides = array<i32>} : memref<4x1024xi32, #tpu.memory_space<vmem>>, vector<1x16xi32>,
    %get3A_492 = vector.shape_cast %get3A_491 : vector<1x16xi32> to vector<16xi32>
    %swap3A_493 = arith.constant 2 : i32
    %swap3A_494 = arith.index_cast %swap3A_493 : i32 to index
    %swap3A_495 = arith.constant 96 : index
    %swap3A_496 = tpu.vector_load %arg5[%swap3A_494, %swap3A_495] {strides = array<i32>} : memref<32x128xi32, #tpu.memory_space<vmem>>, vector<1x16xi32>,
    %swap3A_497 = vector.shape_cast %swap3A_496 : vector<1x16xi32> to vector<16xi32>
    %swap3A_498 = vector.shape_cast %get3A_492 : vector<16xi32> to vector<1x16xi32>
    tpu.vector_store %arg5[%swap3A_494, %swap3A_495], %swap3A_498 {strides = array<i32>} : memref<32x128xi32, #tpu.memory_space<vmem>>, vector<1x16xi32>,
    %get3A_499 = arith.constant 0 : i32
    %get3A_500 = arith.index_cast %get3A_499 : i32 to index
    %get3A_501 = arith.constant 368 : index
    %get3A_502 = tpu.vector_load %arg4[%get3A_500, %get3A_501] {strides = array<i32>} : memref<4x1024xi32, #tpu.memory_space<vmem>>, vector<1x16xi32>,
    %get3A_503 = vector.shape_cast %get3A_502 : vector<1x16xi32> to vector<16xi32>
    %swap3A_504 = arith.constant 2 : i32
    %swap3A_505 = arith.index_cast %swap3A_504 : i32 to index
    %swap3A_506 = arith.constant 112 : index
    %swap3A_507 = tpu.vector_load %arg5[%swap3A_505, %swap3A_506] {strides = array<i32>} : memref<32x128xi32, #tpu.memory_space<vmem>>, vector<1x16xi32>,
    %swap3A_508 = vector.shape_cast %swap3A_507 : vector<1x16xi32> to vector<16xi32>
    %swap3A_509 = vector.shape_cast %get3A_503 : vector<16xi32> to vector<1x16xi32>
    tpu.vector_store %arg5[%swap3A_505, %swap3A_506], %swap3A_509 {strides = array<i32>} : memref<32x128xi32, #tpu.memory_space<vmem>>, vector<1x16xi32>,
    %get3A_510 = arith.constant 0 : i32
    %get3A_511 = arith.index_cast %get3A_510 : i32 to index
    %get3A_512 = arith.constant 384 : index
    %get3A_513 = tpu.vector_load %arg4[%get3A_511, %get3A_512] {strides = array<i32>} : memref<4x1024xi32, #tpu.memory_space<vmem>>, vector<1x16xi32>,
    %get3A_514 = vector.shape_cast %get3A_513 : vector<1x16xi32> to vector<16xi32>
    %swap3A_515 = arith.constant 3 : i32
    %swap3A_516 = arith.index_cast %swap3A_515 : i32 to index
    %swap3A_517 = arith.constant 0 : index
    %swap3A_518 = tpu.vector_load %arg5[%swap3A_516, %swap3A_517] {strides = array<i32>} : memref<32x128xi32, #tpu.memory_space<vmem>>, vector<1x16xi32>,
    %swap3A_519 = vector.shape_cast %swap3A_518 : vector<1x16xi32> to vector<16xi32>
    %swap3A_520 = vector.shape_cast %get3A_514 : vector<16xi32> to vector<1x16xi32>
    tpu.vector_store %arg5[%swap3A_516, %swap3A_517], %swap3A_520 {strides = array<i32>} : memref<32x128xi32, #tpu.memory_space<vmem>>, vector<1x16xi32>,
    %get3A_521 = arith.constant 0 : i32
    %get3A_522 = arith.index_cast %get3A_521 : i32 to index
    %get3A_523 = arith.constant 400 : index
    %get3A_524 = tpu.vector_load %arg4[%get3A_522, %get3A_523] {strides = array<i32>} : memref<4x1024xi32, #tpu.memory_space<vmem>>, vector<1x16xi32>,
    %get3A_525 = vector.shape_cast %get3A_524 : vector<1x16xi32> to vector<16xi32>
    %swap3A_526 = arith.constant 3 : i32
    %swap3A_527 = arith.index_cast %swap3A_526 : i32 to index
    %swap3A_528 = arith.constant 16 : index
    %swap3A_529 = tpu.vector_load %arg5[%swap3A_527, %swap3A_528] {strides = array<i32>} : memref<32x128xi32, #tpu.memory_space<vmem>>, vector<1x16xi32>,
    %swap3A_530 = vector.shape_cast %swap3A_529 : vector<1x16xi32> to vector<16xi32>
    %swap3A_531 = vector.shape_cast %get3A_525 : vector<16xi32> to vector<1x16xi32>
    tpu.vector_store %arg5[%swap3A_527, %swap3A_528], %swap3A_531 {strides = array<i32>} : memref<32x128xi32, #tpu.memory_space<vmem>>, vector<1x16xi32>,
    %get3A_532 = arith.constant 0 : i32
    %get3A_533 = arith.index_cast %get3A_532 : i32 to index
    %get3A_534 = arith.constant 416 : index
    %get3A_535 = tpu.vector_load %arg4[%get3A_533, %get3A_534] {strides = array<i32>} : memref<4x1024xi32, #tpu.memory_space<vmem>>, vector<1x16xi32>,
    %get3A_536 = vector.shape_cast %get3A_535 : vector<1x16xi32> to vector<16xi32>
    %swap3A_537 = arith.constant 3 : i32
    %swap3A_538 = arith.index_cast %swap3A_537 : i32 to index
    %swap3A_539 = arith.constant 32 : index
    %swap3A_540 = tpu.vector_load %arg5[%swap3A_538, %swap3A_539] {strides = array<i32>} : memref<32x128xi32, #tpu.memory_space<vmem>>, vector<1x16xi32>,
    %swap3A_541 = vector.shape_cast %swap3A_540 : vector<1x16xi32> to vector<16xi32>
    %swap3A_542 = vector.shape_cast %get3A_536 : vector<16xi32> to vector<1x16xi32>
    tpu.vector_store %arg5[%swap3A_538, %swap3A_539], %swap3A_542 {strides = array<i32>} : memref<32x128xi32, #tpu.memory_space<vmem>>, vector<1x16xi32>,
    %get3A_543 = arith.constant 0 : i32
    %get3A_544 = arith.index_cast %get3A_543 : i32 to index
    %get3A_545 = arith.constant 432 : index
    %get3A_546 = tpu.vector_load %arg4[%get3A_544, %get3A_545] {strides = array<i32>} : memref<4x1024xi32, #tpu.memory_space<vmem>>, vector<1x16xi32>,
    %get3A_547 = vector.shape_cast %get3A_546 : vector<1x16xi32> to vector<16xi32>
    %swap3A_548 = arith.constant 3 : i32
    %swap3A_549 = arith.index_cast %swap3A_548 : i32 to index
    %swap3A_550 = arith.constant 48 : index
    %swap3A_551 = tpu.vector_load %arg5[%swap3A_549, %swap3A_550] {strides = array<i32>} : memref<32x128xi32, #tpu.memory_space<vmem>>, vector<1x16xi32>,
    %swap3A_552 = vector.shape_cast %swap3A_551 : vector<1x16xi32> to vector<16xi32>
    %swap3A_553 = vector.shape_cast %get3A_547 : vector<16xi32> to vector<1x16xi32>
    tpu.vector_store %arg5[%swap3A_549, %swap3A_550], %swap3A_553 {strides = array<i32>} : memref<32x128xi32, #tpu.memory_space<vmem>>, vector<1x16xi32>,
    %get3A_554 = arith.constant 0 : i32
    %get3A_555 = arith.index_cast %get3A_554 : i32 to index
    %get3A_556 = arith.constant 448 : index
    %get3A_557 = tpu.vector_load %arg4[%get3A_555, %get3A_556] {strides = array<i32>} : memref<4x1024xi32, #tpu.memory_space<vmem>>, vector<1x16xi32>,
    %get3A_558 = vector.shape_cast %get3A_557 : vector<1x16xi32> to vector<16xi32>
    %swap3A_559 = arith.constant 3 : i32
    %swap3A_560 = arith.index_cast %swap3A_559 : i32 to index
    %swap3A_561 = arith.constant 64 : index
    %swap3A_562 = tpu.vector_load %arg5[%swap3A_560, %swap3A_561] {strides = array<i32>} : memref<32x128xi32, #tpu.memory_space<vmem>>, vector<1x16xi32>,
    %swap3A_563 = vector.shape_cast %swap3A_562 : vector<1x16xi32> to vector<16xi32>
    %swap3A_564 = vector.shape_cast %get3A_558 : vector<16xi32> to vector<1x16xi32>
    tpu.vector_store %arg5[%swap3A_560, %swap3A_561], %swap3A_564 {strides = array<i32>} : memref<32x128xi32, #tpu.memory_space<vmem>>, vector<1x16xi32>,
    %get3A_565 = arith.constant 0 : i32
    %get3A_566 = arith.index_cast %get3A_565 : i32 to index
    %get3A_567 = arith.constant 464 : index
    %get3A_568 = tpu.vector_load %arg4[%get3A_566, %get3A_567] {strides = array<i32>} : memref<4x1024xi32, #tpu.memory_space<vmem>>, vector<1x16xi32>,
    %get3A_569 = vector.shape_cast %get3A_568 : vector<1x16xi32> to vector<16xi32>
    %swap3A_570 = arith.constant 3 : i32
    %swap3A_571 = arith.index_cast %swap3A_570 : i32 to index
    %swap3A_572 = arith.constant 80 : index
    %swap3A_573 = tpu.vector_load %arg5[%swap3A_571, %swap3A_572] {strides = array<i32>} : memref<32x128xi32, #tpu.memory_space<vmem>>, vector<1x16xi32>,
    %swap3A_574 = vector.shape_cast %swap3A_573 : vector<1x16xi32> to vector<16xi32>
    %swap3A_575 = vector.shape_cast %get3A_569 : vector<16xi32> to vector<1x16xi32>
    tpu.vector_store %arg5[%swap3A_571, %swap3A_572], %swap3A_575 {strides = array<i32>} : memref<32x128xi32, #tpu.memory_space<vmem>>, vector<1x16xi32>,
    %get3A_576 = arith.constant 0 : i32
    %get3A_577 = arith.index_cast %get3A_576 : i32 to index
    %get3A_578 = arith.constant 480 : index
    %get3A_579 = tpu.vector_load %arg4[%get3A_577, %get3A_578] {strides = array<i32>} : memref<4x1024xi32, #tpu.memory_space<vmem>>, vector<1x16xi32>,
    %get3A_580 = vector.shape_cast %get3A_579 : vector<1x16xi32> to vector<16xi32>
    %swap3A_581 = arith.constant 3 : i32
    %swap3A_582 = arith.index_cast %swap3A_581 : i32 to index
    %swap3A_583 = arith.constant 96 : index
    %swap3A_584 = tpu.vector_load %arg5[%swap3A_582, %swap3A_583] {strides = array<i32>} : memref<32x128xi32, #tpu.memory_space<vmem>>, vector<1x16xi32>,
    %swap3A_585 = vector.shape_cast %swap3A_584 : vector<1x16xi32> to vector<16xi32>
    %swap3A_586 = vector.shape_cast %get3A_580 : vector<16xi32> to vector<1x16xi32>
    tpu.vector_store %arg5[%swap3A_582, %swap3A_583], %swap3A_586 {strides = array<i32>} : memref<32x128xi32, #tpu.memory_space<vmem>>, vector<1x16xi32>,
    %get3A_587 = arith.constant 0 : i32
    %get3A_588 = arith.index_cast %get3A_587 : i32 to index
    %get3A_589 = arith.constant 496 : index
    %get3A_590 = tpu.vector_load %arg4[%get3A_588, %get3A_589] {strides = array<i32>} : memref<4x1024xi32, #tpu.memory_space<vmem>>, vector<1x16xi32>,
    %get3A_591 = vector.shape_cast %get3A_590 : vector<1x16xi32> to vector<16xi32>
    %swap3A_592 = arith.constant 3 : i32
    %swap3A_593 = arith.index_cast %swap3A_592 : i32 to index
    %swap3A_594 = arith.constant 112 : index
    %swap3A_595 = tpu.vector_load %arg5[%swap3A_593, %swap3A_594] {strides = array<i32>} : memref<32x128xi32, #tpu.memory_space<vmem>>, vector<1x16xi32>,
    %swap3A_596 = vector.shape_cast %swap3A_595 : vector<1x16xi32> to vector<16xi32>
    %swap3A_597 = vector.shape_cast %get3A_591 : vector<16xi32> to vector<1x16xi32>
    tpu.vector_store %arg5[%swap3A_593, %swap3A_594], %swap3A_597 {strides = array<i32>} : memref<32x128xi32, #tpu.memory_space<vmem>>, vector<1x16xi32>,
    %get3A_598 = arith.constant 0 : i32
    %get3A_599 = arith.index_cast %get3A_598 : i32 to index
    %get3A_600 = arith.constant 512 : index
    %get3A_601 = tpu.vector_load %arg4[%get3A_599, %get3A_600] {strides = array<i32>} : memref<4x1024xi32, #tpu.memory_space<vmem>>, vector<1x16xi32>,
    %get3A_602 = vector.shape_cast %get3A_601 : vector<1x16xi32> to vector<16xi32>
    %swap3A_603 = arith.constant 4 : i32
    %swap3A_604 = arith.index_cast %swap3A_603 : i32 to index
    %swap3A_605 = arith.constant 0 : index
    %swap3A_606 = tpu.vector_load %arg5[%swap3A_604, %swap3A_605] {strides = array<i32>} : memref<32x128xi32, #tpu.memory_space<vmem>>, vector<1x16xi32>,
    %swap3A_607 = vector.shape_cast %swap3A_606 : vector<1x16xi32> to vector<16xi32>
    %swap3A_608 = vector.shape_cast %get3A_602 : vector<16xi32> to vector<1x16xi32>
    tpu.vector_store %arg5[%swap3A_604, %swap3A_605], %swap3A_608 {strides = array<i32>} : memref<32x128xi32, #tpu.memory_space<vmem>>, vector<1x16xi32>,
    %get3A_609 = arith.constant 0 : i32
    %get3A_610 = arith.index_cast %get3A_609 : i32 to index
    %get3A_611 = arith.constant 528 : index
    %get3A_612 = tpu.vector_load %arg4[%get3A_610, %get3A_611] {strides = array<i32>} : memref<4x1024xi32, #tpu.memory_space<vmem>>, vector<1x16xi32>,
    %get3A_613 = vector.shape_cast %get3A_612 : vector<1x16xi32> to vector<16xi32>
    %swap3A_614 = arith.constant 4 : i32
    %swap3A_615 = arith.index_cast %swap3A_614 : i32 to index
    %swap3A_616 = arith.constant 16 : index
    %swap3A_617 = tpu.vector_load %arg5[%swap3A_615, %swap3A_616] {strides = array<i32>} : memref<32x128xi32, #tpu.memory_space<vmem>>, vector<1x16xi32>,
    %swap3A_618 = vector.shape_cast %swap3A_617 : vector<1x16xi32> to vector<16xi32>
    %swap3A_619 = vector.shape_cast %get3A_613 : vector<16xi32> to vector<1x16xi32>
    tpu.vector_store %arg5[%swap3A_615, %swap3A_616], %swap3A_619 {strides = array<i32>} : memref<32x128xi32, #tpu.memory_space<vmem>>, vector<1x16xi32>,
    %get3A_620 = arith.constant 0 : i32
    %get3A_621 = arith.index_cast %get3A_620 : i32 to index
    %get3A_622 = arith.constant 544 : index
    %get3A_623 = tpu.vector_load %arg4[%get3A_621, %get3A_622] {strides = array<i32>} : memref<4x1024xi32, #tpu.memory_space<vmem>>, vector<1x16xi32>,
    %get3A_624 = vector.shape_cast %get3A_623 : vector<1x16xi32> to vector<16xi32>
    %swap3A_625 = arith.constant 4 : i32
    %swap3A_626 = arith.index_cast %swap3A_625 : i32 to index
    %swap3A_627 = arith.constant 32 : index
    %swap3A_628 = tpu.vector_load %arg5[%swap3A_626, %swap3A_627] {strides = array<i32>} : memref<32x128xi32, #tpu.memory_space<vmem>>, vector<1x16xi32>,
    %swap3A_629 = vector.shape_cast %swap3A_628 : vector<1x16xi32> to vector<16xi32>
    %swap3A_630 = vector.shape_cast %get3A_624 : vector<16xi32> to vector<1x16xi32>
    tpu.vector_store %arg5[%swap3A_626, %swap3A_627], %swap3A_630 {strides = array<i32>} : memref<32x128xi32, #tpu.memory_space<vmem>>, vector<1x16xi32>,
    %get3A_631 = arith.constant 0 : i32
    %get3A_632 = arith.index_cast %get3A_631 : i32 to index
    %get3A_633 = arith.constant 560 : index
    %get3A_634 = tpu.vector_load %arg4[%get3A_632, %get3A_633] {strides = array<i32>} : memref<4x1024xi32, #tpu.memory_space<vmem>>, vector<1x16xi32>,
    %get3A_635 = vector.shape_cast %get3A_634 : vector<1x16xi32> to vector<16xi32>
    %swap3A_636 = arith.constant 4 : i32
    %swap3A_637 = arith.index_cast %swap3A_636 : i32 to index
    %swap3A_638 = arith.constant 48 : index
    %swap3A_639 = tpu.vector_load %arg5[%swap3A_637, %swap3A_638] {strides = array<i32>} : memref<32x128xi32, #tpu.memory_space<vmem>>, vector<1x16xi32>,
    %swap3A_640 = vector.shape_cast %swap3A_639 : vector<1x16xi32> to vector<16xi32>
    %swap3A_641 = vector.shape_cast %get3A_635 : vector<16xi32> to vector<1x16xi32>
    tpu.vector_store %arg5[%swap3A_637, %swap3A_638], %swap3A_641 {strides = array<i32>} : memref<32x128xi32, #tpu.memory_space<vmem>>, vector<1x16xi32>,
    %get3A_642 = arith.constant 0 : i32
    %get3A_643 = arith.index_cast %get3A_642 : i32 to index
    %get3A_644 = arith.constant 576 : index
    %get3A_645 = tpu.vector_load %arg4[%get3A_643, %get3A_644] {strides = array<i32>} : memref<4x1024xi32, #tpu.memory_space<vmem>>, vector<1x16xi32>,
    %get3A_646 = vector.shape_cast %get3A_645 : vector<1x16xi32> to vector<16xi32>
    %swap3A_647 = arith.constant 4 : i32
    %swap3A_648 = arith.index_cast %swap3A_647 : i32 to index
    %swap3A_649 = arith.constant 64 : index
    %swap3A_650 = tpu.vector_load %arg5[%swap3A_648, %swap3A_649] {strides = array<i32>} : memref<32x128xi32, #tpu.memory_space<vmem>>, vector<1x16xi32>,
    %swap3A_651 = vector.shape_cast %swap3A_650 : vector<1x16xi32> to vector<16xi32>
    %swap3A_652 = vector.shape_cast %get3A_646 : vector<16xi32> to vector<1x16xi32>
    tpu.vector_store %arg5[%swap3A_648, %swap3A_649], %swap3A_652 {strides = array<i32>} : memref<32x128xi32, #tpu.memory_space<vmem>>, vector<1x16xi32>,
    %get3A_653 = arith.constant 0 : i32
    %get3A_654 = arith.index_cast %get3A_653 : i32 to index
    %get3A_655 = arith.constant 592 : index
    %get3A_656 = tpu.vector_load %arg4[%get3A_654, %get3A_655] {strides = array<i32>} : memref<4x1024xi32, #tpu.memory_space<vmem>>, vector<1x16xi32>,
    %get3A_657 = vector.shape_cast %get3A_656 : vector<1x16xi32> to vector<16xi32>
    %swap3A_658 = arith.constant 4 : i32
    %swap3A_659 = arith.index_cast %swap3A_658 : i32 to index
    %swap3A_660 = arith.constant 80 : index
    %swap3A_661 = tpu.vector_load %arg5[%swap3A_659, %swap3A_660] {strides = array<i32>} : memref<32x128xi32, #tpu.memory_space<vmem>>, vector<1x16xi32>,
    %swap3A_662 = vector.shape_cast %swap3A_661 : vector<1x16xi32> to vector<16xi32>
    %swap3A_663 = vector.shape_cast %get3A_657 : vector<16xi32> to vector<1x16xi32>
    tpu.vector_store %arg5[%swap3A_659, %swap3A_660], %swap3A_663 {strides = array<i32>} : memref<32x128xi32, #tpu.memory_space<vmem>>, vector<1x16xi32>,
    %get3A_664 = arith.constant 0 : i32
    %get3A_665 = arith.index_cast %get3A_664 : i32 to index
    %get3A_666 = arith.constant 608 : index
    %get3A_667 = tpu.vector_load %arg4[%get3A_665, %get3A_666] {strides = array<i32>} : memref<4x1024xi32, #tpu.memory_space<vmem>>, vector<1x16xi32>,
    %get3A_668 = vector.shape_cast %get3A_667 : vector<1x16xi32> to vector<16xi32>
    %swap3A_669 = arith.constant 4 : i32
    %swap3A_670 = arith.index_cast %swap3A_669 : i32 to index
    %swap3A_671 = arith.constant 96 : index
    %swap3A_672 = tpu.vector_load %arg5[%swap3A_670, %swap3A_671] {strides = array<i32>} : memref<32x128xi32, #tpu.memory_space<vmem>>, vector<1x16xi32>,
    %swap3A_673 = vector.shape_cast %swap3A_672 : vector<1x16xi32> to vector<16xi32>
    %swap3A_674 = vector.shape_cast %get3A_668 : vector<16xi32> to vector<1x16xi32>
    tpu.vector_store %arg5[%swap3A_670, %swap3A_671], %swap3A_674 {strides = array<i32>} : memref<32x128xi32, #tpu.memory_space<vmem>>, vector<1x16xi32>,
    %get3A_675 = arith.constant 0 : i32
    %get3A_676 = arith.index_cast %get3A_675 : i32 to index
    %get3A_677 = arith.constant 624 : index
    %get3A_678 = tpu.vector_load %arg4[%get3A_676, %get3A_677] {strides = array<i32>} : memref<4x1024xi32, #tpu.memory_space<vmem>>, vector<1x16xi32>,
    %get3A_679 = vector.shape_cast %get3A_678 : vector<1x16xi32> to vector<16xi32>
    %swap3A_680 = arith.constant 4 : i32
    %swap3A_681 = arith.index_cast %swap3A_680 : i32 to index
    %swap3A_682 = arith.constant 112 : index
    %swap3A_683 = tpu.vector_load %arg5[%swap3A_681, %swap3A_682] {strides = array<i32>} : memref<32x128xi32, #tpu.memory_space<vmem>>, vector<1x16xi32>,
    %swap3A_684 = vector.shape_cast %swap3A_683 : vector<1x16xi32> to vector<16xi32>
    %swap3A_685 = vector.shape_cast %get3A_679 : vector<16xi32> to vector<1x16xi32>
    tpu.vector_store %arg5[%swap3A_681, %swap3A_682], %swap3A_685 {strides = array<i32>} : memref<32x128xi32, #tpu.memory_space<vmem>>, vector<1x16xi32>,
    %get3A_686 = arith.constant 0 : i32
    %get3A_687 = arith.index_cast %get3A_686 : i32 to index
    %get3A_688 = arith.constant 640 : index
    %get3A_689 = tpu.vector_load %arg4[%get3A_687, %get3A_688] {strides = array<i32>} : memref<4x1024xi32, #tpu.memory_space<vmem>>, vector<1x16xi32>,
    %get3A_690 = vector.shape_cast %get3A_689 : vector<1x16xi32> to vector<16xi32>
    %swap3A_691 = arith.constant 5 : i32
    %swap3A_692 = arith.index_cast %swap3A_691 : i32 to index
    %swap3A_693 = arith.constant 0 : index
    %swap3A_694 = tpu.vector_load %arg5[%swap3A_692, %swap3A_693] {strides = array<i32>} : memref<32x128xi32, #tpu.memory_space<vmem>>, vector<1x16xi32>,
    %swap3A_695 = vector.shape_cast %swap3A_694 : vector<1x16xi32> to vector<16xi32>
    %swap3A_696 = vector.shape_cast %get3A_690 : vector<16xi32> to vector<1x16xi32>
    tpu.vector_store %arg5[%swap3A_692, %swap3A_693], %swap3A_696 {strides = array<i32>} : memref<32x128xi32, #tpu.memory_space<vmem>>, vector<1x16xi32>,
    %get3A_697 = arith.constant 0 : i32
    %get3A_698 = arith.index_cast %get3A_697 : i32 to index
    %get3A_699 = arith.constant 656 : index
    %get3A_700 = tpu.vector_load %arg4[%get3A_698, %get3A_699] {strides = array<i32>} : memref<4x1024xi32, #tpu.memory_space<vmem>>, vector<1x16xi32>,
    %get3A_701 = vector.shape_cast %get3A_700 : vector<1x16xi32> to vector<16xi32>
    %swap3A_702 = arith.constant 5 : i32
    %swap3A_703 = arith.index_cast %swap3A_702 : i32 to index
    %swap3A_704 = arith.constant 16 : index
    %swap3A_705 = tpu.vector_load %arg5[%swap3A_703, %swap3A_704] {strides = array<i32>} : memref<32x128xi32, #tpu.memory_space<vmem>>, vector<1x16xi32>,
    %swap3A_706 = vector.shape_cast %swap3A_705 : vector<1x16xi32> to vector<16xi32>
    %swap3A_707 = vector.shape_cast %get3A_701 : vector<16xi32> to vector<1x16xi32>
    tpu.vector_store %arg5[%swap3A_703, %swap3A_704], %swap3A_707 {strides = array<i32>} : memref<32x128xi32, #tpu.memory_space<vmem>>, vector<1x16xi32>,
    %get3A_708 = arith.constant 0 : i32
    %get3A_709 = arith.index_cast %get3A_708 : i32 to index
    %get3A_710 = arith.constant 672 : index
    %get3A_711 = tpu.vector_load %arg4[%get3A_709, %get3A_710] {strides = array<i32>} : memref<4x1024xi32, #tpu.memory_space<vmem>>, vector<1x16xi32>,
    %get3A_712 = vector.shape_cast %get3A_711 : vector<1x16xi32> to vector<16xi32>
    %swap3A_713 = arith.constant 5 : i32
    %swap3A_714 = arith.index_cast %swap3A_713 : i32 to index
    %swap3A_715 = arith.constant 32 : index
    %swap3A_716 = tpu.vector_load %arg5[%swap3A_714, %swap3A_715] {strides = array<i32>} : memref<32x128xi32, #tpu.memory_space<vmem>>, vector<1x16xi32>,
    %swap3A_717 = vector.shape_cast %swap3A_716 : vector<1x16xi32> to vector<16xi32>
    %swap3A_718 = vector.shape_cast %get3A_712 : vector<16xi32> to vector<1x16xi32>
    tpu.vector_store %arg5[%swap3A_714, %swap3A_715], %swap3A_718 {strides = array<i32>} : memref<32x128xi32, #tpu.memory_space<vmem>>, vector<1x16xi32>,
    %get3A_719 = arith.constant 0 : i32
    %get3A_720 = arith.index_cast %get3A_719 : i32 to index
    %get3A_721 = arith.constant 688 : index
    %get3A_722 = tpu.vector_load %arg4[%get3A_720, %get3A_721] {strides = array<i32>} : memref<4x1024xi32, #tpu.memory_space<vmem>>, vector<1x16xi32>,
    %get3A_723 = vector.shape_cast %get3A_722 : vector<1x16xi32> to vector<16xi32>
    %swap3A_724 = arith.constant 5 : i32
    %swap3A_725 = arith.index_cast %swap3A_724 : i32 to index
    %swap3A_726 = arith.constant 48 : index
    %swap3A_727 = tpu.vector_load %arg5[%swap3A_725, %swap3A_726] {strides = array<i32>} : memref<32x128xi32, #tpu.memory_space<vmem>>, vector<1x16xi32>,
    %swap3A_728 = vector.shape_cast %swap3A_727 : vector<1x16xi32> to vector<16xi32>
    %swap3A_729 = vector.shape_cast %get3A_723 : vector<16xi32> to vector<1x16xi32>
    tpu.vector_store %arg5[%swap3A_725, %swap3A_726], %swap3A_729 {strides = array<i32>} : memref<32x128xi32, #tpu.memory_space<vmem>>, vector<1x16xi32>,
    %get3A_730 = arith.constant 0 : i32
    %get3A_731 = arith.index_cast %get3A_730 : i32 to index
    %get3A_732 = arith.constant 704 : index
    %get3A_733 = tpu.vector_load %arg4[%get3A_731, %get3A_732] {strides = array<i32>} : memref<4x1024xi32, #tpu.memory_space<vmem>>, vector<1x16xi32>,
    %get3A_734 = vector.shape_cast %get3A_733 : vector<1x16xi32> to vector<16xi32>
    %swap3A_735 = arith.constant 5 : i32
    %swap3A_736 = arith.index_cast %swap3A_735 : i32 to index
    %swap3A_737 = arith.constant 64 : index
    %swap3A_738 = tpu.vector_load %arg5[%swap3A_736, %swap3A_737] {strides = array<i32>} : memref<32x128xi32, #tpu.memory_space<vmem>>, vector<1x16xi32>,
    %swap3A_739 = vector.shape_cast %swap3A_738 : vector<1x16xi32> to vector<16xi32>
    %swap3A_740 = vector.shape_cast %get3A_734 : vector<16xi32> to vector<1x16xi32>
    tpu.vector_store %arg5[%swap3A_736, %swap3A_737], %swap3A_740 {strides = array<i32>} : memref<32x128xi32, #tpu.memory_space<vmem>>, vector<1x16xi32>,
    %get3A_741 = arith.constant 0 : i32
    %get3A_742 = arith.index_cast %get3A_741 : i32 to index
    %get3A_743 = arith.constant 720 : index
    %get3A_744 = tpu.vector_load %arg4[%get3A_742, %get3A_743] {strides = array<i32>} : memref<4x1024xi32, #tpu.memory_space<vmem>>, vector<1x16xi32>,
    %get3A_745 = vector.shape_cast %get3A_744 : vector<1x16xi32> to vector<16xi32>
    %swap3A_746 = arith.constant 5 : i32
    %swap3A_747 = arith.index_cast %swap3A_746 : i32 to index
    %swap3A_748 = arith.constant 80 : index
    %swap3A_749 = tpu.vector_load %arg5[%swap3A_747, %swap3A_748] {strides = array<i32>} : memref<32x128xi32, #tpu.memory_space<vmem>>, vector<1x16xi32>,
    %swap3A_750 = vector.shape_cast %swap3A_749 : vector<1x16xi32> to vector<16xi32>
    %swap3A_751 = vector.shape_cast %get3A_745 : vector<16xi32> to vector<1x16xi32>
    tpu.vector_store %arg5[%swap3A_747, %swap3A_748], %swap3A_751 {strides = array<i32>} : memref<32x128xi32, #tpu.memory_space<vmem>>, vector<1x16xi32>,
    %get3A_752 = arith.constant 0 : i32
    %get3A_753 = arith.index_cast %get3A_752 : i32 to index
    %get3A_754 = arith.constant 736 : index
    %get3A_755 = tpu.vector_load %arg4[%get3A_753, %get3A_754] {strides = array<i32>} : memref<4x1024xi32, #tpu.memory_space<vmem>>, vector<1x16xi32>,
    %get3A_756 = vector.shape_cast %get3A_755 : vector<1x16xi32> to vector<16xi32>
    %swap3A_757 = arith.constant 5 : i32
    %swap3A_758 = arith.index_cast %swap3A_757 : i32 to index
    %swap3A_759 = arith.constant 96 : index
    %swap3A_760 = tpu.vector_load %arg5[%swap3A_758, %swap3A_759] {strides = array<i32>} : memref<32x128xi32, #tpu.memory_space<vmem>>, vector<1x16xi32>,
    %swap3A_761 = vector.shape_cast %swap3A_760 : vector<1x16xi32> to vector<16xi32>
    %swap3A_762 = vector.shape_cast %get3A_756 : vector<16xi32> to vector<1x16xi32>
    tpu.vector_store %arg5[%swap3A_758, %swap3A_759], %swap3A_762 {strides = array<i32>} : memref<32x128xi32, #tpu.memory_space<vmem>>, vector<1x16xi32>,
    %get3A_763 = arith.constant 0 : i32
    %get3A_764 = arith.index_cast %get3A_763 : i32 to index
    %get3A_765 = arith.constant 752 : index
    %get3A_766 = tpu.vector_load %arg4[%get3A_764, %get3A_765] {strides = array<i32>} : memref<4x1024xi32, #tpu.memory_space<vmem>>, vector<1x16xi32>,
    %get3A_767 = vector.shape_cast %get3A_766 : vector<1x16xi32> to vector<16xi32>
    %swap3A_768 = arith.constant 5 : i32
    %swap3A_769 = arith.index_cast %swap3A_768 : i32 to index
    %swap3A_770 = arith.constant 112 : index
    %swap3A_771 = tpu.vector_load %arg5[%swap3A_769, %swap3A_770] {strides = array<i32>} : memref<32x128xi32, #tpu.memory_space<vmem>>, vector<1x16xi32>,
    %swap3A_772 = vector.shape_cast %swap3A_771 : vector<1x16xi32> to vector<16xi32>
    %swap3A_773 = vector.shape_cast %get3A_767 : vector<16xi32> to vector<1x16xi32>
    tpu.vector_store %arg5[%swap3A_769, %swap3A_770], %swap3A_773 {strides = array<i32>} : memref<32x128xi32, #tpu.memory_space<vmem>>, vector<1x16xi32>,
    %get3A_774 = arith.constant 0 : i32
    %get3A_775 = arith.index_cast %get3A_774 : i32 to index
    %get3A_776 = arith.constant 768 : index
    %get3A_777 = tpu.vector_load %arg4[%get3A_775, %get3A_776] {strides = array<i32>} : memref<4x1024xi32, #tpu.memory_space<vmem>>, vector<1x16xi32>,
    %get3A_778 = vector.shape_cast %get3A_777 : vector<1x16xi32> to vector<16xi32>
    %swap3A_779 = arith.constant 6 : i32
    %swap3A_780 = arith.index_cast %swap3A_779 : i32 to index
    %swap3A_781 = arith.constant 0 : index
    %swap3A_782 = tpu.vector_load %arg5[%swap3A_780, %swap3A_781] {strides = array<i32>} : memref<32x128xi32, #tpu.memory_space<vmem>>, vector<1x16xi32>,
    %swap3A_783 = vector.shape_cast %swap3A_782 : vector<1x16xi32> to vector<16xi32>
    %swap3A_784 = vector.shape_cast %get3A_778 : vector<16xi32> to vector<1x16xi32>
    tpu.vector_store %arg5[%swap3A_780, %swap3A_781], %swap3A_784 {strides = array<i32>} : memref<32x128xi32, #tpu.memory_space<vmem>>, vector<1x16xi32>,
    %get3A_785 = arith.constant 0 : i32
    %get3A_786 = arith.index_cast %get3A_785 : i32 to index
    %get3A_787 = arith.constant 784 : index
    %get3A_788 = tpu.vector_load %arg4[%get3A_786, %get3A_787] {strides = array<i32>} : memref<4x1024xi32, #tpu.memory_space<vmem>>, vector<1x16xi32>,
    %get3A_789 = vector.shape_cast %get3A_788 : vector<1x16xi32> to vector<16xi32>
    %swap3A_790 = arith.constant 6 : i32
    %swap3A_791 = arith.index_cast %swap3A_790 : i32 to index
    %swap3A_792 = arith.constant 16 : index
    %swap3A_793 = tpu.vector_load %arg5[%swap3A_791, %swap3A_792] {strides = array<i32>} : memref<32x128xi32, #tpu.memory_space<vmem>>, vector<1x16xi32>,
    %swap3A_794 = vector.shape_cast %swap3A_793 : vector<1x16xi32> to vector<16xi32>
    %swap3A_795 = vector.shape_cast %get3A_789 : vector<16xi32> to vector<1x16xi32>
    tpu.vector_store %arg5[%swap3A_791, %swap3A_792], %swap3A_795 {strides = array<i32>} : memref<32x128xi32, #tpu.memory_space<vmem>>, vector<1x16xi32>,
    %get3A_796 = arith.constant 0 : i32
    %get3A_797 = arith.index_cast %get3A_796 : i32 to index
    %get3A_798 = arith.constant 800 : index
    %get3A_799 = tpu.vector_load %arg4[%get3A_797, %get3A_798] {strides = array<i32>} : memref<4x1024xi32, #tpu.memory_space<vmem>>, vector<1x16xi32>,
    %get3A_800 = vector.shape_cast %get3A_799 : vector<1x16xi32> to vector<16xi32>
    %swap3A_801 = arith.constant 6 : i32
    %swap3A_802 = arith.index_cast %swap3A_801 : i32 to index
    %swap3A_803 = arith.constant 32 : index
    %swap3A_804 = tpu.vector_load %arg5[%swap3A_802, %swap3A_803] {strides = array<i32>} : memref<32x128xi32, #tpu.memory_space<vmem>>, vector<1x16xi32>,
    %swap3A_805 = vector.shape_cast %swap3A_804 : vector<1x16xi32> to vector<16xi32>
    %swap3A_806 = vector.shape_cast %get3A_800 : vector<16xi32> to vector<1x16xi32>
    tpu.vector_store %arg5[%swap3A_802, %swap3A_803], %swap3A_806 {strides = array<i32>} : memref<32x128xi32, #tpu.memory_space<vmem>>, vector<1x16xi32>,
    %get3A_807 = arith.constant 0 : i32
    %get3A_808 = arith.index_cast %get3A_807 : i32 to index
    %get3A_809 = arith.constant 816 : index
    %get3A_810 = tpu.vector_load %arg4[%get3A_808, %get3A_809] {strides = array<i32>} : memref<4x1024xi32, #tpu.memory_space<vmem>>, vector<1x16xi32>,
    %get3A_811 = vector.shape_cast %get3A_810 : vector<1x16xi32> to vector<16xi32>
    %swap3A_812 = arith.constant 6 : i32
    %swap3A_813 = arith.index_cast %swap3A_812 : i32 to index
    %swap3A_814 = arith.constant 48 : index
    %swap3A_815 = tpu.vector_load %arg5[%swap3A_813, %swap3A_814] {strides = array<i32>} : memref<32x128xi32, #tpu.memory_space<vmem>>, vector<1x16xi32>,
    %swap3A_816 = vector.shape_cast %swap3A_815 : vector<1x16xi32> to vector<16xi32>
    %swap3A_817 = vector.shape_cast %get3A_811 : vector<16xi32> to vector<1x16xi32>
    tpu.vector_store %arg5[%swap3A_813, %swap3A_814], %swap3A_817 {strides = array<i32>} : memref<32x128xi32, #tpu.memory_space<vmem>>, vector<1x16xi32>,
    %get3A_818 = arith.constant 0 : i32
    %get3A_819 = arith.index_cast %get3A_818 : i32 to index
    %get3A_820 = arith.constant 832 : index
    %get3A_821 = tpu.vector_load %arg4[%get3A_819, %get3A_820] {strides = array<i32>} : memref<4x1024xi32, #tpu.memory_space<vmem>>, vector<1x16xi32>,
    %get3A_822 = vector.shape_cast %get3A_821 : vector<1x16xi32> to vector<16xi32>
    %swap3A_823 = arith.constant 6 : i32
    %swap3A_824 = arith.index_cast %swap3A_823 : i32 to index
    %swap3A_825 = arith.constant 64 : index
    %swap3A_826 = tpu.vector_load %arg5[%swap3A_824, %swap3A_825] {strides = array<i32>} : memref<32x128xi32, #tpu.memory_space<vmem>>, vector<1x16xi32>,
    %swap3A_827 = vector.shape_cast %swap3A_826 : vector<1x16xi32> to vector<16xi32>
    %swap3A_828 = vector.shape_cast %get3A_822 : vector<16xi32> to vector<1x16xi32>
    tpu.vector_store %arg5[%swap3A_824, %swap3A_825], %swap3A_828 {strides = array<i32>} : memref<32x128xi32, #tpu.memory_space<vmem>>, vector<1x16xi32>,
    %get3A_829 = arith.constant 0 : i32
    %get3A_830 = arith.index_cast %get3A_829 : i32 to index
    %get3A_831 = arith.constant 848 : index
    %get3A_832 = tpu.vector_load %arg4[%get3A_830, %get3A_831] {strides = array<i32>} : memref<4x1024xi32, #tpu.memory_space<vmem>>, vector<1x16xi32>,
    %get3A_833 = vector.shape_cast %get3A_832 : vector<1x16xi32> to vector<16xi32>
    %swap3A_834 = arith.constant 6 : i32
    %swap3A_835 = arith.index_cast %swap3A_834 : i32 to index
    %swap3A_836 = arith.constant 80 : index
    %swap3A_837 = tpu.vector_load %arg5[%swap3A_835, %swap3A_836] {strides = array<i32>} : memref<32x128xi32, #tpu.memory_space<vmem>>, vector<1x16xi32>,
    %swap3A_838 = vector.shape_cast %swap3A_837 : vector<1x16xi32> to vector<16xi32>
    %swap3A_839 = vector.shape_cast %get3A_833 : vector<16xi32> to vector<1x16xi32>
    tpu.vector_store %arg5[%swap3A_835, %swap3A_836], %swap3A_839 {strides = array<i32>} : memref<32x128xi32, #tpu.memory_space<vmem>>, vector<1x16xi32>,
    %get3A_840 = arith.constant 0 : i32
    %get3A_841 = arith.index_cast %get3A_840 : i32 to index
    %get3A_842 = arith.constant 864 : index
    %get3A_843 = tpu.vector_load %arg4[%get3A_841, %get3A_842] {strides = array<i32>} : memref<4x1024xi32, #tpu.memory_space<vmem>>, vector<1x16xi32>,
    %get3A_844 = vector.shape_cast %get3A_843 : vector<1x16xi32> to vector<16xi32>
    %swap3A_845 = arith.constant 6 : i32
    %swap3A_846 = arith.index_cast %swap3A_845 : i32 to index
    %swap3A_847 = arith.constant 96 : index
    %swap3A_848 = tpu.vector_load %arg5[%swap3A_846, %swap3A_847] {strides = array<i32>} : memref<32x128xi32, #tpu.memory_space<vmem>>, vector<1x16xi32>,
    %swap3A_849 = vector.shape_cast %swap3A_848 : vector<1x16xi32> to vector<16xi32>
    %swap3A_850 = vector.shape_cast %get3A_844 : vector<16xi32> to vector<1x16xi32>
    tpu.vector_store %arg5[%swap3A_846, %swap3A_847], %swap3A_850 {strides = array<i32>} : memref<32x128xi32, #tpu.memory_space<vmem>>, vector<1x16xi32>,
    %get3A_851 = arith.constant 0 : i32
    %get3A_852 = arith.index_cast %get3A_851 : i32 to index
    %get3A_853 = arith.constant 880 : index
    %get3A_854 = tpu.vector_load %arg4[%get3A_852, %get3A_853] {strides = array<i32>} : memref<4x1024xi32, #tpu.memory_space<vmem>>, vector<1x16xi32>,
    %get3A_855 = vector.shape_cast %get3A_854 : vector<1x16xi32> to vector<16xi32>
    %swap3A_856 = arith.constant 6 : i32
    %swap3A_857 = arith.index_cast %swap3A_856 : i32 to index
    %swap3A_858 = arith.constant 112 : index
    %swap3A_859 = tpu.vector_load %arg5[%swap3A_857, %swap3A_858] {strides = array<i32>} : memref<32x128xi32, #tpu.memory_space<vmem>>, vector<1x16xi32>,
    %swap3A_860 = vector.shape_cast %swap3A_859 : vector<1x16xi32> to vector<16xi32>
    %swap3A_861 = vector.shape_cast %get3A_855 : vector<16xi32> to vector<1x16xi32>
    tpu.vector_store %arg5[%swap3A_857, %swap3A_858], %swap3A_861 {strides = array<i32>} : memref<32x128xi32, #tpu.memory_space<vmem>>, vector<1x16xi32>,
    %get3A_862 = arith.constant 0 : i32
    %get3A_863 = arith.index_cast %get3A_862 : i32 to index
    %get3A_864 = arith.constant 896 : index
    %get3A_865 = tpu.vector_load %arg4[%get3A_863, %get3A_864] {strides = array<i32>} : memref<4x1024xi32, #tpu.memory_space<vmem>>, vector<1x16xi32>,
    %get3A_866 = vector.shape_cast %get3A_865 : vector<1x16xi32> to vector<16xi32>
    %swap3A_867 = arith.constant 7 : i32
    %swap3A_868 = arith.index_cast %swap3A_867 : i32 to index
    %swap3A_869 = arith.constant 0 : index
    %swap3A_870 = tpu.vector_load %arg5[%swap3A_868, %swap3A_869] {strides = array<i32>} : memref<32x128xi32, #tpu.memory_space<vmem>>, vector<1x16xi32>,
    %swap3A_871 = vector.shape_cast %swap3A_870 : vector<1x16xi32> to vector<16xi32>
    %swap3A_872 = vector.shape_cast %get3A_866 : vector<16xi32> to vector<1x16xi32>
    tpu.vector_store %arg5[%swap3A_868, %swap3A_869], %swap3A_872 {strides = array<i32>} : memref<32x128xi32, #tpu.memory_space<vmem>>, vector<1x16xi32>,
    %get3A_873 = arith.constant 0 : i32
    %get3A_874 = arith.index_cast %get3A_873 : i32 to index
    %get3A_875 = arith.constant 912 : index
    %get3A_876 = tpu.vector_load %arg4[%get3A_874, %get3A_875] {strides = array<i32>} : memref<4x1024xi32, #tpu.memory_space<vmem>>, vector<1x16xi32>,
    %get3A_877 = vector.shape_cast %get3A_876 : vector<1x16xi32> to vector<16xi32>
    %swap3A_878 = arith.constant 7 : i32
    %swap3A_879 = arith.index_cast %swap3A_878 : i32 to index
    %swap3A_880 = arith.constant 16 : index
    %swap3A_881 = tpu.vector_load %arg5[%swap3A_879, %swap3A_880] {strides = array<i32>} : memref<32x128xi32, #tpu.memory_space<vmem>>, vector<1x16xi32>,
    %swap3A_882 = vector.shape_cast %swap3A_881 : vector<1x16xi32> to vector<16xi32>
    %swap3A_883 = vector.shape_cast %get3A_877 : vector<16xi32> to vector<1x16xi32>
    tpu.vector_store %arg5[%swap3A_879, %swap3A_880], %swap3A_883 {strides = array<i32>} : memref<32x128xi32, #tpu.memory_space<vmem>>, vector<1x16xi32>,
    %get3A_884 = arith.constant 0 : i32
    %get3A_885 = arith.index_cast %get3A_884 : i32 to index
    %get3A_886 = arith.constant 928 : index
    %get3A_887 = tpu.vector_load %arg4[%get3A_885, %get3A_886] {strides = array<i32>} : memref<4x1024xi32, #tpu.memory_space<vmem>>, vector<1x16xi32>,
    %get3A_888 = vector.shape_cast %get3A_887 : vector<1x16xi32> to vector<16xi32>
    %swap3A_889 = arith.constant 7 : i32
    %swap3A_890 = arith.index_cast %swap3A_889 : i32 to index
    %swap3A_891 = arith.constant 32 : index
    %swap3A_892 = tpu.vector_load %arg5[%swap3A_890, %swap3A_891] {strides = array<i32>} : memref<32x128xi32, #tpu.memory_space<vmem>>, vector<1x16xi32>,
    %swap3A_893 = vector.shape_cast %swap3A_892 : vector<1x16xi32> to vector<16xi32>
    %swap3A_894 = vector.shape_cast %get3A_888 : vector<16xi32> to vector<1x16xi32>
    tpu.vector_store %arg5[%swap3A_890, %swap3A_891], %swap3A_894 {strides = array<i32>} : memref<32x128xi32, #tpu.memory_space<vmem>>, vector<1x16xi32>,
    %get3A_895 = arith.constant 0 : i32
    %get3A_896 = arith.index_cast %get3A_895 : i32 to index
    %get3A_897 = arith.constant 944 : index
    %get3A_898 = tpu.vector_load %arg4[%get3A_896, %get3A_897] {strides = array<i32>} : memref<4x1024xi32, #tpu.memory_space<vmem>>, vector<1x16xi32>,
    %get3A_899 = vector.shape_cast %get3A_898 : vector<1x16xi32> to vector<16xi32>
    %swap3A_900 = arith.constant 7 : i32
    %swap3A_901 = arith.index_cast %swap3A_900 : i32 to index
    %swap3A_902 = arith.constant 48 : index
    %swap3A_903 = tpu.vector_load %arg5[%swap3A_901, %swap3A_902] {strides = array<i32>} : memref<32x128xi32, #tpu.memory_space<vmem>>, vector<1x16xi32>,
    %swap3A_904 = vector.shape_cast %swap3A_903 : vector<1x16xi32> to vector<16xi32>
    %swap3A_905 = vector.shape_cast %get3A_899 : vector<16xi32> to vector<1x16xi32>
    tpu.vector_store %arg5[%swap3A_901, %swap3A_902], %swap3A_905 {strides = array<i32>} : memref<32x128xi32, #tpu.memory_space<vmem>>, vector<1x16xi32>,
    %get3A_906 = arith.constant 0 : i32
    %get3A_907 = arith.index_cast %get3A_906 : i32 to index
    %get3A_908 = arith.constant 960 : index
    %get3A_909 = tpu.vector_load %arg4[%get3A_907, %get3A_908] {strides = array<i32>} : memref<4x1024xi32, #tpu.memory_space<vmem>>, vector<1x16xi32>,
    %get3A_910 = vector.shape_cast %get3A_909 : vector<1x16xi32> to vector<16xi32>
    %swap3A_911 = arith.constant 7 : i32
    %swap3A_912 = arith.index_cast %swap3A_911 : i32 to index
    %swap3A_913 = arith.constant 64 : index
    %swap3A_914 = tpu.vector_load %arg5[%swap3A_912, %swap3A_913] {strides = array<i32>} : memref<32x128xi32, #tpu.memory_space<vmem>>, vector<1x16xi32>,
    %swap3A_915 = vector.shape_cast %swap3A_914 : vector<1x16xi32> to vector<16xi32>
    %swap3A_916 = vector.shape_cast %get3A_910 : vector<16xi32> to vector<1x16xi32>
    tpu.vector_store %arg5[%swap3A_912, %swap3A_913], %swap3A_916 {strides = array<i32>} : memref<32x128xi32, #tpu.memory_space<vmem>>, vector<1x16xi32>,
    %get3A_917 = arith.constant 0 : i32
    %get3A_918 = arith.index_cast %get3A_917 : i32 to index
    %get3A_919 = arith.constant 976 : index
    %get3A_920 = tpu.vector_load %arg4[%get3A_918, %get3A_919] {strides = array<i32>} : memref<4x1024xi32, #tpu.memory_space<vmem>>, vector<1x16xi32>,
    %get3A_921 = vector.shape_cast %get3A_920 : vector<1x16xi32> to vector<16xi32>
    %swap3A_922 = arith.constant 7 : i32
    %swap3A_923 = arith.index_cast %swap3A_922 : i32 to index
    %swap3A_924 = arith.constant 80 : index
    %swap3A_925 = tpu.vector_load %arg5[%swap3A_923, %swap3A_924] {strides = array<i32>} : memref<32x128xi32, #tpu.memory_space<vmem>>, vector<1x16xi32>,
    %swap3A_926 = vector.shape_cast %swap3A_925 : vector<1x16xi32> to vector<16xi32>
    %swap3A_927 = vector.shape_cast %get3A_921 : vector<16xi32> to vector<1x16xi32>
    tpu.vector_store %arg5[%swap3A_923, %swap3A_924], %swap3A_927 {strides = array<i32>} : memref<32x128xi32, #tpu.memory_space<vmem>>, vector<1x16xi32>,
    %get3A_928 = arith.constant 0 : i32
    %get3A_929 = arith.index_cast %get3A_928 : i32 to index
    %get3A_930 = arith.constant 992 : index
    %get3A_931 = tpu.vector_load %arg4[%get3A_929, %get3A_930] {strides = array<i32>} : memref<4x1024xi32, #tpu.memory_space<vmem>>, vector<1x16xi32>,
    %get3A_932 = vector.shape_cast %get3A_931 : vector<1x16xi32> to vector<16xi32>
    %swap3A_933 = arith.constant 7 : i32
    %swap3A_934 = arith.index_cast %swap3A_933 : i32 to index
    %swap3A_935 = arith.constant 96 : index
    %swap3A_936 = tpu.vector_load %arg5[%swap3A_934, %swap3A_935] {strides = array<i32>} : memref<32x128xi32, #tpu.memory_space<vmem>>, vector<1x16xi32>,
    %swap3A_937 = vector.shape_cast %swap3A_936 : vector<1x16xi32> to vector<16xi32>
    %swap3A_938 = vector.shape_cast %get3A_932 : vector<16xi32> to vector<1x16xi32>
    tpu.vector_store %arg5[%swap3A_934, %swap3A_935], %swap3A_938 {strides = array<i32>} : memref<32x128xi32, #tpu.memory_space<vmem>>, vector<1x16xi32>,
    %get3A_939 = arith.constant 0 : i32
    %get3A_940 = arith.index_cast %get3A_939 : i32 to index
    %get3A_941 = arith.constant 1008 : index
    %get3A_942 = tpu.vector_load %arg4[%get3A_940, %get3A_941] {strides = array<i32>} : memref<4x1024xi32, #tpu.memory_space<vmem>>, vector<1x16xi32>,
    %get3A_943 = vector.shape_cast %get3A_942 : vector<1x16xi32> to vector<16xi32>
    %swap3A_944 = arith.constant 7 : i32
    %swap3A_945 = arith.index_cast %swap3A_944 : i32 to index
    %swap3A_946 = arith.constant 112 : index
    %swap3A_947 = tpu.vector_load %arg5[%swap3A_945, %swap3A_946] {strides = array<i32>} : memref<32x128xi32, #tpu.memory_space<vmem>>, vector<1x16xi32>,
    %swap3A_948 = vector.shape_cast %swap3A_947 : vector<1x16xi32> to vector<16xi32>
    %swap3A_949 = vector.shape_cast %get3A_943 : vector<16xi32> to vector<1x16xi32>
    tpu.vector_store %arg5[%swap3A_945, %swap3A_946], %swap3A_949 {strides = array<i32>} : memref<32x128xi32, #tpu.memory_space<vmem>>, vector<1x16xi32>,
    %get3A_950 = arith.constant 1 : i32
    %get3A_951 = arith.index_cast %get3A_950 : i32 to index
    %get3A_952 = arith.constant 0 : index
    %get3A_953 = tpu.vector_load %arg4[%get3A_951, %get3A_952] {strides = array<i32>} : memref<4x1024xi32, #tpu.memory_space<vmem>>, vector<1x16xi32>,
    %get3A_954 = vector.shape_cast %get3A_953 : vector<1x16xi32> to vector<16xi32>
    %swap3A_955 = arith.constant 8 : i32
    %swap3A_956 = arith.index_cast %swap3A_955 : i32 to index
    %swap3A_957 = arith.constant 0 : index
    %swap3A_958 = tpu.vector_load %arg5[%swap3A_956, %swap3A_957] {strides = array<i32>} : memref<32x128xi32, #tpu.memory_space<vmem>>, vector<1x16xi32>,
    %swap3A_959 = vector.shape_cast %swap3A_958 : vector<1x16xi32> to vector<16xi32>
    %swap3A_960 = vector.shape_cast %get3A_954 : vector<16xi32> to vector<1x16xi32>
    tpu.vector_store %arg5[%swap3A_956, %swap3A_957], %swap3A_960 {strides = array<i32>} : memref<32x128xi32, #tpu.memory_space<vmem>>, vector<1x16xi32>,
    %get3A_961 = arith.constant 1 : i32
    %get3A_962 = arith.index_cast %get3A_961 : i32 to index
    %get3A_963 = arith.constant 16 : index
    %get3A_964 = tpu.vector_load %arg4[%get3A_962, %get3A_963] {strides = array<i32>} : memref<4x1024xi32, #tpu.memory_space<vmem>>, vector<1x16xi32>,
    %get3A_965 = vector.shape_cast %get3A_964 : vector<1x16xi32> to vector<16xi32>
    %swap3A_966 = arith.constant 8 : i32
    %swap3A_967 = arith.index_cast %swap3A_966 : i32 to index
    %swap3A_968 = arith.constant 16 : index
    %swap3A_969 = tpu.vector_load %arg5[%swap3A_967, %swap3A_968] {strides = array<i32>} : memref<32x128xi32, #tpu.memory_space<vmem>>, vector<1x16xi32>,
    %swap3A_970 = vector.shape_cast %swap3A_969 : vector<1x16xi32> to vector<16xi32>
    %swap3A_971 = vector.shape_cast %get3A_965 : vector<16xi32> to vector<1x16xi32>
    tpu.vector_store %arg5[%swap3A_967, %swap3A_968], %swap3A_971 {strides = array<i32>} : memref<32x128xi32, #tpu.memory_space<vmem>>, vector<1x16xi32>,
    %get3A_972 = arith.constant 1 : i32
    %get3A_973 = arith.index_cast %get3A_972 : i32 to index
    %get3A_974 = arith.constant 32 : index
    %get3A_975 = tpu.vector_load %arg4[%get3A_973, %get3A_974] {strides = array<i32>} : memref<4x1024xi32, #tpu.memory_space<vmem>>, vector<1x16xi32>,
    %get3A_976 = vector.shape_cast %get3A_975 : vector<1x16xi32> to vector<16xi32>
    %swap3A_977 = arith.constant 8 : i32
    %swap3A_978 = arith.index_cast %swap3A_977 : i32 to index
    %swap3A_979 = arith.constant 32 : index
    %swap3A_980 = tpu.vector_load %arg5[%swap3A_978, %swap3A_979] {strides = array<i32>} : memref<32x128xi32, #tpu.memory_space<vmem>>, vector<1x16xi32>,
    %swap3A_981 = vector.shape_cast %swap3A_980 : vector<1x16xi32> to vector<16xi32>
    %swap3A_982 = vector.shape_cast %get3A_976 : vector<16xi32> to vector<1x16xi32>
    tpu.vector_store %arg5[%swap3A_978, %swap3A_979], %swap3A_982 {strides = array<i32>} : memref<32x128xi32, #tpu.memory_space<vmem>>, vector<1x16xi32>,
    %get3A_983 = arith.constant 1 : i32
    %get3A_984 = arith.index_cast %get3A_983 : i32 to index
    %get3A_985 = arith.constant 48 : index
    %get3A_986 = tpu.vector_load %arg4[%get3A_984, %get3A_985] {strides = array<i32>} : memref<4x1024xi32, #tpu.memory_space<vmem>>, vector<1x16xi32>,
    %get3A_987 = vector.shape_cast %get3A_986 : vector<1x16xi32> to vector<16xi32>
    %swap3A_988 = arith.constant 8 : i32
    %swap3A_989 = arith.index_cast %swap3A_988 : i32 to index
    %swap3A_990 = arith.constant 48 : index
    %swap3A_991 = tpu.vector_load %arg5[%swap3A_989, %swap3A_990] {strides = array<i32>} : memref<32x128xi32, #tpu.memory_space<vmem>>, vector<1x16xi32>,
    %swap3A_992 = vector.shape_cast %swap3A_991 : vector<1x16xi32> to vector<16xi32>
    %swap3A_993 = vector.shape_cast %get3A_987 : vector<16xi32> to vector<1x16xi32>
    tpu.vector_store %arg5[%swap3A_989, %swap3A_990], %swap3A_993 {strides = array<i32>} : memref<32x128xi32, #tpu.memory_space<vmem>>, vector<1x16xi32>,
    %get3A_994 = arith.constant 1 : i32
    %get3A_995 = arith.index_cast %get3A_994 : i32 to index
    %get3A_996 = arith.constant 64 : index
    %get3A_997 = tpu.vector_load %arg4[%get3A_995, %get3A_996] {strides = array<i32>} : memref<4x1024xi32, #tpu.memory_space<vmem>>, vector<1x16xi32>,
    %get3A_998 = vector.shape_cast %get3A_997 : vector<1x16xi32> to vector<16xi32>
    %swap3A_999 = arith.constant 8 : i32
    %swap3A_1000 = arith.index_cast %swap3A_999 : i32 to index
    %swap3A_1001 = arith.constant 64 : index
    %swap3A_1002 = tpu.vector_load %arg5[%swap3A_1000, %swap3A_1001] {strides = array<i32>} : memref<32x128xi32, #tpu.memory_space<vmem>>, vector<1x16xi32>,
    %swap3A_1003 = vector.shape_cast %swap3A_1002 : vector<1x16xi32> to vector<16xi32>
    %swap3A_1004 = vector.shape_cast %get3A_998 : vector<16xi32> to vector<1x16xi32>
    tpu.vector_store %arg5[%swap3A_1000, %swap3A_1001], %swap3A_1004 {strides = array<i32>} : memref<32x128xi32, #tpu.memory_space<vmem>>, vector<1x16xi32>,
    %get3A_1005 = arith.constant 1 : i32
    %get3A_1006 = arith.index_cast %get3A_1005 : i32 to index
    %get3A_1007 = arith.constant 80 : index
    %get3A_1008 = tpu.vector_load %arg4[%get3A_1006, %get3A_1007] {strides = array<i32>} : memref<4x1024xi32, #tpu.memory_space<vmem>>, vector<1x16xi32>,
    %get3A_1009 = vector.shape_cast %get3A_1008 : vector<1x16xi32> to vector<16xi32>
    %swap3A_1010 = arith.constant 8 : i32
    %swap3A_1011 = arith.index_cast %swap3A_1010 : i32 to index
    %swap3A_1012 = arith.constant 80 : index
    %swap3A_1013 = tpu.vector_load %arg5[%swap3A_1011, %swap3A_1012] {strides = array<i32>} : memref<32x128xi32, #tpu.memory_space<vmem>>, vector<1x16xi32>,
    %swap3A_1014 = vector.shape_cast %swap3A_1013 : vector<1x16xi32> to vector<16xi32>
    %swap3A_1015 = vector.shape_cast %get3A_1009 : vector<16xi32> to vector<1x16xi32>
    tpu.vector_store %arg5[%swap3A_1011, %swap3A_1012], %swap3A_1015 {strides = array<i32>} : memref<32x128xi32, #tpu.memory_space<vmem>>, vector<1x16xi32>,
    %get3A_1016 = arith.constant 1 : i32
    %get3A_1017 = arith.index_cast %get3A_1016 : i32 to index
    %get3A_1018 = arith.constant 96 : index
    %get3A_1019 = tpu.vector_load %arg4[%get3A_1017, %get3A_1018] {strides = array<i32>} : memref<4x1024xi32, #tpu.memory_space<vmem>>, vector<1x16xi32>,
    %get3A_1020 = vector.shape_cast %get3A_1019 : vector<1x16xi32> to vector<16xi32>
    %swap3A_1021 = arith.constant 8 : i32
    %swap3A_1022 = arith.index_cast %swap3A_1021 : i32 to index
    %swap3A_1023 = arith.constant 96 : index
    %swap3A_1024 = tpu.vector_load %arg5[%swap3A_1022, %swap3A_1023] {strides = array<i32>} : memref<32x128xi32, #tpu.memory_space<vmem>>, vector<1x16xi32>,
    %swap3A_1025 = vector.shape_cast %swap3A_1024 : vector<1x16xi32> to vector<16xi32>
    %swap3A_1026 = vector.shape_cast %get3A_1020 : vector<16xi32> to vector<1x16xi32>
    tpu.vector_store %arg5[%swap3A_1022, %swap3A_1023], %swap3A_1026 {strides = array<i32>} : memref<32x128xi32, #tpu.memory_space<vmem>>, vector<1x16xi32>,
    %get3A_1027 = arith.constant 1 : i32
    %get3A_1028 = arith.index_cast %get3A_1027 : i32 to index
    %get3A_1029 = arith.constant 112 : index
    %get3A_1030 = tpu.vector_load %arg4[%get3A_1028, %get3A_1029] {strides = array<i32>} : memref<4x1024xi32, #tpu.memory_space<vmem>>, vector<1x16xi32>,
    %get3A_1031 = vector.shape_cast %get3A_1030 : vector<1x16xi32> to vector<16xi32>
    %swap3A_1032 = arith.constant 8 : i32
    %swap3A_1033 = arith.index_cast %swap3A_1032 : i32 to index
    %swap3A_1034 = arith.constant 112 : index
    %swap3A_1035 = tpu.vector_load %arg5[%swap3A_1033, %swap3A_1034] {strides = array<i32>} : memref<32x128xi32, #tpu.memory_space<vmem>>, vector<1x16xi32>,
    %swap3A_1036 = vector.shape_cast %swap3A_1035 : vector<1x16xi32> to vector<16xi32>
    %swap3A_1037 = vector.shape_cast %get3A_1031 : vector<16xi32> to vector<1x16xi32>
    tpu.vector_store %arg5[%swap3A_1033, %swap3A_1034], %swap3A_1037 {strides = array<i32>} : memref<32x128xi32, #tpu.memory_space<vmem>>, vector<1x16xi32>,
    %get3A_1038 = arith.constant 1 : i32
    %get3A_1039 = arith.index_cast %get3A_1038 : i32 to index
    %get3A_1040 = arith.constant 128 : index
    %get3A_1041 = tpu.vector_load %arg4[%get3A_1039, %get3A_1040] {strides = array<i32>} : memref<4x1024xi32, #tpu.memory_space<vmem>>, vector<1x16xi32>,
    %get3A_1042 = vector.shape_cast %get3A_1041 : vector<1x16xi32> to vector<16xi32>
    %swap3A_1043 = arith.constant 9 : i32
    %swap3A_1044 = arith.index_cast %swap3A_1043 : i32 to index
    %swap3A_1045 = arith.constant 0 : index
    %swap3A_1046 = tpu.vector_load %arg5[%swap3A_1044, %swap3A_1045] {strides = array<i32>} : memref<32x128xi32, #tpu.memory_space<vmem>>, vector<1x16xi32>,
    %swap3A_1047 = vector.shape_cast %swap3A_1046 : vector<1x16xi32> to vector<16xi32>
    %swap3A_1048 = vector.shape_cast %get3A_1042 : vector<16xi32> to vector<1x16xi32>
    tpu.vector_store %arg5[%swap3A_1044, %swap3A_1045], %swap3A_1048 {strides = array<i32>} : memref<32x128xi32, #tpu.memory_space<vmem>>, vector<1x16xi32>,
    %get3A_1049 = arith.constant 1 : i32
    %get3A_1050 = arith.index_cast %get3A_1049 : i32 to index
    %get3A_1051 = arith.constant 144 : index
    %get3A_1052 = tpu.vector_load %arg4[%get3A_1050, %get3A_1051] {strides = array<i32>} : memref<4x1024xi32, #tpu.memory_space<vmem>>, vector<1x16xi32>,
    %get3A_1053 = vector.shape_cast %get3A_1052 : vector<1x16xi32> to vector<16xi32>
    %swap3A_1054 = arith.constant 9 : i32
    %swap3A_1055 = arith.index_cast %swap3A_1054 : i32 to index
    %swap3A_1056 = arith.constant 16 : index
    %swap3A_1057 = tpu.vector_load %arg5[%swap3A_1055, %swap3A_1056] {strides = array<i32>} : memref<32x128xi32, #tpu.memory_space<vmem>>, vector<1x16xi32>,
    %swap3A_1058 = vector.shape_cast %swap3A_1057 : vector<1x16xi32> to vector<16xi32>
    %swap3A_1059 = vector.shape_cast %get3A_1053 : vector<16xi32> to vector<1x16xi32>
    tpu.vector_store %arg5[%swap3A_1055, %swap3A_1056], %swap3A_1059 {strides = array<i32>} : memref<32x128xi32, #tpu.memory_space<vmem>>, vector<1x16xi32>,
    %get3A_1060 = arith.constant 1 : i32
    %get3A_1061 = arith.index_cast %get3A_1060 : i32 to index
    %get3A_1062 = arith.constant 160 : index
    %get3A_1063 = tpu.vector_load %arg4[%get3A_1061, %get3A_1062] {strides = array<i32>} : memref<4x1024xi32, #tpu.memory_space<vmem>>, vector<1x16xi32>,
    %get3A_1064 = vector.shape_cast %get3A_1063 : vector<1x16xi32> to vector<16xi32>
    %swap3A_1065 = arith.constant 9 : i32
    %swap3A_1066 = arith.index_cast %swap3A_1065 : i32 to index
    %swap3A_1067 = arith.constant 32 : index
    %swap3A_1068 = tpu.vector_load %arg5[%swap3A_1066, %swap3A_1067] {strides = array<i32>} : memref<32x128xi32, #tpu.memory_space<vmem>>, vector<1x16xi32>,
    %swap3A_1069 = vector.shape_cast %swap3A_1068 : vector<1x16xi32> to vector<16xi32>
    %swap3A_1070 = vector.shape_cast %get3A_1064 : vector<16xi32> to vector<1x16xi32>
    tpu.vector_store %arg5[%swap3A_1066, %swap3A_1067], %swap3A_1070 {strides = array<i32>} : memref<32x128xi32, #tpu.memory_space<vmem>>, vector<1x16xi32>,
    %get3A_1071 = arith.constant 1 : i32
    %get3A_1072 = arith.index_cast %get3A_1071 : i32 to index
    %get3A_1073 = arith.constant 176 : index
    %get3A_1074 = tpu.vector_load %arg4[%get3A_1072, %get3A_1073] {strides = array<i32>} : memref<4x1024xi32, #tpu.memory_space<vmem>>, vector<1x16xi32>,
    %get3A_1075 = vector.shape_cast %get3A_1074 : vector<1x16xi32> to vector<16xi32>
    %swap3A_1076 = arith.constant 9 : i32
    %swap3A_1077 = arith.index_cast %swap3A_1076 : i32 to index
    %swap3A_1078 = arith.constant 48 : index
    %swap3A_1079 = tpu.vector_load %arg5[%swap3A_1077, %swap3A_1078] {strides = array<i32>} : memref<32x128xi32, #tpu.memory_space<vmem>>, vector<1x16xi32>,
    %swap3A_1080 = vector.shape_cast %swap3A_1079 : vector<1x16xi32> to vector<16xi32>
    %swap3A_1081 = vector.shape_cast %get3A_1075 : vector<16xi32> to vector<1x16xi32>
    tpu.vector_store %arg5[%swap3A_1077, %swap3A_1078], %swap3A_1081 {strides = array<i32>} : memref<32x128xi32, #tpu.memory_space<vmem>>, vector<1x16xi32>,
    %get3A_1082 = arith.constant 1 : i32
    %get3A_1083 = arith.index_cast %get3A_1082 : i32 to index
    %get3A_1084 = arith.constant 192 : index
    %get3A_1085 = tpu.vector_load %arg4[%get3A_1083, %get3A_1084] {strides = array<i32>} : memref<4x1024xi32, #tpu.memory_space<vmem>>, vector<1x16xi32>,
    %get3A_1086 = vector.shape_cast %get3A_1085 : vector<1x16xi32> to vector<16xi32>
    %swap3A_1087 = arith.constant 9 : i32
    %swap3A_1088 = arith.index_cast %swap3A_1087 : i32 to index
    %swap3A_1089 = arith.constant 64 : index
    %swap3A_1090 = tpu.vector_load %arg5[%swap3A_1088, %swap3A_1089] {strides = array<i32>} : memref<32x128xi32, #tpu.memory_space<vmem>>, vector<1x16xi32>,
    %swap3A_1091 = vector.shape_cast %swap3A_1090 : vector<1x16xi32> to vector<16xi32>
    %swap3A_1092 = vector.shape_cast %get3A_1086 : vector<16xi32> to vector<1x16xi32>
    tpu.vector_store %arg5[%swap3A_1088, %swap3A_1089], %swap3A_1092 {strides = array<i32>} : memref<32x128xi32, #tpu.memory_space<vmem>>, vector<1x16xi32>,
    %get3A_1093 = arith.constant 1 : i32
    %get3A_1094 = arith.index_cast %get3A_1093 : i32 to index
    %get3A_1095 = arith.constant 208 : index
    %get3A_1096 = tpu.vector_load %arg4[%get3A_1094, %get3A_1095] {strides = array<i32>} : memref<4x1024xi32, #tpu.memory_space<vmem>>, vector<1x16xi32>,
    %get3A_1097 = vector.shape_cast %get3A_1096 : vector<1x16xi32> to vector<16xi32>
    %swap3A_1098 = arith.constant 9 : i32
    %swap3A_1099 = arith.index_cast %swap3A_1098 : i32 to index
    %swap3A_1100 = arith.constant 80 : index
    %swap3A_1101 = tpu.vector_load %arg5[%swap3A_1099, %swap3A_1100] {strides = array<i32>} : memref<32x128xi32, #tpu.memory_space<vmem>>, vector<1x16xi32>,
    %swap3A_1102 = vector.shape_cast %swap3A_1101 : vector<1x16xi32> to vector<16xi32>
    %swap3A_1103 = vector.shape_cast %get3A_1097 : vector<16xi32> to vector<1x16xi32>
    tpu.vector_store %arg5[%swap3A_1099, %swap3A_1100], %swap3A_1103 {strides = array<i32>} : memref<32x128xi32, #tpu.memory_space<vmem>>, vector<1x16xi32>,
    %get3A_1104 = arith.constant 1 : i32
    %get3A_1105 = arith.index_cast %get3A_1104 : i32 to index
    %get3A_1106 = arith.constant 224 : index
    %get3A_1107 = tpu.vector_load %arg4[%get3A_1105, %get3A_1106] {strides = array<i32>} : memref<4x1024xi32, #tpu.memory_space<vmem>>, vector<1x16xi32>,
    %get3A_1108 = vector.shape_cast %get3A_1107 : vector<1x16xi32> to vector<16xi32>
    %swap3A_1109 = arith.constant 9 : i32
    %swap3A_1110 = arith.index_cast %swap3A_1109 : i32 to index
    %swap3A_1111 = arith.constant 96 : index
    %swap3A_1112 = tpu.vector_load %arg5[%swap3A_1110, %swap3A_1111] {strides = array<i32>} : memref<32x128xi32, #tpu.memory_space<vmem>>, vector<1x16xi32>,
    %swap3A_1113 = vector.shape_cast %swap3A_1112 : vector<1x16xi32> to vector<16xi32>
    %swap3A_1114 = vector.shape_cast %get3A_1108 : vector<16xi32> to vector<1x16xi32>
    tpu.vector_store %arg5[%swap3A_1110, %swap3A_1111], %swap3A_1114 {strides = array<i32>} : memref<32x128xi32, #tpu.memory_space<vmem>>, vector<1x16xi32>,
    %get3A_1115 = arith.constant 1 : i32
    %get3A_1116 = arith.index_cast %get3A_1115 : i32 to index
    %get3A_1117 = arith.constant 240 : index
    %get3A_1118 = tpu.vector_load %arg4[%get3A_1116, %get3A_1117] {strides = array<i32>} : memref<4x1024xi32, #tpu.memory_space<vmem>>, vector<1x16xi32>,
    %get3A_1119 = vector.shape_cast %get3A_1118 : vector<1x16xi32> to vector<16xi32>
    %swap3A_1120 = arith.constant 9 : i32
    %swap3A_1121 = arith.index_cast %swap3A_1120 : i32 to index
    %swap3A_1122 = arith.constant 112 : index
    %swap3A_1123 = tpu.vector_load %arg5[%swap3A_1121, %swap3A_1122] {strides = array<i32>} : memref<32x128xi32, #tpu.memory_space<vmem>>, vector<1x16xi32>,
    %swap3A_1124 = vector.shape_cast %swap3A_1123 : vector<1x16xi32> to vector<16xi32>
    %swap3A_1125 = vector.shape_cast %get3A_1119 : vector<16xi32> to vector<1x16xi32>
    tpu.vector_store %arg5[%swap3A_1121, %swap3A_1122], %swap3A_1125 {strides = array<i32>} : memref<32x128xi32, #tpu.memory_space<vmem>>, vector<1x16xi32>,
    %get3A_1126 = arith.constant 1 : i32
    %get3A_1127 = arith.index_cast %get3A_1126 : i32 to index
    %get3A_1128 = arith.constant 256 : index
    %get3A_1129 = tpu.vector_load %arg4[%get3A_1127, %get3A_1128] {strides = array<i32>} : memref<4x1024xi32, #tpu.memory_space<vmem>>, vector<1x16xi32>,
    %get3A_1130 = vector.shape_cast %get3A_1129 : vector<1x16xi32> to vector<16xi32>
    %swap3A_1131 = arith.constant 10 : i32
    %swap3A_1132 = arith.index_cast %swap3A_1131 : i32 to index
    %swap3A_1133 = arith.constant 0 : index
    %swap3A_1134 = tpu.vector_load %arg5[%swap3A_1132, %swap3A_1133] {strides = array<i32>} : memref<32x128xi32, #tpu.memory_space<vmem>>, vector<1x16xi32>,
    %swap3A_1135 = vector.shape_cast %swap3A_1134 : vector<1x16xi32> to vector<16xi32>
    %swap3A_1136 = vector.shape_cast %get3A_1130 : vector<16xi32> to vector<1x16xi32>
    tpu.vector_store %arg5[%swap3A_1132, %swap3A_1133], %swap3A_1136 {strides = array<i32>} : memref<32x128xi32, #tpu.memory_space<vmem>>, vector<1x16xi32>,
    %get3A_1137 = arith.constant 1 : i32
    %get3A_1138 = arith.index_cast %get3A_1137 : i32 to index
    %get3A_1139 = arith.constant 272 : index
    %get3A_1140 = tpu.vector_load %arg4[%get3A_1138, %get3A_1139] {strides = array<i32>} : memref<4x1024xi32, #tpu.memory_space<vmem>>, vector<1x16xi32>,
    %get3A_1141 = vector.shape_cast %get3A_1140 : vector<1x16xi32> to vector<16xi32>
    %swap3A_1142 = arith.constant 10 : i32
    %swap3A_1143 = arith.index_cast %swap3A_1142 : i32 to index
    %swap3A_1144 = arith.constant 16 : index
    %swap3A_1145 = tpu.vector_load %arg5[%swap3A_1143, %swap3A_1144] {strides = array<i32>} : memref<32x128xi32, #tpu.memory_space<vmem>>, vector<1x16xi32>,
    %swap3A_1146 = vector.shape_cast %swap3A_1145 : vector<1x16xi32> to vector<16xi32>
    %swap3A_1147 = vector.shape_cast %get3A_1141 : vector<16xi32> to vector<1x16xi32>
    tpu.vector_store %arg5[%swap3A_1143, %swap3A_1144], %swap3A_1147 {strides = array<i32>} : memref<32x128xi32, #tpu.memory_space<vmem>>, vector<1x16xi32>,
    %get3A_1148 = arith.constant 1 : i32
    %get3A_1149 = arith.index_cast %get3A_1148 : i32 to index
    %get3A_1150 = arith.constant 288 : index
    %get3A_1151 = tpu.vector_load %arg4[%get3A_1149, %get3A_1150] {strides = array<i32>} : memref<4x1024xi32, #tpu.memory_space<vmem>>, vector<1x16xi32>,
    %get3A_1152 = vector.shape_cast %get3A_1151 : vector<1x16xi32> to vector<16xi32>
    %swap3A_1153 = arith.constant 10 : i32
    %swap3A_1154 = arith.index_cast %swap3A_1153 : i32 to index
    %swap3A_1155 = arith.constant 32 : index
    %swap3A_1156 = tpu.vector_load %arg5[%swap3A_1154, %swap3A_1155] {strides = array<i32>} : memref<32x128xi32, #tpu.memory_space<vmem>>, vector<1x16xi32>,
    %swap3A_1157 = vector.shape_cast %swap3A_1156 : vector<1x16xi32> to vector<16xi32>
    %swap3A_1158 = vector.shape_cast %get3A_1152 : vector<16xi32> to vector<1x16xi32>
    tpu.vector_store %arg5[%swap3A_1154, %swap3A_1155], %swap3A_1158 {strides = array<i32>} : memref<32x128xi32, #tpu.memory_space<vmem>>, vector<1x16xi32>,
    %get3A_1159 = arith.constant 1 : i32
    %get3A_1160 = arith.index_cast %get3A_1159 : i32 to index
    %get3A_1161 = arith.constant 304 : index
    %get3A_1162 = tpu.vector_load %arg4[%get3A_1160, %get3A_1161] {strides = array<i32>} : memref<4x1024xi32, #tpu.memory_space<vmem>>, vector<1x16xi32>,
    %get3A_1163 = vector.shape_cast %get3A_1162 : vector<1x16xi32> to vector<16xi32>
    %swap3A_1164 = arith.constant 10 : i32
    %swap3A_1165 = arith.index_cast %swap3A_1164 : i32 to index
    %swap3A_1166 = arith.constant 48 : index
    %swap3A_1167 = tpu.vector_load %arg5[%swap3A_1165, %swap3A_1166] {strides = array<i32>} : memref<32x128xi32, #tpu.memory_space<vmem>>, vector<1x16xi32>,
    %swap3A_1168 = vector.shape_cast %swap3A_1167 : vector<1x16xi32> to vector<16xi32>
    %swap3A_1169 = vector.shape_cast %get3A_1163 : vector<16xi32> to vector<1x16xi32>
    tpu.vector_store %arg5[%swap3A_1165, %swap3A_1166], %swap3A_1169 {strides = array<i32>} : memref<32x128xi32, #tpu.memory_space<vmem>>, vector<1x16xi32>,
    %get3A_1170 = arith.constant 1 : i32
    %get3A_1171 = arith.index_cast %get3A_1170 : i32 to index
    %get3A_1172 = arith.constant 320 : index
    %get3A_1173 = tpu.vector_load %arg4[%get3A_1171, %get3A_1172] {strides = array<i32>} : memref<4x1024xi32, #tpu.memory_space<vmem>>, vector<1x16xi32>,
    %get3A_1174 = vector.shape_cast %get3A_1173 : vector<1x16xi32> to vector<16xi32>
    %swap3A_1175 = arith.constant 10 : i32
    %swap3A_1176 = arith.index_cast %swap3A_1175 : i32 to index
    %swap3A_1177 = arith.constant 64 : index
    %swap3A_1178 = tpu.vector_load %arg5[%swap3A_1176, %swap3A_1177] {strides = array<i32>} : memref<32x128xi32, #tpu.memory_space<vmem>>, vector<1x16xi32>,
    %swap3A_1179 = vector.shape_cast %swap3A_1178 : vector<1x16xi32> to vector<16xi32>
    %swap3A_1180 = vector.shape_cast %get3A_1174 : vector<16xi32> to vector<1x16xi32>
    tpu.vector_store %arg5[%swap3A_1176, %swap3A_1177], %swap3A_1180 {strides = array<i32>} : memref<32x128xi32, #tpu.memory_space<vmem>>, vector<1x16xi32>,
    %get3A_1181 = arith.constant 1 : i32
    %get3A_1182 = arith.index_cast %get3A_1181 : i32 to index
    %get3A_1183 = arith.constant 336 : index
    %get3A_1184 = tpu.vector_load %arg4[%get3A_1182, %get3A_1183] {strides = array<i32>} : memref<4x1024xi32, #tpu.memory_space<vmem>>, vector<1x16xi32>,
    %get3A_1185 = vector.shape_cast %get3A_1184 : vector<1x16xi32> to vector<16xi32>
    %swap3A_1186 = arith.constant 10 : i32
    %swap3A_1187 = arith.index_cast %swap3A_1186 : i32 to index
    %swap3A_1188 = arith.constant 80 : index
    %swap3A_1189 = tpu.vector_load %arg5[%swap3A_1187, %swap3A_1188] {strides = array<i32>} : memref<32x128xi32, #tpu.memory_space<vmem>>, vector<1x16xi32>,
    %swap3A_1190 = vector.shape_cast %swap3A_1189 : vector<1x16xi32> to vector<16xi32>
    %swap3A_1191 = vector.shape_cast %get3A_1185 : vector<16xi32> to vector<1x16xi32>
    tpu.vector_store %arg5[%swap3A_1187, %swap3A_1188], %swap3A_1191 {strides = array<i32>} : memref<32x128xi32, #tpu.memory_space<vmem>>, vector<1x16xi32>,
    %get3A_1192 = arith.constant 1 : i32
    %get3A_1193 = arith.index_cast %get3A_1192 : i32 to index
    %get3A_1194 = arith.constant 352 : index
    %get3A_1195 = tpu.vector_load %arg4[%get3A_1193, %get3A_1194] {strides = array<i32>} : memref<4x1024xi32, #tpu.memory_space<vmem>>, vector<1x16xi32>,
    %get3A_1196 = vector.shape_cast %get3A_1195 : vector<1x16xi32> to vector<16xi32>
    %swap3A_1197 = arith.constant 10 : i32
    %swap3A_1198 = arith.index_cast %swap3A_1197 : i32 to index
    %swap3A_1199 = arith.constant 96 : index
    %swap3A_1200 = tpu.vector_load %arg5[%swap3A_1198, %swap3A_1199] {strides = array<i32>} : memref<32x128xi32, #tpu.memory_space<vmem>>, vector<1x16xi32>,
    %swap3A_1201 = vector.shape_cast %swap3A_1200 : vector<1x16xi32> to vector<16xi32>
    %swap3A_1202 = vector.shape_cast %get3A_1196 : vector<16xi32> to vector<1x16xi32>
    tpu.vector_store %arg5[%swap3A_1198, %swap3A_1199], %swap3A_1202 {strides = array<i32>} : memref<32x128xi32, #tpu.memory_space<vmem>>, vector<1x16xi32>,
    %get3A_1203 = arith.constant 1 : i32
    %get3A_1204 = arith.index_cast %get3A_1203 : i32 to index
    %get3A_1205 = arith.constant 368 : index
    %get3A_1206 = tpu.vector_load %arg4[%get3A_1204, %get3A_1205] {strides = array<i32>} : memref<4x1024xi32, #tpu.memory_space<vmem>>, vector<1x16xi32>,
    %get3A_1207 = vector.shape_cast %get3A_1206 : vector<1x16xi32> to vector<16xi32>
    %swap3A_1208 = arith.constant 10 : i32
    %swap3A_1209 = arith.index_cast %swap3A_1208 : i32 to index
    %swap3A_1210 = arith.constant 112 : index
    %swap3A_1211 = tpu.vector_load %arg5[%swap3A_1209, %swap3A_1210] {strides = array<i32>} : memref<32x128xi32, #tpu.memory_space<vmem>>, vector<1x16xi32>,
    %swap3A_1212 = vector.shape_cast %swap3A_1211 : vector<1x16xi32> to vector<16xi32>
    %swap3A_1213 = vector.shape_cast %get3A_1207 : vector<16xi32> to vector<1x16xi32>
    tpu.vector_store %arg5[%swap3A_1209, %swap3A_1210], %swap3A_1213 {strides = array<i32>} : memref<32x128xi32, #tpu.memory_space<vmem>>, vector<1x16xi32>,
    %get3A_1214 = arith.constant 1 : i32
    %get3A_1215 = arith.index_cast %get3A_1214 : i32 to index
    %get3A_1216 = arith.constant 384 : index
    %get3A_1217 = tpu.vector_load %arg4[%get3A_1215, %get3A_1216] {strides = array<i32>} : memref<4x1024xi32, #tpu.memory_space<vmem>>, vector<1x16xi32>,
    %get3A_1218 = vector.shape_cast %get3A_1217 : vector<1x16xi32> to vector<16xi32>
    %swap3A_1219 = arith.constant 11 : i32
    %swap3A_1220 = arith.index_cast %swap3A_1219 : i32 to index
    %swap3A_1221 = arith.constant 0 : index
    %swap3A_1222 = tpu.vector_load %arg5[%swap3A_1220, %swap3A_1221] {strides = array<i32>} : memref<32x128xi32, #tpu.memory_space<vmem>>, vector<1x16xi32>,
    %swap3A_1223 = vector.shape_cast %swap3A_1222 : vector<1x16xi32> to vector<16xi32>
    %swap3A_1224 = vector.shape_cast %get3A_1218 : vector<16xi32> to vector<1x16xi32>
    tpu.vector_store %arg5[%swap3A_1220, %swap3A_1221], %swap3A_1224 {strides = array<i32>} : memref<32x128xi32, #tpu.memory_space<vmem>>, vector<1x16xi32>,
    %get3A_1225 = arith.constant 1 : i32
    %get3A_1226 = arith.index_cast %get3A_1225 : i32 to index
    %get3A_1227 = arith.constant 400 : index
    %get3A_1228 = tpu.vector_load %arg4[%get3A_1226, %get3A_1227] {strides = array<i32>} : memref<4x1024xi32, #tpu.memory_space<vmem>>, vector<1x16xi32>,
    %get3A_1229 = vector.shape_cast %get3A_1228 : vector<1x16xi32> to vector<16xi32>
    %swap3A_1230 = arith.constant 11 : i32
    %swap3A_1231 = arith.index_cast %swap3A_1230 : i32 to index
    %swap3A_1232 = arith.constant 16 : index
    %swap3A_1233 = tpu.vector_load %arg5[%swap3A_1231, %swap3A_1232] {strides = array<i32>} : memref<32x128xi32, #tpu.memory_space<vmem>>, vector<1x16xi32>,
    %swap3A_1234 = vector.shape_cast %swap3A_1233 : vector<1x16xi32> to vector<16xi32>
    %swap3A_1235 = vector.shape_cast %get3A_1229 : vector<16xi32> to vector<1x16xi32>
    tpu.vector_store %arg5[%swap3A_1231, %swap3A_1232], %swap3A_1235 {strides = array<i32>} : memref<32x128xi32, #tpu.memory_space<vmem>>, vector<1x16xi32>,
    %get3A_1236 = arith.constant 1 : i32
    %get3A_1237 = arith.index_cast %get3A_1236 : i32 to index
    %get3A_1238 = arith.constant 416 : index
    %get3A_1239 = tpu.vector_load %arg4[%get3A_1237, %get3A_1238] {strides = array<i32>} : memref<4x1024xi32, #tpu.memory_space<vmem>>, vector<1x16xi32>,
    %get3A_1240 = vector.shape_cast %get3A_1239 : vector<1x16xi32> to vector<16xi32>
    %swap3A_1241 = arith.constant 11 : i32
    %swap3A_1242 = arith.index_cast %swap3A_1241 : i32 to index
    %swap3A_1243 = arith.constant 32 : index
    %swap3A_1244 = tpu.vector_load %arg5[%swap3A_1242, %swap3A_1243] {strides = array<i32>} : memref<32x128xi32, #tpu.memory_space<vmem>>, vector<1x16xi32>,
    %swap3A_1245 = vector.shape_cast %swap3A_1244 : vector<1x16xi32> to vector<16xi32>
    %swap3A_1246 = vector.shape_cast %get3A_1240 : vector<16xi32> to vector<1x16xi32>
    tpu.vector_store %arg5[%swap3A_1242, %swap3A_1243], %swap3A_1246 {strides = array<i32>} : memref<32x128xi32, #tpu.memory_space<vmem>>, vector<1x16xi32>,
    %get3A_1247 = arith.constant 1 : i32
    %get3A_1248 = arith.index_cast %get3A_1247 : i32 to index
    %get3A_1249 = arith.constant 432 : index
    %get3A_1250 = tpu.vector_load %arg4[%get3A_1248, %get3A_1249] {strides = array<i32>} : memref<4x1024xi32, #tpu.memory_space<vmem>>, vector<1x16xi32>,
    %get3A_1251 = vector.shape_cast %get3A_1250 : vector<1x16xi32> to vector<16xi32>
    %swap3A_1252 = arith.constant 11 : i32
    %swap3A_1253 = arith.index_cast %swap3A_1252 : i32 to index
    %swap3A_1254 = arith.constant 48 : index
    %swap3A_1255 = tpu.vector_load %arg5[%swap3A_1253, %swap3A_1254] {strides = array<i32>} : memref<32x128xi32, #tpu.memory_space<vmem>>, vector<1x16xi32>,
    %swap3A_1256 = vector.shape_cast %swap3A_1255 : vector<1x16xi32> to vector<16xi32>
    %swap3A_1257 = vector.shape_cast %get3A_1251 : vector<16xi32> to vector<1x16xi32>
    tpu.vector_store %arg5[%swap3A_1253, %swap3A_1254], %swap3A_1257 {strides = array<i32>} : memref<32x128xi32, #tpu.memory_space<vmem>>, vector<1x16xi32>,
    %get3A_1258 = arith.constant 1 : i32
    %get3A_1259 = arith.index_cast %get3A_1258 : i32 to index
    %get3A_1260 = arith.constant 448 : index
    %get3A_1261 = tpu.vector_load %arg4[%get3A_1259, %get3A_1260] {strides = array<i32>} : memref<4x1024xi32, #tpu.memory_space<vmem>>, vector<1x16xi32>,
    %get3A_1262 = vector.shape_cast %get3A_1261 : vector<1x16xi32> to vector<16xi32>
    %swap3A_1263 = arith.constant 11 : i32
    %swap3A_1264 = arith.index_cast %swap3A_1263 : i32 to index
    %swap3A_1265 = arith.constant 64 : index
    %swap3A_1266 = tpu.vector_load %arg5[%swap3A_1264, %swap3A_1265] {strides = array<i32>} : memref<32x128xi32, #tpu.memory_space<vmem>>, vector<1x16xi32>,
    %swap3A_1267 = vector.shape_cast %swap3A_1266 : vector<1x16xi32> to vector<16xi32>
    %swap3A_1268 = vector.shape_cast %get3A_1262 : vector<16xi32> to vector<1x16xi32>
    tpu.vector_store %arg5[%swap3A_1264, %swap3A_1265], %swap3A_1268 {strides = array<i32>} : memref<32x128xi32, #tpu.memory_space<vmem>>, vector<1x16xi32>,
    %get3A_1269 = arith.constant 1 : i32
    %get3A_1270 = arith.index_cast %get3A_1269 : i32 to index
    %get3A_1271 = arith.constant 464 : index
    %get3A_1272 = tpu.vector_load %arg4[%get3A_1270, %get3A_1271] {strides = array<i32>} : memref<4x1024xi32, #tpu.memory_space<vmem>>, vector<1x16xi32>,
    %get3A_1273 = vector.shape_cast %get3A_1272 : vector<1x16xi32> to vector<16xi32>
    %swap3A_1274 = arith.constant 11 : i32
    %swap3A_1275 = arith.index_cast %swap3A_1274 : i32 to index
    %swap3A_1276 = arith.constant 80 : index
    %swap3A_1277 = tpu.vector_load %arg5[%swap3A_1275, %swap3A_1276] {strides = array<i32>} : memref<32x128xi32, #tpu.memory_space<vmem>>, vector<1x16xi32>,
    %swap3A_1278 = vector.shape_cast %swap3A_1277 : vector<1x16xi32> to vector<16xi32>
    %swap3A_1279 = vector.shape_cast %get3A_1273 : vector<16xi32> to vector<1x16xi32>
    tpu.vector_store %arg5[%swap3A_1275, %swap3A_1276], %swap3A_1279 {strides = array<i32>} : memref<32x128xi32, #tpu.memory_space<vmem>>, vector<1x16xi32>,
    %get3A_1280 = arith.constant 1 : i32
    %get3A_1281 = arith.index_cast %get3A_1280 : i32 to index
    %get3A_1282 = arith.constant 480 : index
    %get3A_1283 = tpu.vector_load %arg4[%get3A_1281, %get3A_1282] {strides = array<i32>} : memref<4x1024xi32, #tpu.memory_space<vmem>>, vector<1x16xi32>,
    %get3A_1284 = vector.shape_cast %get3A_1283 : vector<1x16xi32> to vector<16xi32>
    %swap3A_1285 = arith.constant 11 : i32
    %swap3A_1286 = arith.index_cast %swap3A_1285 : i32 to index
    %swap3A_1287 = arith.constant 96 : index
    %swap3A_1288 = tpu.vector_load %arg5[%swap3A_1286, %swap3A_1287] {strides = array<i32>} : memref<32x128xi32, #tpu.memory_space<vmem>>, vector<1x16xi32>,
    %swap3A_1289 = vector.shape_cast %swap3A_1288 : vector<1x16xi32> to vector<16xi32>
    %swap3A_1290 = vector.shape_cast %get3A_1284 : vector<16xi32> to vector<1x16xi32>
    tpu.vector_store %arg5[%swap3A_1286, %swap3A_1287], %swap3A_1290 {strides = array<i32>} : memref<32x128xi32, #tpu.memory_space<vmem>>, vector<1x16xi32>,
    %get3A_1291 = arith.constant 1 : i32
    %get3A_1292 = arith.index_cast %get3A_1291 : i32 to index
    %get3A_1293 = arith.constant 496 : index
    %get3A_1294 = tpu.vector_load %arg4[%get3A_1292, %get3A_1293] {strides = array<i32>} : memref<4x1024xi32, #tpu.memory_space<vmem>>, vector<1x16xi32>,
    %get3A_1295 = vector.shape_cast %get3A_1294 : vector<1x16xi32> to vector<16xi32>
    %swap3A_1296 = arith.constant 11 : i32
    %swap3A_1297 = arith.index_cast %swap3A_1296 : i32 to index
    %swap3A_1298 = arith.constant 112 : index
    %swap3A_1299 = tpu.vector_load %arg5[%swap3A_1297, %swap3A_1298] {strides = array<i32>} : memref<32x128xi32, #tpu.memory_space<vmem>>, vector<1x16xi32>,
    %swap3A_1300 = vector.shape_cast %swap3A_1299 : vector<1x16xi32> to vector<16xi32>
    %swap3A_1301 = vector.shape_cast %get3A_1295 : vector<16xi32> to vector<1x16xi32>
    tpu.vector_store %arg5[%swap3A_1297, %swap3A_1298], %swap3A_1301 {strides = array<i32>} : memref<32x128xi32, #tpu.memory_space<vmem>>, vector<1x16xi32>,
    %get3A_1302 = arith.constant 1 : i32
    %get3A_1303 = arith.index_cast %get3A_1302 : i32 to index
    %get3A_1304 = arith.constant 512 : index
    %get3A_1305 = tpu.vector_load %arg4[%get3A_1303, %get3A_1304] {strides = array<i32>} : memref<4x1024xi32, #tpu.memory_space<vmem>>, vector<1x16xi32>,
    %get3A_1306 = vector.shape_cast %get3A_1305 : vector<1x16xi32> to vector<16xi32>
    %swap3A_1307 = arith.constant 12 : i32
    %swap3A_1308 = arith.index_cast %swap3A_1307 : i32 to index
    %swap3A_1309 = arith.constant 0 : index
    %swap3A_1310 = tpu.vector_load %arg5[%swap3A_1308, %swap3A_1309] {strides = array<i32>} : memref<32x128xi32, #tpu.memory_space<vmem>>, vector<1x16xi32>,
    %swap3A_1311 = vector.shape_cast %swap3A_1310 : vector<1x16xi32> to vector<16xi32>
    %swap3A_1312 = vector.shape_cast %get3A_1306 : vector<16xi32> to vector<1x16xi32>
    tpu.vector_store %arg5[%swap3A_1308, %swap3A_1309], %swap3A_1312 {strides = array<i32>} : memref<32x128xi32, #tpu.memory_space<vmem>>, vector<1x16xi32>,
    %get3A_1313 = arith.constant 1 : i32
    %get3A_1314 = arith.index_cast %get3A_1313 : i32 to index
    %get3A_1315 = arith.constant 528 : index
    %get3A_1316 = tpu.vector_load %arg4[%get3A_1314, %get3A_1315] {strides = array<i32>} : memref<4x1024xi32, #tpu.memory_space<vmem>>, vector<1x16xi32>,
    %get3A_1317 = vector.shape_cast %get3A_1316 : vector<1x16xi32> to vector<16xi32>
    %swap3A_1318 = arith.constant 12 : i32
    %swap3A_1319 = arith.index_cast %swap3A_1318 : i32 to index
    %swap3A_1320 = arith.constant 16 : index
    %swap3A_1321 = tpu.vector_load %arg5[%swap3A_1319, %swap3A_1320] {strides = array<i32>} : memref<32x128xi32, #tpu.memory_space<vmem>>, vector<1x16xi32>,
    %swap3A_1322 = vector.shape_cast %swap3A_1321 : vector<1x16xi32> to vector<16xi32>
    %swap3A_1323 = vector.shape_cast %get3A_1317 : vector<16xi32> to vector<1x16xi32>
    tpu.vector_store %arg5[%swap3A_1319, %swap3A_1320], %swap3A_1323 {strides = array<i32>} : memref<32x128xi32, #tpu.memory_space<vmem>>, vector<1x16xi32>,
    %get3A_1324 = arith.constant 1 : i32
    %get3A_1325 = arith.index_cast %get3A_1324 : i32 to index
    %get3A_1326 = arith.constant 544 : index
    %get3A_1327 = tpu.vector_load %arg4[%get3A_1325, %get3A_1326] {strides = array<i32>} : memref<4x1024xi32, #tpu.memory_space<vmem>>, vector<1x16xi32>,
    %get3A_1328 = vector.shape_cast %get3A_1327 : vector<1x16xi32> to vector<16xi32>
    %swap3A_1329 = arith.constant 12 : i32
    %swap3A_1330 = arith.index_cast %swap3A_1329 : i32 to index
    %swap3A_1331 = arith.constant 32 : index
    %swap3A_1332 = tpu.vector_load %arg5[%swap3A_1330, %swap3A_1331] {strides = array<i32>} : memref<32x128xi32, #tpu.memory_space<vmem>>, vector<1x16xi32>,
    %swap3A_1333 = vector.shape_cast %swap3A_1332 : vector<1x16xi32> to vector<16xi32>
    %swap3A_1334 = vector.shape_cast %get3A_1328 : vector<16xi32> to vector<1x16xi32>
    tpu.vector_store %arg5[%swap3A_1330, %swap3A_1331], %swap3A_1334 {strides = array<i32>} : memref<32x128xi32, #tpu.memory_space<vmem>>, vector<1x16xi32>,
    %get3A_1335 = arith.constant 1 : i32
    %get3A_1336 = arith.index_cast %get3A_1335 : i32 to index
    %get3A_1337 = arith.constant 560 : index
    %get3A_1338 = tpu.vector_load %arg4[%get3A_1336, %get3A_1337] {strides = array<i32>} : memref<4x1024xi32, #tpu.memory_space<vmem>>, vector<1x16xi32>,
    %get3A_1339 = vector.shape_cast %get3A_1338 : vector<1x16xi32> to vector<16xi32>
    %swap3A_1340 = arith.constant 12 : i32
    %swap3A_1341 = arith.index_cast %swap3A_1340 : i32 to index
    %swap3A_1342 = arith.constant 48 : index
    %swap3A_1343 = tpu.vector_load %arg5[%swap3A_1341, %swap3A_1342] {strides = array<i32>} : memref<32x128xi32, #tpu.memory_space<vmem>>, vector<1x16xi32>,
    %swap3A_1344 = vector.shape_cast %swap3A_1343 : vector<1x16xi32> to vector<16xi32>
    %swap3A_1345 = vector.shape_cast %get3A_1339 : vector<16xi32> to vector<1x16xi32>
    tpu.vector_store %arg5[%swap3A_1341, %swap3A_1342], %swap3A_1345 {strides = array<i32>} : memref<32x128xi32, #tpu.memory_space<vmem>>, vector<1x16xi32>,
    %get3A_1346 = arith.constant 1 : i32
    %get3A_1347 = arith.index_cast %get3A_1346 : i32 to index
    %get3A_1348 = arith.constant 576 : index
    %get3A_1349 = tpu.vector_load %arg4[%get3A_1347, %get3A_1348] {strides = array<i32>} : memref<4x1024xi32, #tpu.memory_space<vmem>>, vector<1x16xi32>,
    %get3A_1350 = vector.shape_cast %get3A_1349 : vector<1x16xi32> to vector<16xi32>
    %swap3A_1351 = arith.constant 12 : i32
    %swap3A_1352 = arith.index_cast %swap3A_1351 : i32 to index
    %swap3A_1353 = arith.constant 64 : index
    %swap3A_1354 = tpu.vector_load %arg5[%swap3A_1352, %swap3A_1353] {strides = array<i32>} : memref<32x128xi32, #tpu.memory_space<vmem>>, vector<1x16xi32>,
    %swap3A_1355 = vector.shape_cast %swap3A_1354 : vector<1x16xi32> to vector<16xi32>
    %swap3A_1356 = vector.shape_cast %get3A_1350 : vector<16xi32> to vector<1x16xi32>
    tpu.vector_store %arg5[%swap3A_1352, %swap3A_1353], %swap3A_1356 {strides = array<i32>} : memref<32x128xi32, #tpu.memory_space<vmem>>, vector<1x16xi32>,
    %get3A_1357 = arith.constant 1 : i32
    %get3A_1358 = arith.index_cast %get3A_1357 : i32 to index
    %get3A_1359 = arith.constant 592 : index
    %get3A_1360 = tpu.vector_load %arg4[%get3A_1358, %get3A_1359] {strides = array<i32>} : memref<4x1024xi32, #tpu.memory_space<vmem>>, vector<1x16xi32>,
    %get3A_1361 = vector.shape_cast %get3A_1360 : vector<1x16xi32> to vector<16xi32>
    %swap3A_1362 = arith.constant 12 : i32
    %swap3A_1363 = arith.index_cast %swap3A_1362 : i32 to index
    %swap3A_1364 = arith.constant 80 : index
    %swap3A_1365 = tpu.vector_load %arg5[%swap3A_1363, %swap3A_1364] {strides = array<i32>} : memref<32x128xi32, #tpu.memory_space<vmem>>, vector<1x16xi32>,
    %swap3A_1366 = vector.shape_cast %swap3A_1365 : vector<1x16xi32> to vector<16xi32>
    %swap3A_1367 = vector.shape_cast %get3A_1361 : vector<16xi32> to vector<1x16xi32>
    tpu.vector_store %arg5[%swap3A_1363, %swap3A_1364], %swap3A_1367 {strides = array<i32>} : memref<32x128xi32, #tpu.memory_space<vmem>>, vector<1x16xi32>,
    %get3A_1368 = arith.constant 1 : i32
    %get3A_1369 = arith.index_cast %get3A_1368 : i32 to index
    %get3A_1370 = arith.constant 608 : index
    %get3A_1371 = tpu.vector_load %arg4[%get3A_1369, %get3A_1370] {strides = array<i32>} : memref<4x1024xi32, #tpu.memory_space<vmem>>, vector<1x16xi32>,
    %get3A_1372 = vector.shape_cast %get3A_1371 : vector<1x16xi32> to vector<16xi32>
    %swap3A_1373 = arith.constant 12 : i32
    %swap3A_1374 = arith.index_cast %swap3A_1373 : i32 to index
    %swap3A_1375 = arith.constant 96 : index
    %swap3A_1376 = tpu.vector_load %arg5[%swap3A_1374, %swap3A_1375] {strides = array<i32>} : memref<32x128xi32, #tpu.memory_space<vmem>>, vector<1x16xi32>,
    %swap3A_1377 = vector.shape_cast %swap3A_1376 : vector<1x16xi32> to vector<16xi32>
    %swap3A_1378 = vector.shape_cast %get3A_1372 : vector<16xi32> to vector<1x16xi32>
    tpu.vector_store %arg5[%swap3A_1374, %swap3A_1375], %swap3A_1378 {strides = array<i32>} : memref<32x128xi32, #tpu.memory_space<vmem>>, vector<1x16xi32>,
    %get3A_1379 = arith.constant 1 : i32
    %get3A_1380 = arith.index_cast %get3A_1379 : i32 to index
    %get3A_1381 = arith.constant 624 : index
    %get3A_1382 = tpu.vector_load %arg4[%get3A_1380, %get3A_1381] {strides = array<i32>} : memref<4x1024xi32, #tpu.memory_space<vmem>>, vector<1x16xi32>,
    %get3A_1383 = vector.shape_cast %get3A_1382 : vector<1x16xi32> to vector<16xi32>
    %swap3A_1384 = arith.constant 12 : i32
    %swap3A_1385 = arith.index_cast %swap3A_1384 : i32 to index
    %swap3A_1386 = arith.constant 112 : index
    %swap3A_1387 = tpu.vector_load %arg5[%swap3A_1385, %swap3A_1386] {strides = array<i32>} : memref<32x128xi32, #tpu.memory_space<vmem>>, vector<1x16xi32>,
    %swap3A_1388 = vector.shape_cast %swap3A_1387 : vector<1x16xi32> to vector<16xi32>
    %swap3A_1389 = vector.shape_cast %get3A_1383 : vector<16xi32> to vector<1x16xi32>
    tpu.vector_store %arg5[%swap3A_1385, %swap3A_1386], %swap3A_1389 {strides = array<i32>} : memref<32x128xi32, #tpu.memory_space<vmem>>, vector<1x16xi32>,
    %get3A_1390 = arith.constant 1 : i32
    %get3A_1391 = arith.index_cast %get3A_1390 : i32 to index
    %get3A_1392 = arith.constant 640 : index
    %get3A_1393 = tpu.vector_load %arg4[%get3A_1391, %get3A_1392] {strides = array<i32>} : memref<4x1024xi32, #tpu.memory_space<vmem>>, vector<1x16xi32>,
    %get3A_1394 = vector.shape_cast %get3A_1393 : vector<1x16xi32> to vector<16xi32>
    %swap3A_1395 = arith.constant 13 : i32
    %swap3A_1396 = arith.index_cast %swap3A_1395 : i32 to index
    %swap3A_1397 = arith.constant 0 : index
    %swap3A_1398 = tpu.vector_load %arg5[%swap3A_1396, %swap3A_1397] {strides = array<i32>} : memref<32x128xi32, #tpu.memory_space<vmem>>, vector<1x16xi32>,
    %swap3A_1399 = vector.shape_cast %swap3A_1398 : vector<1x16xi32> to vector<16xi32>
    %swap3A_1400 = vector.shape_cast %get3A_1394 : vector<16xi32> to vector<1x16xi32>
    tpu.vector_store %arg5[%swap3A_1396, %swap3A_1397], %swap3A_1400 {strides = array<i32>} : memref<32x128xi32, #tpu.memory_space<vmem>>, vector<1x16xi32>,
    %get3A_1401 = arith.constant 1 : i32
    %get3A_1402 = arith.index_cast %get3A_1401 : i32 to index
    %get3A_1403 = arith.constant 656 : index
    %get3A_1404 = tpu.vector_load %arg4[%get3A_1402, %get3A_1403] {strides = array<i32>} : memref<4x1024xi32, #tpu.memory_space<vmem>>, vector<1x16xi32>,
    %get3A_1405 = vector.shape_cast %get3A_1404 : vector<1x16xi32> to vector<16xi32>
    %swap3A_1406 = arith.constant 13 : i32
    %swap3A_1407 = arith.index_cast %swap3A_1406 : i32 to index
    %swap3A_1408 = arith.constant 16 : index
    %swap3A_1409 = tpu.vector_load %arg5[%swap3A_1407, %swap3A_1408] {strides = array<i32>} : memref<32x128xi32, #tpu.memory_space<vmem>>, vector<1x16xi32>,
    %swap3A_1410 = vector.shape_cast %swap3A_1409 : vector<1x16xi32> to vector<16xi32>
    %swap3A_1411 = vector.shape_cast %get3A_1405 : vector<16xi32> to vector<1x16xi32>
    tpu.vector_store %arg5[%swap3A_1407, %swap3A_1408], %swap3A_1411 {strides = array<i32>} : memref<32x128xi32, #tpu.memory_space<vmem>>, vector<1x16xi32>,
    %get3A_1412 = arith.constant 1 : i32
    %get3A_1413 = arith.index_cast %get3A_1412 : i32 to index
    %get3A_1414 = arith.constant 672 : index
    %get3A_1415 = tpu.vector_load %arg4[%get3A_1413, %get3A_1414] {strides = array<i32>} : memref<4x1024xi32, #tpu.memory_space<vmem>>, vector<1x16xi32>,
    %get3A_1416 = vector.shape_cast %get3A_1415 : vector<1x16xi32> to vector<16xi32>
    %swap3A_1417 = arith.constant 13 : i32
    %swap3A_1418 = arith.index_cast %swap3A_1417 : i32 to index
    %swap3A_1419 = arith.constant 32 : index
    %swap3A_1420 = tpu.vector_load %arg5[%swap3A_1418, %swap3A_1419] {strides = array<i32>} : memref<32x128xi32, #tpu.memory_space<vmem>>, vector<1x16xi32>,
    %swap3A_1421 = vector.shape_cast %swap3A_1420 : vector<1x16xi32> to vector<16xi32>
    %swap3A_1422 = vector.shape_cast %get3A_1416 : vector<16xi32> to vector<1x16xi32>
    tpu.vector_store %arg5[%swap3A_1418, %swap3A_1419], %swap3A_1422 {strides = array<i32>} : memref<32x128xi32, #tpu.memory_space<vmem>>, vector<1x16xi32>,
    %get3A_1423 = arith.constant 1 : i32
    %get3A_1424 = arith.index_cast %get3A_1423 : i32 to index
    %get3A_1425 = arith.constant 688 : index
    %get3A_1426 = tpu.vector_load %arg4[%get3A_1424, %get3A_1425] {strides = array<i32>} : memref<4x1024xi32, #tpu.memory_space<vmem>>, vector<1x16xi32>,
    %get3A_1427 = vector.shape_cast %get3A_1426 : vector<1x16xi32> to vector<16xi32>
    %swap3A_1428 = arith.constant 13 : i32
    %swap3A_1429 = arith.index_cast %swap3A_1428 : i32 to index
    %swap3A_1430 = arith.constant 48 : index
    %swap3A_1431 = tpu.vector_load %arg5[%swap3A_1429, %swap3A_1430] {strides = array<i32>} : memref<32x128xi32, #tpu.memory_space<vmem>>, vector<1x16xi32>,
    %swap3A_1432 = vector.shape_cast %swap3A_1431 : vector<1x16xi32> to vector<16xi32>
    %swap3A_1433 = vector.shape_cast %get3A_1427 : vector<16xi32> to vector<1x16xi32>
    tpu.vector_store %arg5[%swap3A_1429, %swap3A_1430], %swap3A_1433 {strides = array<i32>} : memref<32x128xi32, #tpu.memory_space<vmem>>, vector<1x16xi32>,
    %get3A_1434 = arith.constant 1 : i32
    %get3A_1435 = arith.index_cast %get3A_1434 : i32 to index
    %get3A_1436 = arith.constant 704 : index
    %get3A_1437 = tpu.vector_load %arg4[%get3A_1435, %get3A_1436] {strides = array<i32>} : memref<4x1024xi32, #tpu.memory_space<vmem>>, vector<1x16xi32>,
    %get3A_1438 = vector.shape_cast %get3A_1437 : vector<1x16xi32> to vector<16xi32>
    %swap3A_1439 = arith.constant 13 : i32
    %swap3A_1440 = arith.index_cast %swap3A_1439 : i32 to index
    %swap3A_1441 = arith.constant 64 : index
    %swap3A_1442 = tpu.vector_load %arg5[%swap3A_1440, %swap3A_1441] {strides = array<i32>} : memref<32x128xi32, #tpu.memory_space<vmem>>, vector<1x16xi32>,
    %swap3A_1443 = vector.shape_cast %swap3A_1442 : vector<1x16xi32> to vector<16xi32>
    %swap3A_1444 = vector.shape_cast %get3A_1438 : vector<16xi32> to vector<1x16xi32>
    tpu.vector_store %arg5[%swap3A_1440, %swap3A_1441], %swap3A_1444 {strides = array<i32>} : memref<32x128xi32, #tpu.memory_space<vmem>>, vector<1x16xi32>,
    %get3A_1445 = arith.constant 1 : i32
    %get3A_1446 = arith.index_cast %get3A_1445 : i32 to index
    %get3A_1447 = arith.constant 720 : index
    %get3A_1448 = tpu.vector_load %arg4[%get3A_1446, %get3A_1447] {strides = array<i32>} : memref<4x1024xi32, #tpu.memory_space<vmem>>, vector<1x16xi32>,
    %get3A_1449 = vector.shape_cast %get3A_1448 : vector<1x16xi32> to vector<16xi32>
    %swap3A_1450 = arith.constant 13 : i32
    %swap3A_1451 = arith.index_cast %swap3A_1450 : i32 to index
    %swap3A_1452 = arith.constant 80 : index
    %swap3A_1453 = tpu.vector_load %arg5[%swap3A_1451, %swap3A_1452] {strides = array<i32>} : memref<32x128xi32, #tpu.memory_space<vmem>>, vector<1x16xi32>,
    %swap3A_1454 = vector.shape_cast %swap3A_1453 : vector<1x16xi32> to vector<16xi32>
    %swap3A_1455 = vector.shape_cast %get3A_1449 : vector<16xi32> to vector<1x16xi32>
    tpu.vector_store %arg5[%swap3A_1451, %swap3A_1452], %swap3A_1455 {strides = array<i32>} : memref<32x128xi32, #tpu.memory_space<vmem>>, vector<1x16xi32>,
    %get3A_1456 = arith.constant 1 : i32
    %get3A_1457 = arith.index_cast %get3A_1456 : i32 to index
    %get3A_1458 = arith.constant 736 : index
    %get3A_1459 = tpu.vector_load %arg4[%get3A_1457, %get3A_1458] {strides = array<i32>} : memref<4x1024xi32, #tpu.memory_space<vmem>>, vector<1x16xi32>,
    %get3A_1460 = vector.shape_cast %get3A_1459 : vector<1x16xi32> to vector<16xi32>
    %swap3A_1461 = arith.constant 13 : i32
    %swap3A_1462 = arith.index_cast %swap3A_1461 : i32 to index
    %swap3A_1463 = arith.constant 96 : index
    %swap3A_1464 = tpu.vector_load %arg5[%swap3A_1462, %swap3A_1463] {strides = array<i32>} : memref<32x128xi32, #tpu.memory_space<vmem>>, vector<1x16xi32>,
    %swap3A_1465 = vector.shape_cast %swap3A_1464 : vector<1x16xi32> to vector<16xi32>
    %swap3A_1466 = vector.shape_cast %get3A_1460 : vector<16xi32> to vector<1x16xi32>
    tpu.vector_store %arg5[%swap3A_1462, %swap3A_1463], %swap3A_1466 {strides = array<i32>} : memref<32x128xi32, #tpu.memory_space<vmem>>, vector<1x16xi32>,
    %get3A_1467 = arith.constant 1 : i32
    %get3A_1468 = arith.index_cast %get3A_1467 : i32 to index
    %get3A_1469 = arith.constant 752 : index
    %get3A_1470 = tpu.vector_load %arg4[%get3A_1468, %get3A_1469] {strides = array<i32>} : memref<4x1024xi32, #tpu.memory_space<vmem>>, vector<1x16xi32>,
    %get3A_1471 = vector.shape_cast %get3A_1470 : vector<1x16xi32> to vector<16xi32>
    %swap3A_1472 = arith.constant 13 : i32
    %swap3A_1473 = arith.index_cast %swap3A_1472 : i32 to index
    %swap3A_1474 = arith.constant 112 : index
    %swap3A_1475 = tpu.vector_load %arg5[%swap3A_1473, %swap3A_1474] {strides = array<i32>} : memref<32x128xi32, #tpu.memory_space<vmem>>, vector<1x16xi32>,
    %swap3A_1476 = vector.shape_cast %swap3A_1475 : vector<1x16xi32> to vector<16xi32>
    %swap3A_1477 = vector.shape_cast %get3A_1471 : vector<16xi32> to vector<1x16xi32>
    tpu.vector_store %arg5[%swap3A_1473, %swap3A_1474], %swap3A_1477 {strides = array<i32>} : memref<32x128xi32, #tpu.memory_space<vmem>>, vector<1x16xi32>,
    %get3A_1478 = arith.constant 1 : i32
    %get3A_1479 = arith.index_cast %get3A_1478 : i32 to index
    %get3A_1480 = arith.constant 768 : index
    %get3A_1481 = tpu.vector_load %arg4[%get3A_1479, %get3A_1480] {strides = array<i32>} : memref<4x1024xi32, #tpu.memory_space<vmem>>, vector<1x16xi32>,
    %get3A_1482 = vector.shape_cast %get3A_1481 : vector<1x16xi32> to vector<16xi32>
    %swap3A_1483 = arith.constant 14 : i32
    %swap3A_1484 = arith.index_cast %swap3A_1483 : i32 to index
    %swap3A_1485 = arith.constant 0 : index
    %swap3A_1486 = tpu.vector_load %arg5[%swap3A_1484, %swap3A_1485] {strides = array<i32>} : memref<32x128xi32, #tpu.memory_space<vmem>>, vector<1x16xi32>,
    %swap3A_1487 = vector.shape_cast %swap3A_1486 : vector<1x16xi32> to vector<16xi32>
    %swap3A_1488 = vector.shape_cast %get3A_1482 : vector<16xi32> to vector<1x16xi32>
    tpu.vector_store %arg5[%swap3A_1484, %swap3A_1485], %swap3A_1488 {strides = array<i32>} : memref<32x128xi32, #tpu.memory_space<vmem>>, vector<1x16xi32>,
    %get3A_1489 = arith.constant 1 : i32
    %get3A_1490 = arith.index_cast %get3A_1489 : i32 to index
    %get3A_1491 = arith.constant 784 : index
    %get3A_1492 = tpu.vector_load %arg4[%get3A_1490, %get3A_1491] {strides = array<i32>} : memref<4x1024xi32, #tpu.memory_space<vmem>>, vector<1x16xi32>,
    %get3A_1493 = vector.shape_cast %get3A_1492 : vector<1x16xi32> to vector<16xi32>
    %swap3A_1494 = arith.constant 14 : i32
    %swap3A_1495 = arith.index_cast %swap3A_1494 : i32 to index
    %swap3A_1496 = arith.constant 16 : index
    %swap3A_1497 = tpu.vector_load %arg5[%swap3A_1495, %swap3A_1496] {strides = array<i32>} : memref<32x128xi32, #tpu.memory_space<vmem>>, vector<1x16xi32>,
    %swap3A_1498 = vector.shape_cast %swap3A_1497 : vector<1x16xi32> to vector<16xi32>
    %swap3A_1499 = vector.shape_cast %get3A_1493 : vector<16xi32> to vector<1x16xi32>
    tpu.vector_store %arg5[%swap3A_1495, %swap3A_1496], %swap3A_1499 {strides = array<i32>} : memref<32x128xi32, #tpu.memory_space<vmem>>, vector<1x16xi32>,
    %get3A_1500 = arith.constant 1 : i32
    %get3A_1501 = arith.index_cast %get3A_1500 : i32 to index
    %get3A_1502 = arith.constant 800 : index
    %get3A_1503 = tpu.vector_load %arg4[%get3A_1501, %get3A_1502] {strides = array<i32>} : memref<4x1024xi32, #tpu.memory_space<vmem>>, vector<1x16xi32>,
    %get3A_1504 = vector.shape_cast %get3A_1503 : vector<1x16xi32> to vector<16xi32>
    %swap3A_1505 = arith.constant 14 : i32
    %swap3A_1506 = arith.index_cast %swap3A_1505 : i32 to index
    %swap3A_1507 = arith.constant 32 : index
    %swap3A_1508 = tpu.vector_load %arg5[%swap3A_1506, %swap3A_1507] {strides = array<i32>} : memref<32x128xi32, #tpu.memory_space<vmem>>, vector<1x16xi32>,
    %swap3A_1509 = vector.shape_cast %swap3A_1508 : vector<1x16xi32> to vector<16xi32>
    %swap3A_1510 = vector.shape_cast %get3A_1504 : vector<16xi32> to vector<1x16xi32>
    tpu.vector_store %arg5[%swap3A_1506, %swap3A_1507], %swap3A_1510 {strides = array<i32>} : memref<32x128xi32, #tpu.memory_space<vmem>>, vector<1x16xi32>,
    %get3A_1511 = arith.constant 1 : i32
    %get3A_1512 = arith.index_cast %get3A_1511 : i32 to index
    %get3A_1513 = arith.constant 816 : index
    %get3A_1514 = tpu.vector_load %arg4[%get3A_1512, %get3A_1513] {strides = array<i32>} : memref<4x1024xi32, #tpu.memory_space<vmem>>, vector<1x16xi32>,
    %get3A_1515 = vector.shape_cast %get3A_1514 : vector<1x16xi32> to vector<16xi32>
    %swap3A_1516 = arith.constant 14 : i32
    %swap3A_1517 = arith.index_cast %swap3A_1516 : i32 to index
    %swap3A_1518 = arith.constant 48 : index
    %swap3A_1519 = tpu.vector_load %arg5[%swap3A_1517, %swap3A_1518] {strides = array<i32>} : memref<32x128xi32, #tpu.memory_space<vmem>>, vector<1x16xi32>,
    %swap3A_1520 = vector.shape_cast %swap3A_1519 : vector<1x16xi32> to vector<16xi32>
    %swap3A_1521 = vector.shape_cast %get3A_1515 : vector<16xi32> to vector<1x16xi32>
    tpu.vector_store %arg5[%swap3A_1517, %swap3A_1518], %swap3A_1521 {strides = array<i32>} : memref<32x128xi32, #tpu.memory_space<vmem>>, vector<1x16xi32>,
    %get3A_1522 = arith.constant 1 : i32
    %get3A_1523 = arith.index_cast %get3A_1522 : i32 to index
    %get3A_1524 = arith.constant 832 : index
    %get3A_1525 = tpu.vector_load %arg4[%get3A_1523, %get3A_1524] {strides = array<i32>} : memref<4x1024xi32, #tpu.memory_space<vmem>>, vector<1x16xi32>,
    %get3A_1526 = vector.shape_cast %get3A_1525 : vector<1x16xi32> to vector<16xi32>
    %swap3A_1527 = arith.constant 14 : i32
    %swap3A_1528 = arith.index_cast %swap3A_1527 : i32 to index
    %swap3A_1529 = arith.constant 64 : index
    %swap3A_1530 = tpu.vector_load %arg5[%swap3A_1528, %swap3A_1529] {strides = array<i32>} : memref<32x128xi32, #tpu.memory_space<vmem>>, vector<1x16xi32>,
    %swap3A_1531 = vector.shape_cast %swap3A_1530 : vector<1x16xi32> to vector<16xi32>
    %swap3A_1532 = vector.shape_cast %get3A_1526 : vector<16xi32> to vector<1x16xi32>
    tpu.vector_store %arg5[%swap3A_1528, %swap3A_1529], %swap3A_1532 {strides = array<i32>} : memref<32x128xi32, #tpu.memory_space<vmem>>, vector<1x16xi32>,
    %get3A_1533 = arith.constant 1 : i32
    %get3A_1534 = arith.index_cast %get3A_1533 : i32 to index
    %get3A_1535 = arith.constant 848 : index
    %get3A_1536 = tpu.vector_load %arg4[%get3A_1534, %get3A_1535] {strides = array<i32>} : memref<4x1024xi32, #tpu.memory_space<vmem>>, vector<1x16xi32>,
    %get3A_1537 = vector.shape_cast %get3A_1536 : vector<1x16xi32> to vector<16xi32>
    %swap3A_1538 = arith.constant 14 : i32
    %swap3A_1539 = arith.index_cast %swap3A_1538 : i32 to index
    %swap3A_1540 = arith.constant 80 : index
    %swap3A_1541 = tpu.vector_load %arg5[%swap3A_1539, %swap3A_1540] {strides = array<i32>} : memref<32x128xi32, #tpu.memory_space<vmem>>, vector<1x16xi32>,
    %swap3A_1542 = vector.shape_cast %swap3A_1541 : vector<1x16xi32> to vector<16xi32>
    %swap3A_1543 = vector.shape_cast %get3A_1537 : vector<16xi32> to vector<1x16xi32>
    tpu.vector_store %arg5[%swap3A_1539, %swap3A_1540], %swap3A_1543 {strides = array<i32>} : memref<32x128xi32, #tpu.memory_space<vmem>>, vector<1x16xi32>,
    %get3A_1544 = arith.constant 1 : i32
    %get3A_1545 = arith.index_cast %get3A_1544 : i32 to index
    %get3A_1546 = arith.constant 864 : index
    %get3A_1547 = tpu.vector_load %arg4[%get3A_1545, %get3A_1546] {strides = array<i32>} : memref<4x1024xi32, #tpu.memory_space<vmem>>, vector<1x16xi32>,
    %get3A_1548 = vector.shape_cast %get3A_1547 : vector<1x16xi32> to vector<16xi32>
    %swap3A_1549 = arith.constant 14 : i32
    %swap3A_1550 = arith.index_cast %swap3A_1549 : i32 to index
    %swap3A_1551 = arith.constant 96 : index
    %swap3A_1552 = tpu.vector_load %arg5[%swap3A_1550, %swap3A_1551] {strides = array<i32>} : memref<32x128xi32, #tpu.memory_space<vmem>>, vector<1x16xi32>,
    %swap3A_1553 = vector.shape_cast %swap3A_1552 : vector<1x16xi32> to vector<16xi32>
    %swap3A_1554 = vector.shape_cast %get3A_1548 : vector<16xi32> to vector<1x16xi32>
    tpu.vector_store %arg5[%swap3A_1550, %swap3A_1551], %swap3A_1554 {strides = array<i32>} : memref<32x128xi32, #tpu.memory_space<vmem>>, vector<1x16xi32>,
    %get3A_1555 = arith.constant 1 : i32
    %get3A_1556 = arith.index_cast %get3A_1555 : i32 to index
    %get3A_1557 = arith.constant 880 : index
    %get3A_1558 = tpu.vector_load %arg4[%get3A_1556, %get3A_1557] {strides = array<i32>} : memref<4x1024xi32, #tpu.memory_space<vmem>>, vector<1x16xi32>,
    %get3A_1559 = vector.shape_cast %get3A_1558 : vector<1x16xi32> to vector<16xi32>
    %swap3A_1560 = arith.constant 14 : i32
    %swap3A_1561 = arith.index_cast %swap3A_1560 : i32 to index
    %swap3A_1562 = arith.constant 112 : index
    %swap3A_1563 = tpu.vector_load %arg5[%swap3A_1561, %swap3A_1562] {strides = array<i32>} : memref<32x128xi32, #tpu.memory_space<vmem>>, vector<1x16xi32>,
    %swap3A_1564 = vector.shape_cast %swap3A_1563 : vector<1x16xi32> to vector<16xi32>
    %swap3A_1565 = vector.shape_cast %get3A_1559 : vector<16xi32> to vector<1x16xi32>
    tpu.vector_store %arg5[%swap3A_1561, %swap3A_1562], %swap3A_1565 {strides = array<i32>} : memref<32x128xi32, #tpu.memory_space<vmem>>, vector<1x16xi32>,
    %get3A_1566 = arith.constant 1 : i32
    %get3A_1567 = arith.index_cast %get3A_1566 : i32 to index
    %get3A_1568 = arith.constant 896 : index
    %get3A_1569 = tpu.vector_load %arg4[%get3A_1567, %get3A_1568] {strides = array<i32>} : memref<4x1024xi32, #tpu.memory_space<vmem>>, vector<1x16xi32>,
    %get3A_1570 = vector.shape_cast %get3A_1569 : vector<1x16xi32> to vector<16xi32>
    %swap3A_1571 = arith.constant 15 : i32
    %swap3A_1572 = arith.index_cast %swap3A_1571 : i32 to index
    %swap3A_1573 = arith.constant 0 : index
    %swap3A_1574 = tpu.vector_load %arg5[%swap3A_1572, %swap3A_1573] {strides = array<i32>} : memref<32x128xi32, #tpu.memory_space<vmem>>, vector<1x16xi32>,
    %swap3A_1575 = vector.shape_cast %swap3A_1574 : vector<1x16xi32> to vector<16xi32>
    %swap3A_1576 = vector.shape_cast %get3A_1570 : vector<16xi32> to vector<1x16xi32>
    tpu.vector_store %arg5[%swap3A_1572, %swap3A_1573], %swap3A_1576 {strides = array<i32>} : memref<32x128xi32, #tpu.memory_space<vmem>>, vector<1x16xi32>,
    %get3A_1577 = arith.constant 1 : i32
    %get3A_1578 = arith.index_cast %get3A_1577 : i32 to index
    %get3A_1579 = arith.constant 912 : index
    %get3A_1580 = tpu.vector_load %arg4[%get3A_1578, %get3A_1579] {strides = array<i32>} : memref<4x1024xi32, #tpu.memory_space<vmem>>, vector<1x16xi32>,
    %get3A_1581 = vector.shape_cast %get3A_1580 : vector<1x16xi32> to vector<16xi32>
    %swap3A_1582 = arith.constant 15 : i32
    %swap3A_1583 = arith.index_cast %swap3A_1582 : i32 to index
    %swap3A_1584 = arith.constant 16 : index
    %swap3A_1585 = tpu.vector_load %arg5[%swap3A_1583, %swap3A_1584] {strides = array<i32>} : memref<32x128xi32, #tpu.memory_space<vmem>>, vector<1x16xi32>,
    %swap3A_1586 = vector.shape_cast %swap3A_1585 : vector<1x16xi32> to vector<16xi32>
    %swap3A_1587 = vector.shape_cast %get3A_1581 : vector<16xi32> to vector<1x16xi32>
    tpu.vector_store %arg5[%swap3A_1583, %swap3A_1584], %swap3A_1587 {strides = array<i32>} : memref<32x128xi32, #tpu.memory_space<vmem>>, vector<1x16xi32>,
    %get3A_1588 = arith.constant 1 : i32
    %get3A_1589 = arith.index_cast %get3A_1588 : i32 to index
    %get3A_1590 = arith.constant 928 : index
    %get3A_1591 = tpu.vector_load %arg4[%get3A_1589, %get3A_1590] {strides = array<i32>} : memref<4x1024xi32, #tpu.memory_space<vmem>>, vector<1x16xi32>,
    %get3A_1592 = vector.shape_cast %get3A_1591 : vector<1x16xi32> to vector<16xi32>
    %swap3A_1593 = arith.constant 15 : i32
    %swap3A_1594 = arith.index_cast %swap3A_1593 : i32 to index
    %swap3A_1595 = arith.constant 32 : index
    %swap3A_1596 = tpu.vector_load %arg5[%swap3A_1594, %swap3A_1595] {strides = array<i32>} : memref<32x128xi32, #tpu.memory_space<vmem>>, vector<1x16xi32>,
    %swap3A_1597 = vector.shape_cast %swap3A_1596 : vector<1x16xi32> to vector<16xi32>
    %swap3A_1598 = vector.shape_cast %get3A_1592 : vector<16xi32> to vector<1x16xi32>
    tpu.vector_store %arg5[%swap3A_1594, %swap3A_1595], %swap3A_1598 {strides = array<i32>} : memref<32x128xi32, #tpu.memory_space<vmem>>, vector<1x16xi32>,
    %get3A_1599 = arith.constant 1 : i32
    %get3A_1600 = arith.index_cast %get3A_1599 : i32 to index
    %get3A_1601 = arith.constant 944 : index
    %get3A_1602 = tpu.vector_load %arg4[%get3A_1600, %get3A_1601] {strides = array<i32>} : memref<4x1024xi32, #tpu.memory_space<vmem>>, vector<1x16xi32>,
    %get3A_1603 = vector.shape_cast %get3A_1602 : vector<1x16xi32> to vector<16xi32>
    %swap3A_1604 = arith.constant 15 : i32
    %swap3A_1605 = arith.index_cast %swap3A_1604 : i32 to index
    %swap3A_1606 = arith.constant 48 : index
    %swap3A_1607 = tpu.vector_load %arg5[%swap3A_1605, %swap3A_1606] {strides = array<i32>} : memref<32x128xi32, #tpu.memory_space<vmem>>, vector<1x16xi32>,
    %swap3A_1608 = vector.shape_cast %swap3A_1607 : vector<1x16xi32> to vector<16xi32>
    %swap3A_1609 = vector.shape_cast %get3A_1603 : vector<16xi32> to vector<1x16xi32>
    tpu.vector_store %arg5[%swap3A_1605, %swap3A_1606], %swap3A_1609 {strides = array<i32>} : memref<32x128xi32, #tpu.memory_space<vmem>>, vector<1x16xi32>,
    %get3A_1610 = arith.constant 1 : i32
    %get3A_1611 = arith.index_cast %get3A_1610 : i32 to index
    %get3A_1612 = arith.constant 960 : index
    %get3A_1613 = tpu.vector_load %arg4[%get3A_1611, %get3A_1612] {strides = array<i32>} : memref<4x1024xi32, #tpu.memory_space<vmem>>, vector<1x16xi32>,
    %get3A_1614 = vector.shape_cast %get3A_1613 : vector<1x16xi32> to vector<16xi32>
    %swap3A_1615 = arith.constant 15 : i32
    %swap3A_1616 = arith.index_cast %swap3A_1615 : i32 to index
    %swap3A_1617 = arith.constant 64 : index
    %swap3A_1618 = tpu.vector_load %arg5[%swap3A_1616, %swap3A_1617] {strides = array<i32>} : memref<32x128xi32, #tpu.memory_space<vmem>>, vector<1x16xi32>,
    %swap3A_1619 = vector.shape_cast %swap3A_1618 : vector<1x16xi32> to vector<16xi32>
    %swap3A_1620 = vector.shape_cast %get3A_1614 : vector<16xi32> to vector<1x16xi32>
    tpu.vector_store %arg5[%swap3A_1616, %swap3A_1617], %swap3A_1620 {strides = array<i32>} : memref<32x128xi32, #tpu.memory_space<vmem>>, vector<1x16xi32>,
    %get3A_1621 = arith.constant 1 : i32
    %get3A_1622 = arith.index_cast %get3A_1621 : i32 to index
    %get3A_1623 = arith.constant 976 : index
    %get3A_1624 = tpu.vector_load %arg4[%get3A_1622, %get3A_1623] {strides = array<i32>} : memref<4x1024xi32, #tpu.memory_space<vmem>>, vector<1x16xi32>,
    %get3A_1625 = vector.shape_cast %get3A_1624 : vector<1x16xi32> to vector<16xi32>
    %swap3A_1626 = arith.constant 15 : i32
    %swap3A_1627 = arith.index_cast %swap3A_1626 : i32 to index
    %swap3A_1628 = arith.constant 80 : index
    %swap3A_1629 = tpu.vector_load %arg5[%swap3A_1627, %swap3A_1628] {strides = array<i32>} : memref<32x128xi32, #tpu.memory_space<vmem>>, vector<1x16xi32>,
    %swap3A_1630 = vector.shape_cast %swap3A_1629 : vector<1x16xi32> to vector<16xi32>
    %swap3A_1631 = vector.shape_cast %get3A_1625 : vector<16xi32> to vector<1x16xi32>
    tpu.vector_store %arg5[%swap3A_1627, %swap3A_1628], %swap3A_1631 {strides = array<i32>} : memref<32x128xi32, #tpu.memory_space<vmem>>, vector<1x16xi32>,
    %get3A_1632 = arith.constant 1 : i32
    %get3A_1633 = arith.index_cast %get3A_1632 : i32 to index
    %get3A_1634 = arith.constant 992 : index
    %get3A_1635 = tpu.vector_load %arg4[%get3A_1633, %get3A_1634] {strides = array<i32>} : memref<4x1024xi32, #tpu.memory_space<vmem>>, vector<1x16xi32>,
    %get3A_1636 = vector.shape_cast %get3A_1635 : vector<1x16xi32> to vector<16xi32>
    %swap3A_1637 = arith.constant 15 : i32
    %swap3A_1638 = arith.index_cast %swap3A_1637 : i32 to index
    %swap3A_1639 = arith.constant 96 : index
    %swap3A_1640 = tpu.vector_load %arg5[%swap3A_1638, %swap3A_1639] {strides = array<i32>} : memref<32x128xi32, #tpu.memory_space<vmem>>, vector<1x16xi32>,
    %swap3A_1641 = vector.shape_cast %swap3A_1640 : vector<1x16xi32> to vector<16xi32>
    %swap3A_1642 = vector.shape_cast %get3A_1636 : vector<16xi32> to vector<1x16xi32>
    tpu.vector_store %arg5[%swap3A_1638, %swap3A_1639], %swap3A_1642 {strides = array<i32>} : memref<32x128xi32, #tpu.memory_space<vmem>>, vector<1x16xi32>,
    %get3A_1643 = arith.constant 1 : i32
    %get3A_1644 = arith.index_cast %get3A_1643 : i32 to index
    %get3A_1645 = arith.constant 1008 : index
    %get3A_1646 = tpu.vector_load %arg4[%get3A_1644, %get3A_1645] {strides = array<i32>} : memref<4x1024xi32, #tpu.memory_space<vmem>>, vector<1x16xi32>,
    %get3A_1647 = vector.shape_cast %get3A_1646 : vector<1x16xi32> to vector<16xi32>
    %swap3A_1648 = arith.constant 15 : i32
    %swap3A_1649 = arith.index_cast %swap3A_1648 : i32 to index
    %swap3A_1650 = arith.constant 112 : index
    %swap3A_1651 = tpu.vector_load %arg5[%swap3A_1649, %swap3A_1650] {strides = array<i32>} : memref<32x128xi32, #tpu.memory_space<vmem>>, vector<1x16xi32>,
    %swap3A_1652 = vector.shape_cast %swap3A_1651 : vector<1x16xi32> to vector<16xi32>
    %swap3A_1653 = vector.shape_cast %get3A_1647 : vector<16xi32> to vector<1x16xi32>
    tpu.vector_store %arg5[%swap3A_1649, %swap3A_1650], %swap3A_1653 {strides = array<i32>} : memref<32x128xi32, #tpu.memory_space<vmem>>, vector<1x16xi32>,
    %get3A_1654 = arith.constant 2 : i32
    %get3A_1655 = arith.index_cast %get3A_1654 : i32 to index
    %get3A_1656 = arith.constant 0 : index
    %get3A_1657 = tpu.vector_load %arg4[%get3A_1655, %get3A_1656] {strides = array<i32>} : memref<4x1024xi32, #tpu.memory_space<vmem>>, vector<1x16xi32>,
    %get3A_1658 = vector.shape_cast %get3A_1657 : vector<1x16xi32> to vector<16xi32>
    %swap3A_1659 = arith.constant 16 : i32
    %swap3A_1660 = arith.index_cast %swap3A_1659 : i32 to index
    %swap3A_1661 = arith.constant 0 : index
    %swap3A_1662 = tpu.vector_load %arg5[%swap3A_1660, %swap3A_1661] {strides = array<i32>} : memref<32x128xi32, #tpu.memory_space<vmem>>, vector<1x16xi32>,
    %swap3A_1663 = vector.shape_cast %swap3A_1662 : vector<1x16xi32> to vector<16xi32>
    %swap3A_1664 = vector.shape_cast %get3A_1658 : vector<16xi32> to vector<1x16xi32>
    tpu.vector_store %arg5[%swap3A_1660, %swap3A_1661], %swap3A_1664 {strides = array<i32>} : memref<32x128xi32, #tpu.memory_space<vmem>>, vector<1x16xi32>,
    %get3A_1665 = arith.constant 2 : i32
    %get3A_1666 = arith.index_cast %get3A_1665 : i32 to index
    %get3A_1667 = arith.constant 16 : index
    %get3A_1668 = tpu.vector_load %arg4[%get3A_1666, %get3A_1667] {strides = array<i32>} : memref<4x1024xi32, #tpu.memory_space<vmem>>, vector<1x16xi32>,
    %get3A_1669 = vector.shape_cast %get3A_1668 : vector<1x16xi32> to vector<16xi32>
    %swap3A_1670 = arith.constant 16 : i32
    %swap3A_1671 = arith.index_cast %swap3A_1670 : i32 to index
    %swap3A_1672 = arith.constant 16 : index
    %swap3A_1673 = tpu.vector_load %arg5[%swap3A_1671, %swap3A_1672] {strides = array<i32>} : memref<32x128xi32, #tpu.memory_space<vmem>>, vector<1x16xi32>,
    %swap3A_1674 = vector.shape_cast %swap3A_1673 : vector<1x16xi32> to vector<16xi32>
    %swap3A_1675 = vector.shape_cast %get3A_1669 : vector<16xi32> to vector<1x16xi32>
    tpu.vector_store %arg5[%swap3A_1671, %swap3A_1672], %swap3A_1675 {strides = array<i32>} : memref<32x128xi32, #tpu.memory_space<vmem>>, vector<1x16xi32>,
    %get3A_1676 = arith.constant 2 : i32
    %get3A_1677 = arith.index_cast %get3A_1676 : i32 to index
    %get3A_1678 = arith.constant 32 : index
    %get3A_1679 = tpu.vector_load %arg4[%get3A_1677, %get3A_1678] {strides = array<i32>} : memref<4x1024xi32, #tpu.memory_space<vmem>>, vector<1x16xi32>,
    %get3A_1680 = vector.shape_cast %get3A_1679 : vector<1x16xi32> to vector<16xi32>
    %swap3A_1681 = arith.constant 16 : i32
    %swap3A_1682 = arith.index_cast %swap3A_1681 : i32 to index
    %swap3A_1683 = arith.constant 32 : index
    %swap3A_1684 = tpu.vector_load %arg5[%swap3A_1682, %swap3A_1683] {strides = array<i32>} : memref<32x128xi32, #tpu.memory_space<vmem>>, vector<1x16xi32>,
    %swap3A_1685 = vector.shape_cast %swap3A_1684 : vector<1x16xi32> to vector<16xi32>
    %swap3A_1686 = vector.shape_cast %get3A_1680 : vector<16xi32> to vector<1x16xi32>
    tpu.vector_store %arg5[%swap3A_1682, %swap3A_1683], %swap3A_1686 {strides = array<i32>} : memref<32x128xi32, #tpu.memory_space<vmem>>, vector<1x16xi32>,
    %get3A_1687 = arith.constant 2 : i32
    %get3A_1688 = arith.index_cast %get3A_1687 : i32 to index
    %get3A_1689 = arith.constant 48 : index
    %get3A_1690 = tpu.vector_load %arg4[%get3A_1688, %get3A_1689] {strides = array<i32>} : memref<4x1024xi32, #tpu.memory_space<vmem>>, vector<1x16xi32>,
    %get3A_1691 = vector.shape_cast %get3A_1690 : vector<1x16xi32> to vector<16xi32>
    %swap3A_1692 = arith.constant 16 : i32
    %swap3A_1693 = arith.index_cast %swap3A_1692 : i32 to index
    %swap3A_1694 = arith.constant 48 : index
    %swap3A_1695 = tpu.vector_load %arg5[%swap3A_1693, %swap3A_1694] {strides = array<i32>} : memref<32x128xi32, #tpu.memory_space<vmem>>, vector<1x16xi32>,
    %swap3A_1696 = vector.shape_cast %swap3A_1695 : vector<1x16xi32> to vector<16xi32>
    %swap3A_1697 = vector.shape_cast %get3A_1691 : vector<16xi32> to vector<1x16xi32>
    tpu.vector_store %arg5[%swap3A_1693, %swap3A_1694], %swap3A_1697 {strides = array<i32>} : memref<32x128xi32, #tpu.memory_space<vmem>>, vector<1x16xi32>,
    %get3A_1698 = arith.constant 2 : i32
    %get3A_1699 = arith.index_cast %get3A_1698 : i32 to index
    %get3A_1700 = arith.constant 64 : index
    %get3A_1701 = tpu.vector_load %arg4[%get3A_1699, %get3A_1700] {strides = array<i32>} : memref<4x1024xi32, #tpu.memory_space<vmem>>, vector<1x16xi32>,
    %get3A_1702 = vector.shape_cast %get3A_1701 : vector<1x16xi32> to vector<16xi32>
    %swap3A_1703 = arith.constant 16 : i32
    %swap3A_1704 = arith.index_cast %swap3A_1703 : i32 to index
    %swap3A_1705 = arith.constant 64 : index
    %swap3A_1706 = tpu.vector_load %arg5[%swap3A_1704, %swap3A_1705] {strides = array<i32>} : memref<32x128xi32, #tpu.memory_space<vmem>>, vector<1x16xi32>,
    %swap3A_1707 = vector.shape_cast %swap3A_1706 : vector<1x16xi32> to vector<16xi32>
    %swap3A_1708 = vector.shape_cast %get3A_1702 : vector<16xi32> to vector<1x16xi32>
    tpu.vector_store %arg5[%swap3A_1704, %swap3A_1705], %swap3A_1708 {strides = array<i32>} : memref<32x128xi32, #tpu.memory_space<vmem>>, vector<1x16xi32>,
    %get3A_1709 = arith.constant 2 : i32
    %get3A_1710 = arith.index_cast %get3A_1709 : i32 to index
    %get3A_1711 = arith.constant 80 : index
    %get3A_1712 = tpu.vector_load %arg4[%get3A_1710, %get3A_1711] {strides = array<i32>} : memref<4x1024xi32, #tpu.memory_space<vmem>>, vector<1x16xi32>,
    %get3A_1713 = vector.shape_cast %get3A_1712 : vector<1x16xi32> to vector<16xi32>
    %swap3A_1714 = arith.constant 16 : i32
    %swap3A_1715 = arith.index_cast %swap3A_1714 : i32 to index
    %swap3A_1716 = arith.constant 80 : index
    %swap3A_1717 = tpu.vector_load %arg5[%swap3A_1715, %swap3A_1716] {strides = array<i32>} : memref<32x128xi32, #tpu.memory_space<vmem>>, vector<1x16xi32>,
    %swap3A_1718 = vector.shape_cast %swap3A_1717 : vector<1x16xi32> to vector<16xi32>
    %swap3A_1719 = vector.shape_cast %get3A_1713 : vector<16xi32> to vector<1x16xi32>
    tpu.vector_store %arg5[%swap3A_1715, %swap3A_1716], %swap3A_1719 {strides = array<i32>} : memref<32x128xi32, #tpu.memory_space<vmem>>, vector<1x16xi32>,
    %get3A_1720 = arith.constant 2 : i32
    %get3A_1721 = arith.index_cast %get3A_1720 : i32 to index
    %get3A_1722 = arith.constant 96 : index
    %get3A_1723 = tpu.vector_load %arg4[%get3A_1721, %get3A_1722] {strides = array<i32>} : memref<4x1024xi32, #tpu.memory_space<vmem>>, vector<1x16xi32>,
    %get3A_1724 = vector.shape_cast %get3A_1723 : vector<1x16xi32> to vector<16xi32>
    %swap3A_1725 = arith.constant 16 : i32
    %swap3A_1726 = arith.index_cast %swap3A_1725 : i32 to index
    %swap3A_1727 = arith.constant 96 : index
    %swap3A_1728 = tpu.vector_load %arg5[%swap3A_1726, %swap3A_1727] {strides = array<i32>} : memref<32x128xi32, #tpu.memory_space<vmem>>, vector<1x16xi32>,
    %swap3A_1729 = vector.shape_cast %swap3A_1728 : vector<1x16xi32> to vector<16xi32>
    %swap3A_1730 = vector.shape_cast %get3A_1724 : vector<16xi32> to vector<1x16xi32>
    tpu.vector_store %arg5[%swap3A_1726, %swap3A_1727], %swap3A_1730 {strides = array<i32>} : memref<32x128xi32, #tpu.memory_space<vmem>>, vector<1x16xi32>,
    %get3A_1731 = arith.constant 2 : i32
    %get3A_1732 = arith.index_cast %get3A_1731 : i32 to index
    %get3A_1733 = arith.constant 112 : index
    %get3A_1734 = tpu.vector_load %arg4[%get3A_1732, %get3A_1733] {strides = array<i32>} : memref<4x1024xi32, #tpu.memory_space<vmem>>, vector<1x16xi32>,
    %get3A_1735 = vector.shape_cast %get3A_1734 : vector<1x16xi32> to vector<16xi32>
    %swap3A_1736 = arith.constant 16 : i32
    %swap3A_1737 = arith.index_cast %swap3A_1736 : i32 to index
    %swap3A_1738 = arith.constant 112 : index
    %swap3A_1739 = tpu.vector_load %arg5[%swap3A_1737, %swap3A_1738] {strides = array<i32>} : memref<32x128xi32, #tpu.memory_space<vmem>>, vector<1x16xi32>,
    %swap3A_1740 = vector.shape_cast %swap3A_1739 : vector<1x16xi32> to vector<16xi32>
    %swap3A_1741 = vector.shape_cast %get3A_1735 : vector<16xi32> to vector<1x16xi32>
    tpu.vector_store %arg5[%swap3A_1737, %swap3A_1738], %swap3A_1741 {strides = array<i32>} : memref<32x128xi32, #tpu.memory_space<vmem>>, vector<1x16xi32>,
    %get3A_1742 = arith.constant 2 : i32
    %get3A_1743 = arith.index_cast %get3A_1742 : i32 to index
    %get3A_1744 = arith.constant 128 : index
    %get3A_1745 = tpu.vector_load %arg4[%get3A_1743, %get3A_1744] {strides = array<i32>} : memref<4x1024xi32, #tpu.memory_space<vmem>>, vector<1x16xi32>,
    %get3A_1746 = vector.shape_cast %get3A_1745 : vector<1x16xi32> to vector<16xi32>
    %swap3A_1747 = arith.constant 17 : i32
    %swap3A_1748 = arith.index_cast %swap3A_1747 : i32 to index
    %swap3A_1749 = arith.constant 0 : index
    %swap3A_1750 = tpu.vector_load %arg5[%swap3A_1748, %swap3A_1749] {strides = array<i32>} : memref<32x128xi32, #tpu.memory_space<vmem>>, vector<1x16xi32>,
    %swap3A_1751 = vector.shape_cast %swap3A_1750 : vector<1x16xi32> to vector<16xi32>
    %swap3A_1752 = vector.shape_cast %get3A_1746 : vector<16xi32> to vector<1x16xi32>
    tpu.vector_store %arg5[%swap3A_1748, %swap3A_1749], %swap3A_1752 {strides = array<i32>} : memref<32x128xi32, #tpu.memory_space<vmem>>, vector<1x16xi32>,
    %get3A_1753 = arith.constant 2 : i32
    %get3A_1754 = arith.index_cast %get3A_1753 : i32 to index
    %get3A_1755 = arith.constant 144 : index
    %get3A_1756 = tpu.vector_load %arg4[%get3A_1754, %get3A_1755] {strides = array<i32>} : memref<4x1024xi32, #tpu.memory_space<vmem>>, vector<1x16xi32>,
    %get3A_1757 = vector.shape_cast %get3A_1756 : vector<1x16xi32> to vector<16xi32>
    %swap3A_1758 = arith.constant 17 : i32
    %swap3A_1759 = arith.index_cast %swap3A_1758 : i32 to index
    %swap3A_1760 = arith.constant 16 : index
    %swap3A_1761 = tpu.vector_load %arg5[%swap3A_1759, %swap3A_1760] {strides = array<i32>} : memref<32x128xi32, #tpu.memory_space<vmem>>, vector<1x16xi32>,
    %swap3A_1762 = vector.shape_cast %swap3A_1761 : vector<1x16xi32> to vector<16xi32>
    %swap3A_1763 = vector.shape_cast %get3A_1757 : vector<16xi32> to vector<1x16xi32>
    tpu.vector_store %arg5[%swap3A_1759, %swap3A_1760], %swap3A_1763 {strides = array<i32>} : memref<32x128xi32, #tpu.memory_space<vmem>>, vector<1x16xi32>,
    %get3A_1764 = arith.constant 2 : i32
    %get3A_1765 = arith.index_cast %get3A_1764 : i32 to index
    %get3A_1766 = arith.constant 160 : index
    %get3A_1767 = tpu.vector_load %arg4[%get3A_1765, %get3A_1766] {strides = array<i32>} : memref<4x1024xi32, #tpu.memory_space<vmem>>, vector<1x16xi32>,
    %get3A_1768 = vector.shape_cast %get3A_1767 : vector<1x16xi32> to vector<16xi32>
    %swap3A_1769 = arith.constant 17 : i32
    %swap3A_1770 = arith.index_cast %swap3A_1769 : i32 to index
    %swap3A_1771 = arith.constant 32 : index
    %swap3A_1772 = tpu.vector_load %arg5[%swap3A_1770, %swap3A_1771] {strides = array<i32>} : memref<32x128xi32, #tpu.memory_space<vmem>>, vector<1x16xi32>,
    %swap3A_1773 = vector.shape_cast %swap3A_1772 : vector<1x16xi32> to vector<16xi32>
    %swap3A_1774 = vector.shape_cast %get3A_1768 : vector<16xi32> to vector<1x16xi32>
    tpu.vector_store %arg5[%swap3A_1770, %swap3A_1771], %swap3A_1774 {strides = array<i32>} : memref<32x128xi32, #tpu.memory_space<vmem>>, vector<1x16xi32>,
    %get3A_1775 = arith.constant 2 : i32
    %get3A_1776 = arith.index_cast %get3A_1775 : i32 to index
    %get3A_1777 = arith.constant 176 : index
    %get3A_1778 = tpu.vector_load %arg4[%get3A_1776, %get3A_1777] {strides = array<i32>} : memref<4x1024xi32, #tpu.memory_space<vmem>>, vector<1x16xi32>,
    %get3A_1779 = vector.shape_cast %get3A_1778 : vector<1x16xi32> to vector<16xi32>
    %swap3A_1780 = arith.constant 17 : i32
    %swap3A_1781 = arith.index_cast %swap3A_1780 : i32 to index
    %swap3A_1782 = arith.constant 48 : index
    %swap3A_1783 = tpu.vector_load %arg5[%swap3A_1781, %swap3A_1782] {strides = array<i32>} : memref<32x128xi32, #tpu.memory_space<vmem>>, vector<1x16xi32>,
    %swap3A_1784 = vector.shape_cast %swap3A_1783 : vector<1x16xi32> to vector<16xi32>
    %swap3A_1785 = vector.shape_cast %get3A_1779 : vector<16xi32> to vector<1x16xi32>
    tpu.vector_store %arg5[%swap3A_1781, %swap3A_1782], %swap3A_1785 {strides = array<i32>} : memref<32x128xi32, #tpu.memory_space<vmem>>, vector<1x16xi32>,
    %get3A_1786 = arith.constant 2 : i32
    %get3A_1787 = arith.index_cast %get3A_1786 : i32 to index
    %get3A_1788 = arith.constant 192 : index
    %get3A_1789 = tpu.vector_load %arg4[%get3A_1787, %get3A_1788] {strides = array<i32>} : memref<4x1024xi32, #tpu.memory_space<vmem>>, vector<1x16xi32>,
    %get3A_1790 = vector.shape_cast %get3A_1789 : vector<1x16xi32> to vector<16xi32>
    %swap3A_1791 = arith.constant 17 : i32
    %swap3A_1792 = arith.index_cast %swap3A_1791 : i32 to index
    %swap3A_1793 = arith.constant 64 : index
    %swap3A_1794 = tpu.vector_load %arg5[%swap3A_1792, %swap3A_1793] {strides = array<i32>} : memref<32x128xi32, #tpu.memory_space<vmem>>, vector<1x16xi32>,
    %swap3A_1795 = vector.shape_cast %swap3A_1794 : vector<1x16xi32> to vector<16xi32>
    %swap3A_1796 = vector.shape_cast %get3A_1790 : vector<16xi32> to vector<1x16xi32>
    tpu.vector_store %arg5[%swap3A_1792, %swap3A_1793], %swap3A_1796 {strides = array<i32>} : memref<32x128xi32, #tpu.memory_space<vmem>>, vector<1x16xi32>,
    %get3A_1797 = arith.constant 2 : i32
    %get3A_1798 = arith.index_cast %get3A_1797 : i32 to index
    %get3A_1799 = arith.constant 208 : index
    %get3A_1800 = tpu.vector_load %arg4[%get3A_1798, %get3A_1799] {strides = array<i32>} : memref<4x1024xi32, #tpu.memory_space<vmem>>, vector<1x16xi32>,
    %get3A_1801 = vector.shape_cast %get3A_1800 : vector<1x16xi32> to vector<16xi32>
    %swap3A_1802 = arith.constant 17 : i32
    %swap3A_1803 = arith.index_cast %swap3A_1802 : i32 to index
    %swap3A_1804 = arith.constant 80 : index
    %swap3A_1805 = tpu.vector_load %arg5[%swap3A_1803, %swap3A_1804] {strides = array<i32>} : memref<32x128xi32, #tpu.memory_space<vmem>>, vector<1x16xi32>,
    %swap3A_1806 = vector.shape_cast %swap3A_1805 : vector<1x16xi32> to vector<16xi32>
    %swap3A_1807 = vector.shape_cast %get3A_1801 : vector<16xi32> to vector<1x16xi32>
    tpu.vector_store %arg5[%swap3A_1803, %swap3A_1804], %swap3A_1807 {strides = array<i32>} : memref<32x128xi32, #tpu.memory_space<vmem>>, vector<1x16xi32>,
    %get3A_1808 = arith.constant 2 : i32
    %get3A_1809 = arith.index_cast %get3A_1808 : i32 to index
    %get3A_1810 = arith.constant 224 : index
    %get3A_1811 = tpu.vector_load %arg4[%get3A_1809, %get3A_1810] {strides = array<i32>} : memref<4x1024xi32, #tpu.memory_space<vmem>>, vector<1x16xi32>,
    %get3A_1812 = vector.shape_cast %get3A_1811 : vector<1x16xi32> to vector<16xi32>
    %swap3A_1813 = arith.constant 17 : i32
    %swap3A_1814 = arith.index_cast %swap3A_1813 : i32 to index
    %swap3A_1815 = arith.constant 96 : index
    %swap3A_1816 = tpu.vector_load %arg5[%swap3A_1814, %swap3A_1815] {strides = array<i32>} : memref<32x128xi32, #tpu.memory_space<vmem>>, vector<1x16xi32>,
    %swap3A_1817 = vector.shape_cast %swap3A_1816 : vector<1x16xi32> to vector<16xi32>
    %swap3A_1818 = vector.shape_cast %get3A_1812 : vector<16xi32> to vector<1x16xi32>
    tpu.vector_store %arg5[%swap3A_1814, %swap3A_1815], %swap3A_1818 {strides = array<i32>} : memref<32x128xi32, #tpu.memory_space<vmem>>, vector<1x16xi32>,
    %get3A_1819 = arith.constant 2 : i32
    %get3A_1820 = arith.index_cast %get3A_1819 : i32 to index
    %get3A_1821 = arith.constant 240 : index
    %get3A_1822 = tpu.vector_load %arg4[%get3A_1820, %get3A_1821] {strides = array<i32>} : memref<4x1024xi32, #tpu.memory_space<vmem>>, vector<1x16xi32>,
    %get3A_1823 = vector.shape_cast %get3A_1822 : vector<1x16xi32> to vector<16xi32>
    %swap3A_1824 = arith.constant 17 : i32
    %swap3A_1825 = arith.index_cast %swap3A_1824 : i32 to index
    %swap3A_1826 = arith.constant 112 : index
    %swap3A_1827 = tpu.vector_load %arg5[%swap3A_1825, %swap3A_1826] {strides = array<i32>} : memref<32x128xi32, #tpu.memory_space<vmem>>, vector<1x16xi32>,
    %swap3A_1828 = vector.shape_cast %swap3A_1827 : vector<1x16xi32> to vector<16xi32>
    %swap3A_1829 = vector.shape_cast %get3A_1823 : vector<16xi32> to vector<1x16xi32>
    tpu.vector_store %arg5[%swap3A_1825, %swap3A_1826], %swap3A_1829 {strides = array<i32>} : memref<32x128xi32, #tpu.memory_space<vmem>>, vector<1x16xi32>,
    %get3A_1830 = arith.constant 2 : i32
    %get3A_1831 = arith.index_cast %get3A_1830 : i32 to index
    %get3A_1832 = arith.constant 256 : index
    %get3A_1833 = tpu.vector_load %arg4[%get3A_1831, %get3A_1832] {strides = array<i32>} : memref<4x1024xi32, #tpu.memory_space<vmem>>, vector<1x16xi32>,
    %get3A_1834 = vector.shape_cast %get3A_1833 : vector<1x16xi32> to vector<16xi32>
    %swap3A_1835 = arith.constant 18 : i32
    %swap3A_1836 = arith.index_cast %swap3A_1835 : i32 to index
    %swap3A_1837 = arith.constant 0 : index
    %swap3A_1838 = tpu.vector_load %arg5[%swap3A_1836, %swap3A_1837] {strides = array<i32>} : memref<32x128xi32, #tpu.memory_space<vmem>>, vector<1x16xi32>,
    %swap3A_1839 = vector.shape_cast %swap3A_1838 : vector<1x16xi32> to vector<16xi32>
    %swap3A_1840 = vector.shape_cast %get3A_1834 : vector<16xi32> to vector<1x16xi32>
    tpu.vector_store %arg5[%swap3A_1836, %swap3A_1837], %swap3A_1840 {strides = array<i32>} : memref<32x128xi32, #tpu.memory_space<vmem>>, vector<1x16xi32>,
    %get3A_1841 = arith.constant 2 : i32
    %get3A_1842 = arith.index_cast %get3A_1841 : i32 to index
    %get3A_1843 = arith.constant 272 : index
    %get3A_1844 = tpu.vector_load %arg4[%get3A_1842, %get3A_1843] {strides = array<i32>} : memref<4x1024xi32, #tpu.memory_space<vmem>>, vector<1x16xi32>,
    %get3A_1845 = vector.shape_cast %get3A_1844 : vector<1x16xi32> to vector<16xi32>
    %swap3A_1846 = arith.constant 18 : i32
    %swap3A_1847 = arith.index_cast %swap3A_1846 : i32 to index
    %swap3A_1848 = arith.constant 16 : index
    %swap3A_1849 = tpu.vector_load %arg5[%swap3A_1847, %swap3A_1848] {strides = array<i32>} : memref<32x128xi32, #tpu.memory_space<vmem>>, vector<1x16xi32>,
    %swap3A_1850 = vector.shape_cast %swap3A_1849 : vector<1x16xi32> to vector<16xi32>
    %swap3A_1851 = vector.shape_cast %get3A_1845 : vector<16xi32> to vector<1x16xi32>
    tpu.vector_store %arg5[%swap3A_1847, %swap3A_1848], %swap3A_1851 {strides = array<i32>} : memref<32x128xi32, #tpu.memory_space<vmem>>, vector<1x16xi32>,
    %get3A_1852 = arith.constant 2 : i32
    %get3A_1853 = arith.index_cast %get3A_1852 : i32 to index
    %get3A_1854 = arith.constant 288 : index
    %get3A_1855 = tpu.vector_load %arg4[%get3A_1853, %get3A_1854] {strides = array<i32>} : memref<4x1024xi32, #tpu.memory_space<vmem>>, vector<1x16xi32>,
    %get3A_1856 = vector.shape_cast %get3A_1855 : vector<1x16xi32> to vector<16xi32>
    %swap3A_1857 = arith.constant 18 : i32
    %swap3A_1858 = arith.index_cast %swap3A_1857 : i32 to index
    %swap3A_1859 = arith.constant 32 : index
    %swap3A_1860 = tpu.vector_load %arg5[%swap3A_1858, %swap3A_1859] {strides = array<i32>} : memref<32x128xi32, #tpu.memory_space<vmem>>, vector<1x16xi32>,
    %swap3A_1861 = vector.shape_cast %swap3A_1860 : vector<1x16xi32> to vector<16xi32>
    %swap3A_1862 = vector.shape_cast %get3A_1856 : vector<16xi32> to vector<1x16xi32>
    tpu.vector_store %arg5[%swap3A_1858, %swap3A_1859], %swap3A_1862 {strides = array<i32>} : memref<32x128xi32, #tpu.memory_space<vmem>>, vector<1x16xi32>,
    %get3A_1863 = arith.constant 2 : i32
    %get3A_1864 = arith.index_cast %get3A_1863 : i32 to index
    %get3A_1865 = arith.constant 304 : index
    %get3A_1866 = tpu.vector_load %arg4[%get3A_1864, %get3A_1865] {strides = array<i32>} : memref<4x1024xi32, #tpu.memory_space<vmem>>, vector<1x16xi32>,
    %get3A_1867 = vector.shape_cast %get3A_1866 : vector<1x16xi32> to vector<16xi32>
    %swap3A_1868 = arith.constant 18 : i32
    %swap3A_1869 = arith.index_cast %swap3A_1868 : i32 to index
    %swap3A_1870 = arith.constant 48 : index
    %swap3A_1871 = tpu.vector_load %arg5[%swap3A_1869, %swap3A_1870] {strides = array<i32>} : memref<32x128xi32, #tpu.memory_space<vmem>>, vector<1x16xi32>,
    %swap3A_1872 = vector.shape_cast %swap3A_1871 : vector<1x16xi32> to vector<16xi32>
    %swap3A_1873 = vector.shape_cast %get3A_1867 : vector<16xi32> to vector<1x16xi32>
    tpu.vector_store %arg5[%swap3A_1869, %swap3A_1870], %swap3A_1873 {strides = array<i32>} : memref<32x128xi32, #tpu.memory_space<vmem>>, vector<1x16xi32>,
    %get3A_1874 = arith.constant 2 : i32
    %get3A_1875 = arith.index_cast %get3A_1874 : i32 to index
    %get3A_1876 = arith.constant 320 : index
    %get3A_1877 = tpu.vector_load %arg4[%get3A_1875, %get3A_1876] {strides = array<i32>} : memref<4x1024xi32, #tpu.memory_space<vmem>>, vector<1x16xi32>,
    %get3A_1878 = vector.shape_cast %get3A_1877 : vector<1x16xi32> to vector<16xi32>
    %swap3A_1879 = arith.constant 18 : i32
    %swap3A_1880 = arith.index_cast %swap3A_1879 : i32 to index
    %swap3A_1881 = arith.constant 64 : index
    %swap3A_1882 = tpu.vector_load %arg5[%swap3A_1880, %swap3A_1881] {strides = array<i32>} : memref<32x128xi32, #tpu.memory_space<vmem>>, vector<1x16xi32>,
    %swap3A_1883 = vector.shape_cast %swap3A_1882 : vector<1x16xi32> to vector<16xi32>
    %swap3A_1884 = vector.shape_cast %get3A_1878 : vector<16xi32> to vector<1x16xi32>
    tpu.vector_store %arg5[%swap3A_1880, %swap3A_1881], %swap3A_1884 {strides = array<i32>} : memref<32x128xi32, #tpu.memory_space<vmem>>, vector<1x16xi32>,
    %get3A_1885 = arith.constant 2 : i32
    %get3A_1886 = arith.index_cast %get3A_1885 : i32 to index
    %get3A_1887 = arith.constant 336 : index
    %get3A_1888 = tpu.vector_load %arg4[%get3A_1886, %get3A_1887] {strides = array<i32>} : memref<4x1024xi32, #tpu.memory_space<vmem>>, vector<1x16xi32>,
    %get3A_1889 = vector.shape_cast %get3A_1888 : vector<1x16xi32> to vector<16xi32>
    %swap3A_1890 = arith.constant 18 : i32
    %swap3A_1891 = arith.index_cast %swap3A_1890 : i32 to index
    %swap3A_1892 = arith.constant 80 : index
    %swap3A_1893 = tpu.vector_load %arg5[%swap3A_1891, %swap3A_1892] {strides = array<i32>} : memref<32x128xi32, #tpu.memory_space<vmem>>, vector<1x16xi32>,
    %swap3A_1894 = vector.shape_cast %swap3A_1893 : vector<1x16xi32> to vector<16xi32>
    %swap3A_1895 = vector.shape_cast %get3A_1889 : vector<16xi32> to vector<1x16xi32>
    tpu.vector_store %arg5[%swap3A_1891, %swap3A_1892], %swap3A_1895 {strides = array<i32>} : memref<32x128xi32, #tpu.memory_space<vmem>>, vector<1x16xi32>,
    %get3A_1896 = arith.constant 2 : i32
    %get3A_1897 = arith.index_cast %get3A_1896 : i32 to index
    %get3A_1898 = arith.constant 352 : index
    %get3A_1899 = tpu.vector_load %arg4[%get3A_1897, %get3A_1898] {strides = array<i32>} : memref<4x1024xi32, #tpu.memory_space<vmem>>, vector<1x16xi32>,
    %get3A_1900 = vector.shape_cast %get3A_1899 : vector<1x16xi32> to vector<16xi32>
    %swap3A_1901 = arith.constant 18 : i32
    %swap3A_1902 = arith.index_cast %swap3A_1901 : i32 to index
    %swap3A_1903 = arith.constant 96 : index
    %swap3A_1904 = tpu.vector_load %arg5[%swap3A_1902, %swap3A_1903] {strides = array<i32>} : memref<32x128xi32, #tpu.memory_space<vmem>>, vector<1x16xi32>,
    %swap3A_1905 = vector.shape_cast %swap3A_1904 : vector<1x16xi32> to vector<16xi32>
    %swap3A_1906 = vector.shape_cast %get3A_1900 : vector<16xi32> to vector<1x16xi32>
    tpu.vector_store %arg5[%swap3A_1902, %swap3A_1903], %swap3A_1906 {strides = array<i32>} : memref<32x128xi32, #tpu.memory_space<vmem>>, vector<1x16xi32>,
    %get3A_1907 = arith.constant 2 : i32
    %get3A_1908 = arith.index_cast %get3A_1907 : i32 to index
    %get3A_1909 = arith.constant 368 : index
    %get3A_1910 = tpu.vector_load %arg4[%get3A_1908, %get3A_1909] {strides = array<i32>} : memref<4x1024xi32, #tpu.memory_space<vmem>>, vector<1x16xi32>,
    %get3A_1911 = vector.shape_cast %get3A_1910 : vector<1x16xi32> to vector<16xi32>
    %swap3A_1912 = arith.constant 18 : i32
    %swap3A_1913 = arith.index_cast %swap3A_1912 : i32 to index
    %swap3A_1914 = arith.constant 112 : index
    %swap3A_1915 = tpu.vector_load %arg5[%swap3A_1913, %swap3A_1914] {strides = array<i32>} : memref<32x128xi32, #tpu.memory_space<vmem>>, vector<1x16xi32>,
    %swap3A_1916 = vector.shape_cast %swap3A_1915 : vector<1x16xi32> to vector<16xi32>
    %swap3A_1917 = vector.shape_cast %get3A_1911 : vector<16xi32> to vector<1x16xi32>
    tpu.vector_store %arg5[%swap3A_1913, %swap3A_1914], %swap3A_1917 {strides = array<i32>} : memref<32x128xi32, #tpu.memory_space<vmem>>, vector<1x16xi32>,
    %get3A_1918 = arith.constant 2 : i32
    %get3A_1919 = arith.index_cast %get3A_1918 : i32 to index
    %get3A_1920 = arith.constant 384 : index
    %get3A_1921 = tpu.vector_load %arg4[%get3A_1919, %get3A_1920] {strides = array<i32>} : memref<4x1024xi32, #tpu.memory_space<vmem>>, vector<1x16xi32>,
    %get3A_1922 = vector.shape_cast %get3A_1921 : vector<1x16xi32> to vector<16xi32>
    %swap3A_1923 = arith.constant 19 : i32
    %swap3A_1924 = arith.index_cast %swap3A_1923 : i32 to index
    %swap3A_1925 = arith.constant 0 : index
    %swap3A_1926 = tpu.vector_load %arg5[%swap3A_1924, %swap3A_1925] {strides = array<i32>} : memref<32x128xi32, #tpu.memory_space<vmem>>, vector<1x16xi32>,
    %swap3A_1927 = vector.shape_cast %swap3A_1926 : vector<1x16xi32> to vector<16xi32>
    %swap3A_1928 = vector.shape_cast %get3A_1922 : vector<16xi32> to vector<1x16xi32>
    tpu.vector_store %arg5[%swap3A_1924, %swap3A_1925], %swap3A_1928 {strides = array<i32>} : memref<32x128xi32, #tpu.memory_space<vmem>>, vector<1x16xi32>,
    %get3A_1929 = arith.constant 2 : i32
    %get3A_1930 = arith.index_cast %get3A_1929 : i32 to index
    %get3A_1931 = arith.constant 400 : index
    %get3A_1932 = tpu.vector_load %arg4[%get3A_1930, %get3A_1931] {strides = array<i32>} : memref<4x1024xi32, #tpu.memory_space<vmem>>, vector<1x16xi32>,
    %get3A_1933 = vector.shape_cast %get3A_1932 : vector<1x16xi32> to vector<16xi32>
    %swap3A_1934 = arith.constant 19 : i32
    %swap3A_1935 = arith.index_cast %swap3A_1934 : i32 to index
    %swap3A_1936 = arith.constant 16 : index
    %swap3A_1937 = tpu.vector_load %arg5[%swap3A_1935, %swap3A_1936] {strides = array<i32>} : memref<32x128xi32, #tpu.memory_space<vmem>>, vector<1x16xi32>,
    %swap3A_1938 = vector.shape_cast %swap3A_1937 : vector<1x16xi32> to vector<16xi32>
    %swap3A_1939 = vector.shape_cast %get3A_1933 : vector<16xi32> to vector<1x16xi32>
    tpu.vector_store %arg5[%swap3A_1935, %swap3A_1936], %swap3A_1939 {strides = array<i32>} : memref<32x128xi32, #tpu.memory_space<vmem>>, vector<1x16xi32>,
    %get3A_1940 = arith.constant 2 : i32
    %get3A_1941 = arith.index_cast %get3A_1940 : i32 to index
    %get3A_1942 = arith.constant 416 : index
    %get3A_1943 = tpu.vector_load %arg4[%get3A_1941, %get3A_1942] {strides = array<i32>} : memref<4x1024xi32, #tpu.memory_space<vmem>>, vector<1x16xi32>,
    %get3A_1944 = vector.shape_cast %get3A_1943 : vector<1x16xi32> to vector<16xi32>
    %swap3A_1945 = arith.constant 19 : i32
    %swap3A_1946 = arith.index_cast %swap3A_1945 : i32 to index
    %swap3A_1947 = arith.constant 32 : index
    %swap3A_1948 = tpu.vector_load %arg5[%swap3A_1946, %swap3A_1947] {strides = array<i32>} : memref<32x128xi32, #tpu.memory_space<vmem>>, vector<1x16xi32>,
    %swap3A_1949 = vector.shape_cast %swap3A_1948 : vector<1x16xi32> to vector<16xi32>
    %swap3A_1950 = vector.shape_cast %get3A_1944 : vector<16xi32> to vector<1x16xi32>
    tpu.vector_store %arg5[%swap3A_1946, %swap3A_1947], %swap3A_1950 {strides = array<i32>} : memref<32x128xi32, #tpu.memory_space<vmem>>, vector<1x16xi32>,
    %get3A_1951 = arith.constant 2 : i32
    %get3A_1952 = arith.index_cast %get3A_1951 : i32 to index
    %get3A_1953 = arith.constant 432 : index
    %get3A_1954 = tpu.vector_load %arg4[%get3A_1952, %get3A_1953] {strides = array<i32>} : memref<4x1024xi32, #tpu.memory_space<vmem>>, vector<1x16xi32>,
    %get3A_1955 = vector.shape_cast %get3A_1954 : vector<1x16xi32> to vector<16xi32>
    %swap3A_1956 = arith.constant 19 : i32
    %swap3A_1957 = arith.index_cast %swap3A_1956 : i32 to index
    %swap3A_1958 = arith.constant 48 : index
    %swap3A_1959 = tpu.vector_load %arg5[%swap3A_1957, %swap3A_1958] {strides = array<i32>} : memref<32x128xi32, #tpu.memory_space<vmem>>, vector<1x16xi32>,
    %swap3A_1960 = vector.shape_cast %swap3A_1959 : vector<1x16xi32> to vector<16xi32>
    %swap3A_1961 = vector.shape_cast %get3A_1955 : vector<16xi32> to vector<1x16xi32>
    tpu.vector_store %arg5[%swap3A_1957, %swap3A_1958], %swap3A_1961 {strides = array<i32>} : memref<32x128xi32, #tpu.memory_space<vmem>>, vector<1x16xi32>,
    %get3A_1962 = arith.constant 2 : i32
    %get3A_1963 = arith.index_cast %get3A_1962 : i32 to index
    %get3A_1964 = arith.constant 448 : index
    %get3A_1965 = tpu.vector_load %arg4[%get3A_1963, %get3A_1964] {strides = array<i32>} : memref<4x1024xi32, #tpu.memory_space<vmem>>, vector<1x16xi32>,
    %get3A_1966 = vector.shape_cast %get3A_1965 : vector<1x16xi32> to vector<16xi32>
    %swap3A_1967 = arith.constant 19 : i32
    %swap3A_1968 = arith.index_cast %swap3A_1967 : i32 to index
    %swap3A_1969 = arith.constant 64 : index
    %swap3A_1970 = tpu.vector_load %arg5[%swap3A_1968, %swap3A_1969] {strides = array<i32>} : memref<32x128xi32, #tpu.memory_space<vmem>>, vector<1x16xi32>,
    %swap3A_1971 = vector.shape_cast %swap3A_1970 : vector<1x16xi32> to vector<16xi32>
    %swap3A_1972 = vector.shape_cast %get3A_1966 : vector<16xi32> to vector<1x16xi32>
    tpu.vector_store %arg5[%swap3A_1968, %swap3A_1969], %swap3A_1972 {strides = array<i32>} : memref<32x128xi32, #tpu.memory_space<vmem>>, vector<1x16xi32>,
    %get3A_1973 = arith.constant 2 : i32
    %get3A_1974 = arith.index_cast %get3A_1973 : i32 to index
    %get3A_1975 = arith.constant 464 : index
    %get3A_1976 = tpu.vector_load %arg4[%get3A_1974, %get3A_1975] {strides = array<i32>} : memref<4x1024xi32, #tpu.memory_space<vmem>>, vector<1x16xi32>,
    %get3A_1977 = vector.shape_cast %get3A_1976 : vector<1x16xi32> to vector<16xi32>
    %swap3A_1978 = arith.constant 19 : i32
    %swap3A_1979 = arith.index_cast %swap3A_1978 : i32 to index
    %swap3A_1980 = arith.constant 80 : index
    %swap3A_1981 = tpu.vector_load %arg5[%swap3A_1979, %swap3A_1980] {strides = array<i32>} : memref<32x128xi32, #tpu.memory_space<vmem>>, vector<1x16xi32>,
    %swap3A_1982 = vector.shape_cast %swap3A_1981 : vector<1x16xi32> to vector<16xi32>
    %swap3A_1983 = vector.shape_cast %get3A_1977 : vector<16xi32> to vector<1x16xi32>
    tpu.vector_store %arg5[%swap3A_1979, %swap3A_1980], %swap3A_1983 {strides = array<i32>} : memref<32x128xi32, #tpu.memory_space<vmem>>, vector<1x16xi32>,
    %get3A_1984 = arith.constant 2 : i32
    %get3A_1985 = arith.index_cast %get3A_1984 : i32 to index
    %get3A_1986 = arith.constant 480 : index
    %get3A_1987 = tpu.vector_load %arg4[%get3A_1985, %get3A_1986] {strides = array<i32>} : memref<4x1024xi32, #tpu.memory_space<vmem>>, vector<1x16xi32>,
    %get3A_1988 = vector.shape_cast %get3A_1987 : vector<1x16xi32> to vector<16xi32>
    %swap3A_1989 = arith.constant 19 : i32
    %swap3A_1990 = arith.index_cast %swap3A_1989 : i32 to index
    %swap3A_1991 = arith.constant 96 : index
    %swap3A_1992 = tpu.vector_load %arg5[%swap3A_1990, %swap3A_1991] {strides = array<i32>} : memref<32x128xi32, #tpu.memory_space<vmem>>, vector<1x16xi32>,
    %swap3A_1993 = vector.shape_cast %swap3A_1992 : vector<1x16xi32> to vector<16xi32>
    %swap3A_1994 = vector.shape_cast %get3A_1988 : vector<16xi32> to vector<1x16xi32>
    tpu.vector_store %arg5[%swap3A_1990, %swap3A_1991], %swap3A_1994 {strides = array<i32>} : memref<32x128xi32, #tpu.memory_space<vmem>>, vector<1x16xi32>,
    %get3A_1995 = arith.constant 2 : i32
    %get3A_1996 = arith.index_cast %get3A_1995 : i32 to index
    %get3A_1997 = arith.constant 496 : index
    %get3A_1998 = tpu.vector_load %arg4[%get3A_1996, %get3A_1997] {strides = array<i32>} : memref<4x1024xi32, #tpu.memory_space<vmem>>, vector<1x16xi32>,
    %get3A_1999 = vector.shape_cast %get3A_1998 : vector<1x16xi32> to vector<16xi32>
    %swap3A_2000 = arith.constant 19 : i32
    %swap3A_2001 = arith.index_cast %swap3A_2000 : i32 to index
    %swap3A_2002 = arith.constant 112 : index
    %swap3A_2003 = tpu.vector_load %arg5[%swap3A_2001, %swap3A_2002] {strides = array<i32>} : memref<32x128xi32, #tpu.memory_space<vmem>>, vector<1x16xi32>,
    %swap3A_2004 = vector.shape_cast %swap3A_2003 : vector<1x16xi32> to vector<16xi32>
    %swap3A_2005 = vector.shape_cast %get3A_1999 : vector<16xi32> to vector<1x16xi32>
    tpu.vector_store %arg5[%swap3A_2001, %swap3A_2002], %swap3A_2005 {strides = array<i32>} : memref<32x128xi32, #tpu.memory_space<vmem>>, vector<1x16xi32>,
    %get3A_2006 = arith.constant 2 : i32
    %get3A_2007 = arith.index_cast %get3A_2006 : i32 to index
    %get3A_2008 = arith.constant 512 : index
    %get3A_2009 = tpu.vector_load %arg4[%get3A_2007, %get3A_2008] {strides = array<i32>} : memref<4x1024xi32, #tpu.memory_space<vmem>>, vector<1x16xi32>,
    %get3A_2010 = vector.shape_cast %get3A_2009 : vector<1x16xi32> to vector<16xi32>
    %swap3A_2011 = arith.constant 20 : i32
    %swap3A_2012 = arith.index_cast %swap3A_2011 : i32 to index
    %swap3A_2013 = arith.constant 0 : index
    %swap3A_2014 = tpu.vector_load %arg5[%swap3A_2012, %swap3A_2013] {strides = array<i32>} : memref<32x128xi32, #tpu.memory_space<vmem>>, vector<1x16xi32>,
    %swap3A_2015 = vector.shape_cast %swap3A_2014 : vector<1x16xi32> to vector<16xi32>
    %swap3A_2016 = vector.shape_cast %get3A_2010 : vector<16xi32> to vector<1x16xi32>
    tpu.vector_store %arg5[%swap3A_2012, %swap3A_2013], %swap3A_2016 {strides = array<i32>} : memref<32x128xi32, #tpu.memory_space<vmem>>, vector<1x16xi32>,
    %get3A_2017 = arith.constant 2 : i32
    %get3A_2018 = arith.index_cast %get3A_2017 : i32 to index
    %get3A_2019 = arith.constant 528 : index
    %get3A_2020 = tpu.vector_load %arg4[%get3A_2018, %get3A_2019] {strides = array<i32>} : memref<4x1024xi32, #tpu.memory_space<vmem>>, vector<1x16xi32>,
    %get3A_2021 = vector.shape_cast %get3A_2020 : vector<1x16xi32> to vector<16xi32>
    %swap3A_2022 = arith.constant 20 : i32
    %swap3A_2023 = arith.index_cast %swap3A_2022 : i32 to index
    %swap3A_2024 = arith.constant 16 : index
    %swap3A_2025 = tpu.vector_load %arg5[%swap3A_2023, %swap3A_2024] {strides = array<i32>} : memref<32x128xi32, #tpu.memory_space<vmem>>, vector<1x16xi32>,
    %swap3A_2026 = vector.shape_cast %swap3A_2025 : vector<1x16xi32> to vector<16xi32>
    %swap3A_2027 = vector.shape_cast %get3A_2021 : vector<16xi32> to vector<1x16xi32>
    tpu.vector_store %arg5[%swap3A_2023, %swap3A_2024], %swap3A_2027 {strides = array<i32>} : memref<32x128xi32, #tpu.memory_space<vmem>>, vector<1x16xi32>,
    %get3A_2028 = arith.constant 2 : i32
    %get3A_2029 = arith.index_cast %get3A_2028 : i32 to index
    %get3A_2030 = arith.constant 544 : index
    %get3A_2031 = tpu.vector_load %arg4[%get3A_2029, %get3A_2030] {strides = array<i32>} : memref<4x1024xi32, #tpu.memory_space<vmem>>, vector<1x16xi32>,
    %get3A_2032 = vector.shape_cast %get3A_2031 : vector<1x16xi32> to vector<16xi32>
    %swap3A_2033 = arith.constant 20 : i32
    %swap3A_2034 = arith.index_cast %swap3A_2033 : i32 to index
    %swap3A_2035 = arith.constant 32 : index
    %swap3A_2036 = tpu.vector_load %arg5[%swap3A_2034, %swap3A_2035] {strides = array<i32>} : memref<32x128xi32, #tpu.memory_space<vmem>>, vector<1x16xi32>,
    %swap3A_2037 = vector.shape_cast %swap3A_2036 : vector<1x16xi32> to vector<16xi32>
    %swap3A_2038 = vector.shape_cast %get3A_2032 : vector<16xi32> to vector<1x16xi32>
    tpu.vector_store %arg5[%swap3A_2034, %swap3A_2035], %swap3A_2038 {strides = array<i32>} : memref<32x128xi32, #tpu.memory_space<vmem>>, vector<1x16xi32>,
    %get3A_2039 = arith.constant 2 : i32
    %get3A_2040 = arith.index_cast %get3A_2039 : i32 to index
    %get3A_2041 = arith.constant 560 : index
    %get3A_2042 = tpu.vector_load %arg4[%get3A_2040, %get3A_2041] {strides = array<i32>} : memref<4x1024xi32, #tpu.memory_space<vmem>>, vector<1x16xi32>,
    %get3A_2043 = vector.shape_cast %get3A_2042 : vector<1x16xi32> to vector<16xi32>
    %swap3A_2044 = arith.constant 20 : i32
    %swap3A_2045 = arith.index_cast %swap3A_2044 : i32 to index
    %swap3A_2046 = arith.constant 48 : index
    %swap3A_2047 = tpu.vector_load %arg5[%swap3A_2045, %swap3A_2046] {strides = array<i32>} : memref<32x128xi32, #tpu.memory_space<vmem>>, vector<1x16xi32>,
    %swap3A_2048 = vector.shape_cast %swap3A_2047 : vector<1x16xi32> to vector<16xi32>
    %swap3A_2049 = vector.shape_cast %get3A_2043 : vector<16xi32> to vector<1x16xi32>
    tpu.vector_store %arg5[%swap3A_2045, %swap3A_2046], %swap3A_2049 {strides = array<i32>} : memref<32x128xi32, #tpu.memory_space<vmem>>, vector<1x16xi32>,
    %get3A_2050 = arith.constant 2 : i32
    %get3A_2051 = arith.index_cast %get3A_2050 : i32 to index
    %get3A_2052 = arith.constant 576 : index
    %get3A_2053 = tpu.vector_load %arg4[%get3A_2051, %get3A_2052] {strides = array<i32>} : memref<4x1024xi32, #tpu.memory_space<vmem>>, vector<1x16xi32>,
    %get3A_2054 = vector.shape_cast %get3A_2053 : vector<1x16xi32> to vector<16xi32>
    %swap3A_2055 = arith.constant 20 : i32
    %swap3A_2056 = arith.index_cast %swap3A_2055 : i32 to index
    %swap3A_2057 = arith.constant 64 : index
    %swap3A_2058 = tpu.vector_load %arg5[%swap3A_2056, %swap3A_2057] {strides = array<i32>} : memref<32x128xi32, #tpu.memory_space<vmem>>, vector<1x16xi32>,
    %swap3A_2059 = vector.shape_cast %swap3A_2058 : vector<1x16xi32> to vector<16xi32>
    %swap3A_2060 = vector.shape_cast %get3A_2054 : vector<16xi32> to vector<1x16xi32>
    tpu.vector_store %arg5[%swap3A_2056, %swap3A_2057], %swap3A_2060 {strides = array<i32>} : memref<32x128xi32, #tpu.memory_space<vmem>>, vector<1x16xi32>,
    %get3A_2061 = arith.constant 2 : i32
    %get3A_2062 = arith.index_cast %get3A_2061 : i32 to index
    %get3A_2063 = arith.constant 592 : index
    %get3A_2064 = tpu.vector_load %arg4[%get3A_2062, %get3A_2063] {strides = array<i32>} : memref<4x1024xi32, #tpu.memory_space<vmem>>, vector<1x16xi32>,
    %get3A_2065 = vector.shape_cast %get3A_2064 : vector<1x16xi32> to vector<16xi32>
    %swap3A_2066 = arith.constant 20 : i32
    %swap3A_2067 = arith.index_cast %swap3A_2066 : i32 to index
    %swap3A_2068 = arith.constant 80 : index
    %swap3A_2069 = tpu.vector_load %arg5[%swap3A_2067, %swap3A_2068] {strides = array<i32>} : memref<32x128xi32, #tpu.memory_space<vmem>>, vector<1x16xi32>,
    %swap3A_2070 = vector.shape_cast %swap3A_2069 : vector<1x16xi32> to vector<16xi32>
    %swap3A_2071 = vector.shape_cast %get3A_2065 : vector<16xi32> to vector<1x16xi32>
    tpu.vector_store %arg5[%swap3A_2067, %swap3A_2068], %swap3A_2071 {strides = array<i32>} : memref<32x128xi32, #tpu.memory_space<vmem>>, vector<1x16xi32>,
    %get3A_2072 = arith.constant 2 : i32
    %get3A_2073 = arith.index_cast %get3A_2072 : i32 to index
    %get3A_2074 = arith.constant 608 : index
    %get3A_2075 = tpu.vector_load %arg4[%get3A_2073, %get3A_2074] {strides = array<i32>} : memref<4x1024xi32, #tpu.memory_space<vmem>>, vector<1x16xi32>,
    %get3A_2076 = vector.shape_cast %get3A_2075 : vector<1x16xi32> to vector<16xi32>
    %swap3A_2077 = arith.constant 20 : i32
    %swap3A_2078 = arith.index_cast %swap3A_2077 : i32 to index
    %swap3A_2079 = arith.constant 96 : index
    %swap3A_2080 = tpu.vector_load %arg5[%swap3A_2078, %swap3A_2079] {strides = array<i32>} : memref<32x128xi32, #tpu.memory_space<vmem>>, vector<1x16xi32>,
    %swap3A_2081 = vector.shape_cast %swap3A_2080 : vector<1x16xi32> to vector<16xi32>
    %swap3A_2082 = vector.shape_cast %get3A_2076 : vector<16xi32> to vector<1x16xi32>
    tpu.vector_store %arg5[%swap3A_2078, %swap3A_2079], %swap3A_2082 {strides = array<i32>} : memref<32x128xi32, #tpu.memory_space<vmem>>, vector<1x16xi32>,
    %get3A_2083 = arith.constant 2 : i32
    %get3A_2084 = arith.index_cast %get3A_2083 : i32 to index
    %get3A_2085 = arith.constant 624 : index
    %get3A_2086 = tpu.vector_load %arg4[%get3A_2084, %get3A_2085] {strides = array<i32>} : memref<4x1024xi32, #tpu.memory_space<vmem>>, vector<1x16xi32>,
    %get3A_2087 = vector.shape_cast %get3A_2086 : vector<1x16xi32> to vector<16xi32>
    %swap3A_2088 = arith.constant 20 : i32
    %swap3A_2089 = arith.index_cast %swap3A_2088 : i32 to index
    %swap3A_2090 = arith.constant 112 : index
    %swap3A_2091 = tpu.vector_load %arg5[%swap3A_2089, %swap3A_2090] {strides = array<i32>} : memref<32x128xi32, #tpu.memory_space<vmem>>, vector<1x16xi32>,
    %swap3A_2092 = vector.shape_cast %swap3A_2091 : vector<1x16xi32> to vector<16xi32>
    %swap3A_2093 = vector.shape_cast %get3A_2087 : vector<16xi32> to vector<1x16xi32>
    tpu.vector_store %arg5[%swap3A_2089, %swap3A_2090], %swap3A_2093 {strides = array<i32>} : memref<32x128xi32, #tpu.memory_space<vmem>>, vector<1x16xi32>,
    %get3A_2094 = arith.constant 2 : i32
    %get3A_2095 = arith.index_cast %get3A_2094 : i32 to index
    %get3A_2096 = arith.constant 640 : index
    %get3A_2097 = tpu.vector_load %arg4[%get3A_2095, %get3A_2096] {strides = array<i32>} : memref<4x1024xi32, #tpu.memory_space<vmem>>, vector<1x16xi32>,
    %get3A_2098 = vector.shape_cast %get3A_2097 : vector<1x16xi32> to vector<16xi32>
    %swap3A_2099 = arith.constant 21 : i32
    %swap3A_2100 = arith.index_cast %swap3A_2099 : i32 to index
    %swap3A_2101 = arith.constant 0 : index
    %swap3A_2102 = tpu.vector_load %arg5[%swap3A_2100, %swap3A_2101] {strides = array<i32>} : memref<32x128xi32, #tpu.memory_space<vmem>>, vector<1x16xi32>,
    %swap3A_2103 = vector.shape_cast %swap3A_2102 : vector<1x16xi32> to vector<16xi32>
    %swap3A_2104 = vector.shape_cast %get3A_2098 : vector<16xi32> to vector<1x16xi32>
    tpu.vector_store %arg5[%swap3A_2100, %swap3A_2101], %swap3A_2104 {strides = array<i32>} : memref<32x128xi32, #tpu.memory_space<vmem>>, vector<1x16xi32>,
    %get3A_2105 = arith.constant 2 : i32
    %get3A_2106 = arith.index_cast %get3A_2105 : i32 to index
    %get3A_2107 = arith.constant 656 : index
    %get3A_2108 = tpu.vector_load %arg4[%get3A_2106, %get3A_2107] {strides = array<i32>} : memref<4x1024xi32, #tpu.memory_space<vmem>>, vector<1x16xi32>,
    %get3A_2109 = vector.shape_cast %get3A_2108 : vector<1x16xi32> to vector<16xi32>
    %swap3A_2110 = arith.constant 21 : i32
    %swap3A_2111 = arith.index_cast %swap3A_2110 : i32 to index
    %swap3A_2112 = arith.constant 16 : index
    %swap3A_2113 = tpu.vector_load %arg5[%swap3A_2111, %swap3A_2112] {strides = array<i32>} : memref<32x128xi32, #tpu.memory_space<vmem>>, vector<1x16xi32>,
    %swap3A_2114 = vector.shape_cast %swap3A_2113 : vector<1x16xi32> to vector<16xi32>
    %swap3A_2115 = vector.shape_cast %get3A_2109 : vector<16xi32> to vector<1x16xi32>
    tpu.vector_store %arg5[%swap3A_2111, %swap3A_2112], %swap3A_2115 {strides = array<i32>} : memref<32x128xi32, #tpu.memory_space<vmem>>, vector<1x16xi32>,
    %get3A_2116 = arith.constant 2 : i32
    %get3A_2117 = arith.index_cast %get3A_2116 : i32 to index
    %get3A_2118 = arith.constant 672 : index
    %get3A_2119 = tpu.vector_load %arg4[%get3A_2117, %get3A_2118] {strides = array<i32>} : memref<4x1024xi32, #tpu.memory_space<vmem>>, vector<1x16xi32>,
    %get3A_2120 = vector.shape_cast %get3A_2119 : vector<1x16xi32> to vector<16xi32>
    %swap3A_2121 = arith.constant 21 : i32
    %swap3A_2122 = arith.index_cast %swap3A_2121 : i32 to index
    %swap3A_2123 = arith.constant 32 : index
    %swap3A_2124 = tpu.vector_load %arg5[%swap3A_2122, %swap3A_2123] {strides = array<i32>} : memref<32x128xi32, #tpu.memory_space<vmem>>, vector<1x16xi32>,
    %swap3A_2125 = vector.shape_cast %swap3A_2124 : vector<1x16xi32> to vector<16xi32>
    %swap3A_2126 = vector.shape_cast %get3A_2120 : vector<16xi32> to vector<1x16xi32>
    tpu.vector_store %arg5[%swap3A_2122, %swap3A_2123], %swap3A_2126 {strides = array<i32>} : memref<32x128xi32, #tpu.memory_space<vmem>>, vector<1x16xi32>,
    %get3A_2127 = arith.constant 2 : i32
    %get3A_2128 = arith.index_cast %get3A_2127 : i32 to index
    %get3A_2129 = arith.constant 688 : index
    %get3A_2130 = tpu.vector_load %arg4[%get3A_2128, %get3A_2129] {strides = array<i32>} : memref<4x1024xi32, #tpu.memory_space<vmem>>, vector<1x16xi32>,
    %get3A_2131 = vector.shape_cast %get3A_2130 : vector<1x16xi32> to vector<16xi32>
    %swap3A_2132 = arith.constant 21 : i32
    %swap3A_2133 = arith.index_cast %swap3A_2132 : i32 to index
    %swap3A_2134 = arith.constant 48 : index
    %swap3A_2135 = tpu.vector_load %arg5[%swap3A_2133, %swap3A_2134] {strides = array<i32>} : memref<32x128xi32, #tpu.memory_space<vmem>>, vector<1x16xi32>,
    %swap3A_2136 = vector.shape_cast %swap3A_2135 : vector<1x16xi32> to vector<16xi32>
    %swap3A_2137 = vector.shape_cast %get3A_2131 : vector<16xi32> to vector<1x16xi32>
    tpu.vector_store %arg5[%swap3A_2133, %swap3A_2134], %swap3A_2137 {strides = array<i32>} : memref<32x128xi32, #tpu.memory_space<vmem>>, vector<1x16xi32>,
    %get3A_2138 = arith.constant 2 : i32
    %get3A_2139 = arith.index_cast %get3A_2138 : i32 to index
    %get3A_2140 = arith.constant 704 : index
    %get3A_2141 = tpu.vector_load %arg4[%get3A_2139, %get3A_2140] {strides = array<i32>} : memref<4x1024xi32, #tpu.memory_space<vmem>>, vector<1x16xi32>,
    %get3A_2142 = vector.shape_cast %get3A_2141 : vector<1x16xi32> to vector<16xi32>
    %swap3A_2143 = arith.constant 21 : i32
    %swap3A_2144 = arith.index_cast %swap3A_2143 : i32 to index
    %swap3A_2145 = arith.constant 64 : index
    %swap3A_2146 = tpu.vector_load %arg5[%swap3A_2144, %swap3A_2145] {strides = array<i32>} : memref<32x128xi32, #tpu.memory_space<vmem>>, vector<1x16xi32>,
    %swap3A_2147 = vector.shape_cast %swap3A_2146 : vector<1x16xi32> to vector<16xi32>
    %swap3A_2148 = vector.shape_cast %get3A_2142 : vector<16xi32> to vector<1x16xi32>
    tpu.vector_store %arg5[%swap3A_2144, %swap3A_2145], %swap3A_2148 {strides = array<i32>} : memref<32x128xi32, #tpu.memory_space<vmem>>, vector<1x16xi32>,
    %get3A_2149 = arith.constant 2 : i32
    %get3A_2150 = arith.index_cast %get3A_2149 : i32 to index
    %get3A_2151 = arith.constant 720 : index
    %get3A_2152 = tpu.vector_load %arg4[%get3A_2150, %get3A_2151] {strides = array<i32>} : memref<4x1024xi32, #tpu.memory_space<vmem>>, vector<1x16xi32>,
    %get3A_2153 = vector.shape_cast %get3A_2152 : vector<1x16xi32> to vector<16xi32>
    %swap3A_2154 = arith.constant 21 : i32
    %swap3A_2155 = arith.index_cast %swap3A_2154 : i32 to index
    %swap3A_2156 = arith.constant 80 : index
    %swap3A_2157 = tpu.vector_load %arg5[%swap3A_2155, %swap3A_2156] {strides = array<i32>} : memref<32x128xi32, #tpu.memory_space<vmem>>, vector<1x16xi32>,
    %swap3A_2158 = vector.shape_cast %swap3A_2157 : vector<1x16xi32> to vector<16xi32>
    %swap3A_2159 = vector.shape_cast %get3A_2153 : vector<16xi32> to vector<1x16xi32>
    tpu.vector_store %arg5[%swap3A_2155, %swap3A_2156], %swap3A_2159 {strides = array<i32>} : memref<32x128xi32, #tpu.memory_space<vmem>>, vector<1x16xi32>,
    %get3A_2160 = arith.constant 2 : i32
    %get3A_2161 = arith.index_cast %get3A_2160 : i32 to index
    %get3A_2162 = arith.constant 736 : index
    %get3A_2163 = tpu.vector_load %arg4[%get3A_2161, %get3A_2162] {strides = array<i32>} : memref<4x1024xi32, #tpu.memory_space<vmem>>, vector<1x16xi32>,
    %get3A_2164 = vector.shape_cast %get3A_2163 : vector<1x16xi32> to vector<16xi32>
    %swap3A_2165 = arith.constant 21 : i32
    %swap3A_2166 = arith.index_cast %swap3A_2165 : i32 to index
    %swap3A_2167 = arith.constant 96 : index
    %swap3A_2168 = tpu.vector_load %arg5[%swap3A_2166, %swap3A_2167] {strides = array<i32>} : memref<32x128xi32, #tpu.memory_space<vmem>>, vector<1x16xi32>,
    %swap3A_2169 = vector.shape_cast %swap3A_2168 : vector<1x16xi32> to vector<16xi32>
    %swap3A_2170 = vector.shape_cast %get3A_2164 : vector<16xi32> to vector<1x16xi32>
    tpu.vector_store %arg5[%swap3A_2166, %swap3A_2167], %swap3A_2170 {strides = array<i32>} : memref<32x128xi32, #tpu.memory_space<vmem>>, vector<1x16xi32>,
    %get3A_2171 = arith.constant 2 : i32
    %get3A_2172 = arith.index_cast %get3A_2171 : i32 to index
    %get3A_2173 = arith.constant 752 : index
    %get3A_2174 = tpu.vector_load %arg4[%get3A_2172, %get3A_2173] {strides = array<i32>} : memref<4x1024xi32, #tpu.memory_space<vmem>>, vector<1x16xi32>,
    %get3A_2175 = vector.shape_cast %get3A_2174 : vector<1x16xi32> to vector<16xi32>
    %swap3A_2176 = arith.constant 21 : i32
    %swap3A_2177 = arith.index_cast %swap3A_2176 : i32 to index
    %swap3A_2178 = arith.constant 112 : index
    %swap3A_2179 = tpu.vector_load %arg5[%swap3A_2177, %swap3A_2178] {strides = array<i32>} : memref<32x128xi32, #tpu.memory_space<vmem>>, vector<1x16xi32>,
    %swap3A_2180 = vector.shape_cast %swap3A_2179 : vector<1x16xi32> to vector<16xi32>
    %swap3A_2181 = vector.shape_cast %get3A_2175 : vector<16xi32> to vector<1x16xi32>
    tpu.vector_store %arg5[%swap3A_2177, %swap3A_2178], %swap3A_2181 {strides = array<i32>} : memref<32x128xi32, #tpu.memory_space<vmem>>, vector<1x16xi32>,
    %get3A_2182 = arith.constant 2 : i32
    %get3A_2183 = arith.index_cast %get3A_2182 : i32 to index
    %get3A_2184 = arith.constant 768 : index
    %get3A_2185 = tpu.vector_load %arg4[%get3A_2183, %get3A_2184] {strides = array<i32>} : memref<4x1024xi32, #tpu.memory_space<vmem>>, vector<1x16xi32>,
    %get3A_2186 = vector.shape_cast %get3A_2185 : vector<1x16xi32> to vector<16xi32>
    %swap3A_2187 = arith.constant 22 : i32
    %swap3A_2188 = arith.index_cast %swap3A_2187 : i32 to index
    %swap3A_2189 = arith.constant 0 : index
    %swap3A_2190 = tpu.vector_load %arg5[%swap3A_2188, %swap3A_2189] {strides = array<i32>} : memref<32x128xi32, #tpu.memory_space<vmem>>, vector<1x16xi32>,
    %swap3A_2191 = vector.shape_cast %swap3A_2190 : vector<1x16xi32> to vector<16xi32>
    %swap3A_2192 = vector.shape_cast %get3A_2186 : vector<16xi32> to vector<1x16xi32>
    tpu.vector_store %arg5[%swap3A_2188, %swap3A_2189], %swap3A_2192 {strides = array<i32>} : memref<32x128xi32, #tpu.memory_space<vmem>>, vector<1x16xi32>,
    %get3A_2193 = arith.constant 2 : i32
    %get3A_2194 = arith.index_cast %get3A_2193 : i32 to index
    %get3A_2195 = arith.constant 784 : index
    %get3A_2196 = tpu.vector_load %arg4[%get3A_2194, %get3A_2195] {strides = array<i32>} : memref<4x1024xi32, #tpu.memory_space<vmem>>, vector<1x16xi32>,
    %get3A_2197 = vector.shape_cast %get3A_2196 : vector<1x16xi32> to vector<16xi32>
    %swap3A_2198 = arith.constant 22 : i32
    %swap3A_2199 = arith.index_cast %swap3A_2198 : i32 to index
    %swap3A_2200 = arith.constant 16 : index
    %swap3A_2201 = tpu.vector_load %arg5[%swap3A_2199, %swap3A_2200] {strides = array<i32>} : memref<32x128xi32, #tpu.memory_space<vmem>>, vector<1x16xi32>,
    %swap3A_2202 = vector.shape_cast %swap3A_2201 : vector<1x16xi32> to vector<16xi32>
    %swap3A_2203 = vector.shape_cast %get3A_2197 : vector<16xi32> to vector<1x16xi32>
    tpu.vector_store %arg5[%swap3A_2199, %swap3A_2200], %swap3A_2203 {strides = array<i32>} : memref<32x128xi32, #tpu.memory_space<vmem>>, vector<1x16xi32>,
    %get3A_2204 = arith.constant 2 : i32
    %get3A_2205 = arith.index_cast %get3A_2204 : i32 to index
    %get3A_2206 = arith.constant 800 : index
    %get3A_2207 = tpu.vector_load %arg4[%get3A_2205, %get3A_2206] {strides = array<i32>} : memref<4x1024xi32, #tpu.memory_space<vmem>>, vector<1x16xi32>,
    %get3A_2208 = vector.shape_cast %get3A_2207 : vector<1x16xi32> to vector<16xi32>
    %swap3A_2209 = arith.constant 22 : i32
    %swap3A_2210 = arith.index_cast %swap3A_2209 : i32 to index
    %swap3A_2211 = arith.constant 32 : index
    %swap3A_2212 = tpu.vector_load %arg5[%swap3A_2210, %swap3A_2211] {strides = array<i32>} : memref<32x128xi32, #tpu.memory_space<vmem>>, vector<1x16xi32>,
    %swap3A_2213 = vector.shape_cast %swap3A_2212 : vector<1x16xi32> to vector<16xi32>
    %swap3A_2214 = vector.shape_cast %get3A_2208 : vector<16xi32> to vector<1x16xi32>
    tpu.vector_store %arg5[%swap3A_2210, %swap3A_2211], %swap3A_2214 {strides = array<i32>} : memref<32x128xi32, #tpu.memory_space<vmem>>, vector<1x16xi32>,
    %get3A_2215 = arith.constant 2 : i32
    %get3A_2216 = arith.index_cast %get3A_2215 : i32 to index
    %get3A_2217 = arith.constant 816 : index
    %get3A_2218 = tpu.vector_load %arg4[%get3A_2216, %get3A_2217] {strides = array<i32>} : memref<4x1024xi32, #tpu.memory_space<vmem>>, vector<1x16xi32>,
    %get3A_2219 = vector.shape_cast %get3A_2218 : vector<1x16xi32> to vector<16xi32>
    %swap3A_2220 = arith.constant 22 : i32
    %swap3A_2221 = arith.index_cast %swap3A_2220 : i32 to index
    %swap3A_2222 = arith.constant 48 : index
    %swap3A_2223 = tpu.vector_load %arg5[%swap3A_2221, %swap3A_2222] {strides = array<i32>} : memref<32x128xi32, #tpu.memory_space<vmem>>, vector<1x16xi32>,
    %swap3A_2224 = vector.shape_cast %swap3A_2223 : vector<1x16xi32> to vector<16xi32>
    %swap3A_2225 = vector.shape_cast %get3A_2219 : vector<16xi32> to vector<1x16xi32>
    tpu.vector_store %arg5[%swap3A_2221, %swap3A_2222], %swap3A_2225 {strides = array<i32>} : memref<32x128xi32, #tpu.memory_space<vmem>>, vector<1x16xi32>,
    %get3A_2226 = arith.constant 2 : i32
    %get3A_2227 = arith.index_cast %get3A_2226 : i32 to index
    %get3A_2228 = arith.constant 832 : index
    %get3A_2229 = tpu.vector_load %arg4[%get3A_2227, %get3A_2228] {strides = array<i32>} : memref<4x1024xi32, #tpu.memory_space<vmem>>, vector<1x16xi32>,
    %get3A_2230 = vector.shape_cast %get3A_2229 : vector<1x16xi32> to vector<16xi32>
    %swap3A_2231 = arith.constant 22 : i32
    %swap3A_2232 = arith.index_cast %swap3A_2231 : i32 to index
    %swap3A_2233 = arith.constant 64 : index
    %swap3A_2234 = tpu.vector_load %arg5[%swap3A_2232, %swap3A_2233] {strides = array<i32>} : memref<32x128xi32, #tpu.memory_space<vmem>>, vector<1x16xi32>,
    %swap3A_2235 = vector.shape_cast %swap3A_2234 : vector<1x16xi32> to vector<16xi32>
    %swap3A_2236 = vector.shape_cast %get3A_2230 : vector<16xi32> to vector<1x16xi32>
    tpu.vector_store %arg5[%swap3A_2232, %swap3A_2233], %swap3A_2236 {strides = array<i32>} : memref<32x128xi32, #tpu.memory_space<vmem>>, vector<1x16xi32>,
    %get3A_2237 = arith.constant 2 : i32
    %get3A_2238 = arith.index_cast %get3A_2237 : i32 to index
    %get3A_2239 = arith.constant 848 : index
    %get3A_2240 = tpu.vector_load %arg4[%get3A_2238, %get3A_2239] {strides = array<i32>} : memref<4x1024xi32, #tpu.memory_space<vmem>>, vector<1x16xi32>,
    %get3A_2241 = vector.shape_cast %get3A_2240 : vector<1x16xi32> to vector<16xi32>
    %swap3A_2242 = arith.constant 22 : i32
    %swap3A_2243 = arith.index_cast %swap3A_2242 : i32 to index
    %swap3A_2244 = arith.constant 80 : index
    %swap3A_2245 = tpu.vector_load %arg5[%swap3A_2243, %swap3A_2244] {strides = array<i32>} : memref<32x128xi32, #tpu.memory_space<vmem>>, vector<1x16xi32>,
    %swap3A_2246 = vector.shape_cast %swap3A_2245 : vector<1x16xi32> to vector<16xi32>
    %swap3A_2247 = vector.shape_cast %get3A_2241 : vector<16xi32> to vector<1x16xi32>
    tpu.vector_store %arg5[%swap3A_2243, %swap3A_2244], %swap3A_2247 {strides = array<i32>} : memref<32x128xi32, #tpu.memory_space<vmem>>, vector<1x16xi32>,
    %get3A_2248 = arith.constant 2 : i32
    %get3A_2249 = arith.index_cast %get3A_2248 : i32 to index
    %get3A_2250 = arith.constant 864 : index
    %get3A_2251 = tpu.vector_load %arg4[%get3A_2249, %get3A_2250] {strides = array<i32>} : memref<4x1024xi32, #tpu.memory_space<vmem>>, vector<1x16xi32>,
    %get3A_2252 = vector.shape_cast %get3A_2251 : vector<1x16xi32> to vector<16xi32>
    %swap3A_2253 = arith.constant 22 : i32
    %swap3A_2254 = arith.index_cast %swap3A_2253 : i32 to index
    %swap3A_2255 = arith.constant 96 : index
    %swap3A_2256 = tpu.vector_load %arg5[%swap3A_2254, %swap3A_2255] {strides = array<i32>} : memref<32x128xi32, #tpu.memory_space<vmem>>, vector<1x16xi32>,
    %swap3A_2257 = vector.shape_cast %swap3A_2256 : vector<1x16xi32> to vector<16xi32>
    %swap3A_2258 = vector.shape_cast %get3A_2252 : vector<16xi32> to vector<1x16xi32>
    tpu.vector_store %arg5[%swap3A_2254, %swap3A_2255], %swap3A_2258 {strides = array<i32>} : memref<32x128xi32, #tpu.memory_space<vmem>>, vector<1x16xi32>,
    %get3A_2259 = arith.constant 2 : i32
    %get3A_2260 = arith.index_cast %get3A_2259 : i32 to index
    %get3A_2261 = arith.constant 880 : index
    %get3A_2262 = tpu.vector_load %arg4[%get3A_2260, %get3A_2261] {strides = array<i32>} : memref<4x1024xi32, #tpu.memory_space<vmem>>, vector<1x16xi32>,
    %get3A_2263 = vector.shape_cast %get3A_2262 : vector<1x16xi32> to vector<16xi32>
    %swap3A_2264 = arith.constant 22 : i32
    %swap3A_2265 = arith.index_cast %swap3A_2264 : i32 to index
    %swap3A_2266 = arith.constant 112 : index
    %swap3A_2267 = tpu.vector_load %arg5[%swap3A_2265, %swap3A_2266] {strides = array<i32>} : memref<32x128xi32, #tpu.memory_space<vmem>>, vector<1x16xi32>,
    %swap3A_2268 = vector.shape_cast %swap3A_2267 : vector<1x16xi32> to vector<16xi32>
    %swap3A_2269 = vector.shape_cast %get3A_2263 : vector<16xi32> to vector<1x16xi32>
    tpu.vector_store %arg5[%swap3A_2265, %swap3A_2266], %swap3A_2269 {strides = array<i32>} : memref<32x128xi32, #tpu.memory_space<vmem>>, vector<1x16xi32>,
    %get3A_2270 = arith.constant 2 : i32
    %get3A_2271 = arith.index_cast %get3A_2270 : i32 to index
    %get3A_2272 = arith.constant 896 : index
    %get3A_2273 = tpu.vector_load %arg4[%get3A_2271, %get3A_2272] {strides = array<i32>} : memref<4x1024xi32, #tpu.memory_space<vmem>>, vector<1x16xi32>,
    %get3A_2274 = vector.shape_cast %get3A_2273 : vector<1x16xi32> to vector<16xi32>
    %swap3A_2275 = arith.constant 23 : i32
    %swap3A_2276 = arith.index_cast %swap3A_2275 : i32 to index
    %swap3A_2277 = arith.constant 0 : index
    %swap3A_2278 = tpu.vector_load %arg5[%swap3A_2276, %swap3A_2277] {strides = array<i32>} : memref<32x128xi32, #tpu.memory_space<vmem>>, vector<1x16xi32>,
    %swap3A_2279 = vector.shape_cast %swap3A_2278 : vector<1x16xi32> to vector<16xi32>
    %swap3A_2280 = vector.shape_cast %get3A_2274 : vector<16xi32> to vector<1x16xi32>
    tpu.vector_store %arg5[%swap3A_2276, %swap3A_2277], %swap3A_2280 {strides = array<i32>} : memref<32x128xi32, #tpu.memory_space<vmem>>, vector<1x16xi32>,
    %get3A_2281 = arith.constant 2 : i32
    %get3A_2282 = arith.index_cast %get3A_2281 : i32 to index
    %get3A_2283 = arith.constant 912 : index
    %get3A_2284 = tpu.vector_load %arg4[%get3A_2282, %get3A_2283] {strides = array<i32>} : memref<4x1024xi32, #tpu.memory_space<vmem>>, vector<1x16xi32>,
    %get3A_2285 = vector.shape_cast %get3A_2284 : vector<1x16xi32> to vector<16xi32>
    %swap3A_2286 = arith.constant 23 : i32
    %swap3A_2287 = arith.index_cast %swap3A_2286 : i32 to index
    %swap3A_2288 = arith.constant 16 : index
    %swap3A_2289 = tpu.vector_load %arg5[%swap3A_2287, %swap3A_2288] {strides = array<i32>} : memref<32x128xi32, #tpu.memory_space<vmem>>, vector<1x16xi32>,
    %swap3A_2290 = vector.shape_cast %swap3A_2289 : vector<1x16xi32> to vector<16xi32>
    %swap3A_2291 = vector.shape_cast %get3A_2285 : vector<16xi32> to vector<1x16xi32>
    tpu.vector_store %arg5[%swap3A_2287, %swap3A_2288], %swap3A_2291 {strides = array<i32>} : memref<32x128xi32, #tpu.memory_space<vmem>>, vector<1x16xi32>,
    %get3A_2292 = arith.constant 2 : i32
    %get3A_2293 = arith.index_cast %get3A_2292 : i32 to index
    %get3A_2294 = arith.constant 928 : index
    %get3A_2295 = tpu.vector_load %arg4[%get3A_2293, %get3A_2294] {strides = array<i32>} : memref<4x1024xi32, #tpu.memory_space<vmem>>, vector<1x16xi32>,
    %get3A_2296 = vector.shape_cast %get3A_2295 : vector<1x16xi32> to vector<16xi32>
    %swap3A_2297 = arith.constant 23 : i32
    %swap3A_2298 = arith.index_cast %swap3A_2297 : i32 to index
    %swap3A_2299 = arith.constant 32 : index
    %swap3A_2300 = tpu.vector_load %arg5[%swap3A_2298, %swap3A_2299] {strides = array<i32>} : memref<32x128xi32, #tpu.memory_space<vmem>>, vector<1x16xi32>,
    %swap3A_2301 = vector.shape_cast %swap3A_2300 : vector<1x16xi32> to vector<16xi32>
    %swap3A_2302 = vector.shape_cast %get3A_2296 : vector<16xi32> to vector<1x16xi32>
    tpu.vector_store %arg5[%swap3A_2298, %swap3A_2299], %swap3A_2302 {strides = array<i32>} : memref<32x128xi32, #tpu.memory_space<vmem>>, vector<1x16xi32>,
    %get3A_2303 = arith.constant 2 : i32
    %get3A_2304 = arith.index_cast %get3A_2303 : i32 to index
    %get3A_2305 = arith.constant 944 : index
    %get3A_2306 = tpu.vector_load %arg4[%get3A_2304, %get3A_2305] {strides = array<i32>} : memref<4x1024xi32, #tpu.memory_space<vmem>>, vector<1x16xi32>,
    %get3A_2307 = vector.shape_cast %get3A_2306 : vector<1x16xi32> to vector<16xi32>
    %swap3A_2308 = arith.constant 23 : i32
    %swap3A_2309 = arith.index_cast %swap3A_2308 : i32 to index
    %swap3A_2310 = arith.constant 48 : index
    %swap3A_2311 = tpu.vector_load %arg5[%swap3A_2309, %swap3A_2310] {strides = array<i32>} : memref<32x128xi32, #tpu.memory_space<vmem>>, vector<1x16xi32>,
    %swap3A_2312 = vector.shape_cast %swap3A_2311 : vector<1x16xi32> to vector<16xi32>
    %swap3A_2313 = vector.shape_cast %get3A_2307 : vector<16xi32> to vector<1x16xi32>
    tpu.vector_store %arg5[%swap3A_2309, %swap3A_2310], %swap3A_2313 {strides = array<i32>} : memref<32x128xi32, #tpu.memory_space<vmem>>, vector<1x16xi32>,
    %get3A_2314 = arith.constant 2 : i32
    %get3A_2315 = arith.index_cast %get3A_2314 : i32 to index
    %get3A_2316 = arith.constant 960 : index
    %get3A_2317 = tpu.vector_load %arg4[%get3A_2315, %get3A_2316] {strides = array<i32>} : memref<4x1024xi32, #tpu.memory_space<vmem>>, vector<1x16xi32>,
    %get3A_2318 = vector.shape_cast %get3A_2317 : vector<1x16xi32> to vector<16xi32>
    %swap3A_2319 = arith.constant 23 : i32
    %swap3A_2320 = arith.index_cast %swap3A_2319 : i32 to index
    %swap3A_2321 = arith.constant 64 : index
    %swap3A_2322 = tpu.vector_load %arg5[%swap3A_2320, %swap3A_2321] {strides = array<i32>} : memref<32x128xi32, #tpu.memory_space<vmem>>, vector<1x16xi32>,
    %swap3A_2323 = vector.shape_cast %swap3A_2322 : vector<1x16xi32> to vector<16xi32>
    %swap3A_2324 = vector.shape_cast %get3A_2318 : vector<16xi32> to vector<1x16xi32>
    tpu.vector_store %arg5[%swap3A_2320, %swap3A_2321], %swap3A_2324 {strides = array<i32>} : memref<32x128xi32, #tpu.memory_space<vmem>>, vector<1x16xi32>,
    %get3A_2325 = arith.constant 2 : i32
    %get3A_2326 = arith.index_cast %get3A_2325 : i32 to index
    %get3A_2327 = arith.constant 976 : index
    %get3A_2328 = tpu.vector_load %arg4[%get3A_2326, %get3A_2327] {strides = array<i32>} : memref<4x1024xi32, #tpu.memory_space<vmem>>, vector<1x16xi32>,
    %get3A_2329 = vector.shape_cast %get3A_2328 : vector<1x16xi32> to vector<16xi32>
    %swap3A_2330 = arith.constant 23 : i32
    %swap3A_2331 = arith.index_cast %swap3A_2330 : i32 to index
    %swap3A_2332 = arith.constant 80 : index
    %swap3A_2333 = tpu.vector_load %arg5[%swap3A_2331, %swap3A_2332] {strides = array<i32>} : memref<32x128xi32, #tpu.memory_space<vmem>>, vector<1x16xi32>,
    %swap3A_2334 = vector.shape_cast %swap3A_2333 : vector<1x16xi32> to vector<16xi32>
    %swap3A_2335 = vector.shape_cast %get3A_2329 : vector<16xi32> to vector<1x16xi32>
    tpu.vector_store %arg5[%swap3A_2331, %swap3A_2332], %swap3A_2335 {strides = array<i32>} : memref<32x128xi32, #tpu.memory_space<vmem>>, vector<1x16xi32>,
    %get3A_2336 = arith.constant 2 : i32
    %get3A_2337 = arith.index_cast %get3A_2336 : i32 to index
    %get3A_2338 = arith.constant 992 : index
    %get3A_2339 = tpu.vector_load %arg4[%get3A_2337, %get3A_2338] {strides = array<i32>} : memref<4x1024xi32, #tpu.memory_space<vmem>>, vector<1x16xi32>,
    %get3A_2340 = vector.shape_cast %get3A_2339 : vector<1x16xi32> to vector<16xi32>
    %swap3A_2341 = arith.constant 23 : i32
    %swap3A_2342 = arith.index_cast %swap3A_2341 : i32 to index
    %swap3A_2343 = arith.constant 96 : index
    %swap3A_2344 = tpu.vector_load %arg5[%swap3A_2342, %swap3A_2343] {strides = array<i32>} : memref<32x128xi32, #tpu.memory_space<vmem>>, vector<1x16xi32>,
    %swap3A_2345 = vector.shape_cast %swap3A_2344 : vector<1x16xi32> to vector<16xi32>
    %swap3A_2346 = vector.shape_cast %get3A_2340 : vector<16xi32> to vector<1x16xi32>
    tpu.vector_store %arg5[%swap3A_2342, %swap3A_2343], %swap3A_2346 {strides = array<i32>} : memref<32x128xi32, #tpu.memory_space<vmem>>, vector<1x16xi32>,
    %get3A_2347 = arith.constant 2 : i32
    %get3A_2348 = arith.index_cast %get3A_2347 : i32 to index
    %get3A_2349 = arith.constant 1008 : index
    %get3A_2350 = tpu.vector_load %arg4[%get3A_2348, %get3A_2349] {strides = array<i32>} : memref<4x1024xi32, #tpu.memory_space<vmem>>, vector<1x16xi32>,
    %get3A_2351 = vector.shape_cast %get3A_2350 : vector<1x16xi32> to vector<16xi32>
    %swap3A_2352 = arith.constant 23 : i32
    %swap3A_2353 = arith.index_cast %swap3A_2352 : i32 to index
    %swap3A_2354 = arith.constant 112 : index
    %swap3A_2355 = tpu.vector_load %arg5[%swap3A_2353, %swap3A_2354] {strides = array<i32>} : memref<32x128xi32, #tpu.memory_space<vmem>>, vector<1x16xi32>,
    %swap3A_2356 = vector.shape_cast %swap3A_2355 : vector<1x16xi32> to vector<16xi32>
    %swap3A_2357 = vector.shape_cast %get3A_2351 : vector<16xi32> to vector<1x16xi32>
    tpu.vector_store %arg5[%swap3A_2353, %swap3A_2354], %swap3A_2357 {strides = array<i32>} : memref<32x128xi32, #tpu.memory_space<vmem>>, vector<1x16xi32>,
    %get3A_2358 = arith.constant 3 : i32
    %get3A_2359 = arith.index_cast %get3A_2358 : i32 to index
    %get3A_2360 = arith.constant 0 : index
    %get3A_2361 = tpu.vector_load %arg4[%get3A_2359, %get3A_2360] {strides = array<i32>} : memref<4x1024xi32, #tpu.memory_space<vmem>>, vector<1x16xi32>,
    %get3A_2362 = vector.shape_cast %get3A_2361 : vector<1x16xi32> to vector<16xi32>
    %swap3A_2363 = arith.constant 24 : i32
    %swap3A_2364 = arith.index_cast %swap3A_2363 : i32 to index
    %swap3A_2365 = arith.constant 0 : index
    %swap3A_2366 = tpu.vector_load %arg5[%swap3A_2364, %swap3A_2365] {strides = array<i32>} : memref<32x128xi32, #tpu.memory_space<vmem>>, vector<1x16xi32>,
    %swap3A_2367 = vector.shape_cast %swap3A_2366 : vector<1x16xi32> to vector<16xi32>
    %swap3A_2368 = vector.shape_cast %get3A_2362 : vector<16xi32> to vector<1x16xi32>
    tpu.vector_store %arg5[%swap3A_2364, %swap3A_2365], %swap3A_2368 {strides = array<i32>} : memref<32x128xi32, #tpu.memory_space<vmem>>, vector<1x16xi32>,
    %get3A_2369 = arith.constant 3 : i32
    %get3A_2370 = arith.index_cast %get3A_2369 : i32 to index
    %get3A_2371 = arith.constant 16 : index
    %get3A_2372 = tpu.vector_load %arg4[%get3A_2370, %get3A_2371] {strides = array<i32>} : memref<4x1024xi32, #tpu.memory_space<vmem>>, vector<1x16xi32>,
    %get3A_2373 = vector.shape_cast %get3A_2372 : vector<1x16xi32> to vector<16xi32>
    %swap3A_2374 = arith.constant 24 : i32
    %swap3A_2375 = arith.index_cast %swap3A_2374 : i32 to index
    %swap3A_2376 = arith.constant 16 : index
    %swap3A_2377 = tpu.vector_load %arg5[%swap3A_2375, %swap3A_2376] {strides = array<i32>} : memref<32x128xi32, #tpu.memory_space<vmem>>, vector<1x16xi32>,
    %swap3A_2378 = vector.shape_cast %swap3A_2377 : vector<1x16xi32> to vector<16xi32>
    %swap3A_2379 = vector.shape_cast %get3A_2373 : vector<16xi32> to vector<1x16xi32>
    tpu.vector_store %arg5[%swap3A_2375, %swap3A_2376], %swap3A_2379 {strides = array<i32>} : memref<32x128xi32, #tpu.memory_space<vmem>>, vector<1x16xi32>,
    %get3A_2380 = arith.constant 3 : i32
    %get3A_2381 = arith.index_cast %get3A_2380 : i32 to index
    %get3A_2382 = arith.constant 32 : index
    %get3A_2383 = tpu.vector_load %arg4[%get3A_2381, %get3A_2382] {strides = array<i32>} : memref<4x1024xi32, #tpu.memory_space<vmem>>, vector<1x16xi32>,
    %get3A_2384 = vector.shape_cast %get3A_2383 : vector<1x16xi32> to vector<16xi32>
    %swap3A_2385 = arith.constant 24 : i32
    %swap3A_2386 = arith.index_cast %swap3A_2385 : i32 to index
    %swap3A_2387 = arith.constant 32 : index
    %swap3A_2388 = tpu.vector_load %arg5[%swap3A_2386, %swap3A_2387] {strides = array<i32>} : memref<32x128xi32, #tpu.memory_space<vmem>>, vector<1x16xi32>,
    %swap3A_2389 = vector.shape_cast %swap3A_2388 : vector<1x16xi32> to vector<16xi32>
    %swap3A_2390 = vector.shape_cast %get3A_2384 : vector<16xi32> to vector<1x16xi32>
    tpu.vector_store %arg5[%swap3A_2386, %swap3A_2387], %swap3A_2390 {strides = array<i32>} : memref<32x128xi32, #tpu.memory_space<vmem>>, vector<1x16xi32>,
    %get3A_2391 = arith.constant 3 : i32
    %get3A_2392 = arith.index_cast %get3A_2391 : i32 to index
    %get3A_2393 = arith.constant 48 : index
    %get3A_2394 = tpu.vector_load %arg4[%get3A_2392, %get3A_2393] {strides = array<i32>} : memref<4x1024xi32, #tpu.memory_space<vmem>>, vector<1x16xi32>,
    %get3A_2395 = vector.shape_cast %get3A_2394 : vector<1x16xi32> to vector<16xi32>
    %swap3A_2396 = arith.constant 24 : i32
    %swap3A_2397 = arith.index_cast %swap3A_2396 : i32 to index
    %swap3A_2398 = arith.constant 48 : index
    %swap3A_2399 = tpu.vector_load %arg5[%swap3A_2397, %swap3A_2398] {strides = array<i32>} : memref<32x128xi32, #tpu.memory_space<vmem>>, vector<1x16xi32>,
    %swap3A_2400 = vector.shape_cast %swap3A_2399 : vector<1x16xi32> to vector<16xi32>
    %swap3A_2401 = vector.shape_cast %get3A_2395 : vector<16xi32> to vector<1x16xi32>
    tpu.vector_store %arg5[%swap3A_2397, %swap3A_2398], %swap3A_2401 {strides = array<i32>} : memref<32x128xi32, #tpu.memory_space<vmem>>, vector<1x16xi32>,
    %get3A_2402 = arith.constant 3 : i32
    %get3A_2403 = arith.index_cast %get3A_2402 : i32 to index
    %get3A_2404 = arith.constant 64 : index
    %get3A_2405 = tpu.vector_load %arg4[%get3A_2403, %get3A_2404] {strides = array<i32>} : memref<4x1024xi32, #tpu.memory_space<vmem>>, vector<1x16xi32>,
    %get3A_2406 = vector.shape_cast %get3A_2405 : vector<1x16xi32> to vector<16xi32>
    %swap3A_2407 = arith.constant 24 : i32
    %swap3A_2408 = arith.index_cast %swap3A_2407 : i32 to index
    %swap3A_2409 = arith.constant 64 : index
    %swap3A_2410 = tpu.vector_load %arg5[%swap3A_2408, %swap3A_2409] {strides = array<i32>} : memref<32x128xi32, #tpu.memory_space<vmem>>, vector<1x16xi32>,
    %swap3A_2411 = vector.shape_cast %swap3A_2410 : vector<1x16xi32> to vector<16xi32>
    %swap3A_2412 = vector.shape_cast %get3A_2406 : vector<16xi32> to vector<1x16xi32>
    tpu.vector_store %arg5[%swap3A_2408, %swap3A_2409], %swap3A_2412 {strides = array<i32>} : memref<32x128xi32, #tpu.memory_space<vmem>>, vector<1x16xi32>,
    %get3A_2413 = arith.constant 3 : i32
    %get3A_2414 = arith.index_cast %get3A_2413 : i32 to index
    %get3A_2415 = arith.constant 80 : index
    %get3A_2416 = tpu.vector_load %arg4[%get3A_2414, %get3A_2415] {strides = array<i32>} : memref<4x1024xi32, #tpu.memory_space<vmem>>, vector<1x16xi32>,
    %get3A_2417 = vector.shape_cast %get3A_2416 : vector<1x16xi32> to vector<16xi32>
    %swap3A_2418 = arith.constant 24 : i32
    %swap3A_2419 = arith.index_cast %swap3A_2418 : i32 to index
    %swap3A_2420 = arith.constant 80 : index
    %swap3A_2421 = tpu.vector_load %arg5[%swap3A_2419, %swap3A_2420] {strides = array<i32>} : memref<32x128xi32, #tpu.memory_space<vmem>>, vector<1x16xi32>,
    %swap3A_2422 = vector.shape_cast %swap3A_2421 : vector<1x16xi32> to vector<16xi32>
    %swap3A_2423 = vector.shape_cast %get3A_2417 : vector<16xi32> to vector<1x16xi32>
    tpu.vector_store %arg5[%swap3A_2419, %swap3A_2420], %swap3A_2423 {strides = array<i32>} : memref<32x128xi32, #tpu.memory_space<vmem>>, vector<1x16xi32>,
    %get3A_2424 = arith.constant 3 : i32
    %get3A_2425 = arith.index_cast %get3A_2424 : i32 to index
    %get3A_2426 = arith.constant 96 : index
    %get3A_2427 = tpu.vector_load %arg4[%get3A_2425, %get3A_2426] {strides = array<i32>} : memref<4x1024xi32, #tpu.memory_space<vmem>>, vector<1x16xi32>,
    %get3A_2428 = vector.shape_cast %get3A_2427 : vector<1x16xi32> to vector<16xi32>
    %swap3A_2429 = arith.constant 24 : i32
    %swap3A_2430 = arith.index_cast %swap3A_2429 : i32 to index
    %swap3A_2431 = arith.constant 96 : index
    %swap3A_2432 = tpu.vector_load %arg5[%swap3A_2430, %swap3A_2431] {strides = array<i32>} : memref<32x128xi32, #tpu.memory_space<vmem>>, vector<1x16xi32>,
    %swap3A_2433 = vector.shape_cast %swap3A_2432 : vector<1x16xi32> to vector<16xi32>
    %swap3A_2434 = vector.shape_cast %get3A_2428 : vector<16xi32> to vector<1x16xi32>
    tpu.vector_store %arg5[%swap3A_2430, %swap3A_2431], %swap3A_2434 {strides = array<i32>} : memref<32x128xi32, #tpu.memory_space<vmem>>, vector<1x16xi32>,
    %get3A_2435 = arith.constant 3 : i32
    %get3A_2436 = arith.index_cast %get3A_2435 : i32 to index
    %get3A_2437 = arith.constant 112 : index
    %get3A_2438 = tpu.vector_load %arg4[%get3A_2436, %get3A_2437] {strides = array<i32>} : memref<4x1024xi32, #tpu.memory_space<vmem>>, vector<1x16xi32>,
    %get3A_2439 = vector.shape_cast %get3A_2438 : vector<1x16xi32> to vector<16xi32>
    %swap3A_2440 = arith.constant 24 : i32
    %swap3A_2441 = arith.index_cast %swap3A_2440 : i32 to index
    %swap3A_2442 = arith.constant 112 : index
    %swap3A_2443 = tpu.vector_load %arg5[%swap3A_2441, %swap3A_2442] {strides = array<i32>} : memref<32x128xi32, #tpu.memory_space<vmem>>, vector<1x16xi32>,
    %swap3A_2444 = vector.shape_cast %swap3A_2443 : vector<1x16xi32> to vector<16xi32>
    %swap3A_2445 = vector.shape_cast %get3A_2439 : vector<16xi32> to vector<1x16xi32>
    tpu.vector_store %arg5[%swap3A_2441, %swap3A_2442], %swap3A_2445 {strides = array<i32>} : memref<32x128xi32, #tpu.memory_space<vmem>>, vector<1x16xi32>,
    %get3A_2446 = arith.constant 3 : i32
    %get3A_2447 = arith.index_cast %get3A_2446 : i32 to index
    %get3A_2448 = arith.constant 128 : index
    %get3A_2449 = tpu.vector_load %arg4[%get3A_2447, %get3A_2448] {strides = array<i32>} : memref<4x1024xi32, #tpu.memory_space<vmem>>, vector<1x16xi32>,
    %get3A_2450 = vector.shape_cast %get3A_2449 : vector<1x16xi32> to vector<16xi32>
    %swap3A_2451 = arith.constant 25 : i32
    %swap3A_2452 = arith.index_cast %swap3A_2451 : i32 to index
    %swap3A_2453 = arith.constant 0 : index
    %swap3A_2454 = tpu.vector_load %arg5[%swap3A_2452, %swap3A_2453] {strides = array<i32>} : memref<32x128xi32, #tpu.memory_space<vmem>>, vector<1x16xi32>,
    %swap3A_2455 = vector.shape_cast %swap3A_2454 : vector<1x16xi32> to vector<16xi32>
    %swap3A_2456 = vector.shape_cast %get3A_2450 : vector<16xi32> to vector<1x16xi32>
    tpu.vector_store %arg5[%swap3A_2452, %swap3A_2453], %swap3A_2456 {strides = array<i32>} : memref<32x128xi32, #tpu.memory_space<vmem>>, vector<1x16xi32>,
    %get3A_2457 = arith.constant 3 : i32
    %get3A_2458 = arith.index_cast %get3A_2457 : i32 to index
    %get3A_2459 = arith.constant 144 : index
    %get3A_2460 = tpu.vector_load %arg4[%get3A_2458, %get3A_2459] {strides = array<i32>} : memref<4x1024xi32, #tpu.memory_space<vmem>>, vector<1x16xi32>,
    %get3A_2461 = vector.shape_cast %get3A_2460 : vector<1x16xi32> to vector<16xi32>
    %swap3A_2462 = arith.constant 25 : i32
    %swap3A_2463 = arith.index_cast %swap3A_2462 : i32 to index
    %swap3A_2464 = arith.constant 16 : index
    %swap3A_2465 = tpu.vector_load %arg5[%swap3A_2463, %swap3A_2464] {strides = array<i32>} : memref<32x128xi32, #tpu.memory_space<vmem>>, vector<1x16xi32>,
    %swap3A_2466 = vector.shape_cast %swap3A_2465 : vector<1x16xi32> to vector<16xi32>
    %swap3A_2467 = vector.shape_cast %get3A_2461 : vector<16xi32> to vector<1x16xi32>
    tpu.vector_store %arg5[%swap3A_2463, %swap3A_2464], %swap3A_2467 {strides = array<i32>} : memref<32x128xi32, #tpu.memory_space<vmem>>, vector<1x16xi32>,
    %get3A_2468 = arith.constant 3 : i32
    %get3A_2469 = arith.index_cast %get3A_2468 : i32 to index
    %get3A_2470 = arith.constant 160 : index
    %get3A_2471 = tpu.vector_load %arg4[%get3A_2469, %get3A_2470] {strides = array<i32>} : memref<4x1024xi32, #tpu.memory_space<vmem>>, vector<1x16xi32>,
    %get3A_2472 = vector.shape_cast %get3A_2471 : vector<1x16xi32> to vector<16xi32>
    %swap3A_2473 = arith.constant 25 : i32
    %swap3A_2474 = arith.index_cast %swap3A_2473 : i32 to index
    %swap3A_2475 = arith.constant 32 : index
    %swap3A_2476 = tpu.vector_load %arg5[%swap3A_2474, %swap3A_2475] {strides = array<i32>} : memref<32x128xi32, #tpu.memory_space<vmem>>, vector<1x16xi32>,
    %swap3A_2477 = vector.shape_cast %swap3A_2476 : vector<1x16xi32> to vector<16xi32>
    %swap3A_2478 = vector.shape_cast %get3A_2472 : vector<16xi32> to vector<1x16xi32>
    tpu.vector_store %arg5[%swap3A_2474, %swap3A_2475], %swap3A_2478 {strides = array<i32>} : memref<32x128xi32, #tpu.memory_space<vmem>>, vector<1x16xi32>,
    %get3A_2479 = arith.constant 3 : i32
    %get3A_2480 = arith.index_cast %get3A_2479 : i32 to index
    %get3A_2481 = arith.constant 176 : index
    %get3A_2482 = tpu.vector_load %arg4[%get3A_2480, %get3A_2481] {strides = array<i32>} : memref<4x1024xi32, #tpu.memory_space<vmem>>, vector<1x16xi32>,
    %get3A_2483 = vector.shape_cast %get3A_2482 : vector<1x16xi32> to vector<16xi32>
    %swap3A_2484 = arith.constant 25 : i32
    %swap3A_2485 = arith.index_cast %swap3A_2484 : i32 to index
    %swap3A_2486 = arith.constant 48 : index
    %swap3A_2487 = tpu.vector_load %arg5[%swap3A_2485, %swap3A_2486] {strides = array<i32>} : memref<32x128xi32, #tpu.memory_space<vmem>>, vector<1x16xi32>,
    %swap3A_2488 = vector.shape_cast %swap3A_2487 : vector<1x16xi32> to vector<16xi32>
    %swap3A_2489 = vector.shape_cast %get3A_2483 : vector<16xi32> to vector<1x16xi32>
    tpu.vector_store %arg5[%swap3A_2485, %swap3A_2486], %swap3A_2489 {strides = array<i32>} : memref<32x128xi32, #tpu.memory_space<vmem>>, vector<1x16xi32>,
    %get3A_2490 = arith.constant 3 : i32
    %get3A_2491 = arith.index_cast %get3A_2490 : i32 to index
    %get3A_2492 = arith.constant 192 : index
    %get3A_2493 = tpu.vector_load %arg4[%get3A_2491, %get3A_2492] {strides = array<i32>} : memref<4x1024xi32, #tpu.memory_space<vmem>>, vector<1x16xi32>,
    %get3A_2494 = vector.shape_cast %get3A_2493 : vector<1x16xi32> to vector<16xi32>
    %swap3A_2495 = arith.constant 25 : i32
    %swap3A_2496 = arith.index_cast %swap3A_2495 : i32 to index
    %swap3A_2497 = arith.constant 64 : index
    %swap3A_2498 = tpu.vector_load %arg5[%swap3A_2496, %swap3A_2497] {strides = array<i32>} : memref<32x128xi32, #tpu.memory_space<vmem>>, vector<1x16xi32>,
    %swap3A_2499 = vector.shape_cast %swap3A_2498 : vector<1x16xi32> to vector<16xi32>
    %swap3A_2500 = vector.shape_cast %get3A_2494 : vector<16xi32> to vector<1x16xi32>
    tpu.vector_store %arg5[%swap3A_2496, %swap3A_2497], %swap3A_2500 {strides = array<i32>} : memref<32x128xi32, #tpu.memory_space<vmem>>, vector<1x16xi32>,
    %get3A_2501 = arith.constant 3 : i32
    %get3A_2502 = arith.index_cast %get3A_2501 : i32 to index
    %get3A_2503 = arith.constant 208 : index
    %get3A_2504 = tpu.vector_load %arg4[%get3A_2502, %get3A_2503] {strides = array<i32>} : memref<4x1024xi32, #tpu.memory_space<vmem>>, vector<1x16xi32>,
    %get3A_2505 = vector.shape_cast %get3A_2504 : vector<1x16xi32> to vector<16xi32>
    %swap3A_2506 = arith.constant 25 : i32
    %swap3A_2507 = arith.index_cast %swap3A_2506 : i32 to index
    %swap3A_2508 = arith.constant 80 : index
    %swap3A_2509 = tpu.vector_load %arg5[%swap3A_2507, %swap3A_2508] {strides = array<i32>} : memref<32x128xi32, #tpu.memory_space<vmem>>, vector<1x16xi32>,
    %swap3A_2510 = vector.shape_cast %swap3A_2509 : vector<1x16xi32> to vector<16xi32>
    %swap3A_2511 = vector.shape_cast %get3A_2505 : vector<16xi32> to vector<1x16xi32>
    tpu.vector_store %arg5[%swap3A_2507, %swap3A_2508], %swap3A_2511 {strides = array<i32>} : memref<32x128xi32, #tpu.memory_space<vmem>>, vector<1x16xi32>,
    %get3A_2512 = arith.constant 3 : i32
    %get3A_2513 = arith.index_cast %get3A_2512 : i32 to index
    %get3A_2514 = arith.constant 224 : index
    %get3A_2515 = tpu.vector_load %arg4[%get3A_2513, %get3A_2514] {strides = array<i32>} : memref<4x1024xi32, #tpu.memory_space<vmem>>, vector<1x16xi32>,
    %get3A_2516 = vector.shape_cast %get3A_2515 : vector<1x16xi32> to vector<16xi32>
    %swap3A_2517 = arith.constant 25 : i32
    %swap3A_2518 = arith.index_cast %swap3A_2517 : i32 to index
    %swap3A_2519 = arith.constant 96 : index
    %swap3A_2520 = tpu.vector_load %arg5[%swap3A_2518, %swap3A_2519] {strides = array<i32>} : memref<32x128xi32, #tpu.memory_space<vmem>>, vector<1x16xi32>,
    %swap3A_2521 = vector.shape_cast %swap3A_2520 : vector<1x16xi32> to vector<16xi32>
    %swap3A_2522 = vector.shape_cast %get3A_2516 : vector<16xi32> to vector<1x16xi32>
    tpu.vector_store %arg5[%swap3A_2518, %swap3A_2519], %swap3A_2522 {strides = array<i32>} : memref<32x128xi32, #tpu.memory_space<vmem>>, vector<1x16xi32>,
    %get3A_2523 = arith.constant 3 : i32
    %get3A_2524 = arith.index_cast %get3A_2523 : i32 to index
    %get3A_2525 = arith.constant 240 : index
    %get3A_2526 = tpu.vector_load %arg4[%get3A_2524, %get3A_2525] {strides = array<i32>} : memref<4x1024xi32, #tpu.memory_space<vmem>>, vector<1x16xi32>,
    %get3A_2527 = vector.shape_cast %get3A_2526 : vector<1x16xi32> to vector<16xi32>
    %swap3A_2528 = arith.constant 25 : i32
    %swap3A_2529 = arith.index_cast %swap3A_2528 : i32 to index
    %swap3A_2530 = arith.constant 112 : index
    %swap3A_2531 = tpu.vector_load %arg5[%swap3A_2529, %swap3A_2530] {strides = array<i32>} : memref<32x128xi32, #tpu.memory_space<vmem>>, vector<1x16xi32>,
    %swap3A_2532 = vector.shape_cast %swap3A_2531 : vector<1x16xi32> to vector<16xi32>
    %swap3A_2533 = vector.shape_cast %get3A_2527 : vector<16xi32> to vector<1x16xi32>
    tpu.vector_store %arg5[%swap3A_2529, %swap3A_2530], %swap3A_2533 {strides = array<i32>} : memref<32x128xi32, #tpu.memory_space<vmem>>, vector<1x16xi32>,
    %get3A_2534 = arith.constant 3 : i32
    %get3A_2535 = arith.index_cast %get3A_2534 : i32 to index
    %get3A_2536 = arith.constant 256 : index
    %get3A_2537 = tpu.vector_load %arg4[%get3A_2535, %get3A_2536] {strides = array<i32>} : memref<4x1024xi32, #tpu.memory_space<vmem>>, vector<1x16xi32>,
    %get3A_2538 = vector.shape_cast %get3A_2537 : vector<1x16xi32> to vector<16xi32>
    %swap3A_2539 = arith.constant 26 : i32
    %swap3A_2540 = arith.index_cast %swap3A_2539 : i32 to index
    %swap3A_2541 = arith.constant 0 : index
    %swap3A_2542 = tpu.vector_load %arg5[%swap3A_2540, %swap3A_2541] {strides = array<i32>} : memref<32x128xi32, #tpu.memory_space<vmem>>, vector<1x16xi32>,
    %swap3A_2543 = vector.shape_cast %swap3A_2542 : vector<1x16xi32> to vector<16xi32>
    %swap3A_2544 = vector.shape_cast %get3A_2538 : vector<16xi32> to vector<1x16xi32>
    tpu.vector_store %arg5[%swap3A_2540, %swap3A_2541], %swap3A_2544 {strides = array<i32>} : memref<32x128xi32, #tpu.memory_space<vmem>>, vector<1x16xi32>,
    %get3A_2545 = arith.constant 3 : i32
    %get3A_2546 = arith.index_cast %get3A_2545 : i32 to index
    %get3A_2547 = arith.constant 272 : index
    %get3A_2548 = tpu.vector_load %arg4[%get3A_2546, %get3A_2547] {strides = array<i32>} : memref<4x1024xi32, #tpu.memory_space<vmem>>, vector<1x16xi32>,
    %get3A_2549 = vector.shape_cast %get3A_2548 : vector<1x16xi32> to vector<16xi32>
    %swap3A_2550 = arith.constant 26 : i32
    %swap3A_2551 = arith.index_cast %swap3A_2550 : i32 to index
    %swap3A_2552 = arith.constant 16 : index
    %swap3A_2553 = tpu.vector_load %arg5[%swap3A_2551, %swap3A_2552] {strides = array<i32>} : memref<32x128xi32, #tpu.memory_space<vmem>>, vector<1x16xi32>,
    %swap3A_2554 = vector.shape_cast %swap3A_2553 : vector<1x16xi32> to vector<16xi32>
    %swap3A_2555 = vector.shape_cast %get3A_2549 : vector<16xi32> to vector<1x16xi32>
    tpu.vector_store %arg5[%swap3A_2551, %swap3A_2552], %swap3A_2555 {strides = array<i32>} : memref<32x128xi32, #tpu.memory_space<vmem>>, vector<1x16xi32>,
    %get3A_2556 = arith.constant 3 : i32
    %get3A_2557 = arith.index_cast %get3A_2556 : i32 to index
    %get3A_2558 = arith.constant 288 : index
    %get3A_2559 = tpu.vector_load %arg4[%get3A_2557, %get3A_2558] {strides = array<i32>} : memref<4x1024xi32, #tpu.memory_space<vmem>>, vector<1x16xi32>,
    %get3A_2560 = vector.shape_cast %get3A_2559 : vector<1x16xi32> to vector<16xi32>
    %swap3A_2561 = arith.constant 26 : i32
    %swap3A_2562 = arith.index_cast %swap3A_2561 : i32 to index
    %swap3A_2563 = arith.constant 32 : index
    %swap3A_2564 = tpu.vector_load %arg5[%swap3A_2562, %swap3A_2563] {strides = array<i32>} : memref<32x128xi32, #tpu.memory_space<vmem>>, vector<1x16xi32>,
    %swap3A_2565 = vector.shape_cast %swap3A_2564 : vector<1x16xi32> to vector<16xi32>
    %swap3A_2566 = vector.shape_cast %get3A_2560 : vector<16xi32> to vector<1x16xi32>
    tpu.vector_store %arg5[%swap3A_2562, %swap3A_2563], %swap3A_2566 {strides = array<i32>} : memref<32x128xi32, #tpu.memory_space<vmem>>, vector<1x16xi32>,
    %get3A_2567 = arith.constant 3 : i32
    %get3A_2568 = arith.index_cast %get3A_2567 : i32 to index
    %get3A_2569 = arith.constant 304 : index
    %get3A_2570 = tpu.vector_load %arg4[%get3A_2568, %get3A_2569] {strides = array<i32>} : memref<4x1024xi32, #tpu.memory_space<vmem>>, vector<1x16xi32>,
    %get3A_2571 = vector.shape_cast %get3A_2570 : vector<1x16xi32> to vector<16xi32>
    %swap3A_2572 = arith.constant 26 : i32
    %swap3A_2573 = arith.index_cast %swap3A_2572 : i32 to index
    %swap3A_2574 = arith.constant 48 : index
    %swap3A_2575 = tpu.vector_load %arg5[%swap3A_2573, %swap3A_2574] {strides = array<i32>} : memref<32x128xi32, #tpu.memory_space<vmem>>, vector<1x16xi32>,
    %swap3A_2576 = vector.shape_cast %swap3A_2575 : vector<1x16xi32> to vector<16xi32>
    %swap3A_2577 = vector.shape_cast %get3A_2571 : vector<16xi32> to vector<1x16xi32>
    tpu.vector_store %arg5[%swap3A_2573, %swap3A_2574], %swap3A_2577 {strides = array<i32>} : memref<32x128xi32, #tpu.memory_space<vmem>>, vector<1x16xi32>,
    %get3A_2578 = arith.constant 3 : i32
    %get3A_2579 = arith.index_cast %get3A_2578 : i32 to index
    %get3A_2580 = arith.constant 320 : index
    %get3A_2581 = tpu.vector_load %arg4[%get3A_2579, %get3A_2580] {strides = array<i32>} : memref<4x1024xi32, #tpu.memory_space<vmem>>, vector<1x16xi32>,
    %get3A_2582 = vector.shape_cast %get3A_2581 : vector<1x16xi32> to vector<16xi32>
    %swap3A_2583 = arith.constant 26 : i32
    %swap3A_2584 = arith.index_cast %swap3A_2583 : i32 to index
    %swap3A_2585 = arith.constant 64 : index
    %swap3A_2586 = tpu.vector_load %arg5[%swap3A_2584, %swap3A_2585] {strides = array<i32>} : memref<32x128xi32, #tpu.memory_space<vmem>>, vector<1x16xi32>,
    %swap3A_2587 = vector.shape_cast %swap3A_2586 : vector<1x16xi32> to vector<16xi32>
    %swap3A_2588 = vector.shape_cast %get3A_2582 : vector<16xi32> to vector<1x16xi32>
    tpu.vector_store %arg5[%swap3A_2584, %swap3A_2585], %swap3A_2588 {strides = array<i32>} : memref<32x128xi32, #tpu.memory_space<vmem>>, vector<1x16xi32>,
    %get3A_2589 = arith.constant 3 : i32
    %get3A_2590 = arith.index_cast %get3A_2589 : i32 to index
    %get3A_2591 = arith.constant 336 : index
    %get3A_2592 = tpu.vector_load %arg4[%get3A_2590, %get3A_2591] {strides = array<i32>} : memref<4x1024xi32, #tpu.memory_space<vmem>>, vector<1x16xi32>,
    %get3A_2593 = vector.shape_cast %get3A_2592 : vector<1x16xi32> to vector<16xi32>
    %swap3A_2594 = arith.constant 26 : i32
    %swap3A_2595 = arith.index_cast %swap3A_2594 : i32 to index
    %swap3A_2596 = arith.constant 80 : index
    %swap3A_2597 = tpu.vector_load %arg5[%swap3A_2595, %swap3A_2596] {strides = array<i32>} : memref<32x128xi32, #tpu.memory_space<vmem>>, vector<1x16xi32>,
    %swap3A_2598 = vector.shape_cast %swap3A_2597 : vector<1x16xi32> to vector<16xi32>
    %swap3A_2599 = vector.shape_cast %get3A_2593 : vector<16xi32> to vector<1x16xi32>
    tpu.vector_store %arg5[%swap3A_2595, %swap3A_2596], %swap3A_2599 {strides = array<i32>} : memref<32x128xi32, #tpu.memory_space<vmem>>, vector<1x16xi32>,
    %get3A_2600 = arith.constant 3 : i32
    %get3A_2601 = arith.index_cast %get3A_2600 : i32 to index
    %get3A_2602 = arith.constant 352 : index
    %get3A_2603 = tpu.vector_load %arg4[%get3A_2601, %get3A_2602] {strides = array<i32>} : memref<4x1024xi32, #tpu.memory_space<vmem>>, vector<1x16xi32>,
    %get3A_2604 = vector.shape_cast %get3A_2603 : vector<1x16xi32> to vector<16xi32>
    %swap3A_2605 = arith.constant 26 : i32
    %swap3A_2606 = arith.index_cast %swap3A_2605 : i32 to index
    %swap3A_2607 = arith.constant 96 : index
    %swap3A_2608 = tpu.vector_load %arg5[%swap3A_2606, %swap3A_2607] {strides = array<i32>} : memref<32x128xi32, #tpu.memory_space<vmem>>, vector<1x16xi32>,
    %swap3A_2609 = vector.shape_cast %swap3A_2608 : vector<1x16xi32> to vector<16xi32>
    %swap3A_2610 = vector.shape_cast %get3A_2604 : vector<16xi32> to vector<1x16xi32>
    tpu.vector_store %arg5[%swap3A_2606, %swap3A_2607], %swap3A_2610 {strides = array<i32>} : memref<32x128xi32, #tpu.memory_space<vmem>>, vector<1x16xi32>,
    %get3A_2611 = arith.constant 3 : i32
    %get3A_2612 = arith.index_cast %get3A_2611 : i32 to index
    %get3A_2613 = arith.constant 368 : index
    %get3A_2614 = tpu.vector_load %arg4[%get3A_2612, %get3A_2613] {strides = array<i32>} : memref<4x1024xi32, #tpu.memory_space<vmem>>, vector<1x16xi32>,
    %get3A_2615 = vector.shape_cast %get3A_2614 : vector<1x16xi32> to vector<16xi32>
    %swap3A_2616 = arith.constant 26 : i32
    %swap3A_2617 = arith.index_cast %swap3A_2616 : i32 to index
    %swap3A_2618 = arith.constant 112 : index
    %swap3A_2619 = tpu.vector_load %arg5[%swap3A_2617, %swap3A_2618] {strides = array<i32>} : memref<32x128xi32, #tpu.memory_space<vmem>>, vector<1x16xi32>,
    %swap3A_2620 = vector.shape_cast %swap3A_2619 : vector<1x16xi32> to vector<16xi32>
    %swap3A_2621 = vector.shape_cast %get3A_2615 : vector<16xi32> to vector<1x16xi32>
    tpu.vector_store %arg5[%swap3A_2617, %swap3A_2618], %swap3A_2621 {strides = array<i32>} : memref<32x128xi32, #tpu.memory_space<vmem>>, vector<1x16xi32>,
    %get3A_2622 = arith.constant 3 : i32
    %get3A_2623 = arith.index_cast %get3A_2622 : i32 to index
    %get3A_2624 = arith.constant 384 : index
    %get3A_2625 = tpu.vector_load %arg4[%get3A_2623, %get3A_2624] {strides = array<i32>} : memref<4x1024xi32, #tpu.memory_space<vmem>>, vector<1x16xi32>,
    %get3A_2626 = vector.shape_cast %get3A_2625 : vector<1x16xi32> to vector<16xi32>
    %swap3A_2627 = arith.constant 27 : i32
    %swap3A_2628 = arith.index_cast %swap3A_2627 : i32 to index
    %swap3A_2629 = arith.constant 0 : index
    %swap3A_2630 = tpu.vector_load %arg5[%swap3A_2628, %swap3A_2629] {strides = array<i32>} : memref<32x128xi32, #tpu.memory_space<vmem>>, vector<1x16xi32>,
    %swap3A_2631 = vector.shape_cast %swap3A_2630 : vector<1x16xi32> to vector<16xi32>
    %swap3A_2632 = vector.shape_cast %get3A_2626 : vector<16xi32> to vector<1x16xi32>
    tpu.vector_store %arg5[%swap3A_2628, %swap3A_2629], %swap3A_2632 {strides = array<i32>} : memref<32x128xi32, #tpu.memory_space<vmem>>, vector<1x16xi32>,
    %get3A_2633 = arith.constant 3 : i32
    %get3A_2634 = arith.index_cast %get3A_2633 : i32 to index
    %get3A_2635 = arith.constant 400 : index
    %get3A_2636 = tpu.vector_load %arg4[%get3A_2634, %get3A_2635] {strides = array<i32>} : memref<4x1024xi32, #tpu.memory_space<vmem>>, vector<1x16xi32>,
    %get3A_2637 = vector.shape_cast %get3A_2636 : vector<1x16xi32> to vector<16xi32>
    %swap3A_2638 = arith.constant 27 : i32
    %swap3A_2639 = arith.index_cast %swap3A_2638 : i32 to index
    %swap3A_2640 = arith.constant 16 : index
    %swap3A_2641 = tpu.vector_load %arg5[%swap3A_2639, %swap3A_2640] {strides = array<i32>} : memref<32x128xi32, #tpu.memory_space<vmem>>, vector<1x16xi32>,
    %swap3A_2642 = vector.shape_cast %swap3A_2641 : vector<1x16xi32> to vector<16xi32>
    %swap3A_2643 = vector.shape_cast %get3A_2637 : vector<16xi32> to vector<1x16xi32>
    tpu.vector_store %arg5[%swap3A_2639, %swap3A_2640], %swap3A_2643 {strides = array<i32>} : memref<32x128xi32, #tpu.memory_space<vmem>>, vector<1x16xi32>,
    %get3A_2644 = arith.constant 3 : i32
    %get3A_2645 = arith.index_cast %get3A_2644 : i32 to index
    %get3A_2646 = arith.constant 416 : index
    %get3A_2647 = tpu.vector_load %arg4[%get3A_2645, %get3A_2646] {strides = array<i32>} : memref<4x1024xi32, #tpu.memory_space<vmem>>, vector<1x16xi32>,
    %get3A_2648 = vector.shape_cast %get3A_2647 : vector<1x16xi32> to vector<16xi32>
    %swap3A_2649 = arith.constant 27 : i32
    %swap3A_2650 = arith.index_cast %swap3A_2649 : i32 to index
    %swap3A_2651 = arith.constant 32 : index
    %swap3A_2652 = tpu.vector_load %arg5[%swap3A_2650, %swap3A_2651] {strides = array<i32>} : memref<32x128xi32, #tpu.memory_space<vmem>>, vector<1x16xi32>,
    %swap3A_2653 = vector.shape_cast %swap3A_2652 : vector<1x16xi32> to vector<16xi32>
    %swap3A_2654 = vector.shape_cast %get3A_2648 : vector<16xi32> to vector<1x16xi32>
    tpu.vector_store %arg5[%swap3A_2650, %swap3A_2651], %swap3A_2654 {strides = array<i32>} : memref<32x128xi32, #tpu.memory_space<vmem>>, vector<1x16xi32>,
    %get3A_2655 = arith.constant 3 : i32
    %get3A_2656 = arith.index_cast %get3A_2655 : i32 to index
    %get3A_2657 = arith.constant 432 : index
    %get3A_2658 = tpu.vector_load %arg4[%get3A_2656, %get3A_2657] {strides = array<i32>} : memref<4x1024xi32, #tpu.memory_space<vmem>>, vector<1x16xi32>,
    %get3A_2659 = vector.shape_cast %get3A_2658 : vector<1x16xi32> to vector<16xi32>
    %swap3A_2660 = arith.constant 27 : i32
    %swap3A_2661 = arith.index_cast %swap3A_2660 : i32 to index
    %swap3A_2662 = arith.constant 48 : index
    %swap3A_2663 = tpu.vector_load %arg5[%swap3A_2661, %swap3A_2662] {strides = array<i32>} : memref<32x128xi32, #tpu.memory_space<vmem>>, vector<1x16xi32>,
    %swap3A_2664 = vector.shape_cast %swap3A_2663 : vector<1x16xi32> to vector<16xi32>
    %swap3A_2665 = vector.shape_cast %get3A_2659 : vector<16xi32> to vector<1x16xi32>
    tpu.vector_store %arg5[%swap3A_2661, %swap3A_2662], %swap3A_2665 {strides = array<i32>} : memref<32x128xi32, #tpu.memory_space<vmem>>, vector<1x16xi32>,
    %get3A_2666 = arith.constant 3 : i32
    %get3A_2667 = arith.index_cast %get3A_2666 : i32 to index
    %get3A_2668 = arith.constant 448 : index
    %get3A_2669 = tpu.vector_load %arg4[%get3A_2667, %get3A_2668] {strides = array<i32>} : memref<4x1024xi32, #tpu.memory_space<vmem>>, vector<1x16xi32>,
    %get3A_2670 = vector.shape_cast %get3A_2669 : vector<1x16xi32> to vector<16xi32>
    %swap3A_2671 = arith.constant 27 : i32
    %swap3A_2672 = arith.index_cast %swap3A_2671 : i32 to index
    %swap3A_2673 = arith.constant 64 : index
    %swap3A_2674 = tpu.vector_load %arg5[%swap3A_2672, %swap3A_2673] {strides = array<i32>} : memref<32x128xi32, #tpu.memory_space<vmem>>, vector<1x16xi32>,
    %swap3A_2675 = vector.shape_cast %swap3A_2674 : vector<1x16xi32> to vector<16xi32>
    %swap3A_2676 = vector.shape_cast %get3A_2670 : vector<16xi32> to vector<1x16xi32>
    tpu.vector_store %arg5[%swap3A_2672, %swap3A_2673], %swap3A_2676 {strides = array<i32>} : memref<32x128xi32, #tpu.memory_space<vmem>>, vector<1x16xi32>,
    %get3A_2677 = arith.constant 3 : i32
    %get3A_2678 = arith.index_cast %get3A_2677 : i32 to index
    %get3A_2679 = arith.constant 464 : index
    %get3A_2680 = tpu.vector_load %arg4[%get3A_2678, %get3A_2679] {strides = array<i32>} : memref<4x1024xi32, #tpu.memory_space<vmem>>, vector<1x16xi32>,
    %get3A_2681 = vector.shape_cast %get3A_2680 : vector<1x16xi32> to vector<16xi32>
    %swap3A_2682 = arith.constant 27 : i32
    %swap3A_2683 = arith.index_cast %swap3A_2682 : i32 to index
    %swap3A_2684 = arith.constant 80 : index
    %swap3A_2685 = tpu.vector_load %arg5[%swap3A_2683, %swap3A_2684] {strides = array<i32>} : memref<32x128xi32, #tpu.memory_space<vmem>>, vector<1x16xi32>,
    %swap3A_2686 = vector.shape_cast %swap3A_2685 : vector<1x16xi32> to vector<16xi32>
    %swap3A_2687 = vector.shape_cast %get3A_2681 : vector<16xi32> to vector<1x16xi32>
    tpu.vector_store %arg5[%swap3A_2683, %swap3A_2684], %swap3A_2687 {strides = array<i32>} : memref<32x128xi32, #tpu.memory_space<vmem>>, vector<1x16xi32>,
    %get3A_2688 = arith.constant 3 : i32
    %get3A_2689 = arith.index_cast %get3A_2688 : i32 to index
    %get3A_2690 = arith.constant 480 : index
    %get3A_2691 = tpu.vector_load %arg4[%get3A_2689, %get3A_2690] {strides = array<i32>} : memref<4x1024xi32, #tpu.memory_space<vmem>>, vector<1x16xi32>,
    %get3A_2692 = vector.shape_cast %get3A_2691 : vector<1x16xi32> to vector<16xi32>
    %swap3A_2693 = arith.constant 27 : i32
    %swap3A_2694 = arith.index_cast %swap3A_2693 : i32 to index
    %swap3A_2695 = arith.constant 96 : index
    %swap3A_2696 = tpu.vector_load %arg5[%swap3A_2694, %swap3A_2695] {strides = array<i32>} : memref<32x128xi32, #tpu.memory_space<vmem>>, vector<1x16xi32>,
    %swap3A_2697 = vector.shape_cast %swap3A_2696 : vector<1x16xi32> to vector<16xi32>
    %swap3A_2698 = vector.shape_cast %get3A_2692 : vector<16xi32> to vector<1x16xi32>
    tpu.vector_store %arg5[%swap3A_2694, %swap3A_2695], %swap3A_2698 {strides = array<i32>} : memref<32x128xi32, #tpu.memory_space<vmem>>, vector<1x16xi32>,
    %get3A_2699 = arith.constant 3 : i32
    %get3A_2700 = arith.index_cast %get3A_2699 : i32 to index
    %get3A_2701 = arith.constant 496 : index
    %get3A_2702 = tpu.vector_load %arg4[%get3A_2700, %get3A_2701] {strides = array<i32>} : memref<4x1024xi32, #tpu.memory_space<vmem>>, vector<1x16xi32>,
    %get3A_2703 = vector.shape_cast %get3A_2702 : vector<1x16xi32> to vector<16xi32>
    %swap3A_2704 = arith.constant 27 : i32
    %swap3A_2705 = arith.index_cast %swap3A_2704 : i32 to index
    %swap3A_2706 = arith.constant 112 : index
    %swap3A_2707 = tpu.vector_load %arg5[%swap3A_2705, %swap3A_2706] {strides = array<i32>} : memref<32x128xi32, #tpu.memory_space<vmem>>, vector<1x16xi32>,
    %swap3A_2708 = vector.shape_cast %swap3A_2707 : vector<1x16xi32> to vector<16xi32>
    %swap3A_2709 = vector.shape_cast %get3A_2703 : vector<16xi32> to vector<1x16xi32>
    tpu.vector_store %arg5[%swap3A_2705, %swap3A_2706], %swap3A_2709 {strides = array<i32>} : memref<32x128xi32, #tpu.memory_space<vmem>>, vector<1x16xi32>,
    %get3A_2710 = arith.constant 3 : i32
    %get3A_2711 = arith.index_cast %get3A_2710 : i32 to index
    %get3A_2712 = arith.constant 512 : index
    %get3A_2713 = tpu.vector_load %arg4[%get3A_2711, %get3A_2712] {strides = array<i32>} : memref<4x1024xi32, #tpu.memory_space<vmem>>, vector<1x16xi32>,
    %get3A_2714 = vector.shape_cast %get3A_2713 : vector<1x16xi32> to vector<16xi32>
    %swap3A_2715 = arith.constant 28 : i32
    %swap3A_2716 = arith.index_cast %swap3A_2715 : i32 to index
    %swap3A_2717 = arith.constant 0 : index
    %swap3A_2718 = tpu.vector_load %arg5[%swap3A_2716, %swap3A_2717] {strides = array<i32>} : memref<32x128xi32, #tpu.memory_space<vmem>>, vector<1x16xi32>,
    %swap3A_2719 = vector.shape_cast %swap3A_2718 : vector<1x16xi32> to vector<16xi32>
    %swap3A_2720 = vector.shape_cast %get3A_2714 : vector<16xi32> to vector<1x16xi32>
    tpu.vector_store %arg5[%swap3A_2716, %swap3A_2717], %swap3A_2720 {strides = array<i32>} : memref<32x128xi32, #tpu.memory_space<vmem>>, vector<1x16xi32>,
    %get3A_2721 = arith.constant 3 : i32
    %get3A_2722 = arith.index_cast %get3A_2721 : i32 to index
    %get3A_2723 = arith.constant 528 : index
    %get3A_2724 = tpu.vector_load %arg4[%get3A_2722, %get3A_2723] {strides = array<i32>} : memref<4x1024xi32, #tpu.memory_space<vmem>>, vector<1x16xi32>,
    %get3A_2725 = vector.shape_cast %get3A_2724 : vector<1x16xi32> to vector<16xi32>
    %swap3A_2726 = arith.constant 28 : i32
    %swap3A_2727 = arith.index_cast %swap3A_2726 : i32 to index
    %swap3A_2728 = arith.constant 16 : index
    %swap3A_2729 = tpu.vector_load %arg5[%swap3A_2727, %swap3A_2728] {strides = array<i32>} : memref<32x128xi32, #tpu.memory_space<vmem>>, vector<1x16xi32>,
    %swap3A_2730 = vector.shape_cast %swap3A_2729 : vector<1x16xi32> to vector<16xi32>
    %swap3A_2731 = vector.shape_cast %get3A_2725 : vector<16xi32> to vector<1x16xi32>
    tpu.vector_store %arg5[%swap3A_2727, %swap3A_2728], %swap3A_2731 {strides = array<i32>} : memref<32x128xi32, #tpu.memory_space<vmem>>, vector<1x16xi32>,
    %get3A_2732 = arith.constant 3 : i32
    %get3A_2733 = arith.index_cast %get3A_2732 : i32 to index
    %get3A_2734 = arith.constant 544 : index
    %get3A_2735 = tpu.vector_load %arg4[%get3A_2733, %get3A_2734] {strides = array<i32>} : memref<4x1024xi32, #tpu.memory_space<vmem>>, vector<1x16xi32>,
    %get3A_2736 = vector.shape_cast %get3A_2735 : vector<1x16xi32> to vector<16xi32>
    %swap3A_2737 = arith.constant 28 : i32
    %swap3A_2738 = arith.index_cast %swap3A_2737 : i32 to index
    %swap3A_2739 = arith.constant 32 : index
    %swap3A_2740 = tpu.vector_load %arg5[%swap3A_2738, %swap3A_2739] {strides = array<i32>} : memref<32x128xi32, #tpu.memory_space<vmem>>, vector<1x16xi32>,
    %swap3A_2741 = vector.shape_cast %swap3A_2740 : vector<1x16xi32> to vector<16xi32>
    %swap3A_2742 = vector.shape_cast %get3A_2736 : vector<16xi32> to vector<1x16xi32>
    tpu.vector_store %arg5[%swap3A_2738, %swap3A_2739], %swap3A_2742 {strides = array<i32>} : memref<32x128xi32, #tpu.memory_space<vmem>>, vector<1x16xi32>,
    %get3A_2743 = arith.constant 3 : i32
    %get3A_2744 = arith.index_cast %get3A_2743 : i32 to index
    %get3A_2745 = arith.constant 560 : index
    %get3A_2746 = tpu.vector_load %arg4[%get3A_2744, %get3A_2745] {strides = array<i32>} : memref<4x1024xi32, #tpu.memory_space<vmem>>, vector<1x16xi32>,
    %get3A_2747 = vector.shape_cast %get3A_2746 : vector<1x16xi32> to vector<16xi32>
    %swap3A_2748 = arith.constant 28 : i32
    %swap3A_2749 = arith.index_cast %swap3A_2748 : i32 to index
    %swap3A_2750 = arith.constant 48 : index
    %swap3A_2751 = tpu.vector_load %arg5[%swap3A_2749, %swap3A_2750] {strides = array<i32>} : memref<32x128xi32, #tpu.memory_space<vmem>>, vector<1x16xi32>,
    %swap3A_2752 = vector.shape_cast %swap3A_2751 : vector<1x16xi32> to vector<16xi32>
    %swap3A_2753 = vector.shape_cast %get3A_2747 : vector<16xi32> to vector<1x16xi32>
    tpu.vector_store %arg5[%swap3A_2749, %swap3A_2750], %swap3A_2753 {strides = array<i32>} : memref<32x128xi32, #tpu.memory_space<vmem>>, vector<1x16xi32>,
    %get3A_2754 = arith.constant 3 : i32
    %get3A_2755 = arith.index_cast %get3A_2754 : i32 to index
    %get3A_2756 = arith.constant 576 : index
    %get3A_2757 = tpu.vector_load %arg4[%get3A_2755, %get3A_2756] {strides = array<i32>} : memref<4x1024xi32, #tpu.memory_space<vmem>>, vector<1x16xi32>,
    %get3A_2758 = vector.shape_cast %get3A_2757 : vector<1x16xi32> to vector<16xi32>
    %swap3A_2759 = arith.constant 28 : i32
    %swap3A_2760 = arith.index_cast %swap3A_2759 : i32 to index
    %swap3A_2761 = arith.constant 64 : index
    %swap3A_2762 = tpu.vector_load %arg5[%swap3A_2760, %swap3A_2761] {strides = array<i32>} : memref<32x128xi32, #tpu.memory_space<vmem>>, vector<1x16xi32>,
    %swap3A_2763 = vector.shape_cast %swap3A_2762 : vector<1x16xi32> to vector<16xi32>
    %swap3A_2764 = vector.shape_cast %get3A_2758 : vector<16xi32> to vector<1x16xi32>
    tpu.vector_store %arg5[%swap3A_2760, %swap3A_2761], %swap3A_2764 {strides = array<i32>} : memref<32x128xi32, #tpu.memory_space<vmem>>, vector<1x16xi32>,
    %get3A_2765 = arith.constant 3 : i32
    %get3A_2766 = arith.index_cast %get3A_2765 : i32 to index
    %get3A_2767 = arith.constant 592 : index
    %get3A_2768 = tpu.vector_load %arg4[%get3A_2766, %get3A_2767] {strides = array<i32>} : memref<4x1024xi32, #tpu.memory_space<vmem>>, vector<1x16xi32>,
    %get3A_2769 = vector.shape_cast %get3A_2768 : vector<1x16xi32> to vector<16xi32>
    %swap3A_2770 = arith.constant 28 : i32
    %swap3A_2771 = arith.index_cast %swap3A_2770 : i32 to index
    %swap3A_2772 = arith.constant 80 : index
    %swap3A_2773 = tpu.vector_load %arg5[%swap3A_2771, %swap3A_2772] {strides = array<i32>} : memref<32x128xi32, #tpu.memory_space<vmem>>, vector<1x16xi32>,
    %swap3A_2774 = vector.shape_cast %swap3A_2773 : vector<1x16xi32> to vector<16xi32>
    %swap3A_2775 = vector.shape_cast %get3A_2769 : vector<16xi32> to vector<1x16xi32>
    tpu.vector_store %arg5[%swap3A_2771, %swap3A_2772], %swap3A_2775 {strides = array<i32>} : memref<32x128xi32, #tpu.memory_space<vmem>>, vector<1x16xi32>,
    %get3A_2776 = arith.constant 3 : i32
    %get3A_2777 = arith.index_cast %get3A_2776 : i32 to index
    %get3A_2778 = arith.constant 608 : index
    %get3A_2779 = tpu.vector_load %arg4[%get3A_2777, %get3A_2778] {strides = array<i32>} : memref<4x1024xi32, #tpu.memory_space<vmem>>, vector<1x16xi32>,
    %get3A_2780 = vector.shape_cast %get3A_2779 : vector<1x16xi32> to vector<16xi32>
    %swap3A_2781 = arith.constant 28 : i32
    %swap3A_2782 = arith.index_cast %swap3A_2781 : i32 to index
    %swap3A_2783 = arith.constant 96 : index
    %swap3A_2784 = tpu.vector_load %arg5[%swap3A_2782, %swap3A_2783] {strides = array<i32>} : memref<32x128xi32, #tpu.memory_space<vmem>>, vector<1x16xi32>,
    %swap3A_2785 = vector.shape_cast %swap3A_2784 : vector<1x16xi32> to vector<16xi32>
    %swap3A_2786 = vector.shape_cast %get3A_2780 : vector<16xi32> to vector<1x16xi32>
    tpu.vector_store %arg5[%swap3A_2782, %swap3A_2783], %swap3A_2786 {strides = array<i32>} : memref<32x128xi32, #tpu.memory_space<vmem>>, vector<1x16xi32>,
    %get3A_2787 = arith.constant 3 : i32
    %get3A_2788 = arith.index_cast %get3A_2787 : i32 to index
    %get3A_2789 = arith.constant 624 : index
    %get3A_2790 = tpu.vector_load %arg4[%get3A_2788, %get3A_2789] {strides = array<i32>} : memref<4x1024xi32, #tpu.memory_space<vmem>>, vector<1x16xi32>,
    %get3A_2791 = vector.shape_cast %get3A_2790 : vector<1x16xi32> to vector<16xi32>
    %swap3A_2792 = arith.constant 28 : i32
    %swap3A_2793 = arith.index_cast %swap3A_2792 : i32 to index
    %swap3A_2794 = arith.constant 112 : index
    %swap3A_2795 = tpu.vector_load %arg5[%swap3A_2793, %swap3A_2794] {strides = array<i32>} : memref<32x128xi32, #tpu.memory_space<vmem>>, vector<1x16xi32>,
    %swap3A_2796 = vector.shape_cast %swap3A_2795 : vector<1x16xi32> to vector<16xi32>
    %swap3A_2797 = vector.shape_cast %get3A_2791 : vector<16xi32> to vector<1x16xi32>
    tpu.vector_store %arg5[%swap3A_2793, %swap3A_2794], %swap3A_2797 {strides = array<i32>} : memref<32x128xi32, #tpu.memory_space<vmem>>, vector<1x16xi32>,
    %get3A_2798 = arith.constant 3 : i32
    %get3A_2799 = arith.index_cast %get3A_2798 : i32 to index
    %get3A_2800 = arith.constant 640 : index
    %get3A_2801 = tpu.vector_load %arg4[%get3A_2799, %get3A_2800] {strides = array<i32>} : memref<4x1024xi32, #tpu.memory_space<vmem>>, vector<1x16xi32>,
    %get3A_2802 = vector.shape_cast %get3A_2801 : vector<1x16xi32> to vector<16xi32>
    %swap3A_2803 = arith.constant 29 : i32
    %swap3A_2804 = arith.index_cast %swap3A_2803 : i32 to index
    %swap3A_2805 = arith.constant 0 : index
    %swap3A_2806 = tpu.vector_load %arg5[%swap3A_2804, %swap3A_2805] {strides = array<i32>} : memref<32x128xi32, #tpu.memory_space<vmem>>, vector<1x16xi32>,
    %swap3A_2807 = vector.shape_cast %swap3A_2806 : vector<1x16xi32> to vector<16xi32>
    %swap3A_2808 = vector.shape_cast %get3A_2802 : vector<16xi32> to vector<1x16xi32>
    tpu.vector_store %arg5[%swap3A_2804, %swap3A_2805], %swap3A_2808 {strides = array<i32>} : memref<32x128xi32, #tpu.memory_space<vmem>>, vector<1x16xi32>,
    %get3A_2809 = arith.constant 3 : i32
    %get3A_2810 = arith.index_cast %get3A_2809 : i32 to index
    %get3A_2811 = arith.constant 656 : index
    %get3A_2812 = tpu.vector_load %arg4[%get3A_2810, %get3A_2811] {strides = array<i32>} : memref<4x1024xi32, #tpu.memory_space<vmem>>, vector<1x16xi32>,
    %get3A_2813 = vector.shape_cast %get3A_2812 : vector<1x16xi32> to vector<16xi32>
    %swap3A_2814 = arith.constant 29 : i32
    %swap3A_2815 = arith.index_cast %swap3A_2814 : i32 to index
    %swap3A_2816 = arith.constant 16 : index
    %swap3A_2817 = tpu.vector_load %arg5[%swap3A_2815, %swap3A_2816] {strides = array<i32>} : memref<32x128xi32, #tpu.memory_space<vmem>>, vector<1x16xi32>,
    %swap3A_2818 = vector.shape_cast %swap3A_2817 : vector<1x16xi32> to vector<16xi32>
    %swap3A_2819 = vector.shape_cast %get3A_2813 : vector<16xi32> to vector<1x16xi32>
    tpu.vector_store %arg5[%swap3A_2815, %swap3A_2816], %swap3A_2819 {strides = array<i32>} : memref<32x128xi32, #tpu.memory_space<vmem>>, vector<1x16xi32>,
    %get3A_2820 = arith.constant 3 : i32
    %get3A_2821 = arith.index_cast %get3A_2820 : i32 to index
    %get3A_2822 = arith.constant 672 : index
    %get3A_2823 = tpu.vector_load %arg4[%get3A_2821, %get3A_2822] {strides = array<i32>} : memref<4x1024xi32, #tpu.memory_space<vmem>>, vector<1x16xi32>,
    %get3A_2824 = vector.shape_cast %get3A_2823 : vector<1x16xi32> to vector<16xi32>
    %swap3A_2825 = arith.constant 29 : i32
    %swap3A_2826 = arith.index_cast %swap3A_2825 : i32 to index
    %swap3A_2827 = arith.constant 32 : index
    %swap3A_2828 = tpu.vector_load %arg5[%swap3A_2826, %swap3A_2827] {strides = array<i32>} : memref<32x128xi32, #tpu.memory_space<vmem>>, vector<1x16xi32>,
    %swap3A_2829 = vector.shape_cast %swap3A_2828 : vector<1x16xi32> to vector<16xi32>
    %swap3A_2830 = vector.shape_cast %get3A_2824 : vector<16xi32> to vector<1x16xi32>
    tpu.vector_store %arg5[%swap3A_2826, %swap3A_2827], %swap3A_2830 {strides = array<i32>} : memref<32x128xi32, #tpu.memory_space<vmem>>, vector<1x16xi32>,
    %get3A_2831 = arith.constant 3 : i32
    %get3A_2832 = arith.index_cast %get3A_2831 : i32 to index
    %get3A_2833 = arith.constant 688 : index
    %get3A_2834 = tpu.vector_load %arg4[%get3A_2832, %get3A_2833] {strides = array<i32>} : memref<4x1024xi32, #tpu.memory_space<vmem>>, vector<1x16xi32>,
    %get3A_2835 = vector.shape_cast %get3A_2834 : vector<1x16xi32> to vector<16xi32>
    %swap3A_2836 = arith.constant 29 : i32
    %swap3A_2837 = arith.index_cast %swap3A_2836 : i32 to index
    %swap3A_2838 = arith.constant 48 : index
    %swap3A_2839 = tpu.vector_load %arg5[%swap3A_2837, %swap3A_2838] {strides = array<i32>} : memref<32x128xi32, #tpu.memory_space<vmem>>, vector<1x16xi32>,
    %swap3A_2840 = vector.shape_cast %swap3A_2839 : vector<1x16xi32> to vector<16xi32>
    %swap3A_2841 = vector.shape_cast %get3A_2835 : vector<16xi32> to vector<1x16xi32>
    tpu.vector_store %arg5[%swap3A_2837, %swap3A_2838], %swap3A_2841 {strides = array<i32>} : memref<32x128xi32, #tpu.memory_space<vmem>>, vector<1x16xi32>,
    %get3A_2842 = arith.constant 3 : i32
    %get3A_2843 = arith.index_cast %get3A_2842 : i32 to index
    %get3A_2844 = arith.constant 704 : index
    %get3A_2845 = tpu.vector_load %arg4[%get3A_2843, %get3A_2844] {strides = array<i32>} : memref<4x1024xi32, #tpu.memory_space<vmem>>, vector<1x16xi32>,
    %get3A_2846 = vector.shape_cast %get3A_2845 : vector<1x16xi32> to vector<16xi32>
    %swap3A_2847 = arith.constant 29 : i32
    %swap3A_2848 = arith.index_cast %swap3A_2847 : i32 to index
    %swap3A_2849 = arith.constant 64 : index
    %swap3A_2850 = tpu.vector_load %arg5[%swap3A_2848, %swap3A_2849] {strides = array<i32>} : memref<32x128xi32, #tpu.memory_space<vmem>>, vector<1x16xi32>,
    %swap3A_2851 = vector.shape_cast %swap3A_2850 : vector<1x16xi32> to vector<16xi32>
    %swap3A_2852 = vector.shape_cast %get3A_2846 : vector<16xi32> to vector<1x16xi32>
    tpu.vector_store %arg5[%swap3A_2848, %swap3A_2849], %swap3A_2852 {strides = array<i32>} : memref<32x128xi32, #tpu.memory_space<vmem>>, vector<1x16xi32>,
    %get3A_2853 = arith.constant 3 : i32
    %get3A_2854 = arith.index_cast %get3A_2853 : i32 to index
    %get3A_2855 = arith.constant 720 : index
    %get3A_2856 = tpu.vector_load %arg4[%get3A_2854, %get3A_2855] {strides = array<i32>} : memref<4x1024xi32, #tpu.memory_space<vmem>>, vector<1x16xi32>,
    %get3A_2857 = vector.shape_cast %get3A_2856 : vector<1x16xi32> to vector<16xi32>
    %swap3A_2858 = arith.constant 29 : i32
    %swap3A_2859 = arith.index_cast %swap3A_2858 : i32 to index
    %swap3A_2860 = arith.constant 80 : index
    %swap3A_2861 = tpu.vector_load %arg5[%swap3A_2859, %swap3A_2860] {strides = array<i32>} : memref<32x128xi32, #tpu.memory_space<vmem>>, vector<1x16xi32>,
    %swap3A_2862 = vector.shape_cast %swap3A_2861 : vector<1x16xi32> to vector<16xi32>
    %swap3A_2863 = vector.shape_cast %get3A_2857 : vector<16xi32> to vector<1x16xi32>
    tpu.vector_store %arg5[%swap3A_2859, %swap3A_2860], %swap3A_2863 {strides = array<i32>} : memref<32x128xi32, #tpu.memory_space<vmem>>, vector<1x16xi32>,
    %get3A_2864 = arith.constant 3 : i32
    %get3A_2865 = arith.index_cast %get3A_2864 : i32 to index
    %get3A_2866 = arith.constant 736 : index
    %get3A_2867 = tpu.vector_load %arg4[%get3A_2865, %get3A_2866] {strides = array<i32>} : memref<4x1024xi32, #tpu.memory_space<vmem>>, vector<1x16xi32>,
    %get3A_2868 = vector.shape_cast %get3A_2867 : vector<1x16xi32> to vector<16xi32>
    %swap3A_2869 = arith.constant 29 : i32
    %swap3A_2870 = arith.index_cast %swap3A_2869 : i32 to index
    %swap3A_2871 = arith.constant 96 : index
    %swap3A_2872 = tpu.vector_load %arg5[%swap3A_2870, %swap3A_2871] {strides = array<i32>} : memref<32x128xi32, #tpu.memory_space<vmem>>, vector<1x16xi32>,
    %swap3A_2873 = vector.shape_cast %swap3A_2872 : vector<1x16xi32> to vector<16xi32>
    %swap3A_2874 = vector.shape_cast %get3A_2868 : vector<16xi32> to vector<1x16xi32>
    tpu.vector_store %arg5[%swap3A_2870, %swap3A_2871], %swap3A_2874 {strides = array<i32>} : memref<32x128xi32, #tpu.memory_space<vmem>>, vector<1x16xi32>,
    %get3A_2875 = arith.constant 3 : i32
    %get3A_2876 = arith.index_cast %get3A_2875 : i32 to index
    %get3A_2877 = arith.constant 752 : index
    %get3A_2878 = tpu.vector_load %arg4[%get3A_2876, %get3A_2877] {strides = array<i32>} : memref<4x1024xi32, #tpu.memory_space<vmem>>, vector<1x16xi32>,
    %get3A_2879 = vector.shape_cast %get3A_2878 : vector<1x16xi32> to vector<16xi32>
    %swap3A_2880 = arith.constant 29 : i32
    %swap3A_2881 = arith.index_cast %swap3A_2880 : i32 to index
    %swap3A_2882 = arith.constant 112 : index
    %swap3A_2883 = tpu.vector_load %arg5[%swap3A_2881, %swap3A_2882] {strides = array<i32>} : memref<32x128xi32, #tpu.memory_space<vmem>>, vector<1x16xi32>,
    %swap3A_2884 = vector.shape_cast %swap3A_2883 : vector<1x16xi32> to vector<16xi32>
    %swap3A_2885 = vector.shape_cast %get3A_2879 : vector<16xi32> to vector<1x16xi32>
    tpu.vector_store %arg5[%swap3A_2881, %swap3A_2882], %swap3A_2885 {strides = array<i32>} : memref<32x128xi32, #tpu.memory_space<vmem>>, vector<1x16xi32>,
    %get3A_2886 = arith.constant 3 : i32
    %get3A_2887 = arith.index_cast %get3A_2886 : i32 to index
    %get3A_2888 = arith.constant 768 : index
    %get3A_2889 = tpu.vector_load %arg4[%get3A_2887, %get3A_2888] {strides = array<i32>} : memref<4x1024xi32, #tpu.memory_space<vmem>>, vector<1x16xi32>,
    %get3A_2890 = vector.shape_cast %get3A_2889 : vector<1x16xi32> to vector<16xi32>
    %swap3A_2891 = arith.constant 30 : i32
    %swap3A_2892 = arith.index_cast %swap3A_2891 : i32 to index
    %swap3A_2893 = arith.constant 0 : index
    %swap3A_2894 = tpu.vector_load %arg5[%swap3A_2892, %swap3A_2893] {strides = array<i32>} : memref<32x128xi32, #tpu.memory_space<vmem>>, vector<1x16xi32>,
    %swap3A_2895 = vector.shape_cast %swap3A_2894 : vector<1x16xi32> to vector<16xi32>
    %swap3A_2896 = vector.shape_cast %get3A_2890 : vector<16xi32> to vector<1x16xi32>
    tpu.vector_store %arg5[%swap3A_2892, %swap3A_2893], %swap3A_2896 {strides = array<i32>} : memref<32x128xi32, #tpu.memory_space<vmem>>, vector<1x16xi32>,
    %get3A_2897 = arith.constant 3 : i32
    %get3A_2898 = arith.index_cast %get3A_2897 : i32 to index
    %get3A_2899 = arith.constant 784 : index
    %get3A_2900 = tpu.vector_load %arg4[%get3A_2898, %get3A_2899] {strides = array<i32>} : memref<4x1024xi32, #tpu.memory_space<vmem>>, vector<1x16xi32>,
    %get3A_2901 = vector.shape_cast %get3A_2900 : vector<1x16xi32> to vector<16xi32>
    %swap3A_2902 = arith.constant 30 : i32
    %swap3A_2903 = arith.index_cast %swap3A_2902 : i32 to index
    %swap3A_2904 = arith.constant 16 : index
    %swap3A_2905 = tpu.vector_load %arg5[%swap3A_2903, %swap3A_2904] {strides = array<i32>} : memref<32x128xi32, #tpu.memory_space<vmem>>, vector<1x16xi32>,
    %swap3A_2906 = vector.shape_cast %swap3A_2905 : vector<1x16xi32> to vector<16xi32>
    %swap3A_2907 = vector.shape_cast %get3A_2901 : vector<16xi32> to vector<1x16xi32>
    tpu.vector_store %arg5[%swap3A_2903, %swap3A_2904], %swap3A_2907 {strides = array<i32>} : memref<32x128xi32, #tpu.memory_space<vmem>>, vector<1x16xi32>,
    %get3A_2908 = arith.constant 3 : i32
    %get3A_2909 = arith.index_cast %get3A_2908 : i32 to index
    %get3A_2910 = arith.constant 800 : index
    %get3A_2911 = tpu.vector_load %arg4[%get3A_2909, %get3A_2910] {strides = array<i32>} : memref<4x1024xi32, #tpu.memory_space<vmem>>, vector<1x16xi32>,
    %get3A_2912 = vector.shape_cast %get3A_2911 : vector<1x16xi32> to vector<16xi32>
    %swap3A_2913 = arith.constant 30 : i32
    %swap3A_2914 = arith.index_cast %swap3A_2913 : i32 to index
    %swap3A_2915 = arith.constant 32 : index
    %swap3A_2916 = tpu.vector_load %arg5[%swap3A_2914, %swap3A_2915] {strides = array<i32>} : memref<32x128xi32, #tpu.memory_space<vmem>>, vector<1x16xi32>,
    %swap3A_2917 = vector.shape_cast %swap3A_2916 : vector<1x16xi32> to vector<16xi32>
    %swap3A_2918 = vector.shape_cast %get3A_2912 : vector<16xi32> to vector<1x16xi32>
    tpu.vector_store %arg5[%swap3A_2914, %swap3A_2915], %swap3A_2918 {strides = array<i32>} : memref<32x128xi32, #tpu.memory_space<vmem>>, vector<1x16xi32>,
    %get3A_2919 = arith.constant 3 : i32
    %get3A_2920 = arith.index_cast %get3A_2919 : i32 to index
    %get3A_2921 = arith.constant 816 : index
    %get3A_2922 = tpu.vector_load %arg4[%get3A_2920, %get3A_2921] {strides = array<i32>} : memref<4x1024xi32, #tpu.memory_space<vmem>>, vector<1x16xi32>,
    %get3A_2923 = vector.shape_cast %get3A_2922 : vector<1x16xi32> to vector<16xi32>
    %swap3A_2924 = arith.constant 30 : i32
    %swap3A_2925 = arith.index_cast %swap3A_2924 : i32 to index
    %swap3A_2926 = arith.constant 48 : index
    %swap3A_2927 = tpu.vector_load %arg5[%swap3A_2925, %swap3A_2926] {strides = array<i32>} : memref<32x128xi32, #tpu.memory_space<vmem>>, vector<1x16xi32>,
    %swap3A_2928 = vector.shape_cast %swap3A_2927 : vector<1x16xi32> to vector<16xi32>
    %swap3A_2929 = vector.shape_cast %get3A_2923 : vector<16xi32> to vector<1x16xi32>
    tpu.vector_store %arg5[%swap3A_2925, %swap3A_2926], %swap3A_2929 {strides = array<i32>} : memref<32x128xi32, #tpu.memory_space<vmem>>, vector<1x16xi32>,
    %get3A_2930 = arith.constant 3 : i32
    %get3A_2931 = arith.index_cast %get3A_2930 : i32 to index
    %get3A_2932 = arith.constant 832 : index
    %get3A_2933 = tpu.vector_load %arg4[%get3A_2931, %get3A_2932] {strides = array<i32>} : memref<4x1024xi32, #tpu.memory_space<vmem>>, vector<1x16xi32>,
    %get3A_2934 = vector.shape_cast %get3A_2933 : vector<1x16xi32> to vector<16xi32>
    %swap3A_2935 = arith.constant 30 : i32
    %swap3A_2936 = arith.index_cast %swap3A_2935 : i32 to index
    %swap3A_2937 = arith.constant 64 : index
    %swap3A_2938 = tpu.vector_load %arg5[%swap3A_2936, %swap3A_2937] {strides = array<i32>} : memref<32x128xi32, #tpu.memory_space<vmem>>, vector<1x16xi32>,
    %swap3A_2939 = vector.shape_cast %swap3A_2938 : vector<1x16xi32> to vector<16xi32>
    %swap3A_2940 = vector.shape_cast %get3A_2934 : vector<16xi32> to vector<1x16xi32>
    tpu.vector_store %arg5[%swap3A_2936, %swap3A_2937], %swap3A_2940 {strides = array<i32>} : memref<32x128xi32, #tpu.memory_space<vmem>>, vector<1x16xi32>,
    %get3A_2941 = arith.constant 3 : i32
    %get3A_2942 = arith.index_cast %get3A_2941 : i32 to index
    %get3A_2943 = arith.constant 848 : index
    %get3A_2944 = tpu.vector_load %arg4[%get3A_2942, %get3A_2943] {strides = array<i32>} : memref<4x1024xi32, #tpu.memory_space<vmem>>, vector<1x16xi32>,
    %get3A_2945 = vector.shape_cast %get3A_2944 : vector<1x16xi32> to vector<16xi32>
    %swap3A_2946 = arith.constant 30 : i32
    %swap3A_2947 = arith.index_cast %swap3A_2946 : i32 to index
    %swap3A_2948 = arith.constant 80 : index
    %swap3A_2949 = tpu.vector_load %arg5[%swap3A_2947, %swap3A_2948] {strides = array<i32>} : memref<32x128xi32, #tpu.memory_space<vmem>>, vector<1x16xi32>,
    %swap3A_2950 = vector.shape_cast %swap3A_2949 : vector<1x16xi32> to vector<16xi32>
    %swap3A_2951 = vector.shape_cast %get3A_2945 : vector<16xi32> to vector<1x16xi32>
    tpu.vector_store %arg5[%swap3A_2947, %swap3A_2948], %swap3A_2951 {strides = array<i32>} : memref<32x128xi32, #tpu.memory_space<vmem>>, vector<1x16xi32>,
    %get3A_2952 = arith.constant 3 : i32
    %get3A_2953 = arith.index_cast %get3A_2952 : i32 to index
    %get3A_2954 = arith.constant 864 : index
    %get3A_2955 = tpu.vector_load %arg4[%get3A_2953, %get3A_2954] {strides = array<i32>} : memref<4x1024xi32, #tpu.memory_space<vmem>>, vector<1x16xi32>,
    %get3A_2956 = vector.shape_cast %get3A_2955 : vector<1x16xi32> to vector<16xi32>
    %swap3A_2957 = arith.constant 30 : i32
    %swap3A_2958 = arith.index_cast %swap3A_2957 : i32 to index
    %swap3A_2959 = arith.constant 96 : index
    %swap3A_2960 = tpu.vector_load %arg5[%swap3A_2958, %swap3A_2959] {strides = array<i32>} : memref<32x128xi32, #tpu.memory_space<vmem>>, vector<1x16xi32>,
    %swap3A_2961 = vector.shape_cast %swap3A_2960 : vector<1x16xi32> to vector<16xi32>
    %swap3A_2962 = vector.shape_cast %get3A_2956 : vector<16xi32> to vector<1x16xi32>
    tpu.vector_store %arg5[%swap3A_2958, %swap3A_2959], %swap3A_2962 {strides = array<i32>} : memref<32x128xi32, #tpu.memory_space<vmem>>, vector<1x16xi32>,
    %get3A_2963 = arith.constant 3 : i32
    %get3A_2964 = arith.index_cast %get3A_2963 : i32 to index
    %get3A_2965 = arith.constant 880 : index
    %get3A_2966 = tpu.vector_load %arg4[%get3A_2964, %get3A_2965] {strides = array<i32>} : memref<4x1024xi32, #tpu.memory_space<vmem>>, vector<1x16xi32>,
    %get3A_2967 = vector.shape_cast %get3A_2966 : vector<1x16xi32> to vector<16xi32>
    %swap3A_2968 = arith.constant 30 : i32
    %swap3A_2969 = arith.index_cast %swap3A_2968 : i32 to index
    %swap3A_2970 = arith.constant 112 : index
    %swap3A_2971 = tpu.vector_load %arg5[%swap3A_2969, %swap3A_2970] {strides = array<i32>} : memref<32x128xi32, #tpu.memory_space<vmem>>, vector<1x16xi32>,
    %swap3A_2972 = vector.shape_cast %swap3A_2971 : vector<1x16xi32> to vector<16xi32>
    %swap3A_2973 = vector.shape_cast %get3A_2967 : vector<16xi32> to vector<1x16xi32>
    tpu.vector_store %arg5[%swap3A_2969, %swap3A_2970], %swap3A_2973 {strides = array<i32>} : memref<32x128xi32, #tpu.memory_space<vmem>>, vector<1x16xi32>,
    %get3A_2974 = arith.constant 3 : i32
    %get3A_2975 = arith.index_cast %get3A_2974 : i32 to index
    %get3A_2976 = arith.constant 896 : index
    %get3A_2977 = tpu.vector_load %arg4[%get3A_2975, %get3A_2976] {strides = array<i32>} : memref<4x1024xi32, #tpu.memory_space<vmem>>, vector<1x16xi32>,
    %get3A_2978 = vector.shape_cast %get3A_2977 : vector<1x16xi32> to vector<16xi32>
    %swap3A_2979 = arith.constant 31 : i32
    %swap3A_2980 = arith.index_cast %swap3A_2979 : i32 to index
    %swap3A_2981 = arith.constant 0 : index
    %swap3A_2982 = tpu.vector_load %arg5[%swap3A_2980, %swap3A_2981] {strides = array<i32>} : memref<32x128xi32, #tpu.memory_space<vmem>>, vector<1x16xi32>,
    %swap3A_2983 = vector.shape_cast %swap3A_2982 : vector<1x16xi32> to vector<16xi32>
    %swap3A_2984 = vector.shape_cast %get3A_2978 : vector<16xi32> to vector<1x16xi32>
    tpu.vector_store %arg5[%swap3A_2980, %swap3A_2981], %swap3A_2984 {strides = array<i32>} : memref<32x128xi32, #tpu.memory_space<vmem>>, vector<1x16xi32>,
    %get3A_2985 = arith.constant 3 : i32
    %get3A_2986 = arith.index_cast %get3A_2985 : i32 to index
    %get3A_2987 = arith.constant 912 : index
    %get3A_2988 = tpu.vector_load %arg4[%get3A_2986, %get3A_2987] {strides = array<i32>} : memref<4x1024xi32, #tpu.memory_space<vmem>>, vector<1x16xi32>,
    %get3A_2989 = vector.shape_cast %get3A_2988 : vector<1x16xi32> to vector<16xi32>
    %swap3A_2990 = arith.constant 31 : i32
    %swap3A_2991 = arith.index_cast %swap3A_2990 : i32 to index
    %swap3A_2992 = arith.constant 16 : index
    %swap3A_2993 = tpu.vector_load %arg5[%swap3A_2991, %swap3A_2992] {strides = array<i32>} : memref<32x128xi32, #tpu.memory_space<vmem>>, vector<1x16xi32>,
    %swap3A_2994 = vector.shape_cast %swap3A_2993 : vector<1x16xi32> to vector<16xi32>
    %swap3A_2995 = vector.shape_cast %get3A_2989 : vector<16xi32> to vector<1x16xi32>
    tpu.vector_store %arg5[%swap3A_2991, %swap3A_2992], %swap3A_2995 {strides = array<i32>} : memref<32x128xi32, #tpu.memory_space<vmem>>, vector<1x16xi32>,
    %get3A_2996 = arith.constant 3 : i32
    %get3A_2997 = arith.index_cast %get3A_2996 : i32 to index
    %get3A_2998 = arith.constant 928 : index
    %get3A_2999 = tpu.vector_load %arg4[%get3A_2997, %get3A_2998] {strides = array<i32>} : memref<4x1024xi32, #tpu.memory_space<vmem>>, vector<1x16xi32>,
    %get3A_3000 = vector.shape_cast %get3A_2999 : vector<1x16xi32> to vector<16xi32>
    %swap3A_3001 = arith.constant 31 : i32
    %swap3A_3002 = arith.index_cast %swap3A_3001 : i32 to index
    %swap3A_3003 = arith.constant 32 : index
    %swap3A_3004 = tpu.vector_load %arg5[%swap3A_3002, %swap3A_3003] {strides = array<i32>} : memref<32x128xi32, #tpu.memory_space<vmem>>, vector<1x16xi32>,
    %swap3A_3005 = vector.shape_cast %swap3A_3004 : vector<1x16xi32> to vector<16xi32>
    %swap3A_3006 = vector.shape_cast %get3A_3000 : vector<16xi32> to vector<1x16xi32>
    tpu.vector_store %arg5[%swap3A_3002, %swap3A_3003], %swap3A_3006 {strides = array<i32>} : memref<32x128xi32, #tpu.memory_space<vmem>>, vector<1x16xi32>,
    %get3A_3007 = arith.constant 3 : i32
    %get3A_3008 = arith.index_cast %get3A_3007 : i32 to index
    %get3A_3009 = arith.constant 944 : index
    %get3A_3010 = tpu.vector_load %arg4[%get3A_3008, %get3A_3009] {strides = array<i32>} : memref<4x1024xi32, #tpu.memory_space<vmem>>, vector<1x16xi32>,
    %get3A_3011 = vector.shape_cast %get3A_3010 : vector<1x16xi32> to vector<16xi32>
    %swap3A_3012 = arith.constant 31 : i32
    %swap3A_3013 = arith.index_cast %swap3A_3012 : i32 to index
    %swap3A_3014 = arith.constant 48 : index
    %swap3A_3015 = tpu.vector_load %arg5[%swap3A_3013, %swap3A_3014] {strides = array<i32>} : memref<32x128xi32, #tpu.memory_space<vmem>>, vector<1x16xi32>,
    %swap3A_3016 = vector.shape_cast %swap3A_3015 : vector<1x16xi32> to vector<16xi32>
    %swap3A_3017 = vector.shape_cast %get3A_3011 : vector<16xi32> to vector<1x16xi32>
    tpu.vector_store %arg5[%swap3A_3013, %swap3A_3014], %swap3A_3017 {strides = array<i32>} : memref<32x128xi32, #tpu.memory_space<vmem>>, vector<1x16xi32>,
    %get3A_3018 = arith.constant 3 : i32
    %get3A_3019 = arith.index_cast %get3A_3018 : i32 to index
    %get3A_3020 = arith.constant 960 : index
    %get3A_3021 = tpu.vector_load %arg4[%get3A_3019, %get3A_3020] {strides = array<i32>} : memref<4x1024xi32, #tpu.memory_space<vmem>>, vector<1x16xi32>,
    %get3A_3022 = vector.shape_cast %get3A_3021 : vector<1x16xi32> to vector<16xi32>
    %swap3A_3023 = arith.constant 31 : i32
    %swap3A_3024 = arith.index_cast %swap3A_3023 : i32 to index
    %swap3A_3025 = arith.constant 64 : index
    %swap3A_3026 = tpu.vector_load %arg5[%swap3A_3024, %swap3A_3025] {strides = array<i32>} : memref<32x128xi32, #tpu.memory_space<vmem>>, vector<1x16xi32>,
    %swap3A_3027 = vector.shape_cast %swap3A_3026 : vector<1x16xi32> to vector<16xi32>
    %swap3A_3028 = vector.shape_cast %get3A_3022 : vector<16xi32> to vector<1x16xi32>
    tpu.vector_store %arg5[%swap3A_3024, %swap3A_3025], %swap3A_3028 {strides = array<i32>} : memref<32x128xi32, #tpu.memory_space<vmem>>, vector<1x16xi32>,
    %get3A_3029 = arith.constant 3 : i32
    %get3A_3030 = arith.index_cast %get3A_3029 : i32 to index
    %get3A_3031 = arith.constant 976 : index
    %get3A_3032 = tpu.vector_load %arg4[%get3A_3030, %get3A_3031] {strides = array<i32>} : memref<4x1024xi32, #tpu.memory_space<vmem>>, vector<1x16xi32>,
    %get3A_3033 = vector.shape_cast %get3A_3032 : vector<1x16xi32> to vector<16xi32>
    %swap3A_3034 = arith.constant 31 : i32
    %swap3A_3035 = arith.index_cast %swap3A_3034 : i32 to index
    %swap3A_3036 = arith.constant 80 : index
    %swap3A_3037 = tpu.vector_load %arg5[%swap3A_3035, %swap3A_3036] {strides = array<i32>} : memref<32x128xi32, #tpu.memory_space<vmem>>, vector<1x16xi32>,
    %swap3A_3038 = vector.shape_cast %swap3A_3037 : vector<1x16xi32> to vector<16xi32>
    %swap3A_3039 = vector.shape_cast %get3A_3033 : vector<16xi32> to vector<1x16xi32>
    tpu.vector_store %arg5[%swap3A_3035, %swap3A_3036], %swap3A_3039 {strides = array<i32>} : memref<32x128xi32, #tpu.memory_space<vmem>>, vector<1x16xi32>,
    %get3A_3040 = arith.constant 3 : i32
    %get3A_3041 = arith.index_cast %get3A_3040 : i32 to index
    %get3A_3042 = arith.constant 992 : index
    %get3A_3043 = tpu.vector_load %arg4[%get3A_3041, %get3A_3042] {strides = array<i32>} : memref<4x1024xi32, #tpu.memory_space<vmem>>, vector<1x16xi32>,
    %get3A_3044 = vector.shape_cast %get3A_3043 : vector<1x16xi32> to vector<16xi32>
    %swap3A_3045 = arith.constant 31 : i32
    %swap3A_3046 = arith.index_cast %swap3A_3045 : i32 to index
    %swap3A_3047 = arith.constant 96 : index
    %swap3A_3048 = tpu.vector_load %arg5[%swap3A_3046, %swap3A_3047] {strides = array<i32>} : memref<32x128xi32, #tpu.memory_space<vmem>>, vector<1x16xi32>,
    %swap3A_3049 = vector.shape_cast %swap3A_3048 : vector<1x16xi32> to vector<16xi32>
    %swap3A_3050 = vector.shape_cast %get3A_3044 : vector<16xi32> to vector<1x16xi32>
    tpu.vector_store %arg5[%swap3A_3046, %swap3A_3047], %swap3A_3050 {strides = array<i32>} : memref<32x128xi32, #tpu.memory_space<vmem>>, vector<1x16xi32>,
    %get3A_3051 = arith.constant 3 : i32
    %get3A_3052 = arith.index_cast %get3A_3051 : i32 to index
    %get3A_3053 = arith.constant 1008 : index
    %get3A_3054 = tpu.vector_load %arg4[%get3A_3052, %get3A_3053] {strides = array<i32>} : memref<4x1024xi32, #tpu.memory_space<vmem>>, vector<1x16xi32>,
    %get3A_3055 = vector.shape_cast %get3A_3054 : vector<1x16xi32> to vector<16xi32>
    %swap3A_3056 = arith.constant 31 : i32
    %swap3A_3057 = arith.index_cast %swap3A_3056 : i32 to index
    %swap3A_3058 = arith.constant 112 : index
    %swap3A_3059 = tpu.vector_load %arg5[%swap3A_3057, %swap3A_3058] {strides = array<i32>} : memref<32x128xi32, #tpu.memory_space<vmem>>, vector<1x16xi32>,
    %swap3A_3060 = vector.shape_cast %swap3A_3059 : vector<1x16xi32> to vector<16xi32>
    %swap3A_3061 = vector.shape_cast %get3A_3055 : vector<16xi32> to vector<1x16xi32>
    tpu.vector_store %arg5[%swap3A_3057, %swap3A_3058], %swap3A_3061 {strides = array<i32>} : memref<32x128xi32, #tpu.memory_space<vmem>>, vector<1x16xi32>,
    %barrier3A = arith.constant 0 : index
    tpu.barrier barrier_id(%barrier3A)
    %dma_start3A_3062 = arith.constant 0 : i32
    %dma_start3A_3063 = arith.constant 0 : i32
    %dma_start3A_3064 = tpu.memref_slice %arg5[%dma_start3A_3062, %dma_start3A_3063] : memref<32x128xi32, #tpu.memory_space<vmem>> -> memref<1x128xi32, #tpu.memory_space<vmem>>
    %dma_start3A_3065 = tpu.memref_squeeze %dma_start3A_3064 : memref<1x128xi32, #tpu.memory_space<vmem>> -> memref<128xi32, #tpu.memory_space<vmem>>
    %dma_start3A_3066 = arith.constant 0 : i32
    %dma_start3A_3067 = tpu.memref_slice %arg8[%dma_start3A_3066] : memref<8192xf32, #tpu.memory_space<vmem_shared>> -> memref<8192xf32, #tpu.memory_space<vmem_shared>>
    tpu.enqueue_indirect_dma source(%arg7 : memref<128xf32, #tpu.memory_space<vmem>>) target(%dma_start3A_3067 : memref<8192xf32, #tpu.memory_space<vmem_shared>>) offsets(%dma_start3A_3065 : memref<128xi32, #tpu.memory_space<vmem>>) semaphore(%arg9 : memref<!tpu.dma_semaphore, #tpu.memory_space<semaphore_mem>>) {add = true}
    %dma_start3A_3068 = arith.constant 1 : i32
    %dma_start3A_3069 = arith.constant 0 : i32
    %dma_start3A_3070 = tpu.memref_slice %arg5[%dma_start3A_3068, %dma_start3A_3069] : memref<32x128xi32, #tpu.memory_space<vmem>> -> memref<1x128xi32, #tpu.memory_space<vmem>>
    %dma_start3A_3071 = tpu.memref_squeeze %dma_start3A_3070 : memref<1x128xi32, #tpu.memory_space<vmem>> -> memref<128xi32, #tpu.memory_space<vmem>>
    %dma_start3A_3072 = arith.constant 0 : i32
    %dma_start3A_3073 = tpu.memref_slice %arg8[%dma_start3A_3072] : memref<8192xf32, #tpu.memory_space<vmem_shared>> -> memref<8192xf32, #tpu.memory_space<vmem_shared>>
    tpu.enqueue_indirect_dma source(%arg7 : memref<128xf32, #tpu.memory_space<vmem>>) target(%dma_start3A_3073 : memref<8192xf32, #tpu.memory_space<vmem_shared>>) offsets(%dma_start3A_3071 : memref<128xi32, #tpu.memory_space<vmem>>) semaphore(%arg9 : memref<!tpu.dma_semaphore, #tpu.memory_space<semaphore_mem>>) {add = true}
    %dma_start3A_3074 = arith.constant 2 : i32
    %dma_start3A_3075 = arith.constant 0 : i32
    %dma_start3A_3076 = tpu.memref_slice %arg5[%dma_start3A_3074, %dma_start3A_3075] : memref<32x128xi32, #tpu.memory_space<vmem>> -> memref<1x128xi32, #tpu.memory_space<vmem>>
    %dma_start3A_3077 = tpu.memref_squeeze %dma_start3A_3076 : memref<1x128xi32, #tpu.memory_space<vmem>> -> memref<128xi32, #tpu.memory_space<vmem>>
    %dma_start3A_3078 = arith.constant 0 : i32
    %dma_start3A_3079 = tpu.memref_slice %arg8[%dma_start3A_3078] : memref<8192xf32, #tpu.memory_space<vmem_shared>> -> memref<8192xf32, #tpu.memory_space<vmem_shared>>
    tpu.enqueue_indirect_dma source(%arg7 : memref<128xf32, #tpu.memory_space<vmem>>) target(%dma_start3A_3079 : memref<8192xf32, #tpu.memory_space<vmem_shared>>) offsets(%dma_start3A_3077 : memref<128xi32, #tpu.memory_space<vmem>>) semaphore(%arg9 : memref<!tpu.dma_semaphore, #tpu.memory_space<semaphore_mem>>) {add = true}
    %dma_start3A_3080 = arith.constant 3 : i32
    %dma_start3A_3081 = arith.constant 0 : i32
    %dma_start3A_3082 = tpu.memref_slice %arg5[%dma_start3A_3080, %dma_start3A_3081] : memref<32x128xi32, #tpu.memory_space<vmem>> -> memref<1x128xi32, #tpu.memory_space<vmem>>
    %dma_start3A_3083 = tpu.memref_squeeze %dma_start3A_3082 : memref<1x128xi32, #tpu.memory_space<vmem>> -> memref<128xi32, #tpu.memory_space<vmem>>
    %dma_start3A_3084 = arith.constant 0 : i32
    %dma_start3A_3085 = tpu.memref_slice %arg8[%dma_start3A_3084] : memref<8192xf32, #tpu.memory_space<vmem_shared>> -> memref<8192xf32, #tpu.memory_space<vmem_shared>>
    tpu.enqueue_indirect_dma source(%arg7 : memref<128xf32, #tpu.memory_space<vmem>>) target(%dma_start3A_3085 : memref<8192xf32, #tpu.memory_space<vmem_shared>>) offsets(%dma_start3A_3083 : memref<128xi32, #tpu.memory_space<vmem>>) semaphore(%arg9 : memref<!tpu.dma_semaphore, #tpu.memory_space<semaphore_mem>>) {add = true}
    %dma_start3A_3086 = arith.constant 4 : i32
    %dma_start3A_3087 = arith.constant 0 : i32
    %dma_start3A_3088 = tpu.memref_slice %arg5[%dma_start3A_3086, %dma_start3A_3087] : memref<32x128xi32, #tpu.memory_space<vmem>> -> memref<1x128xi32, #tpu.memory_space<vmem>>
    %dma_start3A_3089 = tpu.memref_squeeze %dma_start3A_3088 : memref<1x128xi32, #tpu.memory_space<vmem>> -> memref<128xi32, #tpu.memory_space<vmem>>
    %dma_start3A_3090 = arith.constant 0 : i32
    %dma_start3A_3091 = tpu.memref_slice %arg8[%dma_start3A_3090] : memref<8192xf32, #tpu.memory_space<vmem_shared>> -> memref<8192xf32, #tpu.memory_space<vmem_shared>>
    tpu.enqueue_indirect_dma source(%arg7 : memref<128xf32, #tpu.memory_space<vmem>>) target(%dma_start3A_3091 : memref<8192xf32, #tpu.memory_space<vmem_shared>>) offsets(%dma_start3A_3089 : memref<128xi32, #tpu.memory_space<vmem>>) semaphore(%arg9 : memref<!tpu.dma_semaphore, #tpu.memory_space<semaphore_mem>>) {add = true}
    %dma_start3A_3092 = arith.constant 5 : i32
    %dma_start3A_3093 = arith.constant 0 : i32
    %dma_start3A_3094 = tpu.memref_slice %arg5[%dma_start3A_3092, %dma_start3A_3093] : memref<32x128xi32, #tpu.memory_space<vmem>> -> memref<1x128xi32, #tpu.memory_space<vmem>>
    %dma_start3A_3095 = tpu.memref_squeeze %dma_start3A_3094 : memref<1x128xi32, #tpu.memory_space<vmem>> -> memref<128xi32, #tpu.memory_space<vmem>>
    %dma_start3A_3096 = arith.constant 0 : i32
    %dma_start3A_3097 = tpu.memref_slice %arg8[%dma_start3A_3096] : memref<8192xf32, #tpu.memory_space<vmem_shared>> -> memref<8192xf32, #tpu.memory_space<vmem_shared>>
    tpu.enqueue_indirect_dma source(%arg7 : memref<128xf32, #tpu.memory_space<vmem>>) target(%dma_start3A_3097 : memref<8192xf32, #tpu.memory_space<vmem_shared>>) offsets(%dma_start3A_3095 : memref<128xi32, #tpu.memory_space<vmem>>) semaphore(%arg9 : memref<!tpu.dma_semaphore, #tpu.memory_space<semaphore_mem>>) {add = true}
    %dma_start3A_3098 = arith.constant 6 : i32
    %dma_start3A_3099 = arith.constant 0 : i32
    %dma_start3A_3100 = tpu.memref_slice %arg5[%dma_start3A_3098, %dma_start3A_3099] : memref<32x128xi32, #tpu.memory_space<vmem>> -> memref<1x128xi32, #tpu.memory_space<vmem>>
    %dma_start3A_3101 = tpu.memref_squeeze %dma_start3A_3100 : memref<1x128xi32, #tpu.memory_space<vmem>> -> memref<128xi32, #tpu.memory_space<vmem>>
    %dma_start3A_3102 = arith.constant 0 : i32
    %dma_start3A_3103 = tpu.memref_slice %arg8[%dma_start3A_3102] : memref<8192xf32, #tpu.memory_space<vmem_shared>> -> memref<8192xf32, #tpu.memory_space<vmem_shared>>
    tpu.enqueue_indirect_dma source(%arg7 : memref<128xf32, #tpu.memory_space<vmem>>) target(%dma_start3A_3103 : memref<8192xf32, #tpu.memory_space<vmem_shared>>) offsets(%dma_start3A_3101 : memref<128xi32, #tpu.memory_space<vmem>>) semaphore(%arg9 : memref<!tpu.dma_semaphore, #tpu.memory_space<semaphore_mem>>) {add = true}
    %dma_start3A_3104 = arith.constant 7 : i32
    %dma_start3A_3105 = arith.constant 0 : i32
    %dma_start3A_3106 = tpu.memref_slice %arg5[%dma_start3A_3104, %dma_start3A_3105] : memref<32x128xi32, #tpu.memory_space<vmem>> -> memref<1x128xi32, #tpu.memory_space<vmem>>
    %dma_start3A_3107 = tpu.memref_squeeze %dma_start3A_3106 : memref<1x128xi32, #tpu.memory_space<vmem>> -> memref<128xi32, #tpu.memory_space<vmem>>
    %dma_start3A_3108 = arith.constant 0 : i32
    %dma_start3A_3109 = tpu.memref_slice %arg8[%dma_start3A_3108] : memref<8192xf32, #tpu.memory_space<vmem_shared>> -> memref<8192xf32, #tpu.memory_space<vmem_shared>>
    tpu.enqueue_indirect_dma source(%arg7 : memref<128xf32, #tpu.memory_space<vmem>>) target(%dma_start3A_3109 : memref<8192xf32, #tpu.memory_space<vmem_shared>>) offsets(%dma_start3A_3107 : memref<128xi32, #tpu.memory_space<vmem>>) semaphore(%arg9 : memref<!tpu.dma_semaphore, #tpu.memory_space<semaphore_mem>>) {add = true}
    %dma_start3A_3110 = arith.constant 8 : i32
    %dma_start3A_3111 = arith.constant 0 : i32
    %dma_start3A_3112 = tpu.memref_slice %arg5[%dma_start3A_3110, %dma_start3A_3111] : memref<32x128xi32, #tpu.memory_space<vmem>> -> memref<1x128xi32, #tpu.memory_space<vmem>>
    %dma_start3A_3113 = tpu.memref_squeeze %dma_start3A_3112 : memref<1x128xi32, #tpu.memory_space<vmem>> -> memref<128xi32, #tpu.memory_space<vmem>>
    %dma_start3A_3114 = arith.constant 0 : i32
    %dma_start3A_3115 = tpu.memref_slice %arg8[%dma_start3A_3114] : memref<8192xf32, #tpu.memory_space<vmem_shared>> -> memref<8192xf32, #tpu.memory_space<vmem_shared>>
    tpu.enqueue_indirect_dma source(%arg7 : memref<128xf32, #tpu.memory_space<vmem>>) target(%dma_start3A_3115 : memref<8192xf32, #tpu.memory_space<vmem_shared>>) offsets(%dma_start3A_3113 : memref<128xi32, #tpu.memory_space<vmem>>) semaphore(%arg9 : memref<!tpu.dma_semaphore, #tpu.memory_space<semaphore_mem>>) {add = true}
    %dma_start3A_3116 = arith.constant 9 : i32
    %dma_start3A_3117 = arith.constant 0 : i32
    %dma_start3A_3118 = tpu.memref_slice %arg5[%dma_start3A_3116, %dma_start3A_3117] : memref<32x128xi32, #tpu.memory_space<vmem>> -> memref<1x128xi32, #tpu.memory_space<vmem>>
    %dma_start3A_3119 = tpu.memref_squeeze %dma_start3A_3118 : memref<1x128xi32, #tpu.memory_space<vmem>> -> memref<128xi32, #tpu.memory_space<vmem>>
    %dma_start3A_3120 = arith.constant 0 : i32
    %dma_start3A_3121 = tpu.memref_slice %arg8[%dma_start3A_3120] : memref<8192xf32, #tpu.memory_space<vmem_shared>> -> memref<8192xf32, #tpu.memory_space<vmem_shared>>
    tpu.enqueue_indirect_dma source(%arg7 : memref<128xf32, #tpu.memory_space<vmem>>) target(%dma_start3A_3121 : memref<8192xf32, #tpu.memory_space<vmem_shared>>) offsets(%dma_start3A_3119 : memref<128xi32, #tpu.memory_space<vmem>>) semaphore(%arg9 : memref<!tpu.dma_semaphore, #tpu.memory_space<semaphore_mem>>) {add = true}
    %dma_start3A_3122 = arith.constant 10 : i32
    %dma_start3A_3123 = arith.constant 0 : i32
    %dma_start3A_3124 = tpu.memref_slice %arg5[%dma_start3A_3122, %dma_start3A_3123] : memref<32x128xi32, #tpu.memory_space<vmem>> -> memref<1x128xi32, #tpu.memory_space<vmem>>
    %dma_start3A_3125 = tpu.memref_squeeze %dma_start3A_3124 : memref<1x128xi32, #tpu.memory_space<vmem>> -> memref<128xi32, #tpu.memory_space<vmem>>
    %dma_start3A_3126 = arith.constant 0 : i32
    %dma_start3A_3127 = tpu.memref_slice %arg8[%dma_start3A_3126] : memref<8192xf32, #tpu.memory_space<vmem_shared>> -> memref<8192xf32, #tpu.memory_space<vmem_shared>>
    tpu.enqueue_indirect_dma source(%arg7 : memref<128xf32, #tpu.memory_space<vmem>>) target(%dma_start3A_3127 : memref<8192xf32, #tpu.memory_space<vmem_shared>>) offsets(%dma_start3A_3125 : memref<128xi32, #tpu.memory_space<vmem>>) semaphore(%arg9 : memref<!tpu.dma_semaphore, #tpu.memory_space<semaphore_mem>>) {add = true}
    %dma_start3A_3128 = arith.constant 11 : i32
    %dma_start3A_3129 = arith.constant 0 : i32
    %dma_start3A_3130 = tpu.memref_slice %arg5[%dma_start3A_3128, %dma_start3A_3129] : memref<32x128xi32, #tpu.memory_space<vmem>> -> memref<1x128xi32, #tpu.memory_space<vmem>>
    %dma_start3A_3131 = tpu.memref_squeeze %dma_start3A_3130 : memref<1x128xi32, #tpu.memory_space<vmem>> -> memref<128xi32, #tpu.memory_space<vmem>>
    %dma_start3A_3132 = arith.constant 0 : i32
    %dma_start3A_3133 = tpu.memref_slice %arg8[%dma_start3A_3132] : memref<8192xf32, #tpu.memory_space<vmem_shared>> -> memref<8192xf32, #tpu.memory_space<vmem_shared>>
    tpu.enqueue_indirect_dma source(%arg7 : memref<128xf32, #tpu.memory_space<vmem>>) target(%dma_start3A_3133 : memref<8192xf32, #tpu.memory_space<vmem_shared>>) offsets(%dma_start3A_3131 : memref<128xi32, #tpu.memory_space<vmem>>) semaphore(%arg9 : memref<!tpu.dma_semaphore, #tpu.memory_space<semaphore_mem>>) {add = true}
    %dma_start3A_3134 = arith.constant 12 : i32
    %dma_start3A_3135 = arith.constant 0 : i32
    %dma_start3A_3136 = tpu.memref_slice %arg5[%dma_start3A_3134, %dma_start3A_3135] : memref<32x128xi32, #tpu.memory_space<vmem>> -> memref<1x128xi32, #tpu.memory_space<vmem>>
    %dma_start3A_3137 = tpu.memref_squeeze %dma_start3A_3136 : memref<1x128xi32, #tpu.memory_space<vmem>> -> memref<128xi32, #tpu.memory_space<vmem>>
    %dma_start3A_3138 = arith.constant 0 : i32
    %dma_start3A_3139 = tpu.memref_slice %arg8[%dma_start3A_3138] : memref<8192xf32, #tpu.memory_space<vmem_shared>> -> memref<8192xf32, #tpu.memory_space<vmem_shared>>
    tpu.enqueue_indirect_dma source(%arg7 : memref<128xf32, #tpu.memory_space<vmem>>) target(%dma_start3A_3139 : memref<8192xf32, #tpu.memory_space<vmem_shared>>) offsets(%dma_start3A_3137 : memref<128xi32, #tpu.memory_space<vmem>>) semaphore(%arg9 : memref<!tpu.dma_semaphore, #tpu.memory_space<semaphore_mem>>) {add = true}
    %dma_start3A_3140 = arith.constant 13 : i32
    %dma_start3A_3141 = arith.constant 0 : i32
    %dma_start3A_3142 = tpu.memref_slice %arg5[%dma_start3A_3140, %dma_start3A_3141] : memref<32x128xi32, #tpu.memory_space<vmem>> -> memref<1x128xi32, #tpu.memory_space<vmem>>
    %dma_start3A_3143 = tpu.memref_squeeze %dma_start3A_3142 : memref<1x128xi32, #tpu.memory_space<vmem>> -> memref<128xi32, #tpu.memory_space<vmem>>
    %dma_start3A_3144 = arith.constant 0 : i32
    %dma_start3A_3145 = tpu.memref_slice %arg8[%dma_start3A_3144] : memref<8192xf32, #tpu.memory_space<vmem_shared>> -> memref<8192xf32, #tpu.memory_space<vmem_shared>>
    tpu.enqueue_indirect_dma source(%arg7 : memref<128xf32, #tpu.memory_space<vmem>>) target(%dma_start3A_3145 : memref<8192xf32, #tpu.memory_space<vmem_shared>>) offsets(%dma_start3A_3143 : memref<128xi32, #tpu.memory_space<vmem>>) semaphore(%arg9 : memref<!tpu.dma_semaphore, #tpu.memory_space<semaphore_mem>>) {add = true}
    %dma_start3A_3146 = arith.constant 14 : i32
    %dma_start3A_3147 = arith.constant 0 : i32
    %dma_start3A_3148 = tpu.memref_slice %arg5[%dma_start3A_3146, %dma_start3A_3147] : memref<32x128xi32, #tpu.memory_space<vmem>> -> memref<1x128xi32, #tpu.memory_space<vmem>>
    %dma_start3A_3149 = tpu.memref_squeeze %dma_start3A_3148 : memref<1x128xi32, #tpu.memory_space<vmem>> -> memref<128xi32, #tpu.memory_space<vmem>>
    %dma_start3A_3150 = arith.constant 0 : i32
    %dma_start3A_3151 = tpu.memref_slice %arg8[%dma_start3A_3150] : memref<8192xf32, #tpu.memory_space<vmem_shared>> -> memref<8192xf32, #tpu.memory_space<vmem_shared>>
    tpu.enqueue_indirect_dma source(%arg7 : memref<128xf32, #tpu.memory_space<vmem>>) target(%dma_start3A_3151 : memref<8192xf32, #tpu.memory_space<vmem_shared>>) offsets(%dma_start3A_3149 : memref<128xi32, #tpu.memory_space<vmem>>) semaphore(%arg9 : memref<!tpu.dma_semaphore, #tpu.memory_space<semaphore_mem>>) {add = true}
    %dma_start3A_3152 = arith.constant 15 : i32
    %dma_start3A_3153 = arith.constant 0 : i32
    %dma_start3A_3154 = tpu.memref_slice %arg5[%dma_start3A_3152, %dma_start3A_3153] : memref<32x128xi32, #tpu.memory_space<vmem>> -> memref<1x128xi32, #tpu.memory_space<vmem>>
    %dma_start3A_3155 = tpu.memref_squeeze %dma_start3A_3154 : memref<1x128xi32, #tpu.memory_space<vmem>> -> memref<128xi32, #tpu.memory_space<vmem>>
    %dma_start3A_3156 = arith.constant 0 : i32
    %dma_start3A_3157 = tpu.memref_slice %arg8[%dma_start3A_3156] : memref<8192xf32, #tpu.memory_space<vmem_shared>> -> memref<8192xf32, #tpu.memory_space<vmem_shared>>
    tpu.enqueue_indirect_dma source(%arg7 : memref<128xf32, #tpu.memory_space<vmem>>) target(%dma_start3A_3157 : memref<8192xf32, #tpu.memory_space<vmem_shared>>) offsets(%dma_start3A_3155 : memref<128xi32, #tpu.memory_space<vmem>>) semaphore(%arg9 : memref<!tpu.dma_semaphore, #tpu.memory_space<semaphore_mem>>) {add = true}
    %dma_start3A_3158 = arith.constant 16 : i32
    %dma_start3A_3159 = arith.constant 0 : i32
    %dma_start3A_3160 = tpu.memref_slice %arg5[%dma_start3A_3158, %dma_start3A_3159] : memref<32x128xi32, #tpu.memory_space<vmem>> -> memref<1x128xi32, #tpu.memory_space<vmem>>
    %dma_start3A_3161 = tpu.memref_squeeze %dma_start3A_3160 : memref<1x128xi32, #tpu.memory_space<vmem>> -> memref<128xi32, #tpu.memory_space<vmem>>
    %dma_start3A_3162 = arith.constant 0 : i32
    %dma_start3A_3163 = tpu.memref_slice %arg8[%dma_start3A_3162] : memref<8192xf32, #tpu.memory_space<vmem_shared>> -> memref<8192xf32, #tpu.memory_space<vmem_shared>>
    tpu.enqueue_indirect_dma source(%arg7 : memref<128xf32, #tpu.memory_space<vmem>>) target(%dma_start3A_3163 : memref<8192xf32, #tpu.memory_space<vmem_shared>>) offsets(%dma_start3A_3161 : memref<128xi32, #tpu.memory_space<vmem>>) semaphore(%arg9 : memref<!tpu.dma_semaphore, #tpu.memory_space<semaphore_mem>>) {add = true}
    %dma_start3A_3164 = arith.constant 17 : i32
    %dma_start3A_3165 = arith.constant 0 : i32
    %dma_start3A_3166 = tpu.memref_slice %arg5[%dma_start3A_3164, %dma_start3A_3165] : memref<32x128xi32, #tpu.memory_space<vmem>> -> memref<1x128xi32, #tpu.memory_space<vmem>>
    %dma_start3A_3167 = tpu.memref_squeeze %dma_start3A_3166 : memref<1x128xi32, #tpu.memory_space<vmem>> -> memref<128xi32, #tpu.memory_space<vmem>>
    %dma_start3A_3168 = arith.constant 0 : i32
    %dma_start3A_3169 = tpu.memref_slice %arg8[%dma_start3A_3168] : memref<8192xf32, #tpu.memory_space<vmem_shared>> -> memref<8192xf32, #tpu.memory_space<vmem_shared>>
    tpu.enqueue_indirect_dma source(%arg7 : memref<128xf32, #tpu.memory_space<vmem>>) target(%dma_start3A_3169 : memref<8192xf32, #tpu.memory_space<vmem_shared>>) offsets(%dma_start3A_3167 : memref<128xi32, #tpu.memory_space<vmem>>) semaphore(%arg9 : memref<!tpu.dma_semaphore, #tpu.memory_space<semaphore_mem>>) {add = true}
    %dma_start3A_3170 = arith.constant 18 : i32
    %dma_start3A_3171 = arith.constant 0 : i32
    %dma_start3A_3172 = tpu.memref_slice %arg5[%dma_start3A_3170, %dma_start3A_3171] : memref<32x128xi32, #tpu.memory_space<vmem>> -> memref<1x128xi32, #tpu.memory_space<vmem>>
    %dma_start3A_3173 = tpu.memref_squeeze %dma_start3A_3172 : memref<1x128xi32, #tpu.memory_space<vmem>> -> memref<128xi32, #tpu.memory_space<vmem>>
    %dma_start3A_3174 = arith.constant 0 : i32
    %dma_start3A_3175 = tpu.memref_slice %arg8[%dma_start3A_3174] : memref<8192xf32, #tpu.memory_space<vmem_shared>> -> memref<8192xf32, #tpu.memory_space<vmem_shared>>
    tpu.enqueue_indirect_dma source(%arg7 : memref<128xf32, #tpu.memory_space<vmem>>) target(%dma_start3A_3175 : memref<8192xf32, #tpu.memory_space<vmem_shared>>) offsets(%dma_start3A_3173 : memref<128xi32, #tpu.memory_space<vmem>>) semaphore(%arg9 : memref<!tpu.dma_semaphore, #tpu.memory_space<semaphore_mem>>) {add = true}
    %dma_start3A_3176 = arith.constant 19 : i32
    %dma_start3A_3177 = arith.constant 0 : i32
    %dma_start3A_3178 = tpu.memref_slice %arg5[%dma_start3A_3176, %dma_start3A_3177] : memref<32x128xi32, #tpu.memory_space<vmem>> -> memref<1x128xi32, #tpu.memory_space<vmem>>
    %dma_start3A_3179 = tpu.memref_squeeze %dma_start3A_3178 : memref<1x128xi32, #tpu.memory_space<vmem>> -> memref<128xi32, #tpu.memory_space<vmem>>
    %dma_start3A_3180 = arith.constant 0 : i32
    %dma_start3A_3181 = tpu.memref_slice %arg8[%dma_start3A_3180] : memref<8192xf32, #tpu.memory_space<vmem_shared>> -> memref<8192xf32, #tpu.memory_space<vmem_shared>>
    tpu.enqueue_indirect_dma source(%arg7 : memref<128xf32, #tpu.memory_space<vmem>>) target(%dma_start3A_3181 : memref<8192xf32, #tpu.memory_space<vmem_shared>>) offsets(%dma_start3A_3179 : memref<128xi32, #tpu.memory_space<vmem>>) semaphore(%arg9 : memref<!tpu.dma_semaphore, #tpu.memory_space<semaphore_mem>>) {add = true}
    %dma_start3A_3182 = arith.constant 20 : i32
    %dma_start3A_3183 = arith.constant 0 : i32
    %dma_start3A_3184 = tpu.memref_slice %arg5[%dma_start3A_3182, %dma_start3A_3183] : memref<32x128xi32, #tpu.memory_space<vmem>> -> memref<1x128xi32, #tpu.memory_space<vmem>>
    %dma_start3A_3185 = tpu.memref_squeeze %dma_start3A_3184 : memref<1x128xi32, #tpu.memory_space<vmem>> -> memref<128xi32, #tpu.memory_space<vmem>>
    %dma_start3A_3186 = arith.constant 0 : i32
    %dma_start3A_3187 = tpu.memref_slice %arg8[%dma_start3A_3186] : memref<8192xf32, #tpu.memory_space<vmem_shared>> -> memref<8192xf32, #tpu.memory_space<vmem_shared>>
    tpu.enqueue_indirect_dma source(%arg7 : memref<128xf32, #tpu.memory_space<vmem>>) target(%dma_start3A_3187 : memref<8192xf32, #tpu.memory_space<vmem_shared>>) offsets(%dma_start3A_3185 : memref<128xi32, #tpu.memory_space<vmem>>) semaphore(%arg9 : memref<!tpu.dma_semaphore, #tpu.memory_space<semaphore_mem>>) {add = true}
    %dma_start3A_3188 = arith.constant 21 : i32
    %dma_start3A_3189 = arith.constant 0 : i32
    %dma_start3A_3190 = tpu.memref_slice %arg5[%dma_start3A_3188, %dma_start3A_3189] : memref<32x128xi32, #tpu.memory_space<vmem>> -> memref<1x128xi32, #tpu.memory_space<vmem>>
    %dma_start3A_3191 = tpu.memref_squeeze %dma_start3A_3190 : memref<1x128xi32, #tpu.memory_space<vmem>> -> memref<128xi32, #tpu.memory_space<vmem>>
    %dma_start3A_3192 = arith.constant 0 : i32
    %dma_start3A_3193 = tpu.memref_slice %arg8[%dma_start3A_3192] : memref<8192xf32, #tpu.memory_space<vmem_shared>> -> memref<8192xf32, #tpu.memory_space<vmem_shared>>
    tpu.enqueue_indirect_dma source(%arg7 : memref<128xf32, #tpu.memory_space<vmem>>) target(%dma_start3A_3193 : memref<8192xf32, #tpu.memory_space<vmem_shared>>) offsets(%dma_start3A_3191 : memref<128xi32, #tpu.memory_space<vmem>>) semaphore(%arg9 : memref<!tpu.dma_semaphore, #tpu.memory_space<semaphore_mem>>) {add = true}
    %dma_start3A_3194 = arith.constant 22 : i32
    %dma_start3A_3195 = arith.constant 0 : i32
    %dma_start3A_3196 = tpu.memref_slice %arg5[%dma_start3A_3194, %dma_start3A_3195] : memref<32x128xi32, #tpu.memory_space<vmem>> -> memref<1x128xi32, #tpu.memory_space<vmem>>
    %dma_start3A_3197 = tpu.memref_squeeze %dma_start3A_3196 : memref<1x128xi32, #tpu.memory_space<vmem>> -> memref<128xi32, #tpu.memory_space<vmem>>
    %dma_start3A_3198 = arith.constant 0 : i32
    %dma_start3A_3199 = tpu.memref_slice %arg8[%dma_start3A_3198] : memref<8192xf32, #tpu.memory_space<vmem_shared>> -> memref<8192xf32, #tpu.memory_space<vmem_shared>>
    tpu.enqueue_indirect_dma source(%arg7 : memref<128xf32, #tpu.memory_space<vmem>>) target(%dma_start3A_3199 : memref<8192xf32, #tpu.memory_space<vmem_shared>>) offsets(%dma_start3A_3197 : memref<128xi32, #tpu.memory_space<vmem>>) semaphore(%arg9 : memref<!tpu.dma_semaphore, #tpu.memory_space<semaphore_mem>>) {add = true}
    %dma_start3A_3200 = arith.constant 23 : i32
    %dma_start3A_3201 = arith.constant 0 : i32
    %dma_start3A_3202 = tpu.memref_slice %arg5[%dma_start3A_3200, %dma_start3A_3201] : memref<32x128xi32, #tpu.memory_space<vmem>> -> memref<1x128xi32, #tpu.memory_space<vmem>>
    %dma_start3A_3203 = tpu.memref_squeeze %dma_start3A_3202 : memref<1x128xi32, #tpu.memory_space<vmem>> -> memref<128xi32, #tpu.memory_space<vmem>>
    %dma_start3A_3204 = arith.constant 0 : i32
    %dma_start3A_3205 = tpu.memref_slice %arg8[%dma_start3A_3204] : memref<8192xf32, #tpu.memory_space<vmem_shared>> -> memref<8192xf32, #tpu.memory_space<vmem_shared>>
    tpu.enqueue_indirect_dma source(%arg7 : memref<128xf32, #tpu.memory_space<vmem>>) target(%dma_start3A_3205 : memref<8192xf32, #tpu.memory_space<vmem_shared>>) offsets(%dma_start3A_3203 : memref<128xi32, #tpu.memory_space<vmem>>) semaphore(%arg9 : memref<!tpu.dma_semaphore, #tpu.memory_space<semaphore_mem>>) {add = true}
    %dma_start3A_3206 = arith.constant 24 : i32
    %dma_start3A_3207 = arith.constant 0 : i32
    %dma_start3A_3208 = tpu.memref_slice %arg5[%dma_start3A_3206, %dma_start3A_3207] : memref<32x128xi32, #tpu.memory_space<vmem>> -> memref<1x128xi32, #tpu.memory_space<vmem>>
    %dma_start3A_3209 = tpu.memref_squeeze %dma_start3A_3208 : memref<1x128xi32, #tpu.memory_space<vmem>> -> memref<128xi32, #tpu.memory_space<vmem>>
    %dma_start3A_3210 = arith.constant 0 : i32
    %dma_start3A_3211 = tpu.memref_slice %arg8[%dma_start3A_3210] : memref<8192xf32, #tpu.memory_space<vmem_shared>> -> memref<8192xf32, #tpu.memory_space<vmem_shared>>
    tpu.enqueue_indirect_dma source(%arg7 : memref<128xf32, #tpu.memory_space<vmem>>) target(%dma_start3A_3211 : memref<8192xf32, #tpu.memory_space<vmem_shared>>) offsets(%dma_start3A_3209 : memref<128xi32, #tpu.memory_space<vmem>>) semaphore(%arg9 : memref<!tpu.dma_semaphore, #tpu.memory_space<semaphore_mem>>) {add = true}
    %dma_start3A_3212 = arith.constant 25 : i32
    %dma_start3A_3213 = arith.constant 0 : i32
    %dma_start3A_3214 = tpu.memref_slice %arg5[%dma_start3A_3212, %dma_start3A_3213] : memref<32x128xi32, #tpu.memory_space<vmem>> -> memref<1x128xi32, #tpu.memory_space<vmem>>
    %dma_start3A_3215 = tpu.memref_squeeze %dma_start3A_3214 : memref<1x128xi32, #tpu.memory_space<vmem>> -> memref<128xi32, #tpu.memory_space<vmem>>
    %dma_start3A_3216 = arith.constant 0 : i32
    %dma_start3A_3217 = tpu.memref_slice %arg8[%dma_start3A_3216] : memref<8192xf32, #tpu.memory_space<vmem_shared>> -> memref<8192xf32, #tpu.memory_space<vmem_shared>>
    tpu.enqueue_indirect_dma source(%arg7 : memref<128xf32, #tpu.memory_space<vmem>>) target(%dma_start3A_3217 : memref<8192xf32, #tpu.memory_space<vmem_shared>>) offsets(%dma_start3A_3215 : memref<128xi32, #tpu.memory_space<vmem>>) semaphore(%arg9 : memref<!tpu.dma_semaphore, #tpu.memory_space<semaphore_mem>>) {add = true}
    %dma_start3A_3218 = arith.constant 26 : i32
    %dma_start3A_3219 = arith.constant 0 : i32
    %dma_start3A_3220 = tpu.memref_slice %arg5[%dma_start3A_3218, %dma_start3A_3219] : memref<32x128xi32, #tpu.memory_space<vmem>> -> memref<1x128xi32, #tpu.memory_space<vmem>>
    %dma_start3A_3221 = tpu.memref_squeeze %dma_start3A_3220 : memref<1x128xi32, #tpu.memory_space<vmem>> -> memref<128xi32, #tpu.memory_space<vmem>>
    %dma_start3A_3222 = arith.constant 0 : i32
    %dma_start3A_3223 = tpu.memref_slice %arg8[%dma_start3A_3222] : memref<8192xf32, #tpu.memory_space<vmem_shared>> -> memref<8192xf32, #tpu.memory_space<vmem_shared>>
    tpu.enqueue_indirect_dma source(%arg7 : memref<128xf32, #tpu.memory_space<vmem>>) target(%dma_start3A_3223 : memref<8192xf32, #tpu.memory_space<vmem_shared>>) offsets(%dma_start3A_3221 : memref<128xi32, #tpu.memory_space<vmem>>) semaphore(%arg9 : memref<!tpu.dma_semaphore, #tpu.memory_space<semaphore_mem>>) {add = true}
    %dma_start3A_3224 = arith.constant 27 : i32
    %dma_start3A_3225 = arith.constant 0 : i32
    %dma_start3A_3226 = tpu.memref_slice %arg5[%dma_start3A_3224, %dma_start3A_3225] : memref<32x128xi32, #tpu.memory_space<vmem>> -> memref<1x128xi32, #tpu.memory_space<vmem>>
    %dma_start3A_3227 = tpu.memref_squeeze %dma_start3A_3226 : memref<1x128xi32, #tpu.memory_space<vmem>> -> memref<128xi32, #tpu.memory_space<vmem>>
    %dma_start3A_3228 = arith.constant 0 : i32
    %dma_start3A_3229 = tpu.memref_slice %arg8[%dma_start3A_3228] : memref<8192xf32, #tpu.memory_space<vmem_shared>> -> memref<8192xf32, #tpu.memory_space<vmem_shared>>
    tpu.enqueue_indirect_dma source(%arg7 : memref<128xf32, #tpu.memory_space<vmem>>) target(%dma_start3A_3229 : memref<8192xf32, #tpu.memory_space<vmem_shared>>) offsets(%dma_start3A_3227 : memref<128xi32, #tpu.memory_space<vmem>>) semaphore(%arg9 : memref<!tpu.dma_semaphore, #tpu.memory_space<semaphore_mem>>) {add = true}
    %dma_start3A_3230 = arith.constant 28 : i32
    %dma_start3A_3231 = arith.constant 0 : i32
    %dma_start3A_3232 = tpu.memref_slice %arg5[%dma_start3A_3230, %dma_start3A_3231] : memref<32x128xi32, #tpu.memory_space<vmem>> -> memref<1x128xi32, #tpu.memory_space<vmem>>
    %dma_start3A_3233 = tpu.memref_squeeze %dma_start3A_3232 : memref<1x128xi32, #tpu.memory_space<vmem>> -> memref<128xi32, #tpu.memory_space<vmem>>
    %dma_start3A_3234 = arith.constant 0 : i32
    %dma_start3A_3235 = tpu.memref_slice %arg8[%dma_start3A_3234] : memref<8192xf32, #tpu.memory_space<vmem_shared>> -> memref<8192xf32, #tpu.memory_space<vmem_shared>>
    tpu.enqueue_indirect_dma source(%arg7 : memref<128xf32, #tpu.memory_space<vmem>>) target(%dma_start3A_3235 : memref<8192xf32, #tpu.memory_space<vmem_shared>>) offsets(%dma_start3A_3233 : memref<128xi32, #tpu.memory_space<vmem>>) semaphore(%arg9 : memref<!tpu.dma_semaphore, #tpu.memory_space<semaphore_mem>>) {add = true}
    %dma_start3A_3236 = arith.constant 29 : i32
    %dma_start3A_3237 = arith.constant 0 : i32
    %dma_start3A_3238 = tpu.memref_slice %arg5[%dma_start3A_3236, %dma_start3A_3237] : memref<32x128xi32, #tpu.memory_space<vmem>> -> memref<1x128xi32, #tpu.memory_space<vmem>>
    %dma_start3A_3239 = tpu.memref_squeeze %dma_start3A_3238 : memref<1x128xi32, #tpu.memory_space<vmem>> -> memref<128xi32, #tpu.memory_space<vmem>>
    %dma_start3A_3240 = arith.constant 0 : i32
    %dma_start3A_3241 = tpu.memref_slice %arg8[%dma_start3A_3240] : memref<8192xf32, #tpu.memory_space<vmem_shared>> -> memref<8192xf32, #tpu.memory_space<vmem_shared>>
    tpu.enqueue_indirect_dma source(%arg7 : memref<128xf32, #tpu.memory_space<vmem>>) target(%dma_start3A_3241 : memref<8192xf32, #tpu.memory_space<vmem_shared>>) offsets(%dma_start3A_3239 : memref<128xi32, #tpu.memory_space<vmem>>) semaphore(%arg9 : memref<!tpu.dma_semaphore, #tpu.memory_space<semaphore_mem>>) {add = true}
    %dma_start3A_3242 = arith.constant 30 : i32
    %dma_start3A_3243 = arith.constant 0 : i32
    %dma_start3A_3244 = tpu.memref_slice %arg5[%dma_start3A_3242, %dma_start3A_3243] : memref<32x128xi32, #tpu.memory_space<vmem>> -> memref<1x128xi32, #tpu.memory_space<vmem>>
    %dma_start3A_3245 = tpu.memref_squeeze %dma_start3A_3244 : memref<1x128xi32, #tpu.memory_space<vmem>> -> memref<128xi32, #tpu.memory_space<vmem>>
    %dma_start3A_3246 = arith.constant 0 : i32
    %dma_start3A_3247 = tpu.memref_slice %arg8[%dma_start3A_3246] : memref<8192xf32, #tpu.memory_space<vmem_shared>> -> memref<8192xf32, #tpu.memory_space<vmem_shared>>
    tpu.enqueue_indirect_dma source(%arg7 : memref<128xf32, #tpu.memory_space<vmem>>) target(%dma_start3A_3247 : memref<8192xf32, #tpu.memory_space<vmem_shared>>) offsets(%dma_start3A_3245 : memref<128xi32, #tpu.memory_space<vmem>>) semaphore(%arg9 : memref<!tpu.dma_semaphore, #tpu.memory_space<semaphore_mem>>) {add = true}
    %dma_start3A_3248 = arith.constant 31 : i32
    %dma_start3A_3249 = arith.constant 0 : i32
    %dma_start3A_3250 = tpu.memref_slice %arg5[%dma_start3A_3248, %dma_start3A_3249] : memref<32x128xi32, #tpu.memory_space<vmem>> -> memref<1x128xi32, #tpu.memory_space<vmem>>
    %dma_start3A_3251 = tpu.memref_squeeze %dma_start3A_3250 : memref<1x128xi32, #tpu.memory_space<vmem>> -> memref<128xi32, #tpu.memory_space<vmem>>
    %dma_start3A_3252 = arith.constant 0 : i32
    %dma_start3A_3253 = tpu.memref_slice %arg8[%dma_start3A_3252] : memref<8192xf32, #tpu.memory_space<vmem_shared>> -> memref<8192xf32, #tpu.memory_space<vmem_shared>>
    tpu.enqueue_indirect_dma source(%arg7 : memref<128xf32, #tpu.memory_space<vmem>>) target(%dma_start3A_3253 : memref<8192xf32, #tpu.memory_space<vmem_shared>>) offsets(%dma_start3A_3251 : memref<128xi32, #tpu.memory_space<vmem>>) semaphore(%arg9 : memref<!tpu.dma_semaphore, #tpu.memory_space<semaphore_mem>>) {add = true}
    %dma_wait3A_3254 = arith.constant 0 : i32
    %dma_wait3A_3255 = arith.constant 0 : i32
    %dma_wait3A_3256 = tpu.memref_slice %arg5[%dma_wait3A_3254, %dma_wait3A_3255] : memref<32x128xi32, #tpu.memory_space<vmem>> -> memref<1x128xi32, #tpu.memory_space<vmem>>
    %dma_wait3A_3257 = tpu.memref_squeeze %dma_wait3A_3256 : memref<1x128xi32, #tpu.memory_space<vmem>> -> memref<128xi32, #tpu.memory_space<vmem>>
    %dma_wait3A_3258 = arith.constant 0 : i32
    %dma_wait3A_3259 = tpu.memref_slice %arg8[%dma_wait3A_3258] : memref<8192xf32, #tpu.memory_space<vmem_shared>> -> memref<8192xf32, #tpu.memory_space<vmem_shared>>
    tpu.wait_indirect_dma semaphore(%arg9 : memref<!tpu.dma_semaphore, #tpu.memory_space<semaphore_mem>>) src(%arg7 : memref<128xf32, #tpu.memory_space<vmem>>) dst(%dma_wait3A_3259 : memref<8192xf32, #tpu.memory_space<vmem_shared>>)
    %dma_wait3A_3260 = arith.constant 1 : i32
    %dma_wait3A_3261 = arith.constant 0 : i32
    %dma_wait3A_3262 = tpu.memref_slice %arg5[%dma_wait3A_3260, %dma_wait3A_3261] : memref<32x128xi32, #tpu.memory_space<vmem>> -> memref<1x128xi32, #tpu.memory_space<vmem>>
    %dma_wait3A_3263 = tpu.memref_squeeze %dma_wait3A_3262 : memref<1x128xi32, #tpu.memory_space<vmem>> -> memref<128xi32, #tpu.memory_space<vmem>>
    %dma_wait3A_3264 = arith.constant 0 : i32
    %dma_wait3A_3265 = tpu.memref_slice %arg8[%dma_wait3A_3264] : memref<8192xf32, #tpu.memory_space<vmem_shared>> -> memref<8192xf32, #tpu.memory_space<vmem_shared>>
    tpu.wait_indirect_dma semaphore(%arg9 : memref<!tpu.dma_semaphore, #tpu.memory_space<semaphore_mem>>) src(%arg7 : memref<128xf32, #tpu.memory_space<vmem>>) dst(%dma_wait3A_3265 : memref<8192xf32, #tpu.memory_space<vmem_shared>>)
    %dma_wait3A_3266 = arith.constant 2 : i32
    %dma_wait3A_3267 = arith.constant 0 : i32
    %dma_wait3A_3268 = tpu.memref_slice %arg5[%dma_wait3A_3266, %dma_wait3A_3267] : memref<32x128xi32, #tpu.memory_space<vmem>> -> memref<1x128xi32, #tpu.memory_space<vmem>>
    %dma_wait3A_3269 = tpu.memref_squeeze %dma_wait3A_3268 : memref<1x128xi32, #tpu.memory_space<vmem>> -> memref<128xi32, #tpu.memory_space<vmem>>
    %dma_wait3A_3270 = arith.constant 0 : i32
    %dma_wait3A_3271 = tpu.memref_slice %arg8[%dma_wait3A_3270] : memref<8192xf32, #tpu.memory_space<vmem_shared>> -> memref<8192xf32, #tpu.memory_space<vmem_shared>>
    tpu.wait_indirect_dma semaphore(%arg9 : memref<!tpu.dma_semaphore, #tpu.memory_space<semaphore_mem>>) src(%arg7 : memref<128xf32, #tpu.memory_space<vmem>>) dst(%dma_wait3A_3271 : memref<8192xf32, #tpu.memory_space<vmem_shared>>)
    %dma_wait3A_3272 = arith.constant 3 : i32
    %dma_wait3A_3273 = arith.constant 0 : i32
    %dma_wait3A_3274 = tpu.memref_slice %arg5[%dma_wait3A_3272, %dma_wait3A_3273] : memref<32x128xi32, #tpu.memory_space<vmem>> -> memref<1x128xi32, #tpu.memory_space<vmem>>
    %dma_wait3A_3275 = tpu.memref_squeeze %dma_wait3A_3274 : memref<1x128xi32, #tpu.memory_space<vmem>> -> memref<128xi32, #tpu.memory_space<vmem>>
    %dma_wait3A_3276 = arith.constant 0 : i32
    %dma_wait3A_3277 = tpu.memref_slice %arg8[%dma_wait3A_3276] : memref<8192xf32, #tpu.memory_space<vmem_shared>> -> memref<8192xf32, #tpu.memory_space<vmem_shared>>
    tpu.wait_indirect_dma semaphore(%arg9 : memref<!tpu.dma_semaphore, #tpu.memory_space<semaphore_mem>>) src(%arg7 : memref<128xf32, #tpu.memory_space<vmem>>) dst(%dma_wait3A_3277 : memref<8192xf32, #tpu.memory_space<vmem_shared>>)
    %dma_wait3A_3278 = arith.constant 4 : i32
    %dma_wait3A_3279 = arith.constant 0 : i32
    %dma_wait3A_3280 = tpu.memref_slice %arg5[%dma_wait3A_3278, %dma_wait3A_3279] : memref<32x128xi32, #tpu.memory_space<vmem>> -> memref<1x128xi32, #tpu.memory_space<vmem>>
    %dma_wait3A_3281 = tpu.memref_squeeze %dma_wait3A_3280 : memref<1x128xi32, #tpu.memory_space<vmem>> -> memref<128xi32, #tpu.memory_space<vmem>>
    %dma_wait3A_3282 = arith.constant 0 : i32
    %dma_wait3A_3283 = tpu.memref_slice %arg8[%dma_wait3A_3282] : memref<8192xf32, #tpu.memory_space<vmem_shared>> -> memref<8192xf32, #tpu.memory_space<vmem_shared>>
    tpu.wait_indirect_dma semaphore(%arg9 : memref<!tpu.dma_semaphore, #tpu.memory_space<semaphore_mem>>) src(%arg7 : memref<128xf32, #tpu.memory_space<vmem>>) dst(%dma_wait3A_3283 : memref<8192xf32, #tpu.memory_space<vmem_shared>>)
    %dma_wait3A_3284 = arith.constant 5 : i32
    %dma_wait3A_3285 = arith.constant 0 : i32
    %dma_wait3A_3286 = tpu.memref_slice %arg5[%dma_wait3A_3284, %dma_wait3A_3285] : memref<32x128xi32, #tpu.memory_space<vmem>> -> memref<1x128xi32, #tpu.memory_space<vmem>>
    %dma_wait3A_3287 = tpu.memref_squeeze %dma_wait3A_3286 : memref<1x128xi32, #tpu.memory_space<vmem>> -> memref<128xi32, #tpu.memory_space<vmem>>
    %dma_wait3A_3288 = arith.constant 0 : i32
    %dma_wait3A_3289 = tpu.memref_slice %arg8[%dma_wait3A_3288] : memref<8192xf32, #tpu.memory_space<vmem_shared>> -> memref<8192xf32, #tpu.memory_space<vmem_shared>>
    tpu.wait_indirect_dma semaphore(%arg9 : memref<!tpu.dma_semaphore, #tpu.memory_space<semaphore_mem>>) src(%arg7 : memref<128xf32, #tpu.memory_space<vmem>>) dst(%dma_wait3A_3289 : memref<8192xf32, #tpu.memory_space<vmem_shared>>)
    %dma_wait3A_3290 = arith.constant 6 : i32
    %dma_wait3A_3291 = arith.constant 0 : i32
    %dma_wait3A_3292 = tpu.memref_slice %arg5[%dma_wait3A_3290, %dma_wait3A_3291] : memref<32x128xi32, #tpu.memory_space<vmem>> -> memref<1x128xi32, #tpu.memory_space<vmem>>
    %dma_wait3A_3293 = tpu.memref_squeeze %dma_wait3A_3292 : memref<1x128xi32, #tpu.memory_space<vmem>> -> memref<128xi32, #tpu.memory_space<vmem>>
    %dma_wait3A_3294 = arith.constant 0 : i32
    %dma_wait3A_3295 = tpu.memref_slice %arg8[%dma_wait3A_3294] : memref<8192xf32, #tpu.memory_space<vmem_shared>> -> memref<8192xf32, #tpu.memory_space<vmem_shared>>
    tpu.wait_indirect_dma semaphore(%arg9 : memref<!tpu.dma_semaphore, #tpu.memory_space<semaphore_mem>>) src(%arg7 : memref<128xf32, #tpu.memory_space<vmem>>) dst(%dma_wait3A_3295 : memref<8192xf32, #tpu.memory_space<vmem_shared>>)
    %dma_wait3A_3296 = arith.constant 7 : i32
    %dma_wait3A_3297 = arith.constant 0 : i32
    %dma_wait3A_3298 = tpu.memref_slice %arg5[%dma_wait3A_3296, %dma_wait3A_3297] : memref<32x128xi32, #tpu.memory_space<vmem>> -> memref<1x128xi32, #tpu.memory_space<vmem>>
    %dma_wait3A_3299 = tpu.memref_squeeze %dma_wait3A_3298 : memref<1x128xi32, #tpu.memory_space<vmem>> -> memref<128xi32, #tpu.memory_space<vmem>>
    %dma_wait3A_3300 = arith.constant 0 : i32
    %dma_wait3A_3301 = tpu.memref_slice %arg8[%dma_wait3A_3300] : memref<8192xf32, #tpu.memory_space<vmem_shared>> -> memref<8192xf32, #tpu.memory_space<vmem_shared>>
    tpu.wait_indirect_dma semaphore(%arg9 : memref<!tpu.dma_semaphore, #tpu.memory_space<semaphore_mem>>) src(%arg7 : memref<128xf32, #tpu.memory_space<vmem>>) dst(%dma_wait3A_3301 : memref<8192xf32, #tpu.memory_space<vmem_shared>>)
    %dma_wait3A_3302 = arith.constant 8 : i32
    %dma_wait3A_3303 = arith.constant 0 : i32
    %dma_wait3A_3304 = tpu.memref_slice %arg5[%dma_wait3A_3302, %dma_wait3A_3303] : memref<32x128xi32, #tpu.memory_space<vmem>> -> memref<1x128xi32, #tpu.memory_space<vmem>>
    %dma_wait3A_3305 = tpu.memref_squeeze %dma_wait3A_3304 : memref<1x128xi32, #tpu.memory_space<vmem>> -> memref<128xi32, #tpu.memory_space<vmem>>
    %dma_wait3A_3306 = arith.constant 0 : i32
    %dma_wait3A_3307 = tpu.memref_slice %arg8[%dma_wait3A_3306] : memref<8192xf32, #tpu.memory_space<vmem_shared>> -> memref<8192xf32, #tpu.memory_space<vmem_shared>>
    tpu.wait_indirect_dma semaphore(%arg9 : memref<!tpu.dma_semaphore, #tpu.memory_space<semaphore_mem>>) src(%arg7 : memref<128xf32, #tpu.memory_space<vmem>>) dst(%dma_wait3A_3307 : memref<8192xf32, #tpu.memory_space<vmem_shared>>)
    %dma_wait3A_3308 = arith.constant 9 : i32
    %dma_wait3A_3309 = arith.constant 0 : i32
    %dma_wait3A_3310 = tpu.memref_slice %arg5[%dma_wait3A_3308, %dma_wait3A_3309] : memref<32x128xi32, #tpu.memory_space<vmem>> -> memref<1x128xi32, #tpu.memory_space<vmem>>
    %dma_wait3A_3311 = tpu.memref_squeeze %dma_wait3A_3310 : memref<1x128xi32, #tpu.memory_space<vmem>> -> memref<128xi32, #tpu.memory_space<vmem>>
    %dma_wait3A_3312 = arith.constant 0 : i32
    %dma_wait3A_3313 = tpu.memref_slice %arg8[%dma_wait3A_3312] : memref<8192xf32, #tpu.memory_space<vmem_shared>> -> memref<8192xf32, #tpu.memory_space<vmem_shared>>
    tpu.wait_indirect_dma semaphore(%arg9 : memref<!tpu.dma_semaphore, #tpu.memory_space<semaphore_mem>>) src(%arg7 : memref<128xf32, #tpu.memory_space<vmem>>) dst(%dma_wait3A_3313 : memref<8192xf32, #tpu.memory_space<vmem_shared>>)
    %dma_wait3A_3314 = arith.constant 10 : i32
    %dma_wait3A_3315 = arith.constant 0 : i32
    %dma_wait3A_3316 = tpu.memref_slice %arg5[%dma_wait3A_3314, %dma_wait3A_3315] : memref<32x128xi32, #tpu.memory_space<vmem>> -> memref<1x128xi32, #tpu.memory_space<vmem>>
    %dma_wait3A_3317 = tpu.memref_squeeze %dma_wait3A_3316 : memref<1x128xi32, #tpu.memory_space<vmem>> -> memref<128xi32, #tpu.memory_space<vmem>>
    %dma_wait3A_3318 = arith.constant 0 : i32
    %dma_wait3A_3319 = tpu.memref_slice %arg8[%dma_wait3A_3318] : memref<8192xf32, #tpu.memory_space<vmem_shared>> -> memref<8192xf32, #tpu.memory_space<vmem_shared>>
    tpu.wait_indirect_dma semaphore(%arg9 : memref<!tpu.dma_semaphore, #tpu.memory_space<semaphore_mem>>) src(%arg7 : memref<128xf32, #tpu.memory_space<vmem>>) dst(%dma_wait3A_3319 : memref<8192xf32, #tpu.memory_space<vmem_shared>>)
    %dma_wait3A_3320 = arith.constant 11 : i32
    %dma_wait3A_3321 = arith.constant 0 : i32
    %dma_wait3A_3322 = tpu.memref_slice %arg5[%dma_wait3A_3320, %dma_wait3A_3321] : memref<32x128xi32, #tpu.memory_space<vmem>> -> memref<1x128xi32, #tpu.memory_space<vmem>>
    %dma_wait3A_3323 = tpu.memref_squeeze %dma_wait3A_3322 : memref<1x128xi32, #tpu.memory_space<vmem>> -> memref<128xi32, #tpu.memory_space<vmem>>
    %dma_wait3A_3324 = arith.constant 0 : i32
    %dma_wait3A_3325 = tpu.memref_slice %arg8[%dma_wait3A_3324] : memref<8192xf32, #tpu.memory_space<vmem_shared>> -> memref<8192xf32, #tpu.memory_space<vmem_shared>>
    tpu.wait_indirect_dma semaphore(%arg9 : memref<!tpu.dma_semaphore, #tpu.memory_space<semaphore_mem>>) src(%arg7 : memref<128xf32, #tpu.memory_space<vmem>>) dst(%dma_wait3A_3325 : memref<8192xf32, #tpu.memory_space<vmem_shared>>)
    %dma_wait3A_3326 = arith.constant 12 : i32
    %dma_wait3A_3327 = arith.constant 0 : i32
    %dma_wait3A_3328 = tpu.memref_slice %arg5[%dma_wait3A_3326, %dma_wait3A_3327] : memref<32x128xi32, #tpu.memory_space<vmem>> -> memref<1x128xi32, #tpu.memory_space<vmem>>
    %dma_wait3A_3329 = tpu.memref_squeeze %dma_wait3A_3328 : memref<1x128xi32, #tpu.memory_space<vmem>> -> memref<128xi32, #tpu.memory_space<vmem>>
    %dma_wait3A_3330 = arith.constant 0 : i32
    %dma_wait3A_3331 = tpu.memref_slice %arg8[%dma_wait3A_3330] : memref<8192xf32, #tpu.memory_space<vmem_shared>> -> memref<8192xf32, #tpu.memory_space<vmem_shared>>
    tpu.wait_indirect_dma semaphore(%arg9 : memref<!tpu.dma_semaphore, #tpu.memory_space<semaphore_mem>>) src(%arg7 : memref<128xf32, #tpu.memory_space<vmem>>) dst(%dma_wait3A_3331 : memref<8192xf32, #tpu.memory_space<vmem_shared>>)
    %dma_wait3A_3332 = arith.constant 13 : i32
    %dma_wait3A_3333 = arith.constant 0 : i32
    %dma_wait3A_3334 = tpu.memref_slice %arg5[%dma_wait3A_3332, %dma_wait3A_3333] : memref<32x128xi32, #tpu.memory_space<vmem>> -> memref<1x128xi32, #tpu.memory_space<vmem>>
    %dma_wait3A_3335 = tpu.memref_squeeze %dma_wait3A_3334 : memref<1x128xi32, #tpu.memory_space<vmem>> -> memref<128xi32, #tpu.memory_space<vmem>>
    %dma_wait3A_3336 = arith.constant 0 : i32
    %dma_wait3A_3337 = tpu.memref_slice %arg8[%dma_wait3A_3336] : memref<8192xf32, #tpu.memory_space<vmem_shared>> -> memref<8192xf32, #tpu.memory_space<vmem_shared>>
    tpu.wait_indirect_dma semaphore(%arg9 : memref<!tpu.dma_semaphore, #tpu.memory_space<semaphore_mem>>) src(%arg7 : memref<128xf32, #tpu.memory_space<vmem>>) dst(%dma_wait3A_3337 : memref<8192xf32, #tpu.memory_space<vmem_shared>>)
    %dma_wait3A_3338 = arith.constant 14 : i32
    %dma_wait3A_3339 = arith.constant 0 : i32
    %dma_wait3A_3340 = tpu.memref_slice %arg5[%dma_wait3A_3338, %dma_wait3A_3339] : memref<32x128xi32, #tpu.memory_space<vmem>> -> memref<1x128xi32, #tpu.memory_space<vmem>>
    %dma_wait3A_3341 = tpu.memref_squeeze %dma_wait3A_3340 : memref<1x128xi32, #tpu.memory_space<vmem>> -> memref<128xi32, #tpu.memory_space<vmem>>
    %dma_wait3A_3342 = arith.constant 0 : i32
    %dma_wait3A_3343 = tpu.memref_slice %arg8[%dma_wait3A_3342] : memref<8192xf32, #tpu.memory_space<vmem_shared>> -> memref<8192xf32, #tpu.memory_space<vmem_shared>>
    tpu.wait_indirect_dma semaphore(%arg9 : memref<!tpu.dma_semaphore, #tpu.memory_space<semaphore_mem>>) src(%arg7 : memref<128xf32, #tpu.memory_space<vmem>>) dst(%dma_wait3A_3343 : memref<8192xf32, #tpu.memory_space<vmem_shared>>)
    %dma_wait3A_3344 = arith.constant 15 : i32
    %dma_wait3A_3345 = arith.constant 0 : i32
    %dma_wait3A_3346 = tpu.memref_slice %arg5[%dma_wait3A_3344, %dma_wait3A_3345] : memref<32x128xi32, #tpu.memory_space<vmem>> -> memref<1x128xi32, #tpu.memory_space<vmem>>
    %dma_wait3A_3347 = tpu.memref_squeeze %dma_wait3A_3346 : memref<1x128xi32, #tpu.memory_space<vmem>> -> memref<128xi32, #tpu.memory_space<vmem>>
    %dma_wait3A_3348 = arith.constant 0 : i32
    %dma_wait3A_3349 = tpu.memref_slice %arg8[%dma_wait3A_3348] : memref<8192xf32, #tpu.memory_space<vmem_shared>> -> memref<8192xf32, #tpu.memory_space<vmem_shared>>
    tpu.wait_indirect_dma semaphore(%arg9 : memref<!tpu.dma_semaphore, #tpu.memory_space<semaphore_mem>>) src(%arg7 : memref<128xf32, #tpu.memory_space<vmem>>) dst(%dma_wait3A_3349 : memref<8192xf32, #tpu.memory_space<vmem_shared>>)
    %dma_wait3A_3350 = arith.constant 16 : i32
    %dma_wait3A_3351 = arith.constant 0 : i32
    %dma_wait3A_3352 = tpu.memref_slice %arg5[%dma_wait3A_3350, %dma_wait3A_3351] : memref<32x128xi32, #tpu.memory_space<vmem>> -> memref<1x128xi32, #tpu.memory_space<vmem>>
    %dma_wait3A_3353 = tpu.memref_squeeze %dma_wait3A_3352 : memref<1x128xi32, #tpu.memory_space<vmem>> -> memref<128xi32, #tpu.memory_space<vmem>>
    %dma_wait3A_3354 = arith.constant 0 : i32
    %dma_wait3A_3355 = tpu.memref_slice %arg8[%dma_wait3A_3354] : memref<8192xf32, #tpu.memory_space<vmem_shared>> -> memref<8192xf32, #tpu.memory_space<vmem_shared>>
    tpu.wait_indirect_dma semaphore(%arg9 : memref<!tpu.dma_semaphore, #tpu.memory_space<semaphore_mem>>) src(%arg7 : memref<128xf32, #tpu.memory_space<vmem>>) dst(%dma_wait3A_3355 : memref<8192xf32, #tpu.memory_space<vmem_shared>>)
    %dma_wait3A_3356 = arith.constant 17 : i32
    %dma_wait3A_3357 = arith.constant 0 : i32
    %dma_wait3A_3358 = tpu.memref_slice %arg5[%dma_wait3A_3356, %dma_wait3A_3357] : memref<32x128xi32, #tpu.memory_space<vmem>> -> memref<1x128xi32, #tpu.memory_space<vmem>>
    %dma_wait3A_3359 = tpu.memref_squeeze %dma_wait3A_3358 : memref<1x128xi32, #tpu.memory_space<vmem>> -> memref<128xi32, #tpu.memory_space<vmem>>
    %dma_wait3A_3360 = arith.constant 0 : i32
    %dma_wait3A_3361 = tpu.memref_slice %arg8[%dma_wait3A_3360] : memref<8192xf32, #tpu.memory_space<vmem_shared>> -> memref<8192xf32, #tpu.memory_space<vmem_shared>>
    tpu.wait_indirect_dma semaphore(%arg9 : memref<!tpu.dma_semaphore, #tpu.memory_space<semaphore_mem>>) src(%arg7 : memref<128xf32, #tpu.memory_space<vmem>>) dst(%dma_wait3A_3361 : memref<8192xf32, #tpu.memory_space<vmem_shared>>)
    %dma_wait3A_3362 = arith.constant 18 : i32
    %dma_wait3A_3363 = arith.constant 0 : i32
    %dma_wait3A_3364 = tpu.memref_slice %arg5[%dma_wait3A_3362, %dma_wait3A_3363] : memref<32x128xi32, #tpu.memory_space<vmem>> -> memref<1x128xi32, #tpu.memory_space<vmem>>
    %dma_wait3A_3365 = tpu.memref_squeeze %dma_wait3A_3364 : memref<1x128xi32, #tpu.memory_space<vmem>> -> memref<128xi32, #tpu.memory_space<vmem>>
    %dma_wait3A_3366 = arith.constant 0 : i32
    %dma_wait3A_3367 = tpu.memref_slice %arg8[%dma_wait3A_3366] : memref<8192xf32, #tpu.memory_space<vmem_shared>> -> memref<8192xf32, #tpu.memory_space<vmem_shared>>
    tpu.wait_indirect_dma semaphore(%arg9 : memref<!tpu.dma_semaphore, #tpu.memory_space<semaphore_mem>>) src(%arg7 : memref<128xf32, #tpu.memory_space<vmem>>) dst(%dma_wait3A_3367 : memref<8192xf32, #tpu.memory_space<vmem_shared>>)
    %dma_wait3A_3368 = arith.constant 19 : i32
    %dma_wait3A_3369 = arith.constant 0 : i32
    %dma_wait3A_3370 = tpu.memref_slice %arg5[%dma_wait3A_3368, %dma_wait3A_3369] : memref<32x128xi32, #tpu.memory_space<vmem>> -> memref<1x128xi32, #tpu.memory_space<vmem>>
    %dma_wait3A_3371 = tpu.memref_squeeze %dma_wait3A_3370 : memref<1x128xi32, #tpu.memory_space<vmem>> -> memref<128xi32, #tpu.memory_space<vmem>>
    %dma_wait3A_3372 = arith.constant 0 : i32
    %dma_wait3A_3373 = tpu.memref_slice %arg8[%dma_wait3A_3372] : memref<8192xf32, #tpu.memory_space<vmem_shared>> -> memref<8192xf32, #tpu.memory_space<vmem_shared>>
    tpu.wait_indirect_dma semaphore(%arg9 : memref<!tpu.dma_semaphore, #tpu.memory_space<semaphore_mem>>) src(%arg7 : memref<128xf32, #tpu.memory_space<vmem>>) dst(%dma_wait3A_3373 : memref<8192xf32, #tpu.memory_space<vmem_shared>>)
    %dma_wait3A_3374 = arith.constant 20 : i32
    %dma_wait3A_3375 = arith.constant 0 : i32
    %dma_wait3A_3376 = tpu.memref_slice %arg5[%dma_wait3A_3374, %dma_wait3A_3375] : memref<32x128xi32, #tpu.memory_space<vmem>> -> memref<1x128xi32, #tpu.memory_space<vmem>>
    %dma_wait3A_3377 = tpu.memref_squeeze %dma_wait3A_3376 : memref<1x128xi32, #tpu.memory_space<vmem>> -> memref<128xi32, #tpu.memory_space<vmem>>
    %dma_wait3A_3378 = arith.constant 0 : i32
    %dma_wait3A_3379 = tpu.memref_slice %arg8[%dma_wait3A_3378] : memref<8192xf32, #tpu.memory_space<vmem_shared>> -> memref<8192xf32, #tpu.memory_space<vmem_shared>>
    tpu.wait_indirect_dma semaphore(%arg9 : memref<!tpu.dma_semaphore, #tpu.memory_space<semaphore_mem>>) src(%arg7 : memref<128xf32, #tpu.memory_space<vmem>>) dst(%dma_wait3A_3379 : memref<8192xf32, #tpu.memory_space<vmem_shared>>)
    %dma_wait3A_3380 = arith.constant 21 : i32
    %dma_wait3A_3381 = arith.constant 0 : i32
    %dma_wait3A_3382 = tpu.memref_slice %arg5[%dma_wait3A_3380, %dma_wait3A_3381] : memref<32x128xi32, #tpu.memory_space<vmem>> -> memref<1x128xi32, #tpu.memory_space<vmem>>
    %dma_wait3A_3383 = tpu.memref_squeeze %dma_wait3A_3382 : memref<1x128xi32, #tpu.memory_space<vmem>> -> memref<128xi32, #tpu.memory_space<vmem>>
    %dma_wait3A_3384 = arith.constant 0 : i32
    %dma_wait3A_3385 = tpu.memref_slice %arg8[%dma_wait3A_3384] : memref<8192xf32, #tpu.memory_space<vmem_shared>> -> memref<8192xf32, #tpu.memory_space<vmem_shared>>
    tpu.wait_indirect_dma semaphore(%arg9 : memref<!tpu.dma_semaphore, #tpu.memory_space<semaphore_mem>>) src(%arg7 : memref<128xf32, #tpu.memory_space<vmem>>) dst(%dma_wait3A_3385 : memref<8192xf32, #tpu.memory_space<vmem_shared>>)
    %dma_wait3A_3386 = arith.constant 22 : i32
    %dma_wait3A_3387 = arith.constant 0 : i32
    %dma_wait3A_3388 = tpu.memref_slice %arg5[%dma_wait3A_3386, %dma_wait3A_3387] : memref<32x128xi32, #tpu.memory_space<vmem>> -> memref<1x128xi32, #tpu.memory_space<vmem>>
    %dma_wait3A_3389 = tpu.memref_squeeze %dma_wait3A_3388 : memref<1x128xi32, #tpu.memory_space<vmem>> -> memref<128xi32, #tpu.memory_space<vmem>>
    %dma_wait3A_3390 = arith.constant 0 : i32
    %dma_wait3A_3391 = tpu.memref_slice %arg8[%dma_wait3A_3390] : memref<8192xf32, #tpu.memory_space<vmem_shared>> -> memref<8192xf32, #tpu.memory_space<vmem_shared>>
    tpu.wait_indirect_dma semaphore(%arg9 : memref<!tpu.dma_semaphore, #tpu.memory_space<semaphore_mem>>) src(%arg7 : memref<128xf32, #tpu.memory_space<vmem>>) dst(%dma_wait3A_3391 : memref<8192xf32, #tpu.memory_space<vmem_shared>>)
    %dma_wait3A_3392 = arith.constant 23 : i32
    %dma_wait3A_3393 = arith.constant 0 : i32
    %dma_wait3A_3394 = tpu.memref_slice %arg5[%dma_wait3A_3392, %dma_wait3A_3393] : memref<32x128xi32, #tpu.memory_space<vmem>> -> memref<1x128xi32, #tpu.memory_space<vmem>>
    %dma_wait3A_3395 = tpu.memref_squeeze %dma_wait3A_3394 : memref<1x128xi32, #tpu.memory_space<vmem>> -> memref<128xi32, #tpu.memory_space<vmem>>
    %dma_wait3A_3396 = arith.constant 0 : i32
    %dma_wait3A_3397 = tpu.memref_slice %arg8[%dma_wait3A_3396] : memref<8192xf32, #tpu.memory_space<vmem_shared>> -> memref<8192xf32, #tpu.memory_space<vmem_shared>>
    tpu.wait_indirect_dma semaphore(%arg9 : memref<!tpu.dma_semaphore, #tpu.memory_space<semaphore_mem>>) src(%arg7 : memref<128xf32, #tpu.memory_space<vmem>>) dst(%dma_wait3A_3397 : memref<8192xf32, #tpu.memory_space<vmem_shared>>)
    %dma_wait3A_3398 = arith.constant 24 : i32
    %dma_wait3A_3399 = arith.constant 0 : i32
    %dma_wait3A_3400 = tpu.memref_slice %arg5[%dma_wait3A_3398, %dma_wait3A_3399] : memref<32x128xi32, #tpu.memory_space<vmem>> -> memref<1x128xi32, #tpu.memory_space<vmem>>
    %dma_wait3A_3401 = tpu.memref_squeeze %dma_wait3A_3400 : memref<1x128xi32, #tpu.memory_space<vmem>> -> memref<128xi32, #tpu.memory_space<vmem>>
    %dma_wait3A_3402 = arith.constant 0 : i32
    %dma_wait3A_3403 = tpu.memref_slice %arg8[%dma_wait3A_3402] : memref<8192xf32, #tpu.memory_space<vmem_shared>> -> memref<8192xf32, #tpu.memory_space<vmem_shared>>
    tpu.wait_indirect_dma semaphore(%arg9 : memref<!tpu.dma_semaphore, #tpu.memory_space<semaphore_mem>>) src(%arg7 : memref<128xf32, #tpu.memory_space<vmem>>) dst(%dma_wait3A_3403 : memref<8192xf32, #tpu.memory_space<vmem_shared>>)
    %dma_wait3A_3404 = arith.constant 25 : i32
    %dma_wait3A_3405 = arith.constant 0 : i32
    %dma_wait3A_3406 = tpu.memref_slice %arg5[%dma_wait3A_3404, %dma_wait3A_3405] : memref<32x128xi32, #tpu.memory_space<vmem>> -> memref<1x128xi32, #tpu.memory_space<vmem>>
    %dma_wait3A_3407 = tpu.memref_squeeze %dma_wait3A_3406 : memref<1x128xi32, #tpu.memory_space<vmem>> -> memref<128xi32, #tpu.memory_space<vmem>>
    %dma_wait3A_3408 = arith.constant 0 : i32
    %dma_wait3A_3409 = tpu.memref_slice %arg8[%dma_wait3A_3408] : memref<8192xf32, #tpu.memory_space<vmem_shared>> -> memref<8192xf32, #tpu.memory_space<vmem_shared>>
    tpu.wait_indirect_dma semaphore(%arg9 : memref<!tpu.dma_semaphore, #tpu.memory_space<semaphore_mem>>) src(%arg7 : memref<128xf32, #tpu.memory_space<vmem>>) dst(%dma_wait3A_3409 : memref<8192xf32, #tpu.memory_space<vmem_shared>>)
    %dma_wait3A_3410 = arith.constant 26 : i32
    %dma_wait3A_3411 = arith.constant 0 : i32
    %dma_wait3A_3412 = tpu.memref_slice %arg5[%dma_wait3A_3410, %dma_wait3A_3411] : memref<32x128xi32, #tpu.memory_space<vmem>> -> memref<1x128xi32, #tpu.memory_space<vmem>>
    %dma_wait3A_3413 = tpu.memref_squeeze %dma_wait3A_3412 : memref<1x128xi32, #tpu.memory_space<vmem>> -> memref<128xi32, #tpu.memory_space<vmem>>
    %dma_wait3A_3414 = arith.constant 0 : i32
    %dma_wait3A_3415 = tpu.memref_slice %arg8[%dma_wait3A_3414] : memref<8192xf32, #tpu.memory_space<vmem_shared>> -> memref<8192xf32, #tpu.memory_space<vmem_shared>>
    tpu.wait_indirect_dma semaphore(%arg9 : memref<!tpu.dma_semaphore, #tpu.memory_space<semaphore_mem>>) src(%arg7 : memref<128xf32, #tpu.memory_space<vmem>>) dst(%dma_wait3A_3415 : memref<8192xf32, #tpu.memory_space<vmem_shared>>)
    %dma_wait3A_3416 = arith.constant 27 : i32
    %dma_wait3A_3417 = arith.constant 0 : i32
    %dma_wait3A_3418 = tpu.memref_slice %arg5[%dma_wait3A_3416, %dma_wait3A_3417] : memref<32x128xi32, #tpu.memory_space<vmem>> -> memref<1x128xi32, #tpu.memory_space<vmem>>
    %dma_wait3A_3419 = tpu.memref_squeeze %dma_wait3A_3418 : memref<1x128xi32, #tpu.memory_space<vmem>> -> memref<128xi32, #tpu.memory_space<vmem>>
    %dma_wait3A_3420 = arith.constant 0 : i32
    %dma_wait3A_3421 = tpu.memref_slice %arg8[%dma_wait3A_3420] : memref<8192xf32, #tpu.memory_space<vmem_shared>> -> memref<8192xf32, #tpu.memory_space<vmem_shared>>
    tpu.wait_indirect_dma semaphore(%arg9 : memref<!tpu.dma_semaphore, #tpu.memory_space<semaphore_mem>>) src(%arg7 : memref<128xf32, #tpu.memory_space<vmem>>) dst(%dma_wait3A_3421 : memref<8192xf32, #tpu.memory_space<vmem_shared>>)
    %dma_wait3A_3422 = arith.constant 28 : i32
    %dma_wait3A_3423 = arith.constant 0 : i32
    %dma_wait3A_3424 = tpu.memref_slice %arg5[%dma_wait3A_3422, %dma_wait3A_3423] : memref<32x128xi32, #tpu.memory_space<vmem>> -> memref<1x128xi32, #tpu.memory_space<vmem>>
    %dma_wait3A_3425 = tpu.memref_squeeze %dma_wait3A_3424 : memref<1x128xi32, #tpu.memory_space<vmem>> -> memref<128xi32, #tpu.memory_space<vmem>>
    %dma_wait3A_3426 = arith.constant 0 : i32
    %dma_wait3A_3427 = tpu.memref_slice %arg8[%dma_wait3A_3426] : memref<8192xf32, #tpu.memory_space<vmem_shared>> -> memref<8192xf32, #tpu.memory_space<vmem_shared>>
    tpu.wait_indirect_dma semaphore(%arg9 : memref<!tpu.dma_semaphore, #tpu.memory_space<semaphore_mem>>) src(%arg7 : memref<128xf32, #tpu.memory_space<vmem>>) dst(%dma_wait3A_3427 : memref<8192xf32, #tpu.memory_space<vmem_shared>>)
    %dma_wait3A_3428 = arith.constant 29 : i32
    %dma_wait3A_3429 = arith.constant 0 : i32
    %dma_wait3A_3430 = tpu.memref_slice %arg5[%dma_wait3A_3428, %dma_wait3A_3429] : memref<32x128xi32, #tpu.memory_space<vmem>> -> memref<1x128xi32, #tpu.memory_space<vmem>>
    %dma_wait3A_3431 = tpu.memref_squeeze %dma_wait3A_3430 : memref<1x128xi32, #tpu.memory_space<vmem>> -> memref<128xi32, #tpu.memory_space<vmem>>
    %dma_wait3A_3432 = arith.constant 0 : i32
    %dma_wait3A_3433 = tpu.memref_slice %arg8[%dma_wait3A_3432] : memref<8192xf32, #tpu.memory_space<vmem_shared>> -> memref<8192xf32, #tpu.memory_space<vmem_shared>>
    tpu.wait_indirect_dma semaphore(%arg9 : memref<!tpu.dma_semaphore, #tpu.memory_space<semaphore_mem>>) src(%arg7 : memref<128xf32, #tpu.memory_space<vmem>>) dst(%dma_wait3A_3433 : memref<8192xf32, #tpu.memory_space<vmem_shared>>)
    %dma_wait3A_3434 = arith.constant 30 : i32
    %dma_wait3A_3435 = arith.constant 0 : i32
    %dma_wait3A_3436 = tpu.memref_slice %arg5[%dma_wait3A_3434, %dma_wait3A_3435] : memref<32x128xi32, #tpu.memory_space<vmem>> -> memref<1x128xi32, #tpu.memory_space<vmem>>
    %dma_wait3A_3437 = tpu.memref_squeeze %dma_wait3A_3436 : memref<1x128xi32, #tpu.memory_space<vmem>> -> memref<128xi32, #tpu.memory_space<vmem>>
    %dma_wait3A_3438 = arith.constant 0 : i32
    %dma_wait3A_3439 = tpu.memref_slice %arg8[%dma_wait3A_3438] : memref<8192xf32, #tpu.memory_space<vmem_shared>> -> memref<8192xf32, #tpu.memory_space<vmem_shared>>
    tpu.wait_indirect_dma semaphore(%arg9 : memref<!tpu.dma_semaphore, #tpu.memory_space<semaphore_mem>>) src(%arg7 : memref<128xf32, #tpu.memory_space<vmem>>) dst(%dma_wait3A_3439 : memref<8192xf32, #tpu.memory_space<vmem_shared>>)
    %dma_wait3A_3440 = arith.constant 31 : i32
    %dma_wait3A_3441 = arith.constant 0 : i32
    %dma_wait3A_3442 = tpu.memref_slice %arg5[%dma_wait3A_3440, %dma_wait3A_3441] : memref<32x128xi32, #tpu.memory_space<vmem>> -> memref<1x128xi32, #tpu.memory_space<vmem>>
    %dma_wait3A_3443 = tpu.memref_squeeze %dma_wait3A_3442 : memref<1x128xi32, #tpu.memory_space<vmem>> -> memref<128xi32, #tpu.memory_space<vmem>>
    %dma_wait3A_3444 = arith.constant 0 : i32
    %dma_wait3A_3445 = tpu.memref_slice %arg8[%dma_wait3A_3444] : memref<8192xf32, #tpu.memory_space<vmem_shared>> -> memref<8192xf32, #tpu.memory_space<vmem_shared>>
    tpu.wait_indirect_dma semaphore(%arg9 : memref<!tpu.dma_semaphore, #tpu.memory_space<semaphore_mem>>) src(%arg7 : memref<128xf32, #tpu.memory_space<vmem>>) dst(%dma_wait3A_3445 : memref<8192xf32, #tpu.memory_space<vmem_shared>>)
    %barrier3A_3446 = arith.constant 0 : index
    tpu.barrier barrier_id(%barrier3A_3446)
    %eq3A = arith.constant 0 : i32
    %eq3A_3447 = arith.cmpi eq, %arg1, %eq3A : i32
    %convert_element_type3A = arith.extui %eq3A_3447 : i1 to i32
    %cond3A = arith.constant 0 : i32
    %cond3A_3448 = arith.cmpi ne, %convert_element_type3A, %cond3A : i32
    scf.if %cond3A_3448 {
      %run_scoped3A = arith.constant 0 : i32
      "tpu.region"() ({
        %run_scoped3A_3449 = tpu.sem_alloc : memref<!tpu.dma_semaphore, #tpu.memory_space<semaphore_mem>>
        %dma_start3A_3450 = arith.constant 0 : i32
        %dma_start3A_3451 = tpu.memref_slice %arg3[%run_scoped3A, %dma_start3A_3450] : memref<1x8192xf32, #tpu.memory_space<hbm>> -> memref<1x8192xf32, #tpu.memory_space<hbm>>
        %dma_start3A_3452 = tpu.memref_squeeze %dma_start3A_3451 : memref<1x8192xf32, #tpu.memory_space<hbm>> -> memref<8192xf32, #tpu.memory_space<hbm>>
        tpu.enqueue_dma source(%arg8 : memref<8192xf32, #tpu.memory_space<vmem_shared>>) target(%dma_start3A_3452 : memref<8192xf32, #tpu.memory_space<hbm>>) target_semaphore(%run_scoped3A_3449 : memref<!tpu.dma_semaphore, #tpu.memory_space<semaphore_mem>>)
        %dma_wait3A_3453 = arith.constant 0 : i32
        %dma_wait3A_3454 = tpu.memref_slice %arg3[%run_scoped3A, %dma_wait3A_3453] : memref<1x8192xf32, #tpu.memory_space<hbm>> -> memref<1x8192xf32, #tpu.memory_space<hbm>>
        %dma_wait3A_3455 = tpu.memref_squeeze %dma_wait3A_3454 : memref<1x8192xf32, #tpu.memory_space<hbm>> -> memref<8192xf32, #tpu.memory_space<hbm>>
        tpu.wait_dma2 semaphore(%run_scoped3A_3449 : memref<!tpu.dma_semaphore, #tpu.memory_space<semaphore_mem>>) src(%arg8 : memref<8192xf32, #tpu.memory_space<vmem_shared>>) dst(%dma_wait3A_3455 : memref<8192xf32, #tpu.memory_space<hbm>>)
        tpu.yield
      }) : () -> ()
    } else {
    }
    return
  }
}

module attributes {stable_mosaic.version = 14 : i64} {
  func.func @_mse_a_body(%arg0: i32, %arg1: memref<4096x256xf32, #tpu.memory_space<vmem>>, %arg2: memref<4096x256xf32, #tpu.memory_space<vmem>>, %arg3: memref<4096x256xf32, #tpu.memory_space<vmem>>, %arg4: memref<1x2xf32, #tpu.memory_space<smem>>) attributes {dimension_semantics = [#tpu.dimension_semantics<arbitrary>], iteration_bounds = array<i64: 8>, scalar_prefetch = 0 : i64, scratch_operands = 0 : i64, tpu.core_type = #tpu.core_type<tc>, window_params = [{transform_indices = @transform_0, window_bounds = array<i64: 4096, 256>}, {transform_indices = @transform_1, window_bounds = array<i64: 4096, 256>}, {transform_indices = @transform_2, window_bounds = array<i64: 4096, 256>}, {transform_indices = @transform_3, window_bounds = array<i64: 1, 2>}]} {
    %get3A = arith.constant 0 : index
    %get3A_0 = arith.constant 0 : index
    %get3A_1 = vector.load %arg1[%get3A, %get3A_0] : memref<4096x256xf32, #tpu.memory_space<vmem>>, vector<4096x256xf32>
    %get3A_2 = arith.constant 0 : index
    %get3A_3 = arith.constant 0 : index
    %get3A_4 = vector.load %arg2[%get3A_2, %get3A_3] : memref<4096x256xf32, #tpu.memory_space<vmem>>, vector<4096x256xf32>
    %sub3A = arith.subf %get3A_4, %get3A_1 : vector<4096x256xf32>
    %get3A_5 = arith.constant 0 : index
    %get3A_6 = arith.constant 0 : index
    %get3A_7 = vector.load %arg3[%get3A_5, %get3A_6] : memref<4096x256xf32, #tpu.memory_space<vmem>>, vector<4096x256xf32>
    %sub3A_8 = arith.subf %get3A_7, %get3A_1 : vector<4096x256xf32>
    %mul3A = arith.mulf %sub3A, %sub3A : vector<4096x256xf32>
    %reduce_sum3A = vector.shape_cast %mul3A : vector<4096x256xf32> to vector<1x4096x256xf32>
    %reduce_sum3A_9 = arith.constant dense<0.000000e+00> : vector<1xf32>
    %reduce_sum3A_10 = vector.multi_reduction <add>, %reduce_sum3A, %reduce_sum3A_9 [1, 2] : vector<1x4096x256xf32> to vector<1xf32>
    %reduce_sum3A_11 = vector.shape_cast %reduce_sum3A_10 : vector<1xf32> to vector<1x1x1xf32>
    %reduce_sum3A_12 = vector.extract %reduce_sum3A_11[0, 0, 0] : f32 from vector<1x1x1xf32>
    %mul3A_13 = arith.mulf %sub3A_8, %sub3A_8 : vector<4096x256xf32>
    %reduce_sum3A_14 = vector.shape_cast %mul3A_13 : vector<4096x256xf32> to vector<1x4096x256xf32>
    %reduce_sum3A_15 = arith.constant dense<0.000000e+00> : vector<1xf32>
    %reduce_sum3A_16 = vector.multi_reduction <add>, %reduce_sum3A_14, %reduce_sum3A_15 [1, 2] : vector<1x4096x256xf32> to vector<1xf32>
    %reduce_sum3A_17 = vector.shape_cast %reduce_sum3A_16 : vector<1xf32> to vector<1x1x1xf32>
    %reduce_sum3A_18 = vector.extract %reduce_sum3A_17[0, 0, 0] : f32 from vector<1x1x1xf32>
    %eq3A = arith.constant 0 : i32
    %eq3A_19 = arith.cmpi eq, %arg0, %eq3A : i32
    %convert_element_type3A = arith.extui %eq3A_19 : i1 to i32
    %cond3A = arith.constant 0 : i32
    %cond3A_20 = arith.cmpi ne, %convert_element_type3A, %cond3A : i32
    scf.if %cond3A_20 {
      %swap3A = arith.constant 0 : index
      %swap3A_25 = arith.constant 0 : index
      %swap3A_26 = memref.load %arg4[%swap3A, %swap3A_25] : memref<1x2xf32, #tpu.memory_space<smem>>
      memref.store %reduce_sum3A_12, %arg4[%swap3A, %swap3A_25] : memref<1x2xf32, #tpu.memory_space<smem>>
      %swap3A_27 = arith.constant 0 : index
      %swap3A_28 = arith.constant 1 : index
      %swap3A_29 = memref.load %arg4[%swap3A_27, %swap3A_28] : memref<1x2xf32, #tpu.memory_space<smem>>
      memref.store %reduce_sum3A_18, %arg4[%swap3A_27, %swap3A_28] : memref<1x2xf32, #tpu.memory_space<smem>>
    } else {
    }
    %ne3A = arith.constant 0 : i32
    %ne3A_21 = arith.cmpi ne, %arg0, %ne3A : i32
    %convert_element_type3A_22 = arith.extui %ne3A_21 : i1 to i32
    %cond3A_23 = arith.constant 0 : i32
    %cond3A_24 = arith.cmpi ne, %convert_element_type3A_22, %cond3A_23 : i32
    scf.if %cond3A_24 {
      %get3A_25 = arith.constant 0 : index
      %get3A_26 = arith.constant 0 : index
      %get3A_27 = memref.load %arg4[%get3A_25, %get3A_26] : memref<1x2xf32, #tpu.memory_space<smem>>
      %add3A = arith.addf %get3A_27, %reduce_sum3A_12 : f32
      %swap3A = arith.constant 0 : index
      %swap3A_28 = arith.constant 0 : index
      %swap3A_29 = memref.load %arg4[%swap3A, %swap3A_28] : memref<1x2xf32, #tpu.memory_space<smem>>
      memref.store %add3A, %arg4[%swap3A, %swap3A_28] : memref<1x2xf32, #tpu.memory_space<smem>>
      %get3A_30 = arith.constant 0 : index
      %get3A_31 = arith.constant 1 : index
      %get3A_32 = memref.load %arg4[%get3A_30, %get3A_31] : memref<1x2xf32, #tpu.memory_space<smem>>
      %add3A_33 = arith.addf %get3A_32, %reduce_sum3A_18 : f32
      %swap3A_34 = arith.constant 0 : index
      %swap3A_35 = arith.constant 1 : index
      %swap3A_36 = memref.load %arg4[%swap3A_34, %swap3A_35] : memref<1x2xf32, #tpu.memory_space<smem>>
      memref.store %add3A_33, %arg4[%swap3A_34, %swap3A_35] : memref<1x2xf32, #tpu.memory_space<smem>>
    } else {
    }
    return
  }
  func.func @transform_0(%arg0: i32) -> (i32, i32) {
    %c0_i32 = arith.constant 0 : i32
    %c0_i32_0 = arith.constant 0 : i32
    return %arg0, %c0_i32 : i32, i32
  }
  func.func @transform_1(%arg0: i32) -> (i32, i32) {
    %c0_i32 = arith.constant 0 : i32
    %c0_i32_0 = arith.constant 0 : i32
    return %arg0, %c0_i32 : i32, i32
  }
  func.func @transform_2(%arg0: i32) -> (i32, i32) {
    %c0_i32 = arith.constant 0 : i32
    %c0_i32_0 = arith.constant 0 : i32
    return %arg0, %c0_i32 : i32, i32
  }
  func.func @transform_3(%arg0: i32) -> (i32, i32) {
    %c0_i32 = arith.constant 0 : i32
    %c0_i32_0 = arith.constant 0 : i32
    %c0_i32_1 = arith.constant 0 : i32
    return %c0_i32, %c0_i32_0 : i32, i32
  }
}

module attributes {stable_mosaic.version = 14 : i64} {
  func.func @_mse_b_body(%arg0: i32, %arg1: memref<4096x256xf32, #tpu.memory_space<vmem>>, %arg2: memref<4096x256xf32, #tpu.memory_space<vmem>>, %arg3: memref<4096x256xf32, #tpu.memory_space<vmem>>, %arg4: memref<1x8192xf32, #tpu.memory_space<vmem>>, %arg5: memref<1x2xf32, #tpu.memory_space<smem>>, %arg6: memref<1x1xf32, #tpu.memory_space<smem>>, %arg7: memref<1x1xf32, #tpu.memory_space<smem>>, %arg8: memref<1x1xf32, #tpu.memory_space<smem>>, %arg9: memref<1x1xf32, #tpu.memory_space<smem>>, %arg10: memref<1x1xf32, #tpu.memory_space<smem>>, %arg11: memref<1x1xf32, #tpu.memory_space<smem>>, %arg12: memref<2xf32, #tpu.memory_space<smem>>) attributes {dimension_semantics = [#tpu.dimension_semantics<arbitrary>], iteration_bounds = array<i64: 8>, scalar_prefetch = 0 : i64, scratch_operands = 1 : i64, tpu.core_type = #tpu.core_type<tc>, window_params = [{transform_indices = @transform_0, window_bounds = array<i64: 4096, 256>}, {transform_indices = @transform_1, window_bounds = array<i64: 4096, 256>}, {transform_indices = @transform_2, window_bounds = array<i64: 4096, 256>}, {pipeline_mode = #tpu.pipeline_mode<synchronous>, transform_indices = @transform_3, window_bounds = array<i64: 1, 8192>}, {transform_indices = @transform_4, window_bounds = array<i64: 1, 2>}, {transform_indices = @transform_5, window_bounds = array<i64: 1, 1>}, {transform_indices = @transform_6, window_bounds = array<i64: 1, 1>}, {transform_indices = @transform_7, window_bounds = array<i64: 1, 1>}, {transform_indices = @transform_8, window_bounds = array<i64: 1, 1>}, {transform_indices = @transform_9, window_bounds = array<i64: 1, 1>}, {transform_indices = @transform_10, window_bounds = array<i64: 1, 1>}]} {
    %get3A = arith.constant 0 : index
    %get3A_0 = arith.constant 0 : index
    %get3A_1 = vector.load %arg1[%get3A, %get3A_0] : memref<4096x256xf32, #tpu.memory_space<vmem>>, vector<4096x256xf32>
    %get3A_2 = arith.constant 0 : index
    %get3A_3 = arith.constant 0 : index
    %get3A_4 = vector.load %arg2[%get3A_2, %get3A_3] : memref<4096x256xf32, #tpu.memory_space<vmem>>, vector<4096x256xf32>
    %sub3A = arith.subf %get3A_4, %get3A_1 : vector<4096x256xf32>
    %get3A_5 = arith.constant 0 : index
    %get3A_6 = arith.constant 0 : index
    %get3A_7 = vector.load %arg3[%get3A_5, %get3A_6] : memref<4096x256xf32, #tpu.memory_space<vmem>>, vector<4096x256xf32>
    %sub3A_8 = arith.subf %get3A_7, %get3A_1 : vector<4096x256xf32>
    %mul3A = arith.mulf %sub3A, %sub3A : vector<4096x256xf32>
    %reduce_sum3A = vector.shape_cast %mul3A : vector<4096x256xf32> to vector<1x4096x256xf32>
    %reduce_sum3A_9 = arith.constant dense<0.000000e+00> : vector<1xf32>
    %reduce_sum3A_10 = vector.multi_reduction <add>, %reduce_sum3A, %reduce_sum3A_9 [1, 2] : vector<1x4096x256xf32> to vector<1xf32>
    %reduce_sum3A_11 = vector.shape_cast %reduce_sum3A_10 : vector<1xf32> to vector<1x1x1xf32>
    %reduce_sum3A_12 = vector.extract %reduce_sum3A_11[0, 0, 0] : f32 from vector<1x1x1xf32>
    %mul3A_13 = arith.mulf %sub3A_8, %sub3A_8 : vector<4096x256xf32>
    %reduce_sum3A_14 = vector.shape_cast %mul3A_13 : vector<4096x256xf32> to vector<1x4096x256xf32>
    %reduce_sum3A_15 = arith.constant dense<0.000000e+00> : vector<1xf32>
    %reduce_sum3A_16 = vector.multi_reduction <add>, %reduce_sum3A_14, %reduce_sum3A_15 [1, 2] : vector<1x4096x256xf32> to vector<1xf32>
    %reduce_sum3A_17 = vector.shape_cast %reduce_sum3A_16 : vector<1xf32> to vector<1x1x1xf32>
    %reduce_sum3A_18 = vector.extract %reduce_sum3A_17[0, 0, 0] : f32 from vector<1x1x1xf32>
    %eq3A = arith.constant 0 : i32
    %eq3A_19 = arith.cmpi eq, %arg0, %eq3A : i32
    %convert_element_type3A = arith.extui %eq3A_19 : i1 to i32
    %cond3A = arith.constant 0 : i32
    %cond3A_20 = arith.cmpi ne, %convert_element_type3A, %cond3A : i32
    scf.if %cond3A_20 {
      %swap3A = arith.constant 0 : index
      %swap3A_30 = memref.load %arg12[%swap3A] : memref<2xf32, #tpu.memory_space<smem>>
      memref.store %reduce_sum3A_12, %arg12[%swap3A] : memref<2xf32, #tpu.memory_space<smem>>
      %swap3A_31 = arith.constant 1 : index
      %swap3A_32 = memref.load %arg12[%swap3A_31] : memref<2xf32, #tpu.memory_space<smem>>
      memref.store %reduce_sum3A_18, %arg12[%swap3A_31] : memref<2xf32, #tpu.memory_space<smem>>
    } else {
    }
    %ne3A = arith.constant 0 : i32
    %ne3A_21 = arith.cmpi ne, %arg0, %ne3A : i32
    %convert_element_type3A_22 = arith.extui %ne3A_21 : i1 to i32
    %cond3A_23 = arith.constant 0 : i32
    %cond3A_24 = arith.cmpi ne, %convert_element_type3A_22, %cond3A_23 : i32
    scf.if %cond3A_24 {
      %get3A_30 = arith.constant 0 : index
      %get3A_31 = memref.load %arg12[%get3A_30] : memref<2xf32, #tpu.memory_space<smem>>
      %add3A = arith.addf %get3A_31, %reduce_sum3A_12 : f32
      %swap3A = arith.constant 0 : index
      %swap3A_32 = memref.load %arg12[%swap3A] : memref<2xf32, #tpu.memory_space<smem>>
      memref.store %add3A, %arg12[%swap3A] : memref<2xf32, #tpu.memory_space<smem>>
      %get3A_33 = arith.constant 1 : index
      %get3A_34 = memref.load %arg12[%get3A_33] : memref<2xf32, #tpu.memory_space<smem>>
      %add3A_35 = arith.addf %get3A_34, %reduce_sum3A_18 : f32
      %swap3A_36 = arith.constant 1 : index
      %swap3A_37 = memref.load %arg12[%swap3A_36] : memref<2xf32, #tpu.memory_space<smem>>
      memref.store %add3A_35, %arg12[%swap3A_36] : memref<2xf32, #tpu.memory_space<smem>>
    } else {
    }
    %eq3A_25 = arith.constant 7 : i32
    %eq3A_26 = arith.cmpi eq, %arg0, %eq3A_25 : i32
    %convert_element_type3A_27 = arith.extui %eq3A_26 : i1 to i32
    %cond3A_28 = arith.constant 0 : i32
    %cond3A_29 = arith.cmpi ne, %convert_element_type3A_27, %cond3A_28 : i32
    scf.if %cond3A_29 {
      %get3A_30 = arith.constant 0 : index
      %get3A_31 = arith.constant 0 : index
      %get3A_32 = vector.load %arg4[%get3A_30, %get3A_31] : memref<1x8192xf32, #tpu.memory_space<vmem>>, vector<1x8192xf32>
      %mul3A_33 = arith.constant 1.52587891E-5 : f32
      %mul3A_34 = vector.broadcast %mul3A_33 : f32 to vector<1x8192xf32>
      %mul3A_35 = arith.mulf %get3A_32, %mul3A_34 : vector<1x8192xf32>
      %add3A = arith.constant 1.000000e-10 : f32
      %add3A_36 = vector.broadcast %add3A : f32 to vector<1x8192xf32>
      %add3A_37 = arith.addf %mul3A_35, %add3A_36 : vector<1x8192xf32>
      %log3A = math.log %add3A_37 : vector<1x8192xf32>
      %mul3A_38 = arith.mulf %mul3A_35, %log3A : vector<1x8192xf32>
      %reduce_sum3A_39 = vector.shape_cast %mul3A_38 : vector<1x8192xf32> to vector<1x1x8192xf32>
      %reduce_sum3A_40 = arith.constant dense<0.000000e+00> : vector<1xf32>
      %reduce_sum3A_41 = vector.multi_reduction <add>, %reduce_sum3A_39, %reduce_sum3A_40 [1, 2] : vector<1x1x8192xf32> to vector<1xf32>
      %reduce_sum3A_42 = vector.shape_cast %reduce_sum3A_41 : vector<1xf32> to vector<1x1x1xf32>
      %reduce_sum3A_43 = vector.extract %reduce_sum3A_42[0, 0, 0] : f32 from vector<1x1x1xf32>
      %gt3A = arith.constant 0.000000e+00 : f32
      %gt3A_44 = vector.broadcast %gt3A : f32 to vector<1x8192xf32>
      %gt3A_45 = arith.cmpf ogt, %get3A_32, %gt3A_44 : vector<1x8192xf32>
      %jit3A = arith.constant 1.000000e+00 : f32
      %jit3A_46 = arith.constant 0.000000e+00 : f32
      %broadcast_in_dim3A = vector.broadcast %jit3A : f32 to vector<1x8192xf32>
      %broadcast_in_dim3A_47 = vector.broadcast %jit3A_46 : f32 to vector<1x8192xf32>
      %select_n3A = arith.select %gt3A_45, %broadcast_in_dim3A, %broadcast_in_dim3A_47 : vector<1x8192xi1>, vector<1x8192xf32>
      %reduce_sum3A_48 = vector.shape_cast %select_n3A : vector<1x8192xf32> to vector<1x1x8192xf32>
      %reduce_sum3A_49 = arith.constant dense<0.000000e+00> : vector<1xf32>
      %reduce_sum3A_50 = vector.multi_reduction <add>, %reduce_sum3A_48, %reduce_sum3A_49 [1, 2] : vector<1x1x8192xf32> to vector<1xf32>
      %reduce_sum3A_51 = vector.shape_cast %reduce_sum3A_50 : vector<1xf32> to vector<1x1x1xf32>
      %reduce_sum3A_52 = vector.extract %reduce_sum3A_51[0, 0, 0] : f32 from vector<1x1x1xf32>
      %get3A_53 = arith.constant 0 : index
      %get3A_54 = arith.constant 0 : index
      %get3A_55 = memref.load %arg5[%get3A_53, %get3A_54] : memref<1x2xf32, #tpu.memory_space<smem>>
      %get3A_56 = arith.constant 0 : index
      %get3A_57 = memref.load %arg12[%get3A_56] : memref<2xf32, #tpu.memory_space<smem>>
      %add3A_58 = arith.addf %get3A_55, %get3A_57 : f32
      %mul3A_59 = arith.constant 5.96046448E-8 : f32
      %mul3A_60 = arith.mulf %add3A_58, %mul3A_59 : f32
      %get3A_61 = arith.constant 0 : index
      %get3A_62 = arith.constant 1 : index
      %get3A_63 = memref.load %arg5[%get3A_61, %get3A_62] : memref<1x2xf32, #tpu.memory_space<smem>>
      %get3A_64 = arith.constant 1 : index
      %get3A_65 = memref.load %arg12[%get3A_64] : memref<2xf32, #tpu.memory_space<smem>>
      %add3A_66 = arith.addf %get3A_63, %get3A_65 : f32
      %mul3A_67 = arith.constant 5.96046448E-8 : f32
      %mul3A_68 = arith.mulf %add3A_66, %mul3A_67 : f32
      %neg3A = arith.constant 0.000000e+00 : f32
      %neg3A_69 = arith.subf %neg3A, %reduce_sum3A_43 : f32
      %exp3A = math.exp %neg3A_69 : f32
      %log3A_70 = arith.constant 8.192000e+03 : f32
      %log3A_71 = math.log %log3A_70 : f32
      %add3A_72 = arith.addf %reduce_sum3A_43, %log3A_71 : f32
      %mul3A_73 = arith.constant 2.500000e-01 : f32
      %mul3A_74 = arith.mulf %mul3A_73, %mul3A_68 : f32
      %add3A_75 = arith.addf %mul3A_60, %mul3A_74 : f32
      %mul3A_76 = arith.constant 1.000000e-01 : f32
      %mul3A_77 = arith.mulf %mul3A_76, %add3A_72 : f32
      %add3A_78 = arith.addf %add3A_75, %mul3A_77 : f32
      %swap3A = arith.constant 0 : index
      %swap3A_79 = arith.constant 0 : index
      %swap3A_80 = memref.load %arg6[%swap3A, %swap3A_79] : memref<1x1xf32, #tpu.memory_space<smem>>
      memref.store %add3A_78, %arg6[%swap3A, %swap3A_79] : memref<1x1xf32, #tpu.memory_space<smem>>
      %swap3A_81 = arith.constant 0 : index
      %swap3A_82 = arith.constant 0 : index
      %swap3A_83 = memref.load %arg7[%swap3A_81, %swap3A_82] : memref<1x1xf32, #tpu.memory_space<smem>>
      memref.store %mul3A_60, %arg7[%swap3A_81, %swap3A_82] : memref<1x1xf32, #tpu.memory_space<smem>>
      %swap3A_84 = arith.constant 0 : index
      %swap3A_85 = arith.constant 0 : index
      %swap3A_86 = memref.load %arg8[%swap3A_84, %swap3A_85] : memref<1x1xf32, #tpu.memory_space<smem>>
      memref.store %mul3A_68, %arg8[%swap3A_84, %swap3A_85] : memref<1x1xf32, #tpu.memory_space<smem>>
      %swap3A_87 = arith.constant 0 : index
      %swap3A_88 = arith.constant 0 : index
      %swap3A_89 = memref.load %arg9[%swap3A_87, %swap3A_88] : memref<1x1xf32, #tpu.memory_space<smem>>
      memref.store %add3A_72, %arg9[%swap3A_87, %swap3A_88] : memref<1x1xf32, #tpu.memory_space<smem>>
      %swap3A_90 = arith.constant 0 : index
      %swap3A_91 = arith.constant 0 : index
      %swap3A_92 = memref.load %arg10[%swap3A_90, %swap3A_91] : memref<1x1xf32, #tpu.memory_space<smem>>
      memref.store %exp3A, %arg10[%swap3A_90, %swap3A_91] : memref<1x1xf32, #tpu.memory_space<smem>>
      %mul3A_93 = arith.constant 1.22070313E-4 : f32
      %mul3A_94 = arith.mulf %reduce_sum3A_52, %mul3A_93 : f32
      %swap3A_95 = arith.constant 0 : index
      %swap3A_96 = arith.constant 0 : index
      %swap3A_97 = memref.load %arg11[%swap3A_95, %swap3A_96] : memref<1x1xf32, #tpu.memory_space<smem>>
      memref.store %mul3A_94, %arg11[%swap3A_95, %swap3A_96] : memref<1x1xf32, #tpu.memory_space<smem>>
    } else {
    }
    return
  }
  func.func @transform_0(%arg0: i32) -> (i32, i32) {
    %add3A = arith.constant 8 : i32
    %add3A_0 = arith.addi %arg0, %add3A : i32
    %c0_i32 = arith.constant 0 : i32
    %c0_i32_1 = arith.constant 0 : i32
    return %add3A_0, %c0_i32 : i32, i32
  }
  func.func @transform_1(%arg0: i32) -> (i32, i32) {
    %add3A = arith.constant 8 : i32
    %add3A_0 = arith.addi %arg0, %add3A : i32
    %c0_i32 = arith.constant 0 : i32
    %c0_i32_1 = arith.constant 0 : i32
    return %add3A_0, %c0_i32 : i32, i32
  }
  func.func @transform_2(%arg0: i32) -> (i32, i32) {
    %add3A = arith.constant 8 : i32
    %add3A_0 = arith.addi %arg0, %add3A : i32
    %c0_i32 = arith.constant 0 : i32
    %c0_i32_1 = arith.constant 0 : i32
    return %add3A_0, %c0_i32 : i32, i32
  }
  func.func @transform_3(%arg0: i32) -> (i32, i32) {
    %c0_i32 = arith.constant 0 : i32
    %c0_i32_0 = arith.constant 0 : i32
    %c0_i32_1 = arith.constant 0 : i32
    return %c0_i32, %c0_i32_0 : i32, i32
  }
  func.func @transform_4(%arg0: i32) -> (i32, i32) {
    %c0_i32 = arith.constant 0 : i32
    %c0_i32_0 = arith.constant 0 : i32
    %c0_i32_1 = arith.constant 0 : i32
    return %c0_i32, %c0_i32_0 : i32, i32
  }
  func.func @transform_5(%arg0: i32) -> (i32, i32) {
    %c0_i32 = arith.constant 0 : i32
    %c0_i32_0 = arith.constant 0 : i32
    %c0_i32_1 = arith.constant 0 : i32
    return %c0_i32, %c0_i32_0 : i32, i32
  }
  func.func @transform_6(%arg0: i32) -> (i32, i32) {
    %c0_i32 = arith.constant 0 : i32
    %c0_i32_0 = arith.constant 0 : i32
    %c0_i32_1 = arith.constant 0 : i32
    return %c0_i32, %c0_i32_0 : i32, i32
  }
  func.func @transform_7(%arg0: i32) -> (i32, i32) {
    %c0_i32 = arith.constant 0 : i32
    %c0_i32_0 = arith.constant 0 : i32
    %c0_i32_1 = arith.constant 0 : i32
    return %c0_i32, %c0_i32_0 : i32, i32
  }
  func.func @transform_8(%arg0: i32) -> (i32, i32) {
    %c0_i32 = arith.constant 0 : i32
    %c0_i32_0 = arith.constant 0 : i32
    %c0_i32_1 = arith.constant 0 : i32
    return %c0_i32, %c0_i32_0 : i32, i32
  }
  func.func @transform_9(%arg0: i32) -> (i32, i32) {
    %c0_i32 = arith.constant 0 : i32
    %c0_i32_0 = arith.constant 0 : i32
    %c0_i32_1 = arith.constant 0 : i32
    return %c0_i32, %c0_i32_0 : i32, i32
  }
  func.func @transform_10(%arg0: i32) -> (i32, i32) {
    %c0_i32 = arith.constant 0 : i32
    %c0_i32_0 = arith.constant 0 : i32
    %c0_i32_1 = arith.constant 0 : i32
    return %c0_i32, %c0_i32_0 : i32, i32
  }
}

</mosaic_0001>

<sc_bundles>
// kernel: kernel.5.cloned.1.call-start
scs
__scs_entry_jumppad:
0x0: {  	(pc) =	sbr.rel $0x88, $3  }
0x1: {  	(tag) =	ssettag $0x0;
	lr =	simm.s32 $0x1  }
0x2: {  	[smem:$0x3F9D] =	sst lr;
	_ =	strace $0xD0000000  }
0x3: {  	_ = 	snop  }
0x4: {  	_ = 	snop  }
0x5: {  	_ = 	snop  }
0x6: {  	_ = 	snop  }
0x7: {  	_ = 	snop  }
__scs_overlays_trampoline_lowered:
0x8: {  	[smem:$0x3FAC] =	sst s0  }
0x9: {  	[smem:$0x3FAD] =	sst s1  }
0xa: {  	[smem:$0x3FAE] =	sst s2  }
0xb: {  	[smem:$0x3FAF] =	sst s3  }
0xc: {  	[smem:$0x3FB0] =	sst s4  }
0xd: {  	[smem:$0x3FB1] =	sst s5  }
0xe: {  	[smem:$0x3FB2] =	sst s6  }
0xf: {  	[smem:$0x3FB3] =	sst s7  }
0x10: {  	[smem:$0x3FB4] =	sst s8  }
0x11: {  	[smem:$0x3FB5] =	sst s9;
	s0 =	simm.s32 @!p0 $0x0  }
0x12: {  	s1 =	sld [smem:$0x3F9B];
	s0 =	simm.s32 @p0 $0x1  }
0x13: {  	[smem:$0x3FB6] =	sst s0;
	s0 =	simm.s32 @!p1 $0x0  }
0x14: {  	s2 =	sld [smem:$0x3F9A];
	s0 =	simm.s32 @p1 $0x1  }
0x15: {  	[smem:$0x3FB7] =	sst s0;
	s0 =	simm.s32 @!p2 $0x0  }
0x16: {  	s3 =	sld [smem:$0x3FDB];
	s0 =	simm.s32 @p2 $0x1  }
0x17: {  	s4 =	simm.s32 $0x1BF5;
	[smem:$0x3FB9] =	sst s0  }
0x18: {  	s0 =	sld [smem:$0x3F9C];
	_ =	swait.ge [sflag:s4], $0x0  }
0x19: {  	s7 =	sld [smem:$0x3F9D]  }
0x1a: {  	s8 =	sadd.s32 $0xFFFFE003, lr  }
0x1b: {  	s9 =	sadd.s32 $0xFFFFFEF7, lr;
	s5 =	simm.s32 $0xFFFFFFFF;
	p2 =	slt.u32 s8, $0xFFFFF086  }
0x1c: {  	p1 =	slt.u32 s9, $0xF7A;
	s5 =	simm.s32 @!p2 $0x0  }
0x1d: {  	s5 =	simm.s32 @p1 $0x1;
	p0 =	seq.s32 s7, s2  }
0x1e: {  	s7 =	smul.u32 @!p0 $0xF7A, s2;
	p2 =	seq.s32 @!p0 s5, $0x0  }
0x1f: {  	s9 =	smul.u32 $0xF7A, s1;
	s8 =	simm.s32 @!p0 $0x1BF5;
	p2 =	por !p2, p0  }
0x20: {  	[sflag:s8] =	ssyncset.s32 @!p0 $0xFFFFF086;
	s6 =	sadd.s32 @!p0 s3, s7;
	s7 =	simm.s32 @!p0 $0x108  }
0x21: {  	s3 =	sadd.s32 s3, s9;
	s6 =	sadd.s32 @!p0 $0x88, s6;
	s7 =	simm.s32 @p2 $0x1082  }
0x22: {  	[simem:s7], [sflag:s8] =	dma.local @!p0 [hbm:s6], $0xF7A  }
0x23: {  	s9 =	sor.u32 $0xD0000000, s2;
	s6 =	simm.s32 $0x108;
	_ =	swait.ge @!p0 [sflag:s8], $0x0  }
0x24: {  	s3 =	sadd.s32 $0x88, s3;
	s6 =	simm.s32 @!p1 $0x1082;
	[sflag:s4] =	ssyncset.s32 $0xFFFFF086  }
0x25: {  	[simem:s6], [sflag:s4] =	dma.local [hbm:s3], $0xF7A  }
0x26: {  	[smem:$0x3F9D] =	sst s1;
	(tag) =	ssettag s2;
	_ =	strace s9  }
0x27: {  	s1 =	sld [smem:$0x3FAD]  }
0x28: {  	s2 =	sld [smem:$0x3FAE]  }
0x29: {  	s4 =	sld [smem:$0x3FB0]  }
0x2a: {  	p0 =	seq.s32 s5, $0x0;
	s5 =	sld [smem:$0x3FB1]  }
0x2b: {  	s6 =	sld [smem:$0x3FB2]  }
0x2c: {  	s7 =	sld [smem:$0x3FB3]  }
0x2d: {  	s3 =	simm.s32 $0x108;
	s8 =	sld [smem:$0x3FB4]  }
0x2e: {  	s3 =	simm.s32 @!p0 $0x1082;
	s9 =	sld [smem:$0x3FB5]  }
0x2f: {  	lr =	sadd.s32 s0, s3;
	s0 =	sld [smem:$0x3FAC]  }
0x30: {  	s3 =	sld [smem:$0x3FAF]  }
0x31: {  	[smem:$0x3FB8] =	sst s10  }
0x32: {  	s10 =	sld [smem:$0x3FB6];
	_ =	sdelay $0x3  }
0x33: {  	p0 =	seq.s32 s10, $0x1;
	s10 =	sld [smem:$0x3FB8];
	_ =	sdelay $0x3  }
0x34: {  	[smem:$0x3FB8] =	sst s10  }
0x35: {  	s10 =	sld [smem:$0x3FB7];
	_ =	sdelay $0x3  }
0x36: {  	p1 =	seq.s32 s10, $0x1;
	s10 =	sld [smem:$0x3FB8];
	_ =	sdelay $0x3  }
0x37: {  	[smem:$0x3FB8] =	sst s10  }
0x38: {  	s10 =	sld [smem:$0x3FB9]  }
0x39: {  	_ = 	snop;
	(pc) =	sbr.ind lr, $3  }
0x3a: {  	_ = 	snop  }
0x3b: {  	_ = 	snop  }
0x3c: {  	p2 =	seq.s32 s10, $0x1;
	s10 =	sld [smem:$0x3FB8]  }
0x3d: {  	_ =	shalt  }
0x3e: {  	_ =	shalt  }
0x3f: {  	_ =	shalt  }
0x40: {  	_ =	shalt  }
0x41: {  	_ =	shalt  }
0x42: {  	_ =	shalt  }
0x43: {  	_ =	shalt  }
0x44: {  	_ =	shalt  }
0x45: {  	_ =	shalt  }
0x46: {  	_ =	shalt  }
0x47: {  	_ =	shalt  }
0x48: {  	_ =	shalt  }
0x49: {  	_ =	shalt  }
0x4a: {  	_ =	shalt  }
0x4b: {  	_ =	shalt  }
0x4c: {  	_ =	shalt  }
0x4d: {  	_ =	shalt  }
0x4e: {  	_ =	shalt  }
0x4f: {  	_ =	shalt  }
0x50: {  	_ =	shalt  }
0x51: {  	_ =	shalt  }
0x52: {  	_ =	shalt  }
0x53: {  	_ =	shalt  }
0x54: {  	_ =	shalt  }
0x55: {  	_ =	shalt  }
0x56: {  	_ =	shalt  }
0x57: {  	_ =	shalt  }
0x58: {  	_ =	shalt  }
0x59: {  	_ =	shalt  }
0x5a: {  	_ =	shalt  }
0x5b: {  	_ =	shalt  }
0x5c: {  	_ =	shalt  }
0x5d: {  	_ =	shalt  }
0x5e: {  	_ =	shalt  }
0x5f: {  	_ =	shalt  }
0x60: {  	_ =	shalt  }
0x61: {  	_ =	shalt  }
0x62: {  	_ =	shalt  }
0x63: {  	_ =	shalt  }
0x64: {  	_ =	shalt  }
0x65: {  	_ =	shalt  }
0x66: {  	_ =	shalt  }
0x67: {  	_ =	shalt  }
0x68: {  	_ =	shalt  }
0x69: {  	_ =	shalt  }
0x6a: {  	_ =	shalt  }
0x6b: {  	_ =	shalt  }
0x6c: {  	_ =	shalt  }
0x6d: {  	_ =	shalt  }
0x6e: {  	_ =	shalt  }
0x6f: {  	_ =	shalt  }
0x70: {  	_ =	shalt  }
0x71: {  	_ =	shalt  }
0x72: {  	_ =	shalt  }
0x73: {  	_ =	shalt  }
0x74: {  	_ =	shalt  }
0x75: {  	_ =	shalt  }
0x76: {  	_ =	shalt  }
0x77: {  	_ =	shalt  }
0x78: {  	_ =	shalt  }
0x79: {  	_ =	shalt  }
0x7a: {  	_ =	shalt  }
0x7b: {  	_ =	shalt  }
0x7c: {  	_ =	shalt  }
0x7d: {  	_ =	shalt  }
0x7e: {  	_ =	shalt  }
0x7f: {  	_ =	shalt  }
0x80: {  	_ =	shalt  }
0x81: {  	_ =	shalt  }
0x82: {  	_ =	shalt  }
0x83: {  	_ =	shalt  }
0x84: {  	_ =	shalt  }
0x85: {  	_ =	shalt  }
0x86: {  	_ =	shalt  }
0x87: {  	_ =	shalt  }
.Lfunc_end0:
.L_simem_size_0:
called_computation_lowered:
.L_overlay_start_0:
0x88: {  	s0 =	sld [smem:$0x3FD9]  }
0x89: {  	s1 =	sld [smem:$0x3FFE];
	_ =	sdelay $0x3  }
0x8a: {  	s0 =	sadd.s32 s1, s0  }
0x8b: {  	[smem:$0x3FC4] =	sst s0  }
0x8c: {  	_ = 	snop  }
0x8d: {  	s0 =	sld [smem:$0x3FC6];
	(tm) =	ssettm $0x1  }
0x8e: {  	s16 =	sld [smem:$0x3FFB];
	_ =	sdelay $0x3  }
0x8f: {  	_ =	strace s16  }
0x90: {  	s1 =	sld [smem:$0x3FFC];
	_ =	sdelay $0x3  }
0x91: {  	_ =	strace s1  }
0x92: {  	s1 =	sld [smem:$0x3FFD];
	_ =	sdelay $0x3  }
0x93: {  	_ =	strace s1  }
0x94: {  	_ =	strace $0x8FFFFFFF  }
0x95: {  	s17 =	sld [smem:$0x3FDB];
	_ =	sdelay $0x1  }
0x96: {  	s2 =	simm.s32 $_scs_section_size  }
0x97: {  	s3 =	simm.s32 $_size__tile_overlayer_lowered;
	s4 =	simm.s32 $_tile_overlayer_lowered  }
0x98: {  	s20 =	simm.s32 $0x1BFF;
	s19 =	sshll.u32 s4, $0x1;
	s1 =	sadd.s32 s2, s17  }
0x99: {  	s5 =	simm.s32 $0x0;
	s18 =	sshll.u32 s3, $0x1;
	s3 =	sadd.s32 s19, s1  }
0x9a: {  	[timem:s5], [sflag:s20] =	dma.local [hbm:s3], s18  }
0x9b: {  	_ =	swait.ge [sflag:s20], s18  }
0x9c: {  	s2 =	ssub.s32 $0x0, s18;
	[sflag:s20] =	ssyncset.done $0x0  }
0x9d: {  	[sflag:s20] =	ssyncadd.s32 s2;
	_ =	sdelay $0x1  }
0x9e: {  	s21 =	simm.s32 $0x1B8B  }
0x9f: {  	_ =	swait.ge [sflag:s21], $0x1  }
0xa0: {  	[sflag:s21] =	ssyncset.done $0x0  }
0xa1: {  	s23 =	simm.s32 $0x1B8E;
	s22 =	sld [smem:$0x3FFE];
	[sflag:s21] =	ssyncadd.s32 $0xFFFFFFFF  }
0xa2: {  	s24 =	simm.s32 $execute0_lowered;
	[smem:$0x3FD2] =	sst s23  }
0xa3: {  	s3 =	sshll.u32 s24, $0x1;
	_ =	strace $0x80000046;
	[dreg:$0x1] =	wrdreg $0xFFFFFFFF  }
0xa4: {  	s25 =	simm.s32 $_size_execute0_lowered;
	s1 =	sadd.s32 s1, s3;
	[dreg:$0x0] =	wrdreg $0x0  }
0xa5: {  	s3 =	sshll.u32 s25, $0x1;
	[dreg:$0x2] =	wrdreg s1  }
0xa6: {  	[dreg:$0x3] =	wrdreg s3  }
0xa7: {  	[dreg:$0x4] =	wrdreg $0xC0  }
0xa8: {  	_ =	task [dreg:s5], $0x5FFFF  }
0xa9: {  	[dreg:$0x1] =	wrdreg $0xFFFFFFFF  }
0xaa: {  	[dreg:$0x0] =	wrdreg $0x60  }
0xab: {  	[dreg:$0x2] =	wrdreg s0  }
0xac: {  	[dreg:$0x3] =	wrdreg s22  }
0xad: {  	[dreg:$0x4] =	wrdreg $0x22800  }
0xae: {  	[dreg:$0x5] =	wrdreg $0x9  }
0xaf: {  	_ =	task.clear_ibuf [dreg:s5], $0x6FFFF;
	_ =	strace $0x90000046  }
0xb0: {  	s26 =	simm.s32 $0x9;
	_ =	strace $0x80000048  }
0xb1: {  	_ =	swait.ge [sflag:s26], $0x1  }
0xb2: {  	[sflag:s26] =	ssyncadd.s32 $0xFFFFFFFF  }
0xb3: {  	_ =	strace $0x90000048  }
0xb4: {  	_ =	sfence  }
0xb5: {  	s28 =	sld [smem:$0x0];
	_ =	sdelay $0x1  }
0xb6: {  	s29 =	srdreg.scid  }
0xb7: {  	s30 =	sshll.u32 s29, $0xD;
	s31 =	sshrl.u32 s29, $0x2  }
0xb8: {  	s2 =	sand.u32 $0x4000, s30;
	s1 =	sand.u32 $0x1, s29;
	s0 =	sadd.s32 s31, s28  }
0xb9: {  	s1 =	sor.u32 s2, s1;
	s0 =	sshll.u32 s0, $0x11  }
0xba: {  	s0 =	sor.u32 s0, s1  }
0xbb: {  	s0 =	sadd.s32 $0x8F2B, s0  }
0xbc: {  	[sflag:s0] =	ssyncadd.remote.s32 $0x1  }
0xbd: {  	_ =	sfence.sel $0xFFFF  }
0xbe: {  	[dreg:$0x0] =	wrdreg $0xFFFFFFFF;
	(pc) =	sbr.abs _section_cstart, $3  }
0xbf: {  	[dreg:$0x1] =	wrdreg $0xFFFFFFFF  }
0xc0: {  	_ =	task.clear_ibuf [dreg:s5], $0x2FFFF;
	_ =	strace $0x9FFFFFFF  }
0xc1: {  	(tm) =	ssettm $0x7FFFFFFF  }
tec
execute0_lowered:
.L_overlay_start_1:
0x0: {  	(tag) =	ssettag $0x1  }
0x1: {  	s4 =	rddreg [dreg:$0x0]  }
0x2: {  	s2 =	rddreg [dreg:$0x1]  }
0x3: {  	s1 =	rddreg [dreg:$0x2];
	s3 =	stileid.u32  }
0x4: {  	s0 =	rddreg [dreg:$0x3];
	s5 =	simm.s32 $0x0;
	s6 =	sshll.u32 s3, $0x6  }
0x5: {  	s17 =	simm.s32 $0x200;
	s7 =	sshll.u32 s3, $0x9;
	s6 =	sand.u32 $0x40, s6  }
0x6: {  	[smem:$0x7FF] =	sst s5;
	s8 =	sand.u32 $0x1C00, s7;
	s4 =	sadd.s32 s4, s6  }
0x7: {  	s18 =	simm.s32 $0x400;
	_ =	strace $0x80000047;
	s4 =	sadd.s32 s8, s4  }
0x8: {  	v0 =	vimm.f32 $0.0e+00;
	[tilespmem:s5], [sflag:$0x1] =	stream.strided.gather [hbm4b:s4+s17], $0x1000, s18, s17, $0x38;
	[tilespmem:$0x2480] =	vst v63  }
0x9: {  	[tilespmem:$0x2000] =	vst v0  }
0xa: {  	[tilespmem:$0x2010] =	vst v0  }
0xb: {  	[tilespmem:$0x2020] =	vst v0  }
0xc: {  	[tilespmem:$0x2030] =	vst v0  }
0xd: {  	[tilespmem:$0x2040] =	vst v0  }
0xe: {  	[tilespmem:$0x2050] =	vst v0  }
0xf: {  	[tilespmem:$0x2060] =	vst v0  }
0x10: {  	[tilespmem:$0x2070] =	vst v0  }
0x11: {  	[tilespmem:$0x2080] =	vst v0  }
0x12: {  	[tilespmem:$0x2090] =	vst v0  }
0x13: {  	[tilespmem:$0x20A0] =	vst v0  }
0x14: {  	[tilespmem:$0x20B0] =	vst v0  }
0x15: {  	[tilespmem:$0x20C0] =	vst v0  }
0x16: {  	[tilespmem:$0x20D0] =	vst v0  }
0x17: {  	[tilespmem:$0x20E0] =	vst v0  }
0x18: {  	[tilespmem:$0x20F0] =	vst v0  }
0x19: {  	[tilespmem:$0x2100] =	vst v0  }
0x1a: {  	[tilespmem:$0x2110] =	vst v0  }
0x1b: {  	[tilespmem:$0x2120] =	vst v0  }
0x1c: {  	[tilespmem:$0x2130] =	vst v0  }
0x1d: {  	[tilespmem:$0x2140] =	vst v0  }
0x1e: {  	[tilespmem:$0x2150] =	vst v0  }
0x1f: {  	[tilespmem:$0x2160] =	vst v0  }
0x20: {  	[tilespmem:$0x2170] =	vst v0  }
0x21: {  	[tilespmem:$0x2180] =	vst v0  }
0x22: {  	[tilespmem:$0x2190] =	vst v0  }
0x23: {  	[tilespmem:$0x21A0] =	vst v0  }
0x24: {  	[tilespmem:$0x21B0] =	vst v0  }
0x25: {  	[tilespmem:$0x21C0] =	vst v0  }
0x26: {  	[tilespmem:$0x21D0] =	vst v0  }
0x27: {  	[tilespmem:$0x21E0] =	vst v0  }
0x28: {  	v36 =	vimm.f32 $1.000000000e+00;
	[tilespmem:$0x21F0] =	vst v0  }
0x29: {  	[tilespmem:$0x2200] =	vst v36  }
0x2a: {  	[tilespmem:$0x2210] =	vst v36  }
0x2b: {  	[tilespmem:$0x2220] =	vst v36  }
0x2c: {  	[tilespmem:$0x2230] =	vst v36  }
0x2d: {  	[tilespmem:$0x2240] =	vst v36  }
0x2e: {  	[tilespmem:$0x2250] =	vst v36  }
0x2f: {  	[tilespmem:$0x2260] =	vst v36  }
0x30: {  	s20 =	simm.s32 $0x2000;
	s21 =	simm.s32 $0x2;
	s19 =	sadd.s32 s7, s1;
	[tilespmem:$0x2270] =	vst v36  }
0x31: {  	[spmem:s19] =	stream.linear.scatter [tilespmem:s20], [sflag:$0x2], $0x200, $0x38;
	[tilespmem:$0x2480] =	vst v63  }
0x32: {  	_ =	swait.ge [sflag:s21], $0x200  }
0x33: {  	[sflag:s21] =	ssyncset.done $0x0  }
0x34: {  	s4 =	simm.s32 $0x1;
	[sflag:s21] =	ssyncadd.s32 $0xFFFFFE00  }
0x35: {  	_ =	swait.ge [sflag:s4], $0x1000  }
0x36: {  	[sflag:s4] =	ssyncset.done $0x0  }
0x37: {  	[sflag:s4] =	ssyncadd.s32 $0xFFFFF000  }
0x38: {  	v37 =	vld [tilespmem:$0x0]  }
0x39: {  	v1 =	vld [tilespmem:$0x10]  }
0x3a: {  	v2 =	vld [tilespmem:$0x20]  }
0x3b: {  	v3 =	vld [tilespmem:$0x30]  }
0x3c: {  	v4 =	vld [tilespmem:$0x40]  }
0x3d: {  	v38 =	vld [tilespmem:$0x50];
	[tilespmem:$0x1000] =	vst v37  }
0x3e: {  	v39 =	vld [tilespmem:$0x60];
	[tilespmem:$0x1010] =	vst v1  }
0x3f: {  	v40 =	vld [tilespmem:$0x70];
	[tilespmem:$0x1020] =	vst v2  }
0x40: {  	v41 =	vld [tilespmem:$0x200];
	[tilespmem:$0x1030] =	vst v3  }
0x41: {  	v42 =	vld [tilespmem:$0x210];
	[tilespmem:$0x1040] =	vst v4  }
0x42: {  	v43 =	vld [tilespmem:$0x220];
	[tilespmem:$0x1050] =	vst v38  }
0x43: {  	v44 =	vld [tilespmem:$0x230];
	[tilespmem:$0x1060] =	vst v39  }
0x44: {  	v45 =	vld [tilespmem:$0x240];
	[tilespmem:$0x1070] =	vst v40  }
0x45: {  	v46 =	vld [tilespmem:$0x250];
	[tilespmem:$0x1080] =	vst v41  }
0x46: {  	v47 =	vld [tilespmem:$0x260];
	[tilespmem:$0x1090] =	vst v42  }
0x47: {  	v48 =	vld [tilespmem:$0x270];
	[tilespmem:$0x10A0] =	vst v43  }
0x48: {  	v49 =	vld [tilespmem:$0x400];
	[tilespmem:$0x10B0] =	vst v44  }
0x49: {  	v50 =	vld [tilespmem:$0x410];
	[tilespmem:$0x10C0] =	vst v45  }
0x4a: {  	v51 =	vld [tilespmem:$0x420];
	[tilespmem:$0x10D0] =	vst v46  }
0x4b: {  	v52 =	vld [tilespmem:$0x430];
	[tilespmem:$0x10E0] =	vst v47  }
0x4c: {  	v53 =	vld [tilespmem:$0x440];
	[tilespmem:$0x10F0] =	vst v48  }
0x4d: {  	v54 =	vld [tilespmem:$0x450];
	[tilespmem:$0x1100] =	vst v49  }
0x4e: {  	v55 =	vld [tilespmem:$0x460];
	[tilespmem:$0x1110] =	vst v50  }
0x4f: {  	v56 =	vld [tilespmem:$0x470];
	[tilespmem:$0x1120] =	vst v51  }
0x50: {  	v57 =	vld [tilespmem:$0x600];
	[tilespmem:$0x1130] =	vst v52  }
0x51: {  	v58 =	vld [tilespmem:$0x610];
	[tilespmem:$0x1140] =	vst v53  }
0x52: {  	v59 =	vld [tilespmem:$0x620];
	[tilespmem:$0x1150] =	vst v54  }
0x53: {  	v60 =	vld [tilespmem:$0x630];
	[tilespmem:$0x1160] =	vst v55  }
0x54: {  	v61 =	vld [tilespmem:$0x640];
	[tilespmem:$0x1170] =	vst v56  }
0x55: {  	v62 =	vld [tilespmem:$0x650];
	[tilespmem:$0x1180] =	vst v57  }
0x56: {  	v63 =	vld [tilespmem:$0x660];
	[tilespmem:$0x1190] =	vst v58  }
0x57: {  	v8 =	vld [tilespmem:$0x670];
	[tilespmem:$0x11A0] =	vst v59  }
0x58: {  	v9 =	vld [tilespmem:$0x800];
	[tilespmem:$0x11B0] =	vst v60  }
0x59: {  	v10 =	vld [tilespmem:$0x810];
	[tilespmem:$0x11C0] =	vst v61  }
0x5a: {  	v11 =	vld [tilespmem:$0x820];
	[tilespmem:$0x11D0] =	vst v62  }
0x5b: {  	v12 =	vld [tilespmem:$0x830];
	[tilespmem:$0x11E0] =	vst v63  }
0x5c: {  	v13 =	vld [tilespmem:$0x840];
	[tilespmem:$0x11F0] =	vst v8  }
0x5d: {  	v14 =	vld [tilespmem:$0x850];
	[tilespmem:$0x1200] =	vst v9  }
0x5e: {  	v15 =	vld [tilespmem:$0x860];
	[tilespmem:$0x1210] =	vst v10  }
0x5f: {  	v16 =	vld [tilespmem:$0x870];
	[tilespmem:$0x1220] =	vst v11  }
0x60: {  	v17 =	vld [tilespmem:$0xA00];
	[tilespmem:$0x1230] =	vst v12  }
0x61: {  	v18 =	vld [tilespmem:$0xA10];
	[tilespmem:$0x1240] =	vst v13  }
0x62: {  	v19 =	vld [tilespmem:$0xA20];
	[tilespmem:$0x1250] =	vst v14  }
0x63: {  	v20 =	vld [tilespmem:$0xA30];
	[tilespmem:$0x1260] =	vst v15  }
0x64: {  	v21 =	vld [tilespmem:$0xA40];
	[tilespmem:$0x1270] =	vst v16  }
0x65: {  	v22 =	vld [tilespmem:$0xA50];
	[tilespmem:$0x1280] =	vst v17  }
0x66: {  	v23 =	vld [tilespmem:$0xA60];
	[tilespmem:$0x1290] =	vst v18  }
0x67: {  	v24 =	vld [tilespmem:$0xA70];
	[tilespmem:$0x12A0] =	vst v19  }
0x68: {  	v25 =	vld [tilespmem:$0xC00];
	[tilespmem:$0x12B0] =	vst v20  }
0x69: {  	v26 =	vld [tilespmem:$0xC10];
	[tilespmem:$0x12C0] =	vst v21  }
0x6a: {  	v27 =	vld [tilespmem:$0xC20];
	[tilespmem:$0x12D0] =	vst v22  }
0x6b: {  	v28 =	vld [tilespmem:$0xC30];
	[tilespmem:$0x12E0] =	vst v23  }
0x6c: {  	v29 =	vld [tilespmem:$0xC40];
	[tilespmem:$0x12F0] =	vst v24  }
0x6d: {  	v30 =	vld [tilespmem:$0xC50];
	[tilespmem:$0x1300] =	vst v25  }
0x6e: {  	v31 =	vld [tilespmem:$0xC60];
	[tilespmem:$0x1310] =	vst v26  }
0x6f: {  	v32 =	vld [tilespmem:$0xC70];
	[tilespmem:$0x1320] =	vst v27  }
0x70: {  	[tilespmem:$0x1330] =	vst v28  }
0x71: {  	[tilespmem:$0x1340] =	vst v29  }
0x72: {  	[tilespmem:$0x1350] =	vst v30  }
0x73: {  	[tilespmem:$0x1360] =	vst v31  }
0x74: {  	[tilespmem:$0x1370] =	vst v32  }
0x75: {  	v0 =	vld [tilespmem:$0xE00]  }
0x76: {  	v33 =	vld [tilespmem:$0xE10]  }
0x77: {  	v34 =	vld [tilespmem:$0xE20]  }
0x78: {  	v35 =	vld [tilespmem:$0xE30]  }
0x79: {  	v36 =	vld [tilespmem:$0xE40]  }
0x7a: {  	v37 =	vld [tilespmem:$0xE50];
	[tilespmem:$0x1380] =	vst v0  }
0x7b: {  	v38 =	vld [tilespmem:$0xE60];
	[tilespmem:$0x1390] =	vst v33  }
0x7c: {  	v39 =	vld [tilespmem:$0xE70];
	[tilespmem:$0x13A0] =	vst v34  }
0x7d: {  	v40 =	vld [tilespmem:$0x80];
	[tilespmem:$0x13B0] =	vst v35  }
0x7e: {  	v41 =	vld [tilespmem:$0x90];
	[tilespmem:$0x13C0] =	vst v36  }
0x7f: {  	v42 =	vld [tilespmem:$0xA0];
	[tilespmem:$0x13D0] =	vst v37  }
0x80: {  	v43 =	vld [tilespmem:$0xB0];
	[tilespmem:$0x13E0] =	vst v38  }
0x81: {  	v44 =	vld [tilespmem:$0xC0];
	[tilespmem:$0x13F0] =	vst v39  }
0x82: {  	v45 =	vld [tilespmem:$0xD0];
	[tilespmem:$0x1400] =	vst v40  }
0x83: {  	v46 =	vld [tilespmem:$0xE0];
	[tilespmem:$0x1410] =	vst v41  }
0x84: {  	v47 =	vld [tilespmem:$0xF0];
	[tilespmem:$0x1420] =	vst v42  }
0x85: {  	v48 =	vld [tilespmem:$0x280];
	[tilespmem:$0x1430] =	vst v43  }
0x86: {  	v49 =	vld [tilespmem:$0x290];
	[tilespmem:$0x1440] =	vst v44  }
0x87: {  	v50 =	vld [tilespmem:$0x2A0];
	[tilespmem:$0x1450] =	vst v45  }
0x88: {  	v51 =	vld [tilespmem:$0x2B0];
	[tilespmem:$0x1460] =	vst v46  }
0x89: {  	v52 =	vld [tilespmem:$0x2C0];
	[tilespmem:$0x1470] =	vst v47  }
0x8a: {  	v53 =	vld [tilespmem:$0x2D0];
	[tilespmem:$0x1480] =	vst v48  }
0x8b: {  	v54 =	vld [tilespmem:$0x2E0];
	[tilespmem:$0x1490] =	vst v49  }
0x8c: {  	v55 =	vld [tilespmem:$0x2F0];
	[tilespmem:$0x14A0] =	vst v50  }
0x8d: {  	v56 =	vld [tilespmem:$0x480];
	[tilespmem:$0x14B0] =	vst v51  }
0x8e: {  	v57 =	vld [tilespmem:$0x490];
	[tilespmem:$0x14C0] =	vst v52  }
0x8f: {  	v58 =	vld [tilespmem:$0x4A0];
	[tilespmem:$0x14D0] =	vst v53  }
0x90: {  	v59 =	vld [tilespmem:$0x4B0];
	[tilespmem:$0x14E0] =	vst v54  }
0x91: {  	v60 =	vld [tilespmem:$0x4C0];
	[tilespmem:$0x14F0] =	vst v55  }
0x92: {  	v61 =	vld [tilespmem:$0x4D0];
	[tilespmem:$0x1500] =	vst v56  }
0x93: {  	v62 =	vld [tilespmem:$0x4E0];
	[tilespmem:$0x1510] =	vst v57  }
0x94: {  	v63 =	vld [tilespmem:$0x4F0];
	[tilespmem:$0x1520] =	vst v58  }
0x95: {  	v8 =	vld [tilespmem:$0x680];
	[tilespmem:$0x1530] =	vst v59  }
0x96: {  	v9 =	vld [tilespmem:$0x690];
	[tilespmem:$0x1540] =	vst v60  }
0x97: {  	v10 =	vld [tilespmem:$0x6A0];
	[tilespmem:$0x1550] =	vst v61  }
0x98: {  	v11 =	vld [tilespmem:$0x6B0];
	[tilespmem:$0x1560] =	vst v62  }
0x99: {  	v12 =	vld [tilespmem:$0x6C0];
	[tilespmem:$0x1570] =	vst v63  }
0x9a: {  	v13 =	vld [tilespmem:$0x6D0];
	[tilespmem:$0x1580] =	vst v8  }
0x9b: {  	v14 =	vld [tilespmem:$0x6E0];
	[tilespmem:$0x1590] =	vst v9  }
0x9c: {  	v15 =	vld [tilespmem:$0x6F0];
	[tilespmem:$0x15A0] =	vst v10  }
0x9d: {  	v16 =	vld [tilespmem:$0x880];
	[tilespmem:$0x15B0] =	vst v11  }
0x9e: {  	v17 =	vld [tilespmem:$0x890];
	[tilespmem:$0x15C0] =	vst v12  }
0x9f: {  	v18 =	vld [tilespmem:$0x8A0];
	[tilespmem:$0x15D0] =	vst v13  }
0xa0: {  	v19 =	vld [tilespmem:$0x8B0];
	[tilespmem:$0x15E0] =	vst v14  }
0xa1: {  	v20 =	vld [tilespmem:$0x8C0];
	[tilespmem:$0x15F0] =	vst v15  }
0xa2: {  	v21 =	vld [tilespmem:$0x8D0];
	[tilespmem:$0x1600] =	vst v16  }
0xa3: {  	v22 =	vld [tilespmem:$0x8E0];
	[tilespmem:$0x1610] =	vst v17  }
0xa4: {  	v23 =	vld [tilespmem:$0x8F0];
	[tilespmem:$0x1620] =	vst v18  }
0xa5: {  	v24 =	vld [tilespmem:$0xA80];
	[tilespmem:$0x1630] =	vst v19  }
0xa6: {  	v25 =	vld [tilespmem:$0xA90];
	[tilespmem:$0x1640] =	vst v20  }
0xa7: {  	v26 =	vld [tilespmem:$0xAA0];
	[tilespmem:$0x1650] =	vst v21  }
0xa8: {  	v27 =	vld [tilespmem:$0xAB0];
	[tilespmem:$0x1660] =	vst v22  }
0xa9: {  	v28 =	vld [tilespmem:$0xAC0];
	[tilespmem:$0x1670] =	vst v23  }
0xaa: {  	v29 =	vld [tilespmem:$0xAD0];
	[tilespmem:$0x1680] =	vst v24  }
0xab: {  	v30 =	vld [tilespmem:$0xAE0];
	[tilespmem:$0x1690] =	vst v25  }
0xac: {  	v31 =	vld [tilespmem:$0xAF0];
	[tilespmem:$0x16A0] =	vst v26  }
0xad: {  	v32 =	vld [tilespmem:$0xC80];
	[tilespmem:$0x16B0] =	vst v27  }
0xae: {  	[tilespmem:$0x16C0] =	vst v28;
	v33 =	vld [tilespmem:$0xC90]  }
0xaf: {  	[tilespmem:$0x16D0] =	vst v29;
	v34 =	vld [tilespmem:$0xCA0]  }
0xb0: {  	[tilespmem:$0x16E0] =	vst v30;
	v35 =	vld [tilespmem:$0xCB0]  }
0xb1: {  	[tilespmem:$0x16F0] =	vst v31;
	v36 =	vld [tilespmem:$0xCC0]  }
0xb2: {  	[tilespmem:$0x1700] =	vst v32;
	v37 =	vld [tilespmem:$0xCD0]  }
0xb3: {  	v38 =	vld [tilespmem:$0xCE0];
	[tilespmem:$0x1710] =	vst v33  }
0xb4: {  	v39 =	vld [tilespmem:$0xCF0];
	[tilespmem:$0x1720] =	vst v34  }
0xb5: {  	v40 =	vld [tilespmem:$0xE80];
	[tilespmem:$0x1730] =	vst v35  }
0xb6: {  	v41 =	vld [tilespmem:$0xE90];
	[tilespmem:$0x1740] =	vst v36  }
0xb7: {  	v42 =	vld [tilespmem:$0xEA0];
	[tilespmem:$0x1750] =	vst v37  }
0xb8: {  	v43 =	vld [tilespmem:$0xEB0];
	[tilespmem:$0x1760] =	vst v38  }
0xb9: {  	v44 =	vld [tilespmem:$0xEC0];
	[tilespmem:$0x1770] =	vst v39  }
0xba: {  	v45 =	vld [tilespmem:$0xED0];
	[tilespmem:$0x1780] =	vst v40  }
0xbb: {  	v46 =	vld [tilespmem:$0xEE0];
	[tilespmem:$0x1790] =	vst v41  }
0xbc: {  	v47 =	vld [tilespmem:$0xEF0];
	[tilespmem:$0x17A0] =	vst v42  }
0xbd: {  	v48 =	vld [tilespmem:$0x100];
	[tilespmem:$0x17B0] =	vst v43  }
0xbe: {  	v49 =	vld [tilespmem:$0x110];
	[tilespmem:$0x17C0] =	vst v44  }
0xbf: {  	v50 =	vld [tilespmem:$0x120];
	[tilespmem:$0x17D0] =	vst v45  }
0xc0: {  	v51 =	vld [tilespmem:$0x130];
	[tilespmem:$0x17E0] =	vst v46  }
0xc1: {  	v52 =	vld [tilespmem:$0x140];
	[tilespmem:$0x17F0] =	vst v47  }
0xc2: {  	v53 =	vld [tilespmem:$0x150];
	[tilespmem:$0x1800] =	vst v48  }
0xc3: {  	v54 =	vld [tilespmem:$0x160];
	[tilespmem:$0x1810] =	vst v49  }
0xc4: {  	v55 =	vld [tilespmem:$0x170];
	[tilespmem:$0x1820] =	vst v50  }
0xc5: {  	v56 =	vld [tilespmem:$0x300];
	[tilespmem:$0x1830] =	vst v51  }
0xc6: {  	v57 =	vld [tilespmem:$0x310];
	[tilespmem:$0x1840] =	vst v52  }
0xc7: {  	v58 =	vld [tilespmem:$0x320];
	[tilespmem:$0x1850] =	vst v53  }
0xc8: {  	v59 =	vld [tilespmem:$0x330];
	[tilespmem:$0x1860] =	vst v54  }
0xc9: {  	v60 =	vld [tilespmem:$0x340];
	[tilespmem:$0x1870] =	vst v55  }
0xca: {  	v61 =	vld [tilespmem:$0x350];
	[tilespmem:$0x1880] =	vst v56  }
0xcb: {  	v62 =	vld [tilespmem:$0x360];
	[tilespmem:$0x1890] =	vst v57  }
0xcc: {  	v63 =	vld [tilespmem:$0x370];
	[tilespmem:$0x18A0] =	vst v58  }
0xcd: {  	v8 =	vld [tilespmem:$0x500];
	[tilespmem:$0x18B0] =	vst v59  }
0xce: {  	v9 =	vld [tilespmem:$0x510];
	[tilespmem:$0x18C0] =	vst v60  }
0xcf: {  	v10 =	vld [tilespmem:$0x520];
	[tilespmem:$0x18D0] =	vst v61  }
0xd0: {  	v11 =	vld [tilespmem:$0x530];
	[tilespmem:$0x18E0] =	vst v62  }
0xd1: {  	v12 =	vld [tilespmem:$0x540];
	[tilespmem:$0x18F0] =	vst v63  }
0xd2: {  	v13 =	vld [tilespmem:$0x550];
	[tilespmem:$0x1900] =	vst v8  }
0xd3: {  	v14 =	vld [tilespmem:$0x560];
	[tilespmem:$0x1910] =	vst v9  }
0xd4: {  	v15 =	vld [tilespmem:$0x570];
	[tilespmem:$0x1920] =	vst v10  }
0xd5: {  	v16 =	vld [tilespmem:$0x700];
	[tilespmem:$0x1930] =	vst v11  }
0xd6: {  	v17 =	vld [tilespmem:$0x710];
	[tilespmem:$0x1940] =	vst v12  }
0xd7: {  	v18 =	vld [tilespmem:$0x720];
	[tilespmem:$0x1950] =	vst v13  }
0xd8: {  	v19 =	vld [tilespmem:$0x730];
	[tilespmem:$0x1960] =	vst v14  }
0xd9: {  	v20 =	vld [tilespmem:$0x740];
	[tilespmem:$0x1970] =	vst v15  }
0xda: {  	v21 =	vld [tilespmem:$0x750];
	[tilespmem:$0x1980] =	vst v16  }
0xdb: {  	v22 =	vld [tilespmem:$0x760];
	[tilespmem:$0x1990] =	vst v17  }
0xdc: {  	v23 =	vld [tilespmem:$0x770];
	[tilespmem:$0x19A0] =	vst v18  }
0xdd: {  	v24 =	vld [tilespmem:$0x900];
	[tilespmem:$0x19B0] =	vst v19  }
0xde: {  	v25 =	vld [tilespmem:$0x910];
	[tilespmem:$0x19C0] =	vst v20  }
0xdf: {  	v26 =	vld [tilespmem:$0x920];
	[tilespmem:$0x19D0] =	vst v21  }
0xe0: {  	v27 =	vld [tilespmem:$0x930];
	[tilespmem:$0x19E0] =	vst v22  }
0xe1: {  	v28 =	vld [tilespmem:$0x940];
	[tilespmem:$0x19F0] =	vst v23  }
0xe2: {  	v29 =	vld [tilespmem:$0x950];
	[tilespmem:$0x1A00] =	vst v24  }
0xe3: {  	v30 =	vld [tilespmem:$0x960];
	[tilespmem:$0x1A10] =	vst v25  }
0xe4: {  	v31 =	vld [tilespmem:$0x970];
	[tilespmem:$0x1A20] =	vst v26  }
0xe5: {  	v32 =	vld [tilespmem:$0xB00];
	[tilespmem:$0x1A30] =	vst v27  }
0xe6: {  	[tilespmem:$0x1A40] =	vst v28;
	v33 =	vld [tilespmem:$0xB10]  }
0xe7: {  	[tilespmem:$0x1A50] =	vst v29;
	v34 =	vld [tilespmem:$0xB20]  }
0xe8: {  	[tilespmem:$0x1A60] =	vst v30;
	v35 =	vld [tilespmem:$0xB30]  }
0xe9: {  	[tilespmem:$0x1A70] =	vst v31;
	v36 =	vld [tilespmem:$0xB40]  }
0xea: {  	[tilespmem:$0x1A80] =	vst v32;
	v37 =	vld [tilespmem:$0xB50]  }
0xeb: {  	v38 =	vld [tilespmem:$0xB60];
	[tilespmem:$0x1A90] =	vst v33  }
0xec: {  	v39 =	vld [tilespmem:$0xB70];
	[tilespmem:$0x1AA0] =	vst v34  }
0xed: {  	v40 =	vld [tilespmem:$0xD00];
	[tilespmem:$0x1AB0] =	vst v35  }
0xee: {  	v41 =	vld [tilespmem:$0xD10];
	[tilespmem:$0x1AC0] =	vst v36  }
0xef: {  	v42 =	vld [tilespmem:$0xD20];
	[tilespmem:$0x1AD0] =	vst v37  }
0xf0: {  	v43 =	vld [tilespmem:$0xD30];
	[tilespmem:$0x1AE0] =	vst v38  }
0xf1: {  	v44 =	vld [tilespmem:$0xD40];
	[tilespmem:$0x1AF0] =	vst v39  }
0xf2: {  	v45 =	vld [tilespmem:$0xD50];
	[tilespmem:$0x1B00] =	vst v40  }
0xf3: {  	v46 =	vld [tilespmem:$0xD60];
	[tilespmem:$0x1B10] =	vst v41  }
0xf4: {  	v47 =	vld [tilespmem:$0xD70];
	[tilespmem:$0x1B20] =	vst v42  }
0xf5: {  	v48 =	vld [tilespmem:$0xF00];
	[tilespmem:$0x1B30] =	vst v43  }
0xf6: {  	v49 =	vld [tilespmem:$0xF10];
	[tilespmem:$0x1B40] =	vst v44  }
0xf7: {  	v50 =	vld [tilespmem:$0xF20];
	[tilespmem:$0x1B50] =	vst v45  }
0xf8: {  	v51 =	vld [tilespmem:$0xF30];
	[tilespmem:$0x1B60] =	vst v46  }
0xf9: {  	v52 =	vld [tilespmem:$0xF40];
	[tilespmem:$0x1B70] =	vst v47  }
0xfa: {  	v53 =	vld [tilespmem:$0xF50];
	[tilespmem:$0x1B80] =	vst v48  }
0xfb: {  	v54 =	vld [tilespmem:$0xF60];
	[tilespmem:$0x1B90] =	vst v49  }
0xfc: {  	v55 =	vld [tilespmem:$0xF70];
	[tilespmem:$0x1BA0] =	vst v50  }
0xfd: {  	v56 =	vld [tilespmem:$0x180];
	[tilespmem:$0x1BB0] =	vst v51  }
0xfe: {  	v57 =	vld [tilespmem:$0x190];
	[tilespmem:$0x1BC0] =	vst v52  }
0xff: {  	v58 =	vld [tilespmem:$0x1A0];
	[tilespmem:$0x1BD0] =	vst v53  }
0x100: {  	v59 =	vld [tilespmem:$0x1B0];
	[tilespmem:$0x1BE0] =	vst v54  }
0x101: {  	v60 =	vld [tilespmem:$0x1C0];
	[tilespmem:$0x1BF0] =	vst v55  }
0x102: {  	v61 =	vld [tilespmem:$0x1D0];
	[tilespmem:$0x1C00] =	vst v56  }
0x103: {  	v62 =	vld [tilespmem:$0x1E0];
	[tilespmem:$0x1C10] =	vst v57  }
0x104: {  	v63 =	vld [tilespmem:$0x1F0];
	[tilespmem:$0x1C20] =	vst v58  }
0x105: {  	v8 =	vld [tilespmem:$0x380];
	[tilespmem:$0x1C30] =	vst v59  }
0x106: {  	v9 =	vld [tilespmem:$0x390];
	[tilespmem:$0x1C40] =	vst v60  }
0x107: {  	v10 =	vld [tilespmem:$0x3A0];
	[tilespmem:$0x1C50] =	vst v61  }
0x108: {  	v11 =	vld [tilespmem:$0x3B0];
	[tilespmem:$0x1C60] =	vst v62  }
0x109: {  	v12 =	vld [tilespmem:$0x3C0];
	[tilespmem:$0x1C70] =	vst v63  }
0x10a: {  	v13 =	vld [tilespmem:$0x3D0];
	[tilespmem:$0x1C80] =	vst v8  }
0x10b: {  	v14 =	vld [tilespmem:$0x3E0];
	[tilespmem:$0x1C90] =	vst v9  }
0x10c: {  	v15 =	vld [tilespmem:$0x3F0];
	[tilespmem:$0x1CA0] =	vst v10  }
0x10d: {  	v16 =	vld [tilespmem:$0x580];
	[tilespmem:$0x1CB0] =	vst v11  }
0x10e: {  	v17 =	vld [tilespmem:$0x590];
	[tilespmem:$0x1CC0] =	vst v12  }
0x10f: {  	v18 =	vld [tilespmem:$0x5A0];
	[tilespmem:$0x1CD0] =	vst v13  }
0x110: {  	v19 =	vld [tilespmem:$0x5B0];
	[tilespmem:$0x1CE0] =	vst v14  }
0x111: {  	v20 =	vld [tilespmem:$0x5C0];
	[tilespmem:$0x1CF0] =	vst v15  }
0x112: {  	v21 =	vld [tilespmem:$0x5D0];
	[tilespmem:$0x1D00] =	vst v16  }
0x113: {  	v22 =	vld [tilespmem:$0x5E0];
	[tilespmem:$0x1D10] =	vst v17  }
0x114: {  	v23 =	vld [tilespmem:$0x5F0];
	[tilespmem:$0x1D20] =	vst v18  }
0x115: {  	v24 =	vld [tilespmem:$0x780];
	[tilespmem:$0x1D30] =	vst v19  }
0x116: {  	v25 =	vld [tilespmem:$0x790];
	[tilespmem:$0x1D40] =	vst v20  }
0x117: {  	v26 =	vld [tilespmem:$0x7A0];
	[tilespmem:$0x1D50] =	vst v21  }
0x118: {  	v27 =	vld [tilespmem:$0x7B0];
	[tilespmem:$0x1D60] =	vst v22  }
0x119: {  	v28 =	vld [tilespmem:$0x7C0];
	[tilespmem:$0x1D70] =	vst v23  }
0x11a: {  	v29 =	vld [tilespmem:$0x7D0];
	[tilespmem:$0x1D80] =	vst v24  }
0x11b: {  	v30 =	vld [tilespmem:$0x7E0];
	[tilespmem:$0x1D90] =	vst v25  }
0x11c: {  	v31 =	vld [tilespmem:$0x7F0];
	[tilespmem:$0x1DA0] =	vst v26  }
0x11d: {  	v32 =	vld [tilespmem:$0x980];
	[tilespmem:$0x1DB0] =	vst v27  }
0x11e: {  	[tilespmem:$0x1DC0] =	vst v28;
	v33 =	vld [tilespmem:$0x990]  }
0x11f: {  	[tilespmem:$0x1DD0] =	vst v29;
	v34 =	vld [tilespmem:$0x9A0]  }
0x120: {  	[tilespmem:$0x1DE0] =	vst v30;
	v35 =	vld [tilespmem:$0x9B0]  }
0x121: {  	[tilespmem:$0x1DF0] =	vst v31;
	v36 =	vld [tilespmem:$0x9C0]  }
0x122: {  	[tilespmem:$0x1E00] =	vst v32;
	v37 =	vld [tilespmem:$0x9D0]  }
0x123: {  	v38 =	vld [tilespmem:$0x9E0];
	[tilespmem:$0x1E10] =	vst v33  }
0x124: {  	v39 =	vld [tilespmem:$0x9F0];
	[tilespmem:$0x1E20] =	vst v34  }
0x125: {  	v40 =	vld [tilespmem:$0xB80];
	[tilespmem:$0x1E30] =	vst v35  }
0x126: {  	v41 =	vld [tilespmem:$0xB90];
	[tilespmem:$0x1E40] =	vst v36  }
0x127: {  	v42 =	vld [tilespmem:$0xBA0];
	[tilespmem:$0x1E50] =	vst v37  }
0x128: {  	v43 =	vld [tilespmem:$0xBB0];
	[tilespmem:$0x1E60] =	vst v38  }
0x129: {  	v44 =	vld [tilespmem:$0xBC0];
	[tilespmem:$0x1E70] =	vst v39  }
0x12a: {  	v45 =	vld [tilespmem:$0xBD0];
	[tilespmem:$0x1E80] =	vst v40  }
0x12b: {  	v46 =	vld [tilespmem:$0xBE0];
	[tilespmem:$0x1E90] =	vst v41  }
0x12c: {  	v47 =	vld [tilespmem:$0xBF0];
	[tilespmem:$0x1EA0] =	vst v42  }
0x12d: {  	v48 =	vld [tilespmem:$0xD80];
	[tilespmem:$0x1EB0] =	vst v43  }
0x12e: {  	v49 =	vld [tilespmem:$0xD90];
	[tilespmem:$0x1EC0] =	vst v44  }
0x12f: {  	v50 =	vld [tilespmem:$0xDA0];
	[tilespmem:$0x1ED0] =	vst v45  }
0x130: {  	v51 =	vld [tilespmem:$0xDB0];
	[tilespmem:$0x1EE0] =	vst v46  }
0x131: {  	v52 =	vld [tilespmem:$0xDC0];
	[tilespmem:$0x1EF0] =	vst v47  }
0x132: {  	v53 =	vld [tilespmem:$0xDD0];
	[tilespmem:$0x1F00] =	vst v48  }
0x133: {  	v54 =	vld [tilespmem:$0xDE0];
	[tilespmem:$0x1F10] =	vst v49  }
0x134: {  	v55 =	vld [tilespmem:$0xDF0];
	[tilespmem:$0x1F20] =	vst v50  }
0x135: {  	v56 =	vld [tilespmem:$0xF80];
	[tilespmem:$0x1F30] =	vst v51  }
0x136: {  	v57 =	vld [tilespmem:$0xF90];
	[tilespmem:$0x1F40] =	vst v52  }
0x137: {  	v58 =	vld [tilespmem:$0xFA0];
	[tilespmem:$0x1F50] =	vst v53  }
0x138: {  	v59 =	vld [tilespmem:$0xFB0];
	[tilespmem:$0x1F60] =	vst v54  }
0x139: {  	v60 =	vld [tilespmem:$0xFC0];
	[tilespmem:$0x1F70] =	vst v55  }
0x13a: {  	v61 =	vld [tilespmem:$0xFD0];
	[tilespmem:$0x1F80] =	vst v56  }
0x13b: {  	v62 =	vld [tilespmem:$0xFE0];
	[tilespmem:$0x1F90] =	vst v57  }
0x13c: {  	v63 =	vld [tilespmem:$0xFF0];
	[tilespmem:$0x1FA0] =	vst v58  }
0x13d: {  	[tilespmem:$0x1FB0] =	vst v59  }
0x13e: {  	[tilespmem:$0x1FC0] =	vst v60  }
0x13f: {  	[tilespmem:$0x1FD0] =	vst v61  }
0x140: {  	[tilespmem:$0x1FE0] =	vst v62  }
0x141: {  	s22 =	simm.s32 $0x1000;
	[tilespmem:$0x1FF0] =	vst v63  }
0x142: {  	s6 =	simm.s32 $0x2200;
	s5 =	simm.s32 $0x80;
	[bflag:$0x0] =	sbarrier.arrive $0xFFFF  }
0x143: {  	[spmem:s1] =	stream.indirect.scatter.add.f32 [tilespmem:s6], [sflag:$0x1], $0x1, s22, s5, $0xb8;
	[tilespmem:$0x2480] =	vst v63  }
0x144: {  	s23 =	simm.s32 $0x1080  }
0x145: {  	[spmem:s1] =	stream.indirect.scatter.add.f32 [tilespmem:s6], [sflag:$0x1], $0x1, s23, s5, $0xb8;
	[tilespmem:$0x2480] =	vst v63  }
0x146: {  	s24 =	simm.s32 $0x1100  }
0x147: {  	[spmem:s1] =	stream.indirect.scatter.add.f32 [tilespmem:s6], [sflag:$0x1], $0x1, s24, s5, $0xb8;
	[tilespmem:$0x2480] =	vst v63  }
0x148: {  	s25 =	simm.s32 $0x1180  }
0x149: {  	[spmem:s1] =	stream.indirect.scatter.add.f32 [tilespmem:s6], [sflag:$0x1], $0x1, s25, s5, $0xb8;
	[tilespmem:$0x2480] =	vst v63  }
0x14a: {  	s26 =	simm.s32 $0x1200  }
0x14b: {  	[spmem:s1] =	stream.indirect.scatter.add.f32 [tilespmem:s6], [sflag:$0x1], $0x1, s26, s5, $0xb8;
	[tilespmem:$0x2480] =	vst v63  }
0x14c: {  	s28 =	simm.s32 $0x1280  }
0x14d: {  	[spmem:s1] =	stream.indirect.scatter.add.f32 [tilespmem:s6], [sflag:$0x1], $0x1, s28, s5, $0xb8;
	[tilespmem:$0x2480] =	vst v63  }
0x14e: {  	s29 =	simm.s32 $0x1300  }
0x14f: {  	[spmem:s1] =	stream.indirect.scatter.add.f32 [tilespmem:s6], [sflag:$0x1], $0x1, s29, s5, $0xb8;
	[tilespmem:$0x2480] =	vst v63  }
0x150: {  	s30 =	simm.s32 $0x1380  }
0x151: {  	[spmem:s1] =	stream.indirect.scatter.add.f32 [tilespmem:s6], [sflag:$0x1], $0x1, s30, s5, $0xb8;
	[tilespmem:$0x2480] =	vst v63  }
0x152: {  	s31 =	simm.s32 $0x1400  }
0x153: {  	[spmem:s1] =	stream.indirect.scatter.add.f32 [tilespmem:s6], [sflag:$0x1], $0x1, s31, s5, $0xb8;
	[tilespmem:$0x2480] =	vst v63  }
0x154: {  	s8 =	simm.s32 $0x1480  }
0x155: {  	[spmem:s1] =	stream.indirect.scatter.add.f32 [tilespmem:s6], [sflag:$0x1], $0x1, s8, s5, $0xb8;
	[tilespmem:$0x2480] =	vst v63  }
0x156: {  	s9 =	simm.s32 $0x1500  }
0x157: {  	[spmem:s1] =	stream.indirect.scatter.add.f32 [tilespmem:s6], [sflag:$0x1], $0x1, s9, s5, $0xb8;
	[tilespmem:$0x2480] =	vst v63  }
0x158: {  	s10 =	simm.s32 $0x1580  }
0x159: {  	[spmem:s1] =	stream.indirect.scatter.add.f32 [tilespmem:s6], [sflag:$0x1], $0x1, s10, s5, $0xb8;
	[tilespmem:$0x2480] =	vst v63  }
0x15a: {  	s11 =	simm.s32 $0x1600  }
0x15b: {  	[spmem:s1] =	stream.indirect.scatter.add.f32 [tilespmem:s6], [sflag:$0x1], $0x1, s11, s5, $0xb8;
	[tilespmem:$0x2480] =	vst v63  }
0x15c: {  	s12 =	simm.s32 $0x1680  }
0x15d: {  	[spmem:s1] =	stream.indirect.scatter.add.f32 [tilespmem:s6], [sflag:$0x1], $0x1, s12, s5, $0xb8;
	[tilespmem:$0x2480] =	vst v63  }
0x15e: {  	s13 =	simm.s32 $0x1700  }
0x15f: {  	[spmem:s1] =	stream.indirect.scatter.add.f32 [tilespmem:s6], [sflag:$0x1], $0x1, s13, s5, $0xb8;
	[tilespmem:$0x2480] =	vst v63  }
0x160: {  	s14 =	simm.s32 $0x1780  }
0x161: {  	[spmem:s1] =	stream.indirect.scatter.add.f32 [tilespmem:s6], [sflag:$0x1], $0x1, s14, s5, $0xb8;
	[tilespmem:$0x2480] =	vst v63  }
0x162: {  	s15 =	simm.s32 $0x1800  }
0x163: {  	[spmem:s1] =	stream.indirect.scatter.add.f32 [tilespmem:s6], [sflag:$0x1], $0x1, s15, s5, $0xb8;
	[tilespmem:$0x2480] =	vst v63  }
0x164: {  	s16 =	simm.s32 $0x1880  }
0x165: {  	[spmem:s1] =	stream.indirect.scatter.add.f32 [tilespmem:s6], [sflag:$0x1], $0x1, s16, s5, $0xb8;
	[tilespmem:$0x2480] =	vst v63  }
0x166: {  	s17 =	simm.s32 $0x1900  }
0x167: {  	[spmem:s1] =	stream.indirect.scatter.add.f32 [tilespmem:s6], [sflag:$0x1], $0x1, s17, s5, $0xb8;
	[tilespmem:$0x2480] =	vst v63  }
0x168: {  	s18 =	simm.s32 $0x1980  }
0x169: {  	[spmem:s1] =	stream.indirect.scatter.add.f32 [tilespmem:s6], [sflag:$0x1], $0x1, s18, s5, $0xb8;
	[tilespmem:$0x2480] =	vst v63  }
0x16a: {  	s19 =	simm.s32 $0x1A00  }
0x16b: {  	[spmem:s1] =	stream.indirect.scatter.add.f32 [tilespmem:s6], [sflag:$0x1], $0x1, s19, s5, $0xb8;
	[tilespmem:$0x2480] =	vst v63  }
0x16c: {  	s20 =	simm.s32 $0x1A80  }
0x16d: {  	[spmem:s1] =	stream.indirect.scatter.add.f32 [tilespmem:s6], [sflag:$0x1], $0x1, s20, s5, $0xb8;
	[tilespmem:$0x2480] =	vst v63  }
0x16e: {  	s21 =	simm.s32 $0x1B00  }
0x16f: {  	[spmem:s1] =	stream.indirect.scatter.add.f32 [tilespmem:s6], [sflag:$0x1], $0x1, s21, s5, $0xb8;
	[tilespmem:$0x2480] =	vst v63  }
0x170: {  	s22 =	simm.s32 $0x1B80  }
0x171: {  	[spmem:s1] =	stream.indirect.scatter.add.f32 [tilespmem:s6], [sflag:$0x1], $0x1, s22, s5, $0xb8;
	[tilespmem:$0x2480] =	vst v63  }
0x172: {  	s23 =	simm.s32 $0x1C00  }
0x173: {  	[spmem:s1] =	stream.indirect.scatter.add.f32 [tilespmem:s6], [sflag:$0x1], $0x1, s23, s5, $0xb8;
	[tilespmem:$0x2480] =	vst v63  }
0x174: {  	s24 =	simm.s32 $0x1C80  }
0x175: {  	[spmem:s1] =	stream.indirect.scatter.add.f32 [tilespmem:s6], [sflag:$0x1], $0x1, s24, s5, $0xb8;
	[tilespmem:$0x2480] =	vst v63  }
0x176: {  	s25 =	simm.s32 $0x1D00  }
0x177: {  	[spmem:s1] =	stream.indirect.scatter.add.f32 [tilespmem:s6], [sflag:$0x1], $0x1, s25, s5, $0xb8;
	[tilespmem:$0x2480] =	vst v63  }
0x178: {  	s26 =	simm.s32 $0x1D80  }
0x179: {  	[spmem:s1] =	stream.indirect.scatter.add.f32 [tilespmem:s6], [sflag:$0x1], $0x1, s26, s5, $0xb8;
	[tilespmem:$0x2480] =	vst v63  }
0x17a: {  	s28 =	simm.s32 $0x1E00  }
0x17b: {  	[spmem:s1] =	stream.indirect.scatter.add.f32 [tilespmem:s6], [sflag:$0x1], $0x1, s28, s5, $0xb8;
	[tilespmem:$0x2480] =	vst v63  }
0x17c: {  	s29 =	simm.s32 $0x1E80  }
0x17d: {  	[spmem:s1] =	stream.indirect.scatter.add.f32 [tilespmem:s6], [sflag:$0x1], $0x1, s29, s5, $0xb8;
	[tilespmem:$0x2480] =	vst v63  }
0x17e: {  	s30 =	simm.s32 $0x1F00  }
0x17f: {  	[spmem:s1] =	stream.indirect.scatter.add.f32 [tilespmem:s6], [sflag:$0x1], $0x1, s30, s5, $0xb8;
	[tilespmem:$0x2480] =	vst v63  }
0x180: {  	s31 =	simm.s32 $0x1F80  }
0x181: {  	[spmem:s1] =	stream.indirect.scatter.add.f32 [tilespmem:s6], [sflag:$0x1], $0x1, s31, s5, $0xb8;
	[tilespmem:$0x2480] =	vst v63  }
0x182: {  	_ =	swait.ge [sflag:s4], $0x80  }
0x183: {  	[sflag:s4] =	ssyncset.done $0x0  }
0x184: {  	[sflag:s4] =	ssyncadd.s32 $0xFFFFFF80  }
0x185: {  	_ =	swait.ge [sflag:s4], $0x80  }
0x186: {  	[sflag:s4] =	ssyncset.done $0x0  }
0x187: {  	[sflag:s4] =	ssyncadd.s32 $0xFFFFFF80  }
0x188: {  	_ =	swait.ge [sflag:s4], $0x80  }
0x189: {  	[sflag:s4] =	ssyncset.done $0x0  }
0x18a: {  	[sflag:s4] =	ssyncadd.s32 $0xFFFFFF80  }
0x18b: {  	_ =	swait.ge [sflag:s4], $0x80  }
0x18c: {  	[sflag:s4] =	ssyncset.done $0x0  }
0x18d: {  	[sflag:s4] =	ssyncadd.s32 $0xFFFFFF80  }
0x18e: {  	_ =	swait.ge [sflag:s4], $0x80  }
0x18f: {  	[sflag:s4] =	ssyncset.done $0x0  }
0x190: {  	[sflag:s4] =	ssyncadd.s32 $0xFFFFFF80  }
0x191: {  	_ =	swait.ge [sflag:s4], $0x80  }
0x192: {  	[sflag:s4] =	ssyncset.done $0x0  }
0x193: {  	[sflag:s4] =	ssyncadd.s32 $0xFFFFFF80  }
0x194: {  	_ =	swait.ge [sflag:s4], $0x80  }
0x195: {  	[sflag:s4] =	ssyncset.done $0x0  }
0x196: {  	[sflag:s4] =	ssyncadd.s32 $0xFFFFFF80  }
0x197: {  	_ =	swait.ge [sflag:s4], $0x80  }
0x198: {  	[sflag:s4] =	ssyncset.done $0x0  }
0x199: {  	[sflag:s4] =	ssyncadd.s32 $0xFFFFFF80  }
0x19a: {  	_ =	swait.ge [sflag:s4], $0x80  }
0x19b: {  	[sflag:s4] =	ssyncset.done $0x0  }
0x19c: {  	[sflag:s4] =	ssyncadd.s32 $0xFFFFFF80  }
0x19d: {  	_ =	swait.ge [sflag:s4], $0x80  }
0x19e: {  	[sflag:s4] =	ssyncset.done $0x0  }
0x19f: {  	[sflag:s4] =	ssyncadd.s32 $0xFFFFFF80  }
0x1a0: {  	_ =	swait.ge [sflag:s4], $0x80  }
0x1a1: {  	[sflag:s4] =	ssyncset.done $0x0  }
0x1a2: {  	[sflag:s4] =	ssyncadd.s32 $0xFFFFFF80  }
0x1a3: {  	_ =	swait.ge [sflag:s4], $0x80  }
0x1a4: {  	[sflag:s4] =	ssyncset.done $0x0  }
0x1a5: {  	[sflag:s4] =	ssyncadd.s32 $0xFFFFFF80  }
0x1a6: {  	_ =	swait.ge [sflag:s4], $0x80  }
0x1a7: {  	[sflag:s4] =	ssyncset.done $0x0  }
0x1a8: {  	[sflag:s4] =	ssyncadd.s32 $0xFFFFFF80  }
0x1a9: {  	_ =	swait.ge [sflag:s4], $0x80  }
0x1aa: {  	[sflag:s4] =	ssyncset.done $0x0  }
0x1ab: {  	[sflag:s4] =	ssyncadd.s32 $0xFFFFFF80  }
0x1ac: {  	_ =	swait.ge [sflag:s4], $0x80  }
0x1ad: {  	[sflag:s4] =	ssyncset.done $0x0  }
0x1ae: {  	[sflag:s4] =	ssyncadd.s32 $0xFFFFFF80  }
0x1af: {  	_ =	swait.ge [sflag:s4], $0x80  }
0x1b0: {  	[sflag:s4] =	ssyncset.done $0x0  }
0x1b1: {  	[sflag:s4] =	ssyncadd.s32 $0xFFFFFF80  }
0x1b2: {  	_ =	swait.ge [sflag:s4], $0x80  }
0x1b3: {  	[sflag:s4] =	ssyncset.done $0x0  }
0x1b4: {  	[sflag:s4] =	ssyncadd.s32 $0xFFFFFF80  }
0x1b5: {  	_ =	swait.ge [sflag:s4], $0x80  }
0x1b6: {  	[sflag:s4] =	ssyncset.done $0x0  }
0x1b7: {  	[sflag:s4] =	ssyncadd.s32 $0xFFFFFF80  }
0x1b8: {  	_ =	swait.ge [sflag:s4], $0x80  }
0x1b9: {  	[sflag:s4] =	ssyncset.done $0x0  }
0x1ba: {  	[sflag:s4] =	ssyncadd.s32 $0xFFFFFF80  }
0x1bb: {  	_ =	swait.ge [sflag:s4], $0x80  }
0x1bc: {  	[sflag:s4] =	ssyncset.done $0x0  }
0x1bd: {  	[sflag:s4] =	ssyncadd.s32 $0xFFFFFF80  }
0x1be: {  	_ =	swait.ge [sflag:s4], $0x80  }
0x1bf: {  	[sflag:s4] =	ssyncset.done $0x0  }
0x1c0: {  	[sflag:s4] =	ssyncadd.s32 $0xFFFFFF80  }
0x1c1: {  	_ =	swait.ge [sflag:s4], $0x80  }
0x1c2: {  	[sflag:s4] =	ssyncset.done $0x0  }
0x1c3: {  	[sflag:s4] =	ssyncadd.s32 $0xFFFFFF80  }
0x1c4: {  	_ =	swait.ge [sflag:s4], $0x80  }
0x1c5: {  	[sflag:s4] =	ssyncset.done $0x0  }
0x1c6: {  	[sflag:s4] =	ssyncadd.s32 $0xFFFFFF80  }
0x1c7: {  	_ =	swait.ge [sflag:s4], $0x80  }
0x1c8: {  	[sflag:s4] =	ssyncset.done $0x0  }
0x1c9: {  	[sflag:s4] =	ssyncadd.s32 $0xFFFFFF80  }
0x1ca: {  	_ =	swait.ge [sflag:s4], $0x80  }
0x1cb: {  	[sflag:s4] =	ssyncset.done $0x0  }
0x1cc: {  	[sflag:s4] =	ssyncadd.s32 $0xFFFFFF80  }
0x1cd: {  	_ =	swait.ge [sflag:s4], $0x80  }
0x1ce: {  	[sflag:s4] =	ssyncset.done $0x0  }
0x1cf: {  	[sflag:s4] =	ssyncadd.s32 $0xFFFFFF80  }
0x1d0: {  	_ =	swait.ge [sflag:s4], $0x80  }
0x1d1: {  	[sflag:s4] =	ssyncset.done $0x0  }
0x1d2: {  	[sflag:s4] =	ssyncadd.s32 $0xFFFFFF80  }
0x1d3: {  	_ =	swait.ge [sflag:s4], $0x80  }
0x1d4: {  	[sflag:s4] =	ssyncset.done $0x0  }
0x1d5: {  	[sflag:s4] =	ssyncadd.s32 $0xFFFFFF80  }
0x1d6: {  	_ =	swait.ge [sflag:s4], $0x80  }
0x1d7: {  	[sflag:s4] =	ssyncset.done $0x0  }
0x1d8: {  	[sflag:s4] =	ssyncadd.s32 $0xFFFFFF80  }
0x1d9: {  	_ =	swait.ge [sflag:s4], $0x80  }
0x1da: {  	[sflag:s4] =	ssyncset.done $0x0  }
0x1db: {  	[sflag:s4] =	ssyncadd.s32 $0xFFFFFF80  }
0x1dc: {  	_ =	swait.ge [sflag:s4], $0x80  }
0x1dd: {  	[sflag:s4] =	ssyncset.done $0x0  }
0x1de: {  	[sflag:s4] =	ssyncadd.s32 $0xFFFFFF80  }
0x1df: {  	_ =	swait.ge [sflag:s4], $0x80  }
0x1e0: {  	[sflag:s4] =	ssyncset.done $0x0  }
0x1e1: {  	[sflag:s4] =	ssyncadd.s32 $0xFFFFFF80  }
0x1e2: {  	p0 =	sne.s32 s3, $0x0;
	[bflag:$0x0] =	sbarrier.arrive $0xFFFF  }
0x1e3: {  	_ =	sfence.sel @p0 $0x180000  }
0x1e4: {  	[bflag:$0x0] =	sbarrier.arrive @p0 $0xFFFF  }
0x1e5: {  	s2 =	sadd.s32 $0x800, s2;
	_ =	strace @p0 $0x90000047  }
0x1e6: {  	s3 =	simm.s32 @!p0 $0x1C02;
	s1 =	sshrl.u32 @!p0 s1, $0x3;
	[bflag:$0x2] =	sbarrier.arrive @p0 $0xFFFF  }
0x1e7: {  	[hbm:s2], [sflag:s3] =	dma.local @!p0 [spmem:s1], $0x400  }
0x1e8: {  	s1 =	simm.s32 @!p0 $0x2  }
0x1e9: {  	_ =	swait.ge @!p0 [sflag:s1], $0x400  }
0x1ea: {  	[sflag:s1] =	ssyncset.done @!p0 $0x0  }
0x1eb: {  	[sflag:s1] =	ssyncadd.s32 @!p0 $0xFFFFFC00  }
0x1ec: {  	_ =	sfence.sel @!p0 $0x180000  }
0x1ed: {  	[bflag:$0x0] =	sbarrier.arrive @!p0 $0xFFFF  }
0x1ee: {  	_ =	strace @!p0 $0x90000047  }
0x1ef: {  	s0 =	sadd.s32 @!p0 $0x100000, s0;
	[bflag:$0x2] =	sbarrier.arrive @!p0 $0xFFFF  }
0x1f0: {  	[sflag:s0] =	ssyncadd.tile.s32 @!p0 $0x1;
	_ =	shalt  }
.Lfunc_end2:
_tile_overlayer_lowered:
.L_overlay_start_2:
0x1f1: {  	(tag) =	ssettag $0x2  }
0x1f2: {  	s0 =	rddreg [dreg:$0x0];
	s2 =	stileid.u32  }
0x1f3: {  	s1 =	rddreg [dreg:$0x1];
	p0 =	sne.s32 s2, $0x0  }
0x1f4: {  	s3 =	rddreg [dreg:$0x2];
	[bflag:$0x3] =	sbarrier.arrive $0xFFFF;
	s2 =	simm.s32 @!p0 $0x1C02  }
0x1f5: {  	[timem:s3], [sflag:s2] =	dma.local @!p0 [hbm:s0], s1  }
0x1f6: {  	s0 =	simm.s32 @!p0 $0x2  }
0x1f7: {  	_ =	swait.ge @!p0 [sflag:s0], s1  }
0x1f8: {  	s1 =	ssub.s32 @!p0 $0x0, s1;
	[sflag:s0] =	ssyncset.done @!p0 $0x0  }
0x1f9: {  	[sflag:s0] =	ssyncadd.s32 @!p0 s1  }
0x1fa: {  	[bflag:$0x3] =	sbarrier.arrive $0xFFFF  }
0x1fb: {  	_ =	shalt  }

</sc_bundles>
